<compile_context>
chip_gen: v7x
topology: tpu7x:2x2x1
jax: 0.10.2.dev20260603
libtpu: 0.0.44.dev20260713+nightly
codegen_flags: <defaults>
</compile_context>

<pallas_src>
import functools

import jax
import jax.numpy as jnp
from jax import lax
from jax.experimental import pallas as pl
from jax.experimental.pallas import tpu as pltpu
from jax.experimental.pallas import tpu_sc as plsc

N_NODES = 10000
D_HID = 32
N_GRAPHS = 64
N_CLS = 10

NC, NS, L = 2, 16, 16
NW = NC * NS
N_EDGES = 320000
EPW = 9984
CHUNK = 128
N_EXTRA = (N_EDGES - EPW * NW) // CHUNK
EC = 312
NCH = EPW // EC
N_ACC = 10112
ROWS_PER_TILE = N_ACC // NS

BLK = 2000
N_BLKS = N_NODES // BLK


def _proj_body(x_ref, w_ref, o_ref):
    o_ref[...] = jnp.dot(x_ref[...], w_ref[...],
                         preferred_element_type=jnp.float32)


def _project(x, W):
    n, k = x.shape
    m = W.shape[1]
    return pl.pallas_call(
        _proj_body,
        grid=(n // BLK,),
        in_specs=[pl.BlockSpec((BLK, k), lambda i: (i, 0)),
                  pl.BlockSpec((k, m), lambda i: (0, 0))],
        out_specs=pl.BlockSpec((BLK, m), lambda i: (i, 0)),
        out_shape=jax.ShapeDtypeStruct((N_ACC, m), jnp.float32),
    )(x, W)


def _segsum_partials(p, edges):
    mesh = plsc.VectorSubcoreMesh(core_axis_name="c", subcore_axis_name="s",
                                  num_cores=NC, num_subcores=NS)

    @functools.partial(
        pl.kernel,
        out_type=jax.ShapeDtypeStruct((NC, N_ACC, D_HID), jnp.float32),
        mesh=mesh,
        scratch_types=[
            pltpu.VMEM((EPW + CHUNK,), jnp.int32),
            pltpu.VMEM((EPW + CHUNK,), jnp.int32),
            pltpu.VMEM((EC, D_HID), jnp.float32),
            pltpu.VMEM((EC, D_HID), jnp.float32),
            pltpu.VMEM((EC, D_HID), jnp.float32),
            pltpu.VMEM((EC, D_HID), jnp.float32),
            pltpu.VMEM((ROWS_PER_TILE, D_HID), jnp.float32),
            pltpu.VMEM_SHARED((N_ACC, D_HID), jnp.float32),
            pltpu.VMEM_SHARED((N_ACC, D_HID), jnp.float32),
            [pltpu.SemaphoreType.DMA] * 4,
            [pltpu.SemaphoreType.DMA] * 4,
            pltpu.SemaphoreType.DMA,
            pltpu.SemaphoreType.DMA,
        ],
        compiler_params=pltpu.CompilerParams(use_tc_tiling_on_sc=False),
    )
    def seg_kernel(p_hbm, e_hbm, out_hbm,
                   src_v, dst_v, rows_0, rows_1, rows_2, rows_3, tbuf,
                   acc, p_sh, gsem, ssem, sem_a, sem_b):
        c = lax.axis_index("c")
        s = lax.axis_index("s")
        wid = s * NC + c
        row0 = s * ROWS_PER_TILE

        base = wid * EPW + jnp.minimum(wid, N_EXTRA) * CHUNK
        cp_src = pltpu.async_copy(e_hbm.at[0, pl.ds(base, EPW)],
                                  src_v.at[pl.ds(0, EPW)], sem_a)
        cp_dst = pltpu.async_copy(e_hbm.at[1, pl.ds(base, EPW)],
                                  dst_v.at[pl.ds(0, EPW)], sem_b)

        @pl.when(wid < N_EXTRA)
        def _():
            pltpu.async_copy(e_hbm.at[0, pl.ds(base + EPW, CHUNK)],
                             src_v.at[pl.ds(EPW, CHUNK)], sem_a)
            pltpu.async_copy(e_hbm.at[1, pl.ds(base + EPW, CHUNK)],
                             dst_v.at[pl.ds(EPW, CHUNK)], sem_b)

        pltpu.sync_copy(p_hbm.at[pl.ds(row0, ROWS_PER_TILE)], tbuf)
        pltpu.sync_copy(tbuf, p_sh.at[pl.ds(row0, ROWS_PER_TILE)])

        @pl.when(c == 0)
        def _():
            pltpu.sync_copy(tbuf, acc.at[pl.ds(row0, ROWS_PER_TILE)])

        zero = jnp.zeros((L,), jnp.float32)

        def zloop(r, carry):
            tbuf[r, pl.ds(0, L)] = zero
            tbuf[r, pl.ds(L, L)] = zero
            return carry

        lax.fori_loop(0, ROWS_PER_TILE, zloop, 0, unroll=4)

        @pl.when(c == 1)
        def _():
            pltpu.sync_copy(tbuf, acc.at[pl.ds(row0, ROWS_PER_TILE)])

        plsc.subcore_barrier()

        cp_src.wait()
        cp_dst.wait()

        @pl.when(wid < N_EXTRA)
        def _():
            pltpu.make_async_copy(e_hbm.at[0, pl.ds(base + EPW, CHUNK)],
                                  src_v.at[pl.ds(EPW, CHUNK)], sem_a).wait()
            pltpu.make_async_copy(e_hbm.at[1, pl.ds(base + EPW, CHUNK)],
                                  dst_v.at[pl.ds(EPW, CHUNK)], sem_b).wait()

        bufs = (rows_0, rows_1, rows_2, rows_3)

        def sidx(j):
            return src_v.at[pl.ds(j * EC, EC)]

        def didx(j):
            return dst_v.at[pl.ds(j * EC, EC)]

        def gwait(j, b):
            pltpu.make_async_copy(p_sh.at[sidx(j)], bufs[b], gsem[b]).wait()

        def swait(j, b):
            pltpu.make_async_copy(bufs[b], acc.at[didx(j)], ssem[b]).wait()

        pltpu.async_copy(p_sh.at[sidx(0)], bufs[0], gsem[0])
        pltpu.async_copy(p_sh.at[sidx(1)], bufs[1], gsem[1])

        for j in range(NCH):
            b = j % 4
            gwait(j, b)
            if j >= 2:
                swait(j - 2, (j - 2) % 4)
            pltpu.async_copy(bufs[b], acc.at[didx(j)], ssem[b], add=True)
            if j + 2 < NCH:
                pltpu.async_copy(p_sh.at[sidx(j + 2)],
                                 bufs[(j + 2) % 4], gsem[(j + 2) % 4])

        @pl.when(wid < N_EXTRA)
        def _():
            xs = src_v.at[pl.ds(EPW, CHUNK)]
            xd = dst_v.at[pl.ds(EPW, CHUNK)]
            xbuf = rows_0.at[pl.ds(0, CHUNK)]
            pltpu.async_copy(p_sh.at[xs], xbuf, gsem[0])
            pltpu.make_async_copy(p_sh.at[xs], xbuf, gsem[0]).wait()
            pltpu.async_copy(xbuf, acc.at[xd], ssem[0], add=True)
            pltpu.make_async_copy(xbuf, acc.at[xd], ssem[0]).wait()

        swait(NCH - 2, (NCH - 2) % 4)
        swait(NCH - 1, (NCH - 1) % 4)

        plsc.subcore_barrier()

        pltpu.sync_copy(acc.at[pl.ds(row0, ROWS_PER_TILE)], tbuf)
        pltpu.sync_copy(tbuf, out_hbm.at[c, pl.ds(row0, ROWS_PER_TILE)])

    return seg_kernel(p, edges)


def _combine_body(parts_ref, b_ref, w_ref, o_ref):
    h = jnp.maximum(parts_ref[0] + parts_ref[1] + b_ref[...], 0.0)
    o_ref[...] = jnp.dot(h, w_ref[...], preferred_element_type=jnp.float32)


def _combine_project(parts, b, W):
    return pl.pallas_call(
        _combine_body,
        grid=(N_BLKS,),
        in_specs=[pl.BlockSpec((NC, BLK, D_HID), lambda i: (0, i, 0)),
                  pl.BlockSpec((1, D_HID), lambda i: (0, 0)),
                  pl.BlockSpec((D_HID, D_HID), lambda i: (0, 0))],
        out_specs=pl.BlockSpec((BLK, D_HID), lambda i: (i, 0)),
        out_shape=jax.ShapeDtypeStruct((N_ACC, D_HID), jnp.float32),
    )(parts, b, W)


def _pool_mlp_body(parts_ref, b_ref, gid_ref,
                   wc1_ref, bc1_ref, wc2_ref, bc2_ref,
                   o_ref, sums, counts):
    i = pl.program_id(0)
    h = jnp.maximum(parts_ref[0] + parts_ref[1] + b_ref[...], 0.0)
    gid = gid_ref[...]
    onehot = (gid == lax.broadcasted_iota(jnp.int32, (BLK, N_GRAPHS), 1))
    onehot = onehot.astype(jnp.float32)
    dn = (((0,), (0,)), ((), ()))
    blk_sums = lax.dot_general(onehot, h, dn,
                               preferred_element_type=jnp.float32)
    blk_cnts = lax.dot_general(onehot, jnp.ones_like(h), dn,
                               preferred_element_type=jnp.float32)

    @pl.when(i == 0)
    def _():
        sums[...] = jnp.zeros_like(sums)
        counts[...] = jnp.zeros_like(counts)

    sums[...] += blk_sums
    counts[...] += blk_cnts

    @pl.when(i == N_BLKS - 1)
    def _():
        h_g = sums[...] / jnp.maximum(counts[...], 1.0)
        hid = jnp.dot(h_g, wc1_ref[...],
                      preferred_element_type=jnp.float32) + bc1_ref[...]
        hid = jnp.maximum(hid, 0.0)
        o_ref[...] = jnp.dot(hid, wc2_ref[...],
                             preferred_element_type=jnp.float32) + bc2_ref[...]


def _pool_mlp(parts, b, gids, Wc1, bc1, Wc2, bc2):
    return pl.pallas_call(
        _pool_mlp_body,
        grid=(N_BLKS,),
        in_specs=[pl.BlockSpec((NC, BLK, D_HID), lambda i: (0, i, 0)),
                  pl.BlockSpec((1, D_HID), lambda i: (0, 0)),
                  pl.BlockSpec((BLK, 1), lambda i: (i, 0)),
                  pl.BlockSpec((D_HID, D_HID), lambda i: (0, 0)),
                  pl.BlockSpec((1, D_HID), lambda i: (0, 0)),
                  pl.BlockSpec((D_HID, N_CLS), lambda i: (0, 0)),
                  pl.BlockSpec((1, N_CLS), lambda i: (0, 0))],
        out_specs=pl.BlockSpec((N_GRAPHS, N_CLS), lambda i: (0, 0)),
        out_shape=jax.ShapeDtypeStruct((N_GRAPHS, N_CLS), jnp.float32),
        scratch_shapes=[pltpu.VMEM((N_GRAPHS, D_HID), jnp.float32),
                        pltpu.VMEM((N_GRAPHS, D_HID), jnp.float32)],
    )(parts, b, gids, Wc1, bc1, Wc2, bc2)


def kernel(x, edge_index, node_graph_ids, W1, b1, W2, b2, Wc1, bc1, Wc2, bc2):
    edges = edge_index.astype(jnp.int32)
    gids = node_graph_ids.astype(jnp.int32).reshape(N_NODES, 1)

    p1 = _project(x, W1)
    parts1 = _segsum_partials(p1, edges)
    p2 = _combine_project(parts1, b1.reshape(1, -1), W2)
    parts2 = _segsum_partials(p2, edges)
    return _pool_mlp(parts2, b2.reshape(1, -1), gids,
                     Wc1, bc1.reshape(1, -1), Wc2, bc2.reshape(1, -1))

# --- scband reference (transcript-rebuilt; emitter-appended) ---
"""Pipeline reference for scband-two-layer-gnncls-70952859730187 (READ-ONLY COPY).

The authoritative reference and input builder live on the scoring server;
editing this copy changes nothing except your own understanding.
"""

import jax, jax.numpy as jnp
import numpy as np

NUM_GRAPHS = 64
D_IN = 128
D_HID = 32
N_CLS = 10

def setup_inputs(seed: int = 0) -> dict:
    key = jax.random.key(seed)
    ks = jax.random.split(key, 12)
    N, E = 10000, 320000
    x = jax.random.normal(ks[0], (N, D_IN), dtype=jnp.float32)
    edge_index = jax.random.randint(ks[1], (2, E), 0, N, dtype=jnp.int64)
    node_graph_ids = jnp.sort(jax.random.randint(ks[2], (N,), 0, NUM_GRAPHS, dtype=jnp.int64))
    def lin(k, fan_in, fan_out):
        s = 1.0 / np.sqrt(fan_in)
        return jax.random.uniform(k, (fan_in, fan_out), jnp.float32, -s, s)
    W1 = lin(ks[3], D_IN, D_HID); b1 = jnp.zeros((D_HID,), jnp.float32)
    W2 = lin(ks[4], D_HID, D_HID); b2 = jnp.zeros((D_HID,), jnp.float32)
    Wc1 = lin(ks[5], D_HID, D_HID); bc1 = jnp.zeros((D_HID,), jnp.float32)
    Wc2 = lin(ks[6], D_HID, N_CLS); bc2 = jnp.zeros((N_CLS,), jnp.float32)
    return {"x": x, "edge_index": edge_index, "node_graph_ids": node_graph_ids,
            "W1": W1, "b1": b1, "W2": W2, "b2": b2,
            "Wc1": Wc1, "bc1": bc1, "Wc2": Wc2, "bc2": bc2}

def reference(x, edge_index, node_graph_ids, W1, b1, W2, b2, Wc1, bc1, Wc2, bc2):
    src = edge_index[0]
    dst = edge_index[1]
    eps = 0.0
    def gin_layer(h, W, b):
        msgs = jnp.take(h, src, axis=0)                      # gather over edges
        agg = jax.ops.segment_sum(msgs, dst, num_segments=h.shape[0])  # scatter-add
        return jax.nn.relu(((1.0 + eps) * h + agg) @ W + b)
    h = gin_layer(x, W1, b1)
    h = gin_layer(h, W2, b2)
    # dgl.mean_nodes: per-graph mean over batched graph
    sums = jax.ops.segment_sum(h, node_graph_ids, num_segments=NUM_GRAPHS)
    counts = jax.ops.segment_sum(jnp.ones((h.shape[0], 1), jnp.float32), node_graph_ids, num_segments=NUM_GRAPHS)
    h_g = sums / jnp.maximum(counts, 1.0)
    # 2-layer MLP classifier
    hid = jax.nn.relu(h_g @ Wc1 + bc1)
    out = hid @ Wc2 + bc2
    return out

if __name__ == "__main__":
    import jax
    _d = setup_inputs()
    print(jax.jit(kernel)(*tuple(_d.values())))

</pallas_src>

<mosaic_0001>
#map = affine_map<(d0, d1) -> (0, 0)>
#map1 = affine_map<(d0, d1) -> (0, 0, 0)>
module attributes {stable_mosaic.version = 14 : i64} {
  func.func @seg_kernel(%arg0: i32, %arg1: i32, %arg2: memref<10112x32xf32, #tpu.memory_space<hbm>>, %arg3: memref<2x320000xi32, #tpu.memory_space<hbm>>, %arg4: memref<2x10112x32xf32, #tpu.memory_space<hbm>>, %arg5: memref<10112xi32, #tpu.memory_space<vmem>>, %arg6: memref<10112xi32, #tpu.memory_space<vmem>>, %arg7: memref<312x32xf32, #tpu.memory_space<vmem>>, %arg8: memref<312x32xf32, #tpu.memory_space<vmem>>, %arg9: memref<312x32xf32, #tpu.memory_space<vmem>>, %arg10: memref<312x32xf32, #tpu.memory_space<vmem>>, %arg11: memref<632x32xf32, #tpu.memory_space<vmem>>, %arg12: memref<10112x32xf32, #tpu.memory_space<vmem_shared>>, %arg13: memref<10112x32xf32, #tpu.memory_space<vmem_shared>>, %arg14: memref<!tpu.dma_semaphore, #tpu.memory_space<semaphore_mem>>, %arg15: memref<!tpu.dma_semaphore, #tpu.memory_space<semaphore_mem>>, %arg16: memref<!tpu.dma_semaphore, #tpu.memory_space<semaphore_mem>>, %arg17: memref<!tpu.dma_semaphore, #tpu.memory_space<semaphore_mem>>, %arg18: memref<!tpu.dma_semaphore, #tpu.memory_space<semaphore_mem>>, %arg19: memref<!tpu.dma_semaphore, #tpu.memory_space<semaphore_mem>>, %arg20: memref<!tpu.dma_semaphore, #tpu.memory_space<semaphore_mem>>, %arg21: memref<!tpu.dma_semaphore, #tpu.memory_space<semaphore_mem>>, %arg22: memref<!tpu.dma_semaphore, #tpu.memory_space<semaphore_mem>>, %arg23: memref<!tpu.dma_semaphore, #tpu.memory_space<semaphore_mem>>) attributes {dimension_semantics = [#tpu.dimension_semantics<core_parallel>, #tpu.dimension_semantics<subcore_parallel>], iteration_bounds = array<i64: 2, 16>, scalar_prefetch = 0 : i64, scratch_operands = 19 : i64, tpu.core_type = #tpu.core_type<sc_vector_subcore>, window_params = [{transform_indices = #map}, {transform_indices = #map}, {transform_indices = #map1}]} {
    %mul3A = arith.constant 2 : i32
    %mul3A_0 = arith.muli %arg1, %mul3A : i32
    %add3A = arith.addi %mul3A_0, %arg0 : i32
    %mul3A_1 = arith.constant 632 : i32
    %mul3A_2 = arith.muli %arg1, %mul3A_1 : i32
    %mul3A_3 = arith.constant 9984 : i32
    %mul3A_4 = arith.muli %add3A, %mul3A_3 : i32
    %min3A = arith.constant 4 : i32
    %min3A_5 = arith.minsi %add3A, %min3A : i32
    %mul3A_6 = arith.constant 128 : i32
    %mul3A_7 = arith.muli %min3A_5, %mul3A_6 : i32
    %add3A_8 = arith.addi %mul3A_4, %mul3A_7 : i32
    %dma_start3A = arith.constant 0 : i32
    %dma_start3A_9 = arith.constant 0 : i32
    %dma_start3A_10 = tpu.memref_slice %arg5[%dma_start3A_9] : memref<10112xi32, #tpu.memory_space<vmem>> -> memref<9984xi32, #tpu.memory_space<vmem>>
    %dma_start3A_11 = tpu.memref_slice %arg3[%dma_start3A, %add3A_8] : memref<2x320000xi32, #tpu.memory_space<hbm>> -> memref<1x9984xi32, #tpu.memory_space<hbm>>
    %dma_start3A_12 = tpu.memref_squeeze %dma_start3A_11 : memref<1x9984xi32, #tpu.memory_space<hbm>> -> memref<9984xi32, #tpu.memory_space<hbm>>
    %dma_start3A_13 = arith.constant 0 : i32
    %dma_start3A_14 = tpu.memref_slice %arg5[%dma_start3A_13] : memref<10112xi32, #tpu.memory_space<vmem>> -> memref<9984xi32, #tpu.memory_space<vmem>>
    %dma_start3A_15 = tpu.memref_slice %arg3[%dma_start3A, %add3A_8] : memref<2x320000xi32, #tpu.memory_space<hbm>> -> memref<1x9984xi32, #tpu.memory_space<hbm>>
    %dma_start3A_16 = tpu.memref_squeeze %dma_start3A_15 : memref<1x9984xi32, #tpu.memory_space<hbm>> -> memref<9984xi32, #tpu.memory_space<hbm>>
    tpu.enqueue_dma source(%dma_start3A_16 : memref<9984xi32, #tpu.memory_space<hbm>>) target(%dma_start3A_14 : memref<9984xi32, #tpu.memory_space<vmem>>) target_semaphore(%arg22 : memref<!tpu.dma_semaphore, #tpu.memory_space<semaphore_mem>>)
    %dma_start3A_17 = arith.constant 1 : i32
    %dma_start3A_18 = arith.constant 0 : i32
    %dma_start3A_19 = tpu.memref_slice %arg6[%dma_start3A_18] : memref<10112xi32, #tpu.memory_space<vmem>> -> memref<9984xi32, #tpu.memory_space<vmem>>
    %dma_start3A_20 = tpu.memref_slice %arg3[%dma_start3A_17, %add3A_8] : memref<2x320000xi32, #tpu.memory_space<hbm>> -> memref<1x9984xi32, #tpu.memory_space<hbm>>
    %dma_start3A_21 = tpu.memref_squeeze %dma_start3A_20 : memref<1x9984xi32, #tpu.memory_space<hbm>> -> memref<9984xi32, #tpu.memory_space<hbm>>
    %dma_start3A_22 = arith.constant 0 : i32
    %dma_start3A_23 = tpu.memref_slice %arg6[%dma_start3A_22] : memref<10112xi32, #tpu.memory_space<vmem>> -> memref<9984xi32, #tpu.memory_space<vmem>>
    %dma_start3A_24 = tpu.memref_slice %arg3[%dma_start3A_17, %add3A_8] : memref<2x320000xi32, #tpu.memory_space<hbm>> -> memref<1x9984xi32, #tpu.memory_space<hbm>>
    %dma_start3A_25 = tpu.memref_squeeze %dma_start3A_24 : memref<1x9984xi32, #tpu.memory_space<hbm>> -> memref<9984xi32, #tpu.memory_space<hbm>>
    tpu.enqueue_dma source(%dma_start3A_25 : memref<9984xi32, #tpu.memory_space<hbm>>) target(%dma_start3A_23 : memref<9984xi32, #tpu.memory_space<vmem>>) target_semaphore(%arg23 : memref<!tpu.dma_semaphore, #tpu.memory_space<semaphore_mem>>)
    %lt3A = arith.constant 4 : i32
    %lt3A_26 = arith.cmpi slt, %add3A, %lt3A : i32
    %convert_element_type3A = arith.extui %lt3A_26 : i1 to i32
    %cond3A = arith.constant 0 : i32
    %cond3A_27 = arith.cmpi ne, %convert_element_type3A, %cond3A : i32
    scf.if %cond3A_27 {
      %add3A_711 = arith.constant 9984 : i32
      %add3A_712 = arith.addi %add3A_8, %add3A_711 : i32
      %dma_start3A_713 = arith.constant 0 : i32
      %dma_start3A_714 = arith.constant 9984 : i32
      %dma_start3A_715 = tpu.memref_slice %arg5[%dma_start3A_714] : memref<10112xi32, #tpu.memory_space<vmem>> -> memref<128xi32, #tpu.memory_space<vmem>>
      %dma_start3A_716 = tpu.memref_slice %arg3[%dma_start3A_713, %add3A_712] : memref<2x320000xi32, #tpu.memory_space<hbm>> -> memref<1x128xi32, #tpu.memory_space<hbm>>
      %dma_start3A_717 = tpu.memref_squeeze %dma_start3A_716 : memref<1x128xi32, #tpu.memory_space<hbm>> -> memref<128xi32, #tpu.memory_space<hbm>>
      %dma_start3A_718 = arith.constant 9984 : i32
      %dma_start3A_719 = tpu.memref_slice %arg5[%dma_start3A_718] : memref<10112xi32, #tpu.memory_space<vmem>> -> memref<128xi32, #tpu.memory_space<vmem>>
      %dma_start3A_720 = tpu.memref_slice %arg3[%dma_start3A_713, %add3A_712] : memref<2x320000xi32, #tpu.memory_space<hbm>> -> memref<1x128xi32, #tpu.memory_space<hbm>>
      %dma_start3A_721 = tpu.memref_squeeze %dma_start3A_720 : memref<1x128xi32, #tpu.memory_space<hbm>> -> memref<128xi32, #tpu.memory_space<hbm>>
      tpu.enqueue_dma source(%dma_start3A_721 : memref<128xi32, #tpu.memory_space<hbm>>) target(%dma_start3A_719 : memref<128xi32, #tpu.memory_space<vmem>>) target_semaphore(%arg22 : memref<!tpu.dma_semaphore, #tpu.memory_space<semaphore_mem>>)
      %add3A_722 = arith.constant 9984 : i32
      %add3A_723 = arith.addi %add3A_8, %add3A_722 : i32
      %dma_start3A_724 = arith.constant 1 : i32
      %dma_start3A_725 = arith.constant 9984 : i32
      %dma_start3A_726 = tpu.memref_slice %arg6[%dma_start3A_725] : memref<10112xi32, #tpu.memory_space<vmem>> -> memref<128xi32, #tpu.memory_space<vmem>>
      %dma_start3A_727 = tpu.memref_slice %arg3[%dma_start3A_724, %add3A_723] : memref<2x320000xi32, #tpu.memory_space<hbm>> -> memref<1x128xi32, #tpu.memory_space<hbm>>
      %dma_start3A_728 = tpu.memref_squeeze %dma_start3A_727 : memref<1x128xi32, #tpu.memory_space<hbm>> -> memref<128xi32, #tpu.memory_space<hbm>>
      %dma_start3A_729 = arith.constant 9984 : i32
      %dma_start3A_730 = tpu.memref_slice %arg6[%dma_start3A_729] : memref<10112xi32, #tpu.memory_space<vmem>> -> memref<128xi32, #tpu.memory_space<vmem>>
      %dma_start3A_731 = tpu.memref_slice %arg3[%dma_start3A_724, %add3A_723] : memref<2x320000xi32, #tpu.memory_space<hbm>> -> memref<1x128xi32, #tpu.memory_space<hbm>>
      %dma_start3A_732 = tpu.memref_squeeze %dma_start3A_731 : memref<1x128xi32, #tpu.memory_space<hbm>> -> memref<128xi32, #tpu.memory_space<hbm>>
      tpu.enqueue_dma source(%dma_start3A_732 : memref<128xi32, #tpu.memory_space<hbm>>) target(%dma_start3A_730 : memref<128xi32, #tpu.memory_space<vmem>>) target_semaphore(%arg23 : memref<!tpu.dma_semaphore, #tpu.memory_space<semaphore_mem>>)
    } else {
    }
    "tpu.region"() ({
      %run_scoped3A = tpu.sem_alloc : memref<!tpu.dma_semaphore, #tpu.memory_space<semaphore_mem>>
      %dma_start3A_711 = arith.constant 0 : i32
      %dma_start3A_712 = tpu.memref_slice %arg2[%mul3A_2, %dma_start3A_711] : memref<10112x32xf32, #tpu.memory_space<hbm>> -> memref<632x32xf32, #tpu.memory_space<hbm>>
      %dma_start3A_713 = arith.constant 0 : i32
      %dma_start3A_714 = tpu.memref_slice %arg2[%mul3A_2, %dma_start3A_713] : memref<10112x32xf32, #tpu.memory_space<hbm>> -> memref<632x32xf32, #tpu.memory_space<hbm>>
      tpu.enqueue_dma source(%dma_start3A_714 : memref<632x32xf32, #tpu.memory_space<hbm>>) target(%arg11 : memref<632x32xf32, #tpu.memory_space<vmem>>) target_semaphore(%run_scoped3A : memref<!tpu.dma_semaphore, #tpu.memory_space<semaphore_mem>>)
      %dma_wait3A_715 = arith.constant 0 : i32
      %dma_wait3A_716 = tpu.memref_slice %arg2[%mul3A_2, %dma_wait3A_715] : memref<10112x32xf32, #tpu.memory_space<hbm>> -> memref<632x32xf32, #tpu.memory_space<hbm>>
      %dma_wait3A_717 = arith.constant 0 : i32
      %dma_wait3A_718 = tpu.memref_slice %arg2[%mul3A_2, %dma_wait3A_717] : memref<10112x32xf32, #tpu.memory_space<hbm>> -> memref<632x32xf32, #tpu.memory_space<hbm>>
      tpu.wait_dma2 semaphore(%run_scoped3A : memref<!tpu.dma_semaphore, #tpu.memory_space<semaphore_mem>>) src(%dma_wait3A_718 : memref<632x32xf32, #tpu.memory_space<hbm>>) dst(%arg11 : memref<632x32xf32, #tpu.memory_space<vmem>>)
      tpu.yield
    }) : () -> ()
    "tpu.region"() ({
      %run_scoped3A = tpu.sem_alloc : memref<!tpu.dma_semaphore, #tpu.memory_space<semaphore_mem>>
      %dma_start3A_711 = arith.constant 0 : i32
      %dma_start3A_712 = tpu.memref_slice %arg13[%mul3A_2, %dma_start3A_711] : memref<10112x32xf32, #tpu.memory_space<vmem_shared>> -> memref<632x32xf32, #tpu.memory_space<vmem_shared>>
      %dma_start3A_713 = arith.constant 0 : i32
      %dma_start3A_714 = tpu.memref_slice %arg13[%mul3A_2, %dma_start3A_713] : memref<10112x32xf32, #tpu.memory_space<vmem_shared>> -> memref<632x32xf32, #tpu.memory_space<vmem_shared>>
      tpu.enqueue_dma source(%arg11 : memref<632x32xf32, #tpu.memory_space<vmem>>) target(%dma_start3A_714 : memref<632x32xf32, #tpu.memory_space<vmem_shared>>) target_semaphore(%run_scoped3A : memref<!tpu.dma_semaphore, #tpu.memory_space<semaphore_mem>>)
      %dma_wait3A_715 = arith.constant 0 : i32
      %dma_wait3A_716 = tpu.memref_slice %arg13[%mul3A_2, %dma_wait3A_715] : memref<10112x32xf32, #tpu.memory_space<vmem_shared>> -> memref<632x32xf32, #tpu.memory_space<vmem_shared>>
      %dma_wait3A_717 = arith.constant 0 : i32
      %dma_wait3A_718 = tpu.memref_slice %arg13[%mul3A_2, %dma_wait3A_717] : memref<10112x32xf32, #tpu.memory_space<vmem_shared>> -> memref<632x32xf32, #tpu.memory_space<vmem_shared>>
      tpu.wait_dma2 semaphore(%run_scoped3A : memref<!tpu.dma_semaphore, #tpu.memory_space<semaphore_mem>>) src(%arg11 : memref<632x32xf32, #tpu.memory_space<vmem>>) dst(%dma_wait3A_718 : memref<632x32xf32, #tpu.memory_space<vmem_shared>>)
      tpu.yield
    }) : () -> ()
    %eq3A = arith.constant 0 : i32
    %eq3A_28 = arith.cmpi eq, %arg0, %eq3A : i32
    %convert_element_type3A_29 = arith.extui %eq3A_28 : i1 to i32
    %cond3A_30 = arith.constant 0 : i32
    %cond3A_31 = arith.cmpi ne, %convert_element_type3A_29, %cond3A_30 : i32
    scf.if %cond3A_31 {
      "tpu.region"() ({
        %run_scoped3A = tpu.sem_alloc : memref<!tpu.dma_semaphore, #tpu.memory_space<semaphore_mem>>
        %dma_start3A_711 = arith.constant 0 : i32
        %dma_start3A_712 = tpu.memref_slice %arg12[%mul3A_2, %dma_start3A_711] : memref<10112x32xf32, #tpu.memory_space<vmem_shared>> -> memref<632x32xf32, #tpu.memory_space<vmem_shared>>
        %dma_start3A_713 = arith.constant 0 : i32
        %dma_start3A_714 = tpu.memref_slice %arg12[%mul3A_2, %dma_start3A_713] : memref<10112x32xf32, #tpu.memory_space<vmem_shared>> -> memref<632x32xf32, #tpu.memory_space<vmem_shared>>
        tpu.enqueue_dma source(%arg11 : memref<632x32xf32, #tpu.memory_space<vmem>>) target(%dma_start3A_714 : memref<632x32xf32, #tpu.memory_space<vmem_shared>>) target_semaphore(%run_scoped3A : memref<!tpu.dma_semaphore, #tpu.memory_space<semaphore_mem>>)
        %dma_wait3A_715 = arith.constant 0 : i32
        %dma_wait3A_716 = tpu.memref_slice %arg12[%mul3A_2, %dma_wait3A_715] : memref<10112x32xf32, #tpu.memory_space<vmem_shared>> -> memref<632x32xf32, #tpu.memory_space<vmem_shared>>
        %dma_wait3A_717 = arith.constant 0 : i32
        %dma_wait3A_718 = tpu.memref_slice %arg12[%mul3A_2, %dma_wait3A_717] : memref<10112x32xf32, #tpu.memory_space<vmem_shared>> -> memref<632x32xf32, #tpu.memory_space<vmem_shared>>
        tpu.wait_dma2 semaphore(%run_scoped3A : memref<!tpu.dma_semaphore, #tpu.memory_space<semaphore_mem>>) src(%arg11 : memref<632x32xf32, #tpu.memory_space<vmem>>) dst(%dma_wait3A_718 : memref<632x32xf32, #tpu.memory_space<vmem_shared>>)
        tpu.yield
      }) : () -> ()
    } else {
    }
    %broadcast_in_dim3A = arith.constant 0.000000e+00 : f32
    %broadcast_in_dim3A_32 = vector.broadcast %broadcast_in_dim3A : f32 to vector<16xf32>
    %scan3A = arith.constant 0 : i32
    %scan3A_33 = arith.constant 0 : i32
    %scan3A_34 = arith.constant 632 : i32
    %scan3A_35 = arith.addi %scan3A_33, %scan3A_34 : i32
    %scan3A_36 = arith.constant 4 : i32
    scf.for %scan3A_711 = %scan3A_33 to %scan3A_35 step %scan3A_36  : i32 {
      %swap3A = arith.index_cast %scan3A_711 : i32 to index
      %swap3A_712 = arith.constant 0 : index
      %swap3A_713 = tpu.vector_load %arg11[%swap3A, %swap3A_712] {strides = array<i32>} : memref<632x32xf32, #tpu.memory_space<vmem>>, vector<1x16xf32>,
      %swap3A_714 = vector.shape_cast %swap3A_713 : vector<1x16xf32> to vector<16xf32>
      %swap3A_715 = vector.shape_cast %broadcast_in_dim3A_32 : vector<16xf32> to vector<1x16xf32>
      tpu.vector_store %arg11[%swap3A, %swap3A_712], %swap3A_715 {strides = array<i32>} : memref<632x32xf32, #tpu.memory_space<vmem>>, vector<1x16xf32>,
      %swap3A_716 = arith.index_cast %scan3A_711 : i32 to index
      %swap3A_717 = arith.constant 16 : index
      %swap3A_718 = tpu.vector_load %arg11[%swap3A_716, %swap3A_717] {strides = array<i32>} : memref<632x32xf32, #tpu.memory_space<vmem>>, vector<1x16xf32>,
      %swap3A_719 = vector.shape_cast %swap3A_718 : vector<1x16xf32> to vector<16xf32>
      %swap3A_720 = vector.shape_cast %broadcast_in_dim3A_32 : vector<16xf32> to vector<1x16xf32>
      tpu.vector_store %arg11[%swap3A_716, %swap3A_717], %swap3A_720 {strides = array<i32>} : memref<632x32xf32, #tpu.memory_space<vmem>>, vector<1x16xf32>,
      %scan3A_721 = arith.constant 1 : i32
      %scan3A_722 = arith.addi %scan3A_711, %scan3A_721 : i32
      %swap3A_723 = arith.index_cast %scan3A_722 : i32 to index
      %swap3A_724 = arith.constant 0 : index
      %swap3A_725 = tpu.vector_load %arg11[%swap3A_723, %swap3A_724] {strides = array<i32>} : memref<632x32xf32, #tpu.memory_space<vmem>>, vector<1x16xf32>,
      %swap3A_726 = vector.shape_cast %swap3A_725 : vector<1x16xf32> to vector<16xf32>
      %swap3A_727 = vector.shape_cast %broadcast_in_dim3A_32 : vector<16xf32> to vector<1x16xf32>
      tpu.vector_store %arg11[%swap3A_723, %swap3A_724], %swap3A_727 {strides = array<i32>} : memref<632x32xf32, #tpu.memory_space<vmem>>, vector<1x16xf32>,
      %swap3A_728 = arith.index_cast %scan3A_722 : i32 to index
      %swap3A_729 = arith.constant 16 : index
      %swap3A_730 = tpu.vector_load %arg11[%swap3A_728, %swap3A_729] {strides = array<i32>} : memref<632x32xf32, #tpu.memory_space<vmem>>, vector<1x16xf32>,
      %swap3A_731 = vector.shape_cast %swap3A_730 : vector<1x16xf32> to vector<16xf32>
      %swap3A_732 = vector.shape_cast %broadcast_in_dim3A_32 : vector<16xf32> to vector<1x16xf32>
      tpu.vector_store %arg11[%swap3A_728, %swap3A_729], %swap3A_732 {strides = array<i32>} : memref<632x32xf32, #tpu.memory_space<vmem>>, vector<1x16xf32>,
      %scan3A_733 = arith.constant 2 : i32
      %scan3A_734 = arith.addi %scan3A_711, %scan3A_733 : i32
      %swap3A_735 = arith.index_cast %scan3A_734 : i32 to index
      %swap3A_736 = arith.constant 0 : index
      %swap3A_737 = tpu.vector_load %arg11[%swap3A_735, %swap3A_736] {strides = array<i32>} : memref<632x32xf32, #tpu.memory_space<vmem>>, vector<1x16xf32>,
      %swap3A_738 = vector.shape_cast %swap3A_737 : vector<1x16xf32> to vector<16xf32>
      %swap3A_739 = vector.shape_cast %broadcast_in_dim3A_32 : vector<16xf32> to vector<1x16xf32>
      tpu.vector_store %arg11[%swap3A_735, %swap3A_736], %swap3A_739 {strides = array<i32>} : memref<632x32xf32, #tpu.memory_space<vmem>>, vector<1x16xf32>,
      %swap3A_740 = arith.index_cast %scan3A_734 : i32 to index
      %swap3A_741 = arith.constant 16 : index
      %swap3A_742 = tpu.vector_load %arg11[%swap3A_740, %swap3A_741] {strides = array<i32>} : memref<632x32xf32, #tpu.memory_space<vmem>>, vector<1x16xf32>,
      %swap3A_743 = vector.shape_cast %swap3A_742 : vector<1x16xf32> to vector<16xf32>
      %swap3A_744 = vector.shape_cast %broadcast_in_dim3A_32 : vector<16xf32> to vector<1x16xf32>
      tpu.vector_store %arg11[%swap3A_740, %swap3A_741], %swap3A_744 {strides = array<i32>} : memref<632x32xf32, #tpu.memory_space<vmem>>, vector<1x16xf32>,
      %scan3A_745 = arith.constant 3 : i32
      %scan3A_746 = arith.addi %scan3A_711, %scan3A_745 : i32
      %swap3A_747 = arith.index_cast %scan3A_746 : i32 to index
      %swap3A_748 = arith.constant 0 : index
      %swap3A_749 = tpu.vector_load %arg11[%swap3A_747, %swap3A_748] {strides = array<i32>} : memref<632x32xf32, #tpu.memory_space<vmem>>, vector<1x16xf32>,
      %swap3A_750 = vector.shape_cast %swap3A_749 : vector<1x16xf32> to vector<16xf32>
      %swap3A_751 = vector.shape_cast %broadcast_in_dim3A_32 : vector<16xf32> to vector<1x16xf32>
      tpu.vector_store %arg11[%swap3A_747, %swap3A_748], %swap3A_751 {strides = array<i32>} : memref<632x32xf32, #tpu.memory_space<vmem>>, vector<1x16xf32>,
      %swap3A_752 = arith.index_cast %scan3A_746 : i32 to index
      %swap3A_753 = arith.constant 16 : index
      %swap3A_754 = tpu.vector_load %arg11[%swap3A_752, %swap3A_753] {strides = array<i32>} : memref<632x32xf32, #tpu.memory_space<vmem>>, vector<1x16xf32>,
      %swap3A_755 = vector.shape_cast %swap3A_754 : vector<1x16xf32> to vector<16xf32>
      %swap3A_756 = vector.shape_cast %broadcast_in_dim3A_32 : vector<16xf32> to vector<1x16xf32>
      tpu.vector_store %arg11[%swap3A_752, %swap3A_753], %swap3A_756 {strides = array<i32>} : memref<632x32xf32, #tpu.memory_space<vmem>>, vector<1x16xf32>,
    }
    %scan3A_37 = arith.constant 632 : i32
    %eq3A_38 = arith.constant 1 : i32
    %eq3A_39 = arith.cmpi eq, %arg0, %eq3A_38 : i32
    %convert_element_type3A_40 = arith.extui %eq3A_39 : i1 to i32
    %cond3A_41 = arith.constant 0 : i32
    %cond3A_42 = arith.cmpi ne, %convert_element_type3A_40, %cond3A_41 : i32
    scf.if %cond3A_42 {
      "tpu.region"() ({
        %run_scoped3A = tpu.sem_alloc : memref<!tpu.dma_semaphore, #tpu.memory_space<semaphore_mem>>
        %dma_start3A_711 = arith.constant 0 : i32
        %dma_start3A_712 = tpu.memref_slice %arg12[%mul3A_2, %dma_start3A_711] : memref<10112x32xf32, #tpu.memory_space<vmem_shared>> -> memref<632x32xf32, #tpu.memory_space<vmem_shared>>
        %dma_start3A_713 = arith.constant 0 : i32
        %dma_start3A_714 = tpu.memref_slice %arg12[%mul3A_2, %dma_start3A_713] : memref<10112x32xf32, #tpu.memory_space<vmem_shared>> -> memref<632x32xf32, #tpu.memory_space<vmem_shared>>
        tpu.enqueue_dma source(%arg11 : memref<632x32xf32, #tpu.memory_space<vmem>>) target(%dma_start3A_714 : memref<632x32xf32, #tpu.memory_space<vmem_shared>>) target_semaphore(%run_scoped3A : memref<!tpu.dma_semaphore, #tpu.memory_space<semaphore_mem>>)
        %dma_wait3A_715 = arith.constant 0 : i32
        %dma_wait3A_716 = tpu.memref_slice %arg12[%mul3A_2, %dma_wait3A_715] : memref<10112x32xf32, #tpu.memory_space<vmem_shared>> -> memref<632x32xf32, #tpu.memory_space<vmem_shared>>
        %dma_wait3A_717 = arith.constant 0 : i32
        %dma_wait3A_718 = tpu.memref_slice %arg12[%mul3A_2, %dma_wait3A_717] : memref<10112x32xf32, #tpu.memory_space<vmem_shared>> -> memref<632x32xf32, #tpu.memory_space<vmem_shared>>
        tpu.wait_dma2 semaphore(%run_scoped3A : memref<!tpu.dma_semaphore, #tpu.memory_space<semaphore_mem>>) src(%arg11 : memref<632x32xf32, #tpu.memory_space<vmem>>) dst(%dma_wait3A_718 : memref<632x32xf32, #tpu.memory_space<vmem_shared>>)
        tpu.yield
      }) : () -> ()
    } else {
    }
    %barrier3A = arith.constant 0 : index
    tpu.barrier barrier_id(%barrier3A)
    %dma_wait3A = arith.constant 0 : i32
    %dma_wait3A_43 = arith.constant 0 : i32
    %dma_wait3A_44 = tpu.memref_slice %arg5[%dma_wait3A_43] : memref<10112xi32, #tpu.memory_space<vmem>> -> memref<9984xi32, #tpu.memory_space<vmem>>
    %dma_wait3A_45 = tpu.memref_slice %arg3[%dma_wait3A, %add3A_8] : memref<2x320000xi32, #tpu.memory_space<hbm>> -> memref<1x9984xi32, #tpu.memory_space<hbm>>
    %dma_wait3A_46 = tpu.memref_squeeze %dma_wait3A_45 : memref<1x9984xi32, #tpu.memory_space<hbm>> -> memref<9984xi32, #tpu.memory_space<hbm>>
    %dma_wait3A_47 = arith.constant 0 : i32
    %dma_wait3A_48 = tpu.memref_slice %arg5[%dma_wait3A_47] : memref<10112xi32, #tpu.memory_space<vmem>> -> memref<9984xi32, #tpu.memory_space<vmem>>
    %dma_wait3A_49 = tpu.memref_slice %arg3[%dma_wait3A, %add3A_8] : memref<2x320000xi32, #tpu.memory_space<hbm>> -> memref<1x9984xi32, #tpu.memory_space<hbm>>
    %dma_wait3A_50 = tpu.memref_squeeze %dma_wait3A_49 : memref<1x9984xi32, #tpu.memory_space<hbm>> -> memref<9984xi32, #tpu.memory_space<hbm>>
    tpu.wait_dma2 semaphore(%arg22 : memref<!tpu.dma_semaphore, #tpu.memory_space<semaphore_mem>>) src(%dma_wait3A_50 : memref<9984xi32, #tpu.memory_space<hbm>>) dst(%dma_wait3A_48 : memref<9984xi32, #tpu.memory_space<vmem>>)
    %dma_wait3A_51 = arith.constant 1 : i32
    %dma_wait3A_52 = arith.constant 0 : i32
    %dma_wait3A_53 = tpu.memref_slice %arg6[%dma_wait3A_52] : memref<10112xi32, #tpu.memory_space<vmem>> -> memref<9984xi32, #tpu.memory_space<vmem>>
    %dma_wait3A_54 = tpu.memref_slice %arg3[%dma_wait3A_51, %add3A_8] : memref<2x320000xi32, #tpu.memory_space<hbm>> -> memref<1x9984xi32, #tpu.memory_space<hbm>>
    %dma_wait3A_55 = tpu.memref_squeeze %dma_wait3A_54 : memref<1x9984xi32, #tpu.memory_space<hbm>> -> memref<9984xi32, #tpu.memory_space<hbm>>
    %dma_wait3A_56 = arith.constant 0 : i32
    %dma_wait3A_57 = tpu.memref_slice %arg6[%dma_wait3A_56] : memref<10112xi32, #tpu.memory_space<vmem>> -> memref<9984xi32, #tpu.memory_space<vmem>>
    %dma_wait3A_58 = tpu.memref_slice %arg3[%dma_wait3A_51, %add3A_8] : memref<2x320000xi32, #tpu.memory_space<hbm>> -> memref<1x9984xi32, #tpu.memory_space<hbm>>
    %dma_wait3A_59 = tpu.memref_squeeze %dma_wait3A_58 : memref<1x9984xi32, #tpu.memory_space<hbm>> -> memref<9984xi32, #tpu.memory_space<hbm>>
    tpu.wait_dma2 semaphore(%arg23 : memref<!tpu.dma_semaphore, #tpu.memory_space<semaphore_mem>>) src(%dma_wait3A_59 : memref<9984xi32, #tpu.memory_space<hbm>>) dst(%dma_wait3A_57 : memref<9984xi32, #tpu.memory_space<vmem>>)
    %lt3A_60 = arith.constant 4 : i32
    %lt3A_61 = arith.cmpi slt, %add3A, %lt3A_60 : i32
    %convert_element_type3A_62 = arith.extui %lt3A_61 : i1 to i32
    %cond3A_63 = arith.constant 0 : i32
    %cond3A_64 = arith.cmpi ne, %convert_element_type3A_62, %cond3A_63 : i32
    scf.if %cond3A_64 {
      %add3A_711 = arith.constant 9984 : i32
      %add3A_712 = arith.addi %add3A_8, %add3A_711 : i32
      %dma_wait3A_713 = arith.constant 0 : i32
      %dma_wait3A_714 = arith.constant 9984 : i32
      %dma_wait3A_715 = tpu.memref_slice %arg5[%dma_wait3A_714] : memref<10112xi32, #tpu.memory_space<vmem>> -> memref<128xi32, #tpu.memory_space<vmem>>
      %dma_wait3A_716 = tpu.memref_slice %arg3[%dma_wait3A_713, %add3A_712] : memref<2x320000xi32, #tpu.memory_space<hbm>> -> memref<1x128xi32, #tpu.memory_space<hbm>>
      %dma_wait3A_717 = tpu.memref_squeeze %dma_wait3A_716 : memref<1x128xi32, #tpu.memory_space<hbm>> -> memref<128xi32, #tpu.memory_space<hbm>>
      %dma_wait3A_718 = arith.constant 9984 : i32
      %dma_wait3A_719 = tpu.memref_slice %arg5[%dma_wait3A_718] : memref<10112xi32, #tpu.memory_space<vmem>> -> memref<128xi32, #tpu.memory_space<vmem>>
      %dma_wait3A_720 = tpu.memref_slice %arg3[%dma_wait3A_713, %add3A_712] : memref<2x320000xi32, #tpu.memory_space<hbm>> -> memref<1x128xi32, #tpu.memory_space<hbm>>
      %dma_wait3A_721 = tpu.memref_squeeze %dma_wait3A_720 : memref<1x128xi32, #tpu.memory_space<hbm>> -> memref<128xi32, #tpu.memory_space<hbm>>
      tpu.wait_dma2 semaphore(%arg22 : memref<!tpu.dma_semaphore, #tpu.memory_space<semaphore_mem>>) src(%dma_wait3A_721 : memref<128xi32, #tpu.memory_space<hbm>>) dst(%dma_wait3A_719 : memref<128xi32, #tpu.memory_space<vmem>>)
      %add3A_722 = arith.constant 9984 : i32
      %add3A_723 = arith.addi %add3A_8, %add3A_722 : i32
      %dma_wait3A_724 = arith.constant 1 : i32
      %dma_wait3A_725 = arith.constant 9984 : i32
      %dma_wait3A_726 = tpu.memref_slice %arg6[%dma_wait3A_725] : memref<10112xi32, #tpu.memory_space<vmem>> -> memref<128xi32, #tpu.memory_space<vmem>>
      %dma_wait3A_727 = tpu.memref_slice %arg3[%dma_wait3A_724, %add3A_723] : memref<2x320000xi32, #tpu.memory_space<hbm>> -> memref<1x128xi32, #tpu.memory_space<hbm>>
      %dma_wait3A_728 = tpu.memref_squeeze %dma_wait3A_727 : memref<1x128xi32, #tpu.memory_space<hbm>> -> memref<128xi32, #tpu.memory_space<hbm>>
      %dma_wait3A_729 = arith.constant 9984 : i32
      %dma_wait3A_730 = tpu.memref_slice %arg6[%dma_wait3A_729] : memref<10112xi32, #tpu.memory_space<vmem>> -> memref<128xi32, #tpu.memory_space<vmem>>
      %dma_wait3A_731 = tpu.memref_slice %arg3[%dma_wait3A_724, %add3A_723] : memref<2x320000xi32, #tpu.memory_space<hbm>> -> memref<1x128xi32, #tpu.memory_space<hbm>>
      %dma_wait3A_732 = tpu.memref_squeeze %dma_wait3A_731 : memref<1x128xi32, #tpu.memory_space<hbm>> -> memref<128xi32, #tpu.memory_space<hbm>>
      tpu.wait_dma2 semaphore(%arg23 : memref<!tpu.dma_semaphore, #tpu.memory_space<semaphore_mem>>) src(%dma_wait3A_732 : memref<128xi32, #tpu.memory_space<hbm>>) dst(%dma_wait3A_730 : memref<128xi32, #tpu.memory_space<vmem>>)
    } else {
    }
    %dma_start3A_65 = arith.constant 0 : i32
    %dma_start3A_66 = tpu.memref_slice %arg5[%dma_start3A_65] : memref<10112xi32, #tpu.memory_space<vmem>> -> memref<312xi32, #tpu.memory_space<vmem>>
    %dma_start3A_67 = arith.constant 0 : i32
    %dma_start3A_68 = arith.constant 0 : i32
    %dma_start3A_69 = tpu.memref_slice %arg13[%dma_start3A_67, %dma_start3A_68] : memref<10112x32xf32, #tpu.memory_space<vmem_shared>> -> memref<10112x32xf32, #tpu.memory_space<vmem_shared>>
    tpu.enqueue_indirect_dma source(%dma_start3A_69 : memref<10112x32xf32, #tpu.memory_space<vmem_shared>>) target(%arg7 : memref<312x32xf32, #tpu.memory_space<vmem>>) offsets(%dma_start3A_66 : memref<312xi32, #tpu.memory_space<vmem>>) semaphore(%arg14 : memref<!tpu.dma_semaphore, #tpu.memory_space<semaphore_mem>>)
    %dma_start3A_70 = arith.constant 312 : i32
    %dma_start3A_71 = tpu.memref_slice %arg5[%dma_start3A_70] : memref<10112xi32, #tpu.memory_space<vmem>> -> memref<312xi32, #tpu.memory_space<vmem>>
    %dma_start3A_72 = arith.constant 0 : i32
    %dma_start3A_73 = arith.constant 0 : i32
    %dma_start3A_74 = tpu.memref_slice %arg13[%dma_start3A_72, %dma_start3A_73] : memref<10112x32xf32, #tpu.memory_space<vmem_shared>> -> memref<10112x32xf32, #tpu.memory_space<vmem_shared>>
    tpu.enqueue_indirect_dma source(%dma_start3A_74 : memref<10112x32xf32, #tpu.memory_space<vmem_shared>>) target(%arg8 : memref<312x32xf32, #tpu.memory_space<vmem>>) offsets(%dma_start3A_71 : memref<312xi32, #tpu.memory_space<vmem>>) semaphore(%arg15 : memref<!tpu.dma_semaphore, #tpu.memory_space<semaphore_mem>>)
    %dma_wait3A_75 = arith.constant 0 : i32
    %dma_wait3A_76 = tpu.memref_slice %arg5[%dma_wait3A_75] : memref<10112xi32, #tpu.memory_space<vmem>> -> memref<312xi32, #tpu.memory_space<vmem>>
    %dma_wait3A_77 = arith.constant 0 : i32
    %dma_wait3A_78 = arith.constant 0 : i32
    %dma_wait3A_79 = tpu.memref_slice %arg13[%dma_wait3A_77, %dma_wait3A_78] : memref<10112x32xf32, #tpu.memory_space<vmem_shared>> -> memref<10112x32xf32, #tpu.memory_space<vmem_shared>>
    tpu.wait_indirect_dma semaphore(%arg14 : memref<!tpu.dma_semaphore, #tpu.memory_space<semaphore_mem>>) src(%dma_wait3A_79 : memref<10112x32xf32, #tpu.memory_space<vmem_shared>>) dst(%arg7 : memref<312x32xf32, #tpu.memory_space<vmem>>)
    %dma_start3A_80 = arith.constant 0 : i32
    %dma_start3A_81 = tpu.memref_slice %arg6[%dma_start3A_80] : memref<10112xi32, #tpu.memory_space<vmem>> -> memref<312xi32, #tpu.memory_space<vmem>>
    %dma_start3A_82 = arith.constant 0 : i32
    %dma_start3A_83 = arith.constant 0 : i32
    %dma_start3A_84 = tpu.memref_slice %arg12[%dma_start3A_82, %dma_start3A_83] : memref<10112x32xf32, #tpu.memory_space<vmem_shared>> -> memref<10112x32xf32, #tpu.memory_space<vmem_shared>>
    tpu.enqueue_indirect_dma source(%arg7 : memref<312x32xf32, #tpu.memory_space<vmem>>) target(%dma_start3A_84 : memref<10112x32xf32, #tpu.memory_space<vmem_shared>>) offsets(%dma_start3A_81 : memref<312xi32, #tpu.memory_space<vmem>>) semaphore(%arg18 : memref<!tpu.dma_semaphore, #tpu.memory_space<semaphore_mem>>) {add = true}
    %dma_start3A_85 = arith.constant 624 : i32
    %dma_start3A_86 = tpu.memref_slice %arg5[%dma_start3A_85] : memref<10112xi32, #tpu.memory_space<vmem>> -> memref<312xi32, #tpu.memory_space<vmem>>
    %dma_start3A_87 = arith.constant 0 : i32
    %dma_start3A_88 = arith.constant 0 : i32
    %dma_start3A_89 = tpu.memref_slice %arg13[%dma_start3A_87, %dma_start3A_88] : memref<10112x32xf32, #tpu.memory_space<vmem_shared>> -> memref<10112x32xf32, #tpu.memory_space<vmem_shared>>
    tpu.enqueue_indirect_dma source(%dma_start3A_89 : memref<10112x32xf32, #tpu.memory_space<vmem_shared>>) target(%arg9 : memref<312x32xf32, #tpu.memory_space<vmem>>) offsets(%dma_start3A_86 : memref<312xi32, #tpu.memory_space<vmem>>) semaphore(%arg16 : memref<!tpu.dma_semaphore, #tpu.memory_space<semaphore_mem>>)
    %dma_wait3A_90 = arith.constant 312 : i32
    %dma_wait3A_91 = tpu.memref_slice %arg5[%dma_wait3A_90] : memref<10112xi32, #tpu.memory_space<vmem>> -> memref<312xi32, #tpu.memory_space<vmem>>
    %dma_wait3A_92 = arith.constant 0 : i32
    %dma_wait3A_93 = arith.constant 0 : i32
    %dma_wait3A_94 = tpu.memref_slice %arg13[%dma_wait3A_92, %dma_wait3A_93] : memref<10112x32xf32, #tpu.memory_space<vmem_shared>> -> memref<10112x32xf32, #tpu.memory_space<vmem_shared>>
    tpu.wait_indirect_dma semaphore(%arg15 : memref<!tpu.dma_semaphore, #tpu.memory_space<semaphore_mem>>) src(%dma_wait3A_94 : memref<10112x32xf32, #tpu.memory_space<vmem_shared>>) dst(%arg8 : memref<312x32xf32, #tpu.memory_space<vmem>>)
    %dma_start3A_95 = arith.constant 312 : i32
    %dma_start3A_96 = tpu.memref_slice %arg6[%dma_start3A_95] : memref<10112xi32, #tpu.memory_space<vmem>> -> memref<312xi32, #tpu.memory_space<vmem>>
    %dma_start3A_97 = arith.constant 0 : i32
    %dma_start3A_98 = arith.constant 0 : i32
    %dma_start3A_99 = tpu.memref_slice %arg12[%dma_start3A_97, %dma_start3A_98] : memref<10112x32xf32, #tpu.memory_space<vmem_shared>> -> memref<10112x32xf32, #tpu.memory_space<vmem_shared>>
    tpu.enqueue_indirect_dma source(%arg8 : memref<312x32xf32, #tpu.memory_space<vmem>>) target(%dma_start3A_99 : memref<10112x32xf32, #tpu.memory_space<vmem_shared>>) offsets(%dma_start3A_96 : memref<312xi32, #tpu.memory_space<vmem>>) semaphore(%arg19 : memref<!tpu.dma_semaphore, #tpu.memory_space<semaphore_mem>>) {add = true}
    %dma_start3A_100 = arith.constant 936 : i32
    %dma_start3A_101 = tpu.memref_slice %arg5[%dma_start3A_100] : memref<10112xi32, #tpu.memory_space<vmem>> -> memref<312xi32, #tpu.memory_space<vmem>>
    %dma_start3A_102 = arith.constant 0 : i32
    %dma_start3A_103 = arith.constant 0 : i32
    %dma_start3A_104 = tpu.memref_slice %arg13[%dma_start3A_102, %dma_start3A_103] : memref<10112x32xf32, #tpu.memory_space<vmem_shared>> -> memref<10112x32xf32, #tpu.memory_space<vmem_shared>>
    tpu.enqueue_indirect_dma source(%dma_start3A_104 : memref<10112x32xf32, #tpu.memory_space<vmem_shared>>) target(%arg10 : memref<312x32xf32, #tpu.memory_space<vmem>>) offsets(%dma_start3A_101 : memref<312xi32, #tpu.memory_space<vmem>>) semaphore(%arg17 : memref<!tpu.dma_semaphore, #tpu.memory_space<semaphore_mem>>)
    %dma_wait3A_105 = arith.constant 624 : i32
    %dma_wait3A_106 = tpu.memref_slice %arg5[%dma_wait3A_105] : memref<10112xi32, #tpu.memory_space<vmem>> -> memref<312xi32, #tpu.memory_space<vmem>>
    %dma_wait3A_107 = arith.constant 0 : i32
    %dma_wait3A_108 = arith.constant 0 : i32
    %dma_wait3A_109 = tpu.memref_slice %arg13[%dma_wait3A_107, %dma_wait3A_108] : memref<10112x32xf32, #tpu.memory_space<vmem_shared>> -> memref<10112x32xf32, #tpu.memory_space<vmem_shared>>
    tpu.wait_indirect_dma semaphore(%arg16 : memref<!tpu.dma_semaphore, #tpu.memory_space<semaphore_mem>>) src(%dma_wait3A_109 : memref<10112x32xf32, #tpu.memory_space<vmem_shared>>) dst(%arg9 : memref<312x32xf32, #tpu.memory_space<vmem>>)
    %dma_wait3A_110 = arith.constant 0 : i32
    %dma_wait3A_111 = tpu.memref_slice %arg6[%dma_wait3A_110] : memref<10112xi32, #tpu.memory_space<vmem>> -> memref<312xi32, #tpu.memory_space<vmem>>
    %dma_wait3A_112 = arith.constant 0 : i32
    %dma_wait3A_113 = arith.constant 0 : i32
    %dma_wait3A_114 = tpu.memref_slice %arg12[%dma_wait3A_112, %dma_wait3A_113] : memref<10112x32xf32, #tpu.memory_space<vmem_shared>> -> memref<10112x32xf32, #tpu.memory_space<vmem_shared>>
    tpu.wait_indirect_dma semaphore(%arg18 : memref<!tpu.dma_semaphore, #tpu.memory_space<semaphore_mem>>) src(%arg7 : memref<312x32xf32, #tpu.memory_space<vmem>>) dst(%dma_wait3A_114 : memref<10112x32xf32, #tpu.memory_space<vmem_shared>>)
    %dma_start3A_115 = arith.constant 624 : i32
    %dma_start3A_116 = tpu.memref_slice %arg6[%dma_start3A_115] : memref<10112xi32, #tpu.memory_space<vmem>> -> memref<312xi32, #tpu.memory_space<vmem>>
    %dma_start3A_117 = arith.constant 0 : i32
    %dma_start3A_118 = arith.constant 0 : i32
    %dma_start3A_119 = tpu.memref_slice %arg12[%dma_start3A_117, %dma_start3A_118] : memref<10112x32xf32, #tpu.memory_space<vmem_shared>> -> memref<10112x32xf32, #tpu.memory_space<vmem_shared>>
    tpu.enqueue_indirect_dma source(%arg9 : memref<312x32xf32, #tpu.memory_space<vmem>>) target(%dma_start3A_119 : memref<10112x32xf32, #tpu.memory_space<vmem_shared>>) offsets(%dma_start3A_116 : memref<312xi32, #tpu.memory_space<vmem>>) semaphore(%arg20 : memref<!tpu.dma_semaphore, #tpu.memory_space<semaphore_mem>>) {add = true}
    %dma_start3A_120 = arith.constant 1248 : i32
    %dma_start3A_121 = tpu.memref_slice %arg5[%dma_start3A_120] : memref<10112xi32, #tpu.memory_space<vmem>> -> memref<312xi32, #tpu.memory_space<vmem>>
    %dma_start3A_122 = arith.constant 0 : i32
    %dma_start3A_123 = arith.constant 0 : i32
    %dma_start3A_124 = tpu.memref_slice %arg13[%dma_start3A_122, %dma_start3A_123] : memref<10112x32xf32, #tpu.memory_space<vmem_shared>> -> memref<10112x32xf32, #tpu.memory_space<vmem_shared>>
    tpu.enqueue_indirect_dma source(%dma_start3A_124 : memref<10112x32xf32, #tpu.memory_space<vmem_shared>>) target(%arg7 : memref<312x32xf32, #tpu.memory_space<vmem>>) offsets(%dma_start3A_121 : memref<312xi32, #tpu.memory_space<vmem>>) semaphore(%arg14 : memref<!tpu.dma_semaphore, #tpu.memory_space<semaphore_mem>>)
    %dma_wait3A_125 = arith.constant 936 : i32
    %dma_wait3A_126 = tpu.memref_slice %arg5[%dma_wait3A_125] : memref<10112xi32, #tpu.memory_space<vmem>> -> memref<312xi32, #tpu.memory_space<vmem>>
    %dma_wait3A_127 = arith.constant 0 : i32
    %dma_wait3A_128 = arith.constant 0 : i32
    %dma_wait3A_129 = tpu.memref_slice %arg13[%dma_wait3A_127, %dma_wait3A_128] : memref<10112x32xf32, #tpu.memory_space<vmem_shared>> -> memref<10112x32xf32, #tpu.memory_space<vmem_shared>>
    tpu.wait_indirect_dma semaphore(%arg17 : memref<!tpu.dma_semaphore, #tpu.memory_space<semaphore_mem>>) src(%dma_wait3A_129 : memref<10112x32xf32, #tpu.memory_space<vmem_shared>>) dst(%arg10 : memref<312x32xf32, #tpu.memory_space<vmem>>)
    %dma_wait3A_130 = arith.constant 312 : i32
    %dma_wait3A_131 = tpu.memref_slice %arg6[%dma_wait3A_130] : memref<10112xi32, #tpu.memory_space<vmem>> -> memref<312xi32, #tpu.memory_space<vmem>>
    %dma_wait3A_132 = arith.constant 0 : i32
    %dma_wait3A_133 = arith.constant 0 : i32
    %dma_wait3A_134 = tpu.memref_slice %arg12[%dma_wait3A_132, %dma_wait3A_133] : memref<10112x32xf32, #tpu.memory_space<vmem_shared>> -> memref<10112x32xf32, #tpu.memory_space<vmem_shared>>
    tpu.wait_indirect_dma semaphore(%arg19 : memref<!tpu.dma_semaphore, #tpu.memory_space<semaphore_mem>>) src(%arg8 : memref<312x32xf32, #tpu.memory_space<vmem>>) dst(%dma_wait3A_134 : memref<10112x32xf32, #tpu.memory_space<vmem_shared>>)
    %dma_start3A_135 = arith.constant 936 : i32
    %dma_start3A_136 = tpu.memref_slice %arg6[%dma_start3A_135] : memref<10112xi32, #tpu.memory_space<vmem>> -> memref<312xi32, #tpu.memory_space<vmem>>
    %dma_start3A_137 = arith.constant 0 : i32
    %dma_start3A_138 = arith.constant 0 : i32
    %dma_start3A_139 = tpu.memref_slice %arg12[%dma_start3A_137, %dma_start3A_138] : memref<10112x32xf32, #tpu.memory_space<vmem_shared>> -> memref<10112x32xf32, #tpu.memory_space<vmem_shared>>
    tpu.enqueue_indirect_dma source(%arg10 : memref<312x32xf32, #tpu.memory_space<vmem>>) target(%dma_start3A_139 : memref<10112x32xf32, #tpu.memory_space<vmem_shared>>) offsets(%dma_start3A_136 : memref<312xi32, #tpu.memory_space<vmem>>) semaphore(%arg21 : memref<!tpu.dma_semaphore, #tpu.memory_space<semaphore_mem>>) {add = true}
    %dma_start3A_140 = arith.constant 1560 : i32
    %dma_start3A_141 = tpu.memref_slice %arg5[%dma_start3A_140] : memref<10112xi32, #tpu.memory_space<vmem>> -> memref<312xi32, #tpu.memory_space<vmem>>
    %dma_start3A_142 = arith.constant 0 : i32
    %dma_start3A_143 = arith.constant 0 : i32
    %dma_start3A_144 = tpu.memref_slice %arg13[%dma_start3A_142, %dma_start3A_143] : memref<10112x32xf32, #tpu.memory_space<vmem_shared>> -> memref<10112x32xf32, #tpu.memory_space<vmem_shared>>
    tpu.enqueue_indirect_dma source(%dma_start3A_144 : memref<10112x32xf32, #tpu.memory_space<vmem_shared>>) target(%arg8 : memref<312x32xf32, #tpu.memory_space<vmem>>) offsets(%dma_start3A_141 : memref<312xi32, #tpu.memory_space<vmem>>) semaphore(%arg15 : memref<!tpu.dma_semaphore, #tpu.memory_space<semaphore_mem>>)
    %dma_wait3A_145 = arith.constant 1248 : i32
    %dma_wait3A_146 = tpu.memref_slice %arg5[%dma_wait3A_145] : memref<10112xi32, #tpu.memory_space<vmem>> -> memref<312xi32, #tpu.memory_space<vmem>>
    %dma_wait3A_147 = arith.constant 0 : i32
    %dma_wait3A_148 = arith.constant 0 : i32
    %dma_wait3A_149 = tpu.memref_slice %arg13[%dma_wait3A_147, %dma_wait3A_148] : memref<10112x32xf32, #tpu.memory_space<vmem_shared>> -> memref<10112x32xf32, #tpu.memory_space<vmem_shared>>
    tpu.wait_indirect_dma semaphore(%arg14 : memref<!tpu.dma_semaphore, #tpu.memory_space<semaphore_mem>>) src(%dma_wait3A_149 : memref<10112x32xf32, #tpu.memory_space<vmem_shared>>) dst(%arg7 : memref<312x32xf32, #tpu.memory_space<vmem>>)
    %dma_wait3A_150 = arith.constant 624 : i32
    %dma_wait3A_151 = tpu.memref_slice %arg6[%dma_wait3A_150] : memref<10112xi32, #tpu.memory_space<vmem>> -> memref<312xi32, #tpu.memory_space<vmem>>
    %dma_wait3A_152 = arith.constant 0 : i32
    %dma_wait3A_153 = arith.constant 0 : i32
    %dma_wait3A_154 = tpu.memref_slice %arg12[%dma_wait3A_152, %dma_wait3A_153] : memref<10112x32xf32, #tpu.memory_space<vmem_shared>> -> memref<10112x32xf32, #tpu.memory_space<vmem_shared>>
    tpu.wait_indirect_dma semaphore(%arg20 : memref<!tpu.dma_semaphore, #tpu.memory_space<semaphore_mem>>) src(%arg9 : memref<312x32xf32, #tpu.memory_space<vmem>>) dst(%dma_wait3A_154 : memref<10112x32xf32, #tpu.memory_space<vmem_shared>>)
    %dma_start3A_155 = arith.constant 1248 : i32
    %dma_start3A_156 = tpu.memref_slice %arg6[%dma_start3A_155] : memref<10112xi32, #tpu.memory_space<vmem>> -> memref<312xi32, #tpu.memory_space<vmem>>
    %dma_start3A_157 = arith.constant 0 : i32
    %dma_start3A_158 = arith.constant 0 : i32
    %dma_start3A_159 = tpu.memref_slice %arg12[%dma_start3A_157, %dma_start3A_158] : memref<10112x32xf32, #tpu.memory_space<vmem_shared>> -> memref<10112x32xf32, #tpu.memory_space<vmem_shared>>
    tpu.enqueue_indirect_dma source(%arg7 : memref<312x32xf32, #tpu.memory_space<vmem>>) target(%dma_start3A_159 : memref<10112x32xf32, #tpu.memory_space<vmem_shared>>) offsets(%dma_start3A_156 : memref<312xi32, #tpu.memory_space<vmem>>) semaphore(%arg18 : memref<!tpu.dma_semaphore, #tpu.memory_space<semaphore_mem>>) {add = true}
    %dma_start3A_160 = arith.constant 1872 : i32
    %dma_start3A_161 = tpu.memref_slice %arg5[%dma_start3A_160] : memref<10112xi32, #tpu.memory_space<vmem>> -> memref<312xi32, #tpu.memory_space<vmem>>
    %dma_start3A_162 = arith.constant 0 : i32
    %dma_start3A_163 = arith.constant 0 : i32
    %dma_start3A_164 = tpu.memref_slice %arg13[%dma_start3A_162, %dma_start3A_163] : memref<10112x32xf32, #tpu.memory_space<vmem_shared>> -> memref<10112x32xf32, #tpu.memory_space<vmem_shared>>
    tpu.enqueue_indirect_dma source(%dma_start3A_164 : memref<10112x32xf32, #tpu.memory_space<vmem_shared>>) target(%arg9 : memref<312x32xf32, #tpu.memory_space<vmem>>) offsets(%dma_start3A_161 : memref<312xi32, #tpu.memory_space<vmem>>) semaphore(%arg16 : memref<!tpu.dma_semaphore, #tpu.memory_space<semaphore_mem>>)
    %dma_wait3A_165 = arith.constant 1560 : i32
    %dma_wait3A_166 = tpu.memref_slice %arg5[%dma_wait3A_165] : memref<10112xi32, #tpu.memory_space<vmem>> -> memref<312xi32, #tpu.memory_space<vmem>>
    %dma_wait3A_167 = arith.constant 0 : i32
    %dma_wait3A_168 = arith.constant 0 : i32
    %dma_wait3A_169 = tpu.memref_slice %arg13[%dma_wait3A_167, %dma_wait3A_168] : memref<10112x32xf32, #tpu.memory_space<vmem_shared>> -> memref<10112x32xf32, #tpu.memory_space<vmem_shared>>
    tpu.wait_indirect_dma semaphore(%arg15 : memref<!tpu.dma_semaphore, #tpu.memory_space<semaphore_mem>>) src(%dma_wait3A_169 : memref<10112x32xf32, #tpu.memory_space<vmem_shared>>) dst(%arg8 : memref<312x32xf32, #tpu.memory_space<vmem>>)
    %dma_wait3A_170 = arith.constant 936 : i32
    %dma_wait3A_171 = tpu.memref_slice %arg6[%dma_wait3A_170] : memref<10112xi32, #tpu.memory_space<vmem>> -> memref<312xi32, #tpu.memory_space<vmem>>
    %dma_wait3A_172 = arith.constant 0 : i32
    %dma_wait3A_173 = arith.constant 0 : i32
    %dma_wait3A_174 = tpu.memref_slice %arg12[%dma_wait3A_172, %dma_wait3A_173] : memref<10112x32xf32, #tpu.memory_space<vmem_shared>> -> memref<10112x32xf32, #tpu.memory_space<vmem_shared>>
    tpu.wait_indirect_dma semaphore(%arg21 : memref<!tpu.dma_semaphore, #tpu.memory_space<semaphore_mem>>) src(%arg10 : memref<312x32xf32, #tpu.memory_space<vmem>>) dst(%dma_wait3A_174 : memref<10112x32xf32, #tpu.memory_space<vmem_shared>>)
    %dma_start3A_175 = arith.constant 1560 : i32
    %dma_start3A_176 = tpu.memref_slice %arg6[%dma_start3A_175] : memref<10112xi32, #tpu.memory_space<vmem>> -> memref<312xi32, #tpu.memory_space<vmem>>
    %dma_start3A_177 = arith.constant 0 : i32
    %dma_start3A_178 = arith.constant 0 : i32
    %dma_start3A_179 = tpu.memref_slice %arg12[%dma_start3A_177, %dma_start3A_178] : memref<10112x32xf32, #tpu.memory_space<vmem_shared>> -> memref<10112x32xf32, #tpu.memory_space<vmem_shared>>
    tpu.enqueue_indirect_dma source(%arg8 : memref<312x32xf32, #tpu.memory_space<vmem>>) target(%dma_start3A_179 : memref<10112x32xf32, #tpu.memory_space<vmem_shared>>) offsets(%dma_start3A_176 : memref<312xi32, #tpu.memory_space<vmem>>) semaphore(%arg19 : memref<!tpu.dma_semaphore, #tpu.memory_space<semaphore_mem>>) {add = true}
    %dma_start3A_180 = arith.constant 2184 : i32
    %dma_start3A_181 = tpu.memref_slice %arg5[%dma_start3A_180] : memref<10112xi32, #tpu.memory_space<vmem>> -> memref<312xi32, #tpu.memory_space<vmem>>
    %dma_start3A_182 = arith.constant 0 : i32
    %dma_start3A_183 = arith.constant 0 : i32
    %dma_start3A_184 = tpu.memref_slice %arg13[%dma_start3A_182, %dma_start3A_183] : memref<10112x32xf32, #tpu.memory_space<vmem_shared>> -> memref<10112x32xf32, #tpu.memory_space<vmem_shared>>
    tpu.enqueue_indirect_dma source(%dma_start3A_184 : memref<10112x32xf32, #tpu.memory_space<vmem_shared>>) target(%arg10 : memref<312x32xf32, #tpu.memory_space<vmem>>) offsets(%dma_start3A_181 : memref<312xi32, #tpu.memory_space<vmem>>) semaphore(%arg17 : memref<!tpu.dma_semaphore, #tpu.memory_space<semaphore_mem>>)
    %dma_wait3A_185 = arith.constant 1872 : i32
    %dma_wait3A_186 = tpu.memref_slice %arg5[%dma_wait3A_185] : memref<10112xi32, #tpu.memory_space<vmem>> -> memref<312xi32, #tpu.memory_space<vmem>>
    %dma_wait3A_187 = arith.constant 0 : i32
    %dma_wait3A_188 = arith.constant 0 : i32
    %dma_wait3A_189 = tpu.memref_slice %arg13[%dma_wait3A_187, %dma_wait3A_188] : memref<10112x32xf32, #tpu.memory_space<vmem_shared>> -> memref<10112x32xf32, #tpu.memory_space<vmem_shared>>
    tpu.wait_indirect_dma semaphore(%arg16 : memref<!tpu.dma_semaphore, #tpu.memory_space<semaphore_mem>>) src(%dma_wait3A_189 : memref<10112x32xf32, #tpu.memory_space<vmem_shared>>) dst(%arg9 : memref<312x32xf32, #tpu.memory_space<vmem>>)
    %dma_wait3A_190 = arith.constant 1248 : i32
    %dma_wait3A_191 = tpu.memref_slice %arg6[%dma_wait3A_190] : memref<10112xi32, #tpu.memory_space<vmem>> -> memref<312xi32, #tpu.memory_space<vmem>>
    %dma_wait3A_192 = arith.constant 0 : i32
    %dma_wait3A_193 = arith.constant 0 : i32
    %dma_wait3A_194 = tpu.memref_slice %arg12[%dma_wait3A_192, %dma_wait3A_193] : memref<10112x32xf32, #tpu.memory_space<vmem_shared>> -> memref<10112x32xf32, #tpu.memory_space<vmem_shared>>
    tpu.wait_indirect_dma semaphore(%arg18 : memref<!tpu.dma_semaphore, #tpu.memory_space<semaphore_mem>>) src(%arg7 : memref<312x32xf32, #tpu.memory_space<vmem>>) dst(%dma_wait3A_194 : memref<10112x32xf32, #tpu.memory_space<vmem_shared>>)
    %dma_start3A_195 = arith.constant 1872 : i32
    %dma_start3A_196 = tpu.memref_slice %arg6[%dma_start3A_195] : memref<10112xi32, #tpu.memory_space<vmem>> -> memref<312xi32, #tpu.memory_space<vmem>>
    %dma_start3A_197 = arith.constant 0 : i32
    %dma_start3A_198 = arith.constant 0 : i32
    %dma_start3A_199 = tpu.memref_slice %arg12[%dma_start3A_197, %dma_start3A_198] : memref<10112x32xf32, #tpu.memory_space<vmem_shared>> -> memref<10112x32xf32, #tpu.memory_space<vmem_shared>>
    tpu.enqueue_indirect_dma source(%arg9 : memref<312x32xf32, #tpu.memory_space<vmem>>) target(%dma_start3A_199 : memref<10112x32xf32, #tpu.memory_space<vmem_shared>>) offsets(%dma_start3A_196 : memref<312xi32, #tpu.memory_space<vmem>>) semaphore(%arg20 : memref<!tpu.dma_semaphore, #tpu.memory_space<semaphore_mem>>) {add = true}
    %dma_start3A_200 = arith.constant 2496 : i32
    %dma_start3A_201 = tpu.memref_slice %arg5[%dma_start3A_200] : memref<10112xi32, #tpu.memory_space<vmem>> -> memref<312xi32, #tpu.memory_space<vmem>>
    %dma_start3A_202 = arith.constant 0 : i32
    %dma_start3A_203 = arith.constant 0 : i32
    %dma_start3A_204 = tpu.memref_slice %arg13[%dma_start3A_202, %dma_start3A_203] : memref<10112x32xf32, #tpu.memory_space<vmem_shared>> -> memref<10112x32xf32, #tpu.memory_space<vmem_shared>>
    tpu.enqueue_indirect_dma source(%dma_start3A_204 : memref<10112x32xf32, #tpu.memory_space<vmem_shared>>) target(%arg7 : memref<312x32xf32, #tpu.memory_space<vmem>>) offsets(%dma_start3A_201 : memref<312xi32, #tpu.memory_space<vmem>>) semaphore(%arg14 : memref<!tpu.dma_semaphore, #tpu.memory_space<semaphore_mem>>)
    %dma_wait3A_205 = arith.constant 2184 : i32
    %dma_wait3A_206 = tpu.memref_slice %arg5[%dma_wait3A_205] : memref<10112xi32, #tpu.memory_space<vmem>> -> memref<312xi32, #tpu.memory_space<vmem>>
    %dma_wait3A_207 = arith.constant 0 : i32
    %dma_wait3A_208 = arith.constant 0 : i32
    %dma_wait3A_209 = tpu.memref_slice %arg13[%dma_wait3A_207, %dma_wait3A_208] : memref<10112x32xf32, #tpu.memory_space<vmem_shared>> -> memref<10112x32xf32, #tpu.memory_space<vmem_shared>>
    tpu.wait_indirect_dma semaphore(%arg17 : memref<!tpu.dma_semaphore, #tpu.memory_space<semaphore_mem>>) src(%dma_wait3A_209 : memref<10112x32xf32, #tpu.memory_space<vmem_shared>>) dst(%arg10 : memref<312x32xf32, #tpu.memory_space<vmem>>)
    %dma_wait3A_210 = arith.constant 1560 : i32
    %dma_wait3A_211 = tpu.memref_slice %arg6[%dma_wait3A_210] : memref<10112xi32, #tpu.memory_space<vmem>> -> memref<312xi32, #tpu.memory_space<vmem>>
    %dma_wait3A_212 = arith.constant 0 : i32
    %dma_wait3A_213 = arith.constant 0 : i32
    %dma_wait3A_214 = tpu.memref_slice %arg12[%dma_wait3A_212, %dma_wait3A_213] : memref<10112x32xf32, #tpu.memory_space<vmem_shared>> -> memref<10112x32xf32, #tpu.memory_space<vmem_shared>>
    tpu.wait_indirect_dma semaphore(%arg19 : memref<!tpu.dma_semaphore, #tpu.memory_space<semaphore_mem>>) src(%arg8 : memref<312x32xf32, #tpu.memory_space<vmem>>) dst(%dma_wait3A_214 : memref<10112x32xf32, #tpu.memory_space<vmem_shared>>)
    %dma_start3A_215 = arith.constant 2184 : i32
    %dma_start3A_216 = tpu.memref_slice %arg6[%dma_start3A_215] : memref<10112xi32, #tpu.memory_space<vmem>> -> memref<312xi32, #tpu.memory_space<vmem>>
    %dma_start3A_217 = arith.constant 0 : i32
    %dma_start3A_218 = arith.constant 0 : i32
    %dma_start3A_219 = tpu.memref_slice %arg12[%dma_start3A_217, %dma_start3A_218] : memref<10112x32xf32, #tpu.memory_space<vmem_shared>> -> memref<10112x32xf32, #tpu.memory_space<vmem_shared>>
    tpu.enqueue_indirect_dma source(%arg10 : memref<312x32xf32, #tpu.memory_space<vmem>>) target(%dma_start3A_219 : memref<10112x32xf32, #tpu.memory_space<vmem_shared>>) offsets(%dma_start3A_216 : memref<312xi32, #tpu.memory_space<vmem>>) semaphore(%arg21 : memref<!tpu.dma_semaphore, #tpu.memory_space<semaphore_mem>>) {add = true}
    %dma_start3A_220 = arith.constant 2808 : i32
    %dma_start3A_221 = tpu.memref_slice %arg5[%dma_start3A_220] : memref<10112xi32, #tpu.memory_space<vmem>> -> memref<312xi32, #tpu.memory_space<vmem>>
    %dma_start3A_222 = arith.constant 0 : i32
    %dma_start3A_223 = arith.constant 0 : i32
    %dma_start3A_224 = tpu.memref_slice %arg13[%dma_start3A_222, %dma_start3A_223] : memref<10112x32xf32, #tpu.memory_space<vmem_shared>> -> memref<10112x32xf32, #tpu.memory_space<vmem_shared>>
    tpu.enqueue_indirect_dma source(%dma_start3A_224 : memref<10112x32xf32, #tpu.memory_space<vmem_shared>>) target(%arg8 : memref<312x32xf32, #tpu.memory_space<vmem>>) offsets(%dma_start3A_221 : memref<312xi32, #tpu.memory_space<vmem>>) semaphore(%arg15 : memref<!tpu.dma_semaphore, #tpu.memory_space<semaphore_mem>>)
    %dma_wait3A_225 = arith.constant 2496 : i32
    %dma_wait3A_226 = tpu.memref_slice %arg5[%dma_wait3A_225] : memref<10112xi32, #tpu.memory_space<vmem>> -> memref<312xi32, #tpu.memory_space<vmem>>
    %dma_wait3A_227 = arith.constant 0 : i32
    %dma_wait3A_228 = arith.constant 0 : i32
    %dma_wait3A_229 = tpu.memref_slice %arg13[%dma_wait3A_227, %dma_wait3A_228] : memref<10112x32xf32, #tpu.memory_space<vmem_shared>> -> memref<10112x32xf32, #tpu.memory_space<vmem_shared>>
    tpu.wait_indirect_dma semaphore(%arg14 : memref<!tpu.dma_semaphore, #tpu.memory_space<semaphore_mem>>) src(%dma_wait3A_229 : memref<10112x32xf32, #tpu.memory_space<vmem_shared>>) dst(%arg7 : memref<312x32xf32, #tpu.memory_space<vmem>>)
    %dma_wait3A_230 = arith.constant 1872 : i32
    %dma_wait3A_231 = tpu.memref_slice %arg6[%dma_wait3A_230] : memref<10112xi32, #tpu.memory_space<vmem>> -> memref<312xi32, #tpu.memory_space<vmem>>
    %dma_wait3A_232 = arith.constant 0 : i32
    %dma_wait3A_233 = arith.constant 0 : i32
    %dma_wait3A_234 = tpu.memref_slice %arg12[%dma_wait3A_232, %dma_wait3A_233] : memref<10112x32xf32, #tpu.memory_space<vmem_shared>> -> memref<10112x32xf32, #tpu.memory_space<vmem_shared>>
    tpu.wait_indirect_dma semaphore(%arg20 : memref<!tpu.dma_semaphore, #tpu.memory_space<semaphore_mem>>) src(%arg9 : memref<312x32xf32, #tpu.memory_space<vmem>>) dst(%dma_wait3A_234 : memref<10112x32xf32, #tpu.memory_space<vmem_shared>>)
    %dma_start3A_235 = arith.constant 2496 : i32
    %dma_start3A_236 = tpu.memref_slice %arg6[%dma_start3A_235] : memref<10112xi32, #tpu.memory_space<vmem>> -> memref<312xi32, #tpu.memory_space<vmem>>
    %dma_start3A_237 = arith.constant 0 : i32
    %dma_start3A_238 = arith.constant 0 : i32
    %dma_start3A_239 = tpu.memref_slice %arg12[%dma_start3A_237, %dma_start3A_238] : memref<10112x32xf32, #tpu.memory_space<vmem_shared>> -> memref<10112x32xf32, #tpu.memory_space<vmem_shared>>
    tpu.enqueue_indirect_dma source(%arg7 : memref<312x32xf32, #tpu.memory_space<vmem>>) target(%dma_start3A_239 : memref<10112x32xf32, #tpu.memory_space<vmem_shared>>) offsets(%dma_start3A_236 : memref<312xi32, #tpu.memory_space<vmem>>) semaphore(%arg18 : memref<!tpu.dma_semaphore, #tpu.memory_space<semaphore_mem>>) {add = true}
    %dma_start3A_240 = arith.constant 3120 : i32
    %dma_start3A_241 = tpu.memref_slice %arg5[%dma_start3A_240] : memref<10112xi32, #tpu.memory_space<vmem>> -> memref<312xi32, #tpu.memory_space<vmem>>
    %dma_start3A_242 = arith.constant 0 : i32
    %dma_start3A_243 = arith.constant 0 : i32
    %dma_start3A_244 = tpu.memref_slice %arg13[%dma_start3A_242, %dma_start3A_243] : memref<10112x32xf32, #tpu.memory_space<vmem_shared>> -> memref<10112x32xf32, #tpu.memory_space<vmem_shared>>
    tpu.enqueue_indirect_dma source(%dma_start3A_244 : memref<10112x32xf32, #tpu.memory_space<vmem_shared>>) target(%arg9 : memref<312x32xf32, #tpu.memory_space<vmem>>) offsets(%dma_start3A_241 : memref<312xi32, #tpu.memory_space<vmem>>) semaphore(%arg16 : memref<!tpu.dma_semaphore, #tpu.memory_space<semaphore_mem>>)
    %dma_wait3A_245 = arith.constant 2808 : i32
    %dma_wait3A_246 = tpu.memref_slice %arg5[%dma_wait3A_245] : memref<10112xi32, #tpu.memory_space<vmem>> -> memref<312xi32, #tpu.memory_space<vmem>>
    %dma_wait3A_247 = arith.constant 0 : i32
    %dma_wait3A_248 = arith.constant 0 : i32
    %dma_wait3A_249 = tpu.memref_slice %arg13[%dma_wait3A_247, %dma_wait3A_248] : memref<10112x32xf32, #tpu.memory_space<vmem_shared>> -> memref<10112x32xf32, #tpu.memory_space<vmem_shared>>
    tpu.wait_indirect_dma semaphore(%arg15 : memref<!tpu.dma_semaphore, #tpu.memory_space<semaphore_mem>>) src(%dma_wait3A_249 : memref<10112x32xf32, #tpu.memory_space<vmem_shared>>) dst(%arg8 : memref<312x32xf32, #tpu.memory_space<vmem>>)
    %dma_wait3A_250 = arith.constant 2184 : i32
    %dma_wait3A_251 = tpu.memref_slice %arg6[%dma_wait3A_250] : memref<10112xi32, #tpu.memory_space<vmem>> -> memref<312xi32, #tpu.memory_space<vmem>>
    %dma_wait3A_252 = arith.constant 0 : i32
    %dma_wait3A_253 = arith.constant 0 : i32
    %dma_wait3A_254 = tpu.memref_slice %arg12[%dma_wait3A_252, %dma_wait3A_253] : memref<10112x32xf32, #tpu.memory_space<vmem_shared>> -> memref<10112x32xf32, #tpu.memory_space<vmem_shared>>
    tpu.wait_indirect_dma semaphore(%arg21 : memref<!tpu.dma_semaphore, #tpu.memory_space<semaphore_mem>>) src(%arg10 : memref<312x32xf32, #tpu.memory_space<vmem>>) dst(%dma_wait3A_254 : memref<10112x32xf32, #tpu.memory_space<vmem_shared>>)
    %dma_start3A_255 = arith.constant 2808 : i32
    %dma_start3A_256 = tpu.memref_slice %arg6[%dma_start3A_255] : memref<10112xi32, #tpu.memory_space<vmem>> -> memref<312xi32, #tpu.memory_space<vmem>>
    %dma_start3A_257 = arith.constant 0 : i32
    %dma_start3A_258 = arith.constant 0 : i32
    %dma_start3A_259 = tpu.memref_slice %arg12[%dma_start3A_257, %dma_start3A_258] : memref<10112x32xf32, #tpu.memory_space<vmem_shared>> -> memref<10112x32xf32, #tpu.memory_space<vmem_shared>>
    tpu.enqueue_indirect_dma source(%arg8 : memref<312x32xf32, #tpu.memory_space<vmem>>) target(%dma_start3A_259 : memref<10112x32xf32, #tpu.memory_space<vmem_shared>>) offsets(%dma_start3A_256 : memref<312xi32, #tpu.memory_space<vmem>>) semaphore(%arg19 : memref<!tpu.dma_semaphore, #tpu.memory_space<semaphore_mem>>) {add = true}
    %dma_start3A_260 = arith.constant 3432 : i32
    %dma_start3A_261 = tpu.memref_slice %arg5[%dma_start3A_260] : memref<10112xi32, #tpu.memory_space<vmem>> -> memref<312xi32, #tpu.memory_space<vmem>>
    %dma_start3A_262 = arith.constant 0 : i32
    %dma_start3A_263 = arith.constant 0 : i32
    %dma_start3A_264 = tpu.memref_slice %arg13[%dma_start3A_262, %dma_start3A_263] : memref<10112x32xf32, #tpu.memory_space<vmem_shared>> -> memref<10112x32xf32, #tpu.memory_space<vmem_shared>>
    tpu.enqueue_indirect_dma source(%dma_start3A_264 : memref<10112x32xf32, #tpu.memory_space<vmem_shared>>) target(%arg10 : memref<312x32xf32, #tpu.memory_space<vmem>>) offsets(%dma_start3A_261 : memref<312xi32, #tpu.memory_space<vmem>>) semaphore(%arg17 : memref<!tpu.dma_semaphore, #tpu.memory_space<semaphore_mem>>)
    %dma_wait3A_265 = arith.constant 3120 : i32
    %dma_wait3A_266 = tpu.memref_slice %arg5[%dma_wait3A_265] : memref<10112xi32, #tpu.memory_space<vmem>> -> memref<312xi32, #tpu.memory_space<vmem>>
    %dma_wait3A_267 = arith.constant 0 : i32
    %dma_wait3A_268 = arith.constant 0 : i32
    %dma_wait3A_269 = tpu.memref_slice %arg13[%dma_wait3A_267, %dma_wait3A_268] : memref<10112x32xf32, #tpu.memory_space<vmem_shared>> -> memref<10112x32xf32, #tpu.memory_space<vmem_shared>>
    tpu.wait_indirect_dma semaphore(%arg16 : memref<!tpu.dma_semaphore, #tpu.memory_space<semaphore_mem>>) src(%dma_wait3A_269 : memref<10112x32xf32, #tpu.memory_space<vmem_shared>>) dst(%arg9 : memref<312x32xf32, #tpu.memory_space<vmem>>)
    %dma_wait3A_270 = arith.constant 2496 : i32
    %dma_wait3A_271 = tpu.memref_slice %arg6[%dma_wait3A_270] : memref<10112xi32, #tpu.memory_space<vmem>> -> memref<312xi32, #tpu.memory_space<vmem>>
    %dma_wait3A_272 = arith.constant 0 : i32
    %dma_wait3A_273 = arith.constant 0 : i32
    %dma_wait3A_274 = tpu.memref_slice %arg12[%dma_wait3A_272, %dma_wait3A_273] : memref<10112x32xf32, #tpu.memory_space<vmem_shared>> -> memref<10112x32xf32, #tpu.memory_space<vmem_shared>>
    tpu.wait_indirect_dma semaphore(%arg18 : memref<!tpu.dma_semaphore, #tpu.memory_space<semaphore_mem>>) src(%arg7 : memref<312x32xf32, #tpu.memory_space<vmem>>) dst(%dma_wait3A_274 : memref<10112x32xf32, #tpu.memory_space<vmem_shared>>)
    %dma_start3A_275 = arith.constant 3120 : i32
    %dma_start3A_276 = tpu.memref_slice %arg6[%dma_start3A_275] : memref<10112xi32, #tpu.memory_space<vmem>> -> memref<312xi32, #tpu.memory_space<vmem>>
    %dma_start3A_277 = arith.constant 0 : i32
    %dma_start3A_278 = arith.constant 0 : i32
    %dma_start3A_279 = tpu.memref_slice %arg12[%dma_start3A_277, %dma_start3A_278] : memref<10112x32xf32, #tpu.memory_space<vmem_shared>> -> memref<10112x32xf32, #tpu.memory_space<vmem_shared>>
    tpu.enqueue_indirect_dma source(%arg9 : memref<312x32xf32, #tpu.memory_space<vmem>>) target(%dma_start3A_279 : memref<10112x32xf32, #tpu.memory_space<vmem_shared>>) offsets(%dma_start3A_276 : memref<312xi32, #tpu.memory_space<vmem>>) semaphore(%arg20 : memref<!tpu.dma_semaphore, #tpu.memory_space<semaphore_mem>>) {add = true}
    %dma_start3A_280 = arith.constant 3744 : i32
    %dma_start3A_281 = tpu.memref_slice %arg5[%dma_start3A_280] : memref<10112xi32, #tpu.memory_space<vmem>> -> memref<312xi32, #tpu.memory_space<vmem>>
    %dma_start3A_282 = arith.constant 0 : i32
    %dma_start3A_283 = arith.constant 0 : i32
    %dma_start3A_284 = tpu.memref_slice %arg13[%dma_start3A_282, %dma_start3A_283] : memref<10112x32xf32, #tpu.memory_space<vmem_shared>> -> memref<10112x32xf32, #tpu.memory_space<vmem_shared>>
    tpu.enqueue_indirect_dma source(%dma_start3A_284 : memref<10112x32xf32, #tpu.memory_space<vmem_shared>>) target(%arg7 : memref<312x32xf32, #tpu.memory_space<vmem>>) offsets(%dma_start3A_281 : memref<312xi32, #tpu.memory_space<vmem>>) semaphore(%arg14 : memref<!tpu.dma_semaphore, #tpu.memory_space<semaphore_mem>>)
    %dma_wait3A_285 = arith.constant 3432 : i32
    %dma_wait3A_286 = tpu.memref_slice %arg5[%dma_wait3A_285] : memref<10112xi32, #tpu.memory_space<vmem>> -> memref<312xi32, #tpu.memory_space<vmem>>
    %dma_wait3A_287 = arith.constant 0 : i32
    %dma_wait3A_288 = arith.constant 0 : i32
    %dma_wait3A_289 = tpu.memref_slice %arg13[%dma_wait3A_287, %dma_wait3A_288] : memref<10112x32xf32, #tpu.memory_space<vmem_shared>> -> memref<10112x32xf32, #tpu.memory_space<vmem_shared>>
    tpu.wait_indirect_dma semaphore(%arg17 : memref<!tpu.dma_semaphore, #tpu.memory_space<semaphore_mem>>) src(%dma_wait3A_289 : memref<10112x32xf32, #tpu.memory_space<vmem_shared>>) dst(%arg10 : memref<312x32xf32, #tpu.memory_space<vmem>>)
    %dma_wait3A_290 = arith.constant 2808 : i32
    %dma_wait3A_291 = tpu.memref_slice %arg6[%dma_wait3A_290] : memref<10112xi32, #tpu.memory_space<vmem>> -> memref<312xi32, #tpu.memory_space<vmem>>
    %dma_wait3A_292 = arith.constant 0 : i32
    %dma_wait3A_293 = arith.constant 0 : i32
    %dma_wait3A_294 = tpu.memref_slice %arg12[%dma_wait3A_292, %dma_wait3A_293] : memref<10112x32xf32, #tpu.memory_space<vmem_shared>> -> memref<10112x32xf32, #tpu.memory_space<vmem_shared>>
    tpu.wait_indirect_dma semaphore(%arg19 : memref<!tpu.dma_semaphore, #tpu.memory_space<semaphore_mem>>) src(%arg8 : memref<312x32xf32, #tpu.memory_space<vmem>>) dst(%dma_wait3A_294 : memref<10112x32xf32, #tpu.memory_space<vmem_shared>>)
    %dma_start3A_295 = arith.constant 3432 : i32
    %dma_start3A_296 = tpu.memref_slice %arg6[%dma_start3A_295] : memref<10112xi32, #tpu.memory_space<vmem>> -> memref<312xi32, #tpu.memory_space<vmem>>
    %dma_start3A_297 = arith.constant 0 : i32
    %dma_start3A_298 = arith.constant 0 : i32
    %dma_start3A_299 = tpu.memref_slice %arg12[%dma_start3A_297, %dma_start3A_298] : memref<10112x32xf32, #tpu.memory_space<vmem_shared>> -> memref<10112x32xf32, #tpu.memory_space<vmem_shared>>
    tpu.enqueue_indirect_dma source(%arg10 : memref<312x32xf32, #tpu.memory_space<vmem>>) target(%dma_start3A_299 : memref<10112x32xf32, #tpu.memory_space<vmem_shared>>) offsets(%dma_start3A_296 : memref<312xi32, #tpu.memory_space<vmem>>) semaphore(%arg21 : memref<!tpu.dma_semaphore, #tpu.memory_space<semaphore_mem>>) {add = true}
    %dma_start3A_300 = arith.constant 4056 : i32
    %dma_start3A_301 = tpu.memref_slice %arg5[%dma_start3A_300] : memref<10112xi32, #tpu.memory_space<vmem>> -> memref<312xi32, #tpu.memory_space<vmem>>
    %dma_start3A_302 = arith.constant 0 : i32
    %dma_start3A_303 = arith.constant 0 : i32
    %dma_start3A_304 = tpu.memref_slice %arg13[%dma_start3A_302, %dma_start3A_303] : memref<10112x32xf32, #tpu.memory_space<vmem_shared>> -> memref<10112x32xf32, #tpu.memory_space<vmem_shared>>
    tpu.enqueue_indirect_dma source(%dma_start3A_304 : memref<10112x32xf32, #tpu.memory_space<vmem_shared>>) target(%arg8 : memref<312x32xf32, #tpu.memory_space<vmem>>) offsets(%dma_start3A_301 : memref<312xi32, #tpu.memory_space<vmem>>) semaphore(%arg15 : memref<!tpu.dma_semaphore, #tpu.memory_space<semaphore_mem>>)
    %dma_wait3A_305 = arith.constant 3744 : i32
    %dma_wait3A_306 = tpu.memref_slice %arg5[%dma_wait3A_305] : memref<10112xi32, #tpu.memory_space<vmem>> -> memref<312xi32, #tpu.memory_space<vmem>>
    %dma_wait3A_307 = arith.constant 0 : i32
    %dma_wait3A_308 = arith.constant 0 : i32
    %dma_wait3A_309 = tpu.memref_slice %arg13[%dma_wait3A_307, %dma_wait3A_308] : memref<10112x32xf32, #tpu.memory_space<vmem_shared>> -> memref<10112x32xf32, #tpu.memory_space<vmem_shared>>
    tpu.wait_indirect_dma semaphore(%arg14 : memref<!tpu.dma_semaphore, #tpu.memory_space<semaphore_mem>>) src(%dma_wait3A_309 : memref<10112x32xf32, #tpu.memory_space<vmem_shared>>) dst(%arg7 : memref<312x32xf32, #tpu.memory_space<vmem>>)
    %dma_wait3A_310 = arith.constant 3120 : i32
    %dma_wait3A_311 = tpu.memref_slice %arg6[%dma_wait3A_310] : memref<10112xi32, #tpu.memory_space<vmem>> -> memref<312xi32, #tpu.memory_space<vmem>>
    %dma_wait3A_312 = arith.constant 0 : i32
    %dma_wait3A_313 = arith.constant 0 : i32
    %dma_wait3A_314 = tpu.memref_slice %arg12[%dma_wait3A_312, %dma_wait3A_313] : memref<10112x32xf32, #tpu.memory_space<vmem_shared>> -> memref<10112x32xf32, #tpu.memory_space<vmem_shared>>
    tpu.wait_indirect_dma semaphore(%arg20 : memref<!tpu.dma_semaphore, #tpu.memory_space<semaphore_mem>>) src(%arg9 : memref<312x32xf32, #tpu.memory_space<vmem>>) dst(%dma_wait3A_314 : memref<10112x32xf32, #tpu.memory_space<vmem_shared>>)
    %dma_start3A_315 = arith.constant 3744 : i32
    %dma_start3A_316 = tpu.memref_slice %arg6[%dma_start3A_315] : memref<10112xi32, #tpu.memory_space<vmem>> -> memref<312xi32, #tpu.memory_space<vmem>>
    %dma_start3A_317 = arith.constant 0 : i32
    %dma_start3A_318 = arith.constant 0 : i32
    %dma_start3A_319 = tpu.memref_slice %arg12[%dma_start3A_317, %dma_start3A_318] : memref<10112x32xf32, #tpu.memory_space<vmem_shared>> -> memref<10112x32xf32, #tpu.memory_space<vmem_shared>>
    tpu.enqueue_indirect_dma source(%arg7 : memref<312x32xf32, #tpu.memory_space<vmem>>) target(%dma_start3A_319 : memref<10112x32xf32, #tpu.memory_space<vmem_shared>>) offsets(%dma_start3A_316 : memref<312xi32, #tpu.memory_space<vmem>>) semaphore(%arg18 : memref<!tpu.dma_semaphore, #tpu.memory_space<semaphore_mem>>) {add = true}
    %dma_start3A_320 = arith.constant 4368 : i32
    %dma_start3A_321 = tpu.memref_slice %arg5[%dma_start3A_320] : memref<10112xi32, #tpu.memory_space<vmem>> -> memref<312xi32, #tpu.memory_space<vmem>>
    %dma_start3A_322 = arith.constant 0 : i32
    %dma_start3A_323 = arith.constant 0 : i32
    %dma_start3A_324 = tpu.memref_slice %arg13[%dma_start3A_322, %dma_start3A_323] : memref<10112x32xf32, #tpu.memory_space<vmem_shared>> -> memref<10112x32xf32, #tpu.memory_space<vmem_shared>>
    tpu.enqueue_indirect_dma source(%dma_start3A_324 : memref<10112x32xf32, #tpu.memory_space<vmem_shared>>) target(%arg9 : memref<312x32xf32, #tpu.memory_space<vmem>>) offsets(%dma_start3A_321 : memref<312xi32, #tpu.memory_space<vmem>>) semaphore(%arg16 : memref<!tpu.dma_semaphore, #tpu.memory_space<semaphore_mem>>)
    %dma_wait3A_325 = arith.constant 4056 : i32
    %dma_wait3A_326 = tpu.memref_slice %arg5[%dma_wait3A_325] : memref<10112xi32, #tpu.memory_space<vmem>> -> memref<312xi32, #tpu.memory_space<vmem>>
    %dma_wait3A_327 = arith.constant 0 : i32
    %dma_wait3A_328 = arith.constant 0 : i32
    %dma_wait3A_329 = tpu.memref_slice %arg13[%dma_wait3A_327, %dma_wait3A_328] : memref<10112x32xf32, #tpu.memory_space<vmem_shared>> -> memref<10112x32xf32, #tpu.memory_space<vmem_shared>>
    tpu.wait_indirect_dma semaphore(%arg15 : memref<!tpu.dma_semaphore, #tpu.memory_space<semaphore_mem>>) src(%dma_wait3A_329 : memref<10112x32xf32, #tpu.memory_space<vmem_shared>>) dst(%arg8 : memref<312x32xf32, #tpu.memory_space<vmem>>)
    %dma_wait3A_330 = arith.constant 3432 : i32
    %dma_wait3A_331 = tpu.memref_slice %arg6[%dma_wait3A_330] : memref<10112xi32, #tpu.memory_space<vmem>> -> memref<312xi32, #tpu.memory_space<vmem>>
    %dma_wait3A_332 = arith.constant 0 : i32
    %dma_wait3A_333 = arith.constant 0 : i32
    %dma_wait3A_334 = tpu.memref_slice %arg12[%dma_wait3A_332, %dma_wait3A_333] : memref<10112x32xf32, #tpu.memory_space<vmem_shared>> -> memref<10112x32xf32, #tpu.memory_space<vmem_shared>>
    tpu.wait_indirect_dma semaphore(%arg21 : memref<!tpu.dma_semaphore, #tpu.memory_space<semaphore_mem>>) src(%arg10 : memref<312x32xf32, #tpu.memory_space<vmem>>) dst(%dma_wait3A_334 : memref<10112x32xf32, #tpu.memory_space<vmem_shared>>)
    %dma_start3A_335 = arith.constant 4056 : i32
    %dma_start3A_336 = tpu.memref_slice %arg6[%dma_start3A_335] : memref<10112xi32, #tpu.memory_space<vmem>> -> memref<312xi32, #tpu.memory_space<vmem>>
    %dma_start3A_337 = arith.constant 0 : i32
    %dma_start3A_338 = arith.constant 0 : i32
    %dma_start3A_339 = tpu.memref_slice %arg12[%dma_start3A_337, %dma_start3A_338] : memref<10112x32xf32, #tpu.memory_space<vmem_shared>> -> memref<10112x32xf32, #tpu.memory_space<vmem_shared>>
    tpu.enqueue_indirect_dma source(%arg8 : memref<312x32xf32, #tpu.memory_space<vmem>>) target(%dma_start3A_339 : memref<10112x32xf32, #tpu.memory_space<vmem_shared>>) offsets(%dma_start3A_336 : memref<312xi32, #tpu.memory_space<vmem>>) semaphore(%arg19 : memref<!tpu.dma_semaphore, #tpu.memory_space<semaphore_mem>>) {add = true}
    %dma_start3A_340 = arith.constant 4680 : i32
    %dma_start3A_341 = tpu.memref_slice %arg5[%dma_start3A_340] : memref<10112xi32, #tpu.memory_space<vmem>> -> memref<312xi32, #tpu.memory_space<vmem>>
    %dma_start3A_342 = arith.constant 0 : i32
    %dma_start3A_343 = arith.constant 0 : i32
    %dma_start3A_344 = tpu.memref_slice %arg13[%dma_start3A_342, %dma_start3A_343] : memref<10112x32xf32, #tpu.memory_space<vmem_shared>> -> memref<10112x32xf32, #tpu.memory_space<vmem_shared>>
    tpu.enqueue_indirect_dma source(%dma_start3A_344 : memref<10112x32xf32, #tpu.memory_space<vmem_shared>>) target(%arg10 : memref<312x32xf32, #tpu.memory_space<vmem>>) offsets(%dma_start3A_341 : memref<312xi32, #tpu.memory_space<vmem>>) semaphore(%arg17 : memref<!tpu.dma_semaphore, #tpu.memory_space<semaphore_mem>>)
    %dma_wait3A_345 = arith.constant 4368 : i32
    %dma_wait3A_346 = tpu.memref_slice %arg5[%dma_wait3A_345] : memref<10112xi32, #tpu.memory_space<vmem>> -> memref<312xi32, #tpu.memory_space<vmem>>
    %dma_wait3A_347 = arith.constant 0 : i32
    %dma_wait3A_348 = arith.constant 0 : i32
    %dma_wait3A_349 = tpu.memref_slice %arg13[%dma_wait3A_347, %dma_wait3A_348] : memref<10112x32xf32, #tpu.memory_space<vmem_shared>> -> memref<10112x32xf32, #tpu.memory_space<vmem_shared>>
    tpu.wait_indirect_dma semaphore(%arg16 : memref<!tpu.dma_semaphore, #tpu.memory_space<semaphore_mem>>) src(%dma_wait3A_349 : memref<10112x32xf32, #tpu.memory_space<vmem_shared>>) dst(%arg9 : memref<312x32xf32, #tpu.memory_space<vmem>>)
    %dma_wait3A_350 = arith.constant 3744 : i32
    %dma_wait3A_351 = tpu.memref_slice %arg6[%dma_wait3A_350] : memref<10112xi32, #tpu.memory_space<vmem>> -> memref<312xi32, #tpu.memory_space<vmem>>
    %dma_wait3A_352 = arith.constant 0 : i32
    %dma_wait3A_353 = arith.constant 0 : i32
    %dma_wait3A_354 = tpu.memref_slice %arg12[%dma_wait3A_352, %dma_wait3A_353] : memref<10112x32xf32, #tpu.memory_space<vmem_shared>> -> memref<10112x32xf32, #tpu.memory_space<vmem_shared>>
    tpu.wait_indirect_dma semaphore(%arg18 : memref<!tpu.dma_semaphore, #tpu.memory_space<semaphore_mem>>) src(%arg7 : memref<312x32xf32, #tpu.memory_space<vmem>>) dst(%dma_wait3A_354 : memref<10112x32xf32, #tpu.memory_space<vmem_shared>>)
    %dma_start3A_355 = arith.constant 4368 : i32
    %dma_start3A_356 = tpu.memref_slice %arg6[%dma_start3A_355] : memref<10112xi32, #tpu.memory_space<vmem>> -> memref<312xi32, #tpu.memory_space<vmem>>
    %dma_start3A_357 = arith.constant 0 : i32
    %dma_start3A_358 = arith.constant 0 : i32
    %dma_start3A_359 = tpu.memref_slice %arg12[%dma_start3A_357, %dma_start3A_358] : memref<10112x32xf32, #tpu.memory_space<vmem_shared>> -> memref<10112x32xf32, #tpu.memory_space<vmem_shared>>
    tpu.enqueue_indirect_dma source(%arg9 : memref<312x32xf32, #tpu.memory_space<vmem>>) target(%dma_start3A_359 : memref<10112x32xf32, #tpu.memory_space<vmem_shared>>) offsets(%dma_start3A_356 : memref<312xi32, #tpu.memory_space<vmem>>) semaphore(%arg20 : memref<!tpu.dma_semaphore, #tpu.memory_space<semaphore_mem>>) {add = true}
    %dma_start3A_360 = arith.constant 4992 : i32
    %dma_start3A_361 = tpu.memref_slice %arg5[%dma_start3A_360] : memref<10112xi32, #tpu.memory_space<vmem>> -> memref<312xi32, #tpu.memory_space<vmem>>
    %dma_start3A_362 = arith.constant 0 : i32
    %dma_start3A_363 = arith.constant 0 : i32
    %dma_start3A_364 = tpu.memref_slice %arg13[%dma_start3A_362, %dma_start3A_363] : memref<10112x32xf32, #tpu.memory_space<vmem_shared>> -> memref<10112x32xf32, #tpu.memory_space<vmem_shared>>
    tpu.enqueue_indirect_dma source(%dma_start3A_364 : memref<10112x32xf32, #tpu.memory_space<vmem_shared>>) target(%arg7 : memref<312x32xf32, #tpu.memory_space<vmem>>) offsets(%dma_start3A_361 : memref<312xi32, #tpu.memory_space<vmem>>) semaphore(%arg14 : memref<!tpu.dma_semaphore, #tpu.memory_space<semaphore_mem>>)
    %dma_wait3A_365 = arith.constant 4680 : i32
    %dma_wait3A_366 = tpu.memref_slice %arg5[%dma_wait3A_365] : memref<10112xi32, #tpu.memory_space<vmem>> -> memref<312xi32, #tpu.memory_space<vmem>>
    %dma_wait3A_367 = arith.constant 0 : i32
    %dma_wait3A_368 = arith.constant 0 : i32
    %dma_wait3A_369 = tpu.memref_slice %arg13[%dma_wait3A_367, %dma_wait3A_368] : memref<10112x32xf32, #tpu.memory_space<vmem_shared>> -> memref<10112x32xf32, #tpu.memory_space<vmem_shared>>
    tpu.wait_indirect_dma semaphore(%arg17 : memref<!tpu.dma_semaphore, #tpu.memory_space<semaphore_mem>>) src(%dma_wait3A_369 : memref<10112x32xf32, #tpu.memory_space<vmem_shared>>) dst(%arg10 : memref<312x32xf32, #tpu.memory_space<vmem>>)
    %dma_wait3A_370 = arith.constant 4056 : i32
    %dma_wait3A_371 = tpu.memref_slice %arg6[%dma_wait3A_370] : memref<10112xi32, #tpu.memory_space<vmem>> -> memref<312xi32, #tpu.memory_space<vmem>>
    %dma_wait3A_372 = arith.constant 0 : i32
    %dma_wait3A_373 = arith.constant 0 : i32
    %dma_wait3A_374 = tpu.memref_slice %arg12[%dma_wait3A_372, %dma_wait3A_373] : memref<10112x32xf32, #tpu.memory_space<vmem_shared>> -> memref<10112x32xf32, #tpu.memory_space<vmem_shared>>
    tpu.wait_indirect_dma semaphore(%arg19 : memref<!tpu.dma_semaphore, #tpu.memory_space<semaphore_mem>>) src(%arg8 : memref<312x32xf32, #tpu.memory_space<vmem>>) dst(%dma_wait3A_374 : memref<10112x32xf32, #tpu.memory_space<vmem_shared>>)
    %dma_start3A_375 = arith.constant 4680 : i32
    %dma_start3A_376 = tpu.memref_slice %arg6[%dma_start3A_375] : memref<10112xi32, #tpu.memory_space<vmem>> -> memref<312xi32, #tpu.memory_space<vmem>>
    %dma_start3A_377 = arith.constant 0 : i32
    %dma_start3A_378 = arith.constant 0 : i32
    %dma_start3A_379 = tpu.memref_slice %arg12[%dma_start3A_377, %dma_start3A_378] : memref<10112x32xf32, #tpu.memory_space<vmem_shared>> -> memref<10112x32xf32, #tpu.memory_space<vmem_shared>>
    tpu.enqueue_indirect_dma source(%arg10 : memref<312x32xf32, #tpu.memory_space<vmem>>) target(%dma_start3A_379 : memref<10112x32xf32, #tpu.memory_space<vmem_shared>>) offsets(%dma_start3A_376 : memref<312xi32, #tpu.memory_space<vmem>>) semaphore(%arg21 : memref<!tpu.dma_semaphore, #tpu.memory_space<semaphore_mem>>) {add = true}
    %dma_start3A_380 = arith.constant 5304 : i32
    %dma_start3A_381 = tpu.memref_slice %arg5[%dma_start3A_380] : memref<10112xi32, #tpu.memory_space<vmem>> -> memref<312xi32, #tpu.memory_space<vmem>>
    %dma_start3A_382 = arith.constant 0 : i32
    %dma_start3A_383 = arith.constant 0 : i32
    %dma_start3A_384 = tpu.memref_slice %arg13[%dma_start3A_382, %dma_start3A_383] : memref<10112x32xf32, #tpu.memory_space<vmem_shared>> -> memref<10112x32xf32, #tpu.memory_space<vmem_shared>>
    tpu.enqueue_indirect_dma source(%dma_start3A_384 : memref<10112x32xf32, #tpu.memory_space<vmem_shared>>) target(%arg8 : memref<312x32xf32, #tpu.memory_space<vmem>>) offsets(%dma_start3A_381 : memref<312xi32, #tpu.memory_space<vmem>>) semaphore(%arg15 : memref<!tpu.dma_semaphore, #tpu.memory_space<semaphore_mem>>)
    %dma_wait3A_385 = arith.constant 4992 : i32
    %dma_wait3A_386 = tpu.memref_slice %arg5[%dma_wait3A_385] : memref<10112xi32, #tpu.memory_space<vmem>> -> memref<312xi32, #tpu.memory_space<vmem>>
    %dma_wait3A_387 = arith.constant 0 : i32
    %dma_wait3A_388 = arith.constant 0 : i32
    %dma_wait3A_389 = tpu.memref_slice %arg13[%dma_wait3A_387, %dma_wait3A_388] : memref<10112x32xf32, #tpu.memory_space<vmem_shared>> -> memref<10112x32xf32, #tpu.memory_space<vmem_shared>>
    tpu.wait_indirect_dma semaphore(%arg14 : memref<!tpu.dma_semaphore, #tpu.memory_space<semaphore_mem>>) src(%dma_wait3A_389 : memref<10112x32xf32, #tpu.memory_space<vmem_shared>>) dst(%arg7 : memref<312x32xf32, #tpu.memory_space<vmem>>)
    %dma_wait3A_390 = arith.constant 4368 : i32
    %dma_wait3A_391 = tpu.memref_slice %arg6[%dma_wait3A_390] : memref<10112xi32, #tpu.memory_space<vmem>> -> memref<312xi32, #tpu.memory_space<vmem>>
    %dma_wait3A_392 = arith.constant 0 : i32
    %dma_wait3A_393 = arith.constant 0 : i32
    %dma_wait3A_394 = tpu.memref_slice %arg12[%dma_wait3A_392, %dma_wait3A_393] : memref<10112x32xf32, #tpu.memory_space<vmem_shared>> -> memref<10112x32xf32, #tpu.memory_space<vmem_shared>>
    tpu.wait_indirect_dma semaphore(%arg20 : memref<!tpu.dma_semaphore, #tpu.memory_space<semaphore_mem>>) src(%arg9 : memref<312x32xf32, #tpu.memory_space<vmem>>) dst(%dma_wait3A_394 : memref<10112x32xf32, #tpu.memory_space<vmem_shared>>)
    %dma_start3A_395 = arith.constant 4992 : i32
    %dma_start3A_396 = tpu.memref_slice %arg6[%dma_start3A_395] : memref<10112xi32, #tpu.memory_space<vmem>> -> memref<312xi32, #tpu.memory_space<vmem>>
    %dma_start3A_397 = arith.constant 0 : i32
    %dma_start3A_398 = arith.constant 0 : i32
    %dma_start3A_399 = tpu.memref_slice %arg12[%dma_start3A_397, %dma_start3A_398] : memref<10112x32xf32, #tpu.memory_space<vmem_shared>> -> memref<10112x32xf32, #tpu.memory_space<vmem_shared>>
    tpu.enqueue_indirect_dma source(%arg7 : memref<312x32xf32, #tpu.memory_space<vmem>>) target(%dma_start3A_399 : memref<10112x32xf32, #tpu.memory_space<vmem_shared>>) offsets(%dma_start3A_396 : memref<312xi32, #tpu.memory_space<vmem>>) semaphore(%arg18 : memref<!tpu.dma_semaphore, #tpu.memory_space<semaphore_mem>>) {add = true}
    %dma_start3A_400 = arith.constant 5616 : i32
    %dma_start3A_401 = tpu.memref_slice %arg5[%dma_start3A_400] : memref<10112xi32, #tpu.memory_space<vmem>> -> memref<312xi32, #tpu.memory_space<vmem>>
    %dma_start3A_402 = arith.constant 0 : i32
    %dma_start3A_403 = arith.constant 0 : i32
    %dma_start3A_404 = tpu.memref_slice %arg13[%dma_start3A_402, %dma_start3A_403] : memref<10112x32xf32, #tpu.memory_space<vmem_shared>> -> memref<10112x32xf32, #tpu.memory_space<vmem_shared>>
    tpu.enqueue_indirect_dma source(%dma_start3A_404 : memref<10112x32xf32, #tpu.memory_space<vmem_shared>>) target(%arg9 : memref<312x32xf32, #tpu.memory_space<vmem>>) offsets(%dma_start3A_401 : memref<312xi32, #tpu.memory_space<vmem>>) semaphore(%arg16 : memref<!tpu.dma_semaphore, #tpu.memory_space<semaphore_mem>>)
    %dma_wait3A_405 = arith.constant 5304 : i32
    %dma_wait3A_406 = tpu.memref_slice %arg5[%dma_wait3A_405] : memref<10112xi32, #tpu.memory_space<vmem>> -> memref<312xi32, #tpu.memory_space<vmem>>
    %dma_wait3A_407 = arith.constant 0 : i32
    %dma_wait3A_408 = arith.constant 0 : i32
    %dma_wait3A_409 = tpu.memref_slice %arg13[%dma_wait3A_407, %dma_wait3A_408] : memref<10112x32xf32, #tpu.memory_space<vmem_shared>> -> memref<10112x32xf32, #tpu.memory_space<vmem_shared>>
    tpu.wait_indirect_dma semaphore(%arg15 : memref<!tpu.dma_semaphore, #tpu.memory_space<semaphore_mem>>) src(%dma_wait3A_409 : memref<10112x32xf32, #tpu.memory_space<vmem_shared>>) dst(%arg8 : memref<312x32xf32, #tpu.memory_space<vmem>>)
    %dma_wait3A_410 = arith.constant 4680 : i32
    %dma_wait3A_411 = tpu.memref_slice %arg6[%dma_wait3A_410] : memref<10112xi32, #tpu.memory_space<vmem>> -> memref<312xi32, #tpu.memory_space<vmem>>
    %dma_wait3A_412 = arith.constant 0 : i32
    %dma_wait3A_413 = arith.constant 0 : i32
    %dma_wait3A_414 = tpu.memref_slice %arg12[%dma_wait3A_412, %dma_wait3A_413] : memref<10112x32xf32, #tpu.memory_space<vmem_shared>> -> memref<10112x32xf32, #tpu.memory_space<vmem_shared>>
    tpu.wait_indirect_dma semaphore(%arg21 : memref<!tpu.dma_semaphore, #tpu.memory_space<semaphore_mem>>) src(%arg10 : memref<312x32xf32, #tpu.memory_space<vmem>>) dst(%dma_wait3A_414 : memref<10112x32xf32, #tpu.memory_space<vmem_shared>>)
    %dma_start3A_415 = arith.constant 5304 : i32
    %dma_start3A_416 = tpu.memref_slice %arg6[%dma_start3A_415] : memref<10112xi32, #tpu.memory_space<vmem>> -> memref<312xi32, #tpu.memory_space<vmem>>
    %dma_start3A_417 = arith.constant 0 : i32
    %dma_start3A_418 = arith.constant 0 : i32
    %dma_start3A_419 = tpu.memref_slice %arg12[%dma_start3A_417, %dma_start3A_418] : memref<10112x32xf32, #tpu.memory_space<vmem_shared>> -> memref<10112x32xf32, #tpu.memory_space<vmem_shared>>
    tpu.enqueue_indirect_dma source(%arg8 : memref<312x32xf32, #tpu.memory_space<vmem>>) target(%dma_start3A_419 : memref<10112x32xf32, #tpu.memory_space<vmem_shared>>) offsets(%dma_start3A_416 : memref<312xi32, #tpu.memory_space<vmem>>) semaphore(%arg19 : memref<!tpu.dma_semaphore, #tpu.memory_space<semaphore_mem>>) {add = true}
    %dma_start3A_420 = arith.constant 5928 : i32
    %dma_start3A_421 = tpu.memref_slice %arg5[%dma_start3A_420] : memref<10112xi32, #tpu.memory_space<vmem>> -> memref<312xi32, #tpu.memory_space<vmem>>
    %dma_start3A_422 = arith.constant 0 : i32
    %dma_start3A_423 = arith.constant 0 : i32
    %dma_start3A_424 = tpu.memref_slice %arg13[%dma_start3A_422, %dma_start3A_423] : memref<10112x32xf32, #tpu.memory_space<vmem_shared>> -> memref<10112x32xf32, #tpu.memory_space<vmem_shared>>
    tpu.enqueue_indirect_dma source(%dma_start3A_424 : memref<10112x32xf32, #tpu.memory_space<vmem_shared>>) target(%arg10 : memref<312x32xf32, #tpu.memory_space<vmem>>) offsets(%dma_start3A_421 : memref<312xi32, #tpu.memory_space<vmem>>) semaphore(%arg17 : memref<!tpu.dma_semaphore, #tpu.memory_space<semaphore_mem>>)
    %dma_wait3A_425 = arith.constant 5616 : i32
    %dma_wait3A_426 = tpu.memref_slice %arg5[%dma_wait3A_425] : memref<10112xi32, #tpu.memory_space<vmem>> -> memref<312xi32, #tpu.memory_space<vmem>>
    %dma_wait3A_427 = arith.constant 0 : i32
    %dma_wait3A_428 = arith.constant 0 : i32
    %dma_wait3A_429 = tpu.memref_slice %arg13[%dma_wait3A_427, %dma_wait3A_428] : memref<10112x32xf32, #tpu.memory_space<vmem_shared>> -> memref<10112x32xf32, #tpu.memory_space<vmem_shared>>
    tpu.wait_indirect_dma semaphore(%arg16 : memref<!tpu.dma_semaphore, #tpu.memory_space<semaphore_mem>>) src(%dma_wait3A_429 : memref<10112x32xf32, #tpu.memory_space<vmem_shared>>) dst(%arg9 : memref<312x32xf32, #tpu.memory_space<vmem>>)
    %dma_wait3A_430 = arith.constant 4992 : i32
    %dma_wait3A_431 = tpu.memref_slice %arg6[%dma_wait3A_430] : memref<10112xi32, #tpu.memory_space<vmem>> -> memref<312xi32, #tpu.memory_space<vmem>>
    %dma_wait3A_432 = arith.constant 0 : i32
    %dma_wait3A_433 = arith.constant 0 : i32
    %dma_wait3A_434 = tpu.memref_slice %arg12[%dma_wait3A_432, %dma_wait3A_433] : memref<10112x32xf32, #tpu.memory_space<vmem_shared>> -> memref<10112x32xf32, #tpu.memory_space<vmem_shared>>
    tpu.wait_indirect_dma semaphore(%arg18 : memref<!tpu.dma_semaphore, #tpu.memory_space<semaphore_mem>>) src(%arg7 : memref<312x32xf32, #tpu.memory_space<vmem>>) dst(%dma_wait3A_434 : memref<10112x32xf32, #tpu.memory_space<vmem_shared>>)
    %dma_start3A_435 = arith.constant 5616 : i32
    %dma_start3A_436 = tpu.memref_slice %arg6[%dma_start3A_435] : memref<10112xi32, #tpu.memory_space<vmem>> -> memref<312xi32, #tpu.memory_space<vmem>>
    %dma_start3A_437 = arith.constant 0 : i32
    %dma_start3A_438 = arith.constant 0 : i32
    %dma_start3A_439 = tpu.memref_slice %arg12[%dma_start3A_437, %dma_start3A_438] : memref<10112x32xf32, #tpu.memory_space<vmem_shared>> -> memref<10112x32xf32, #tpu.memory_space<vmem_shared>>
    tpu.enqueue_indirect_dma source(%arg9 : memref<312x32xf32, #tpu.memory_space<vmem>>) target(%dma_start3A_439 : memref<10112x32xf32, #tpu.memory_space<vmem_shared>>) offsets(%dma_start3A_436 : memref<312xi32, #tpu.memory_space<vmem>>) semaphore(%arg20 : memref<!tpu.dma_semaphore, #tpu.memory_space<semaphore_mem>>) {add = true}
    %dma_start3A_440 = arith.constant 6240 : i32
    %dma_start3A_441 = tpu.memref_slice %arg5[%dma_start3A_440] : memref<10112xi32, #tpu.memory_space<vmem>> -> memref<312xi32, #tpu.memory_space<vmem>>
    %dma_start3A_442 = arith.constant 0 : i32
    %dma_start3A_443 = arith.constant 0 : i32
    %dma_start3A_444 = tpu.memref_slice %arg13[%dma_start3A_442, %dma_start3A_443] : memref<10112x32xf32, #tpu.memory_space<vmem_shared>> -> memref<10112x32xf32, #tpu.memory_space<vmem_shared>>
    tpu.enqueue_indirect_dma source(%dma_start3A_444 : memref<10112x32xf32, #tpu.memory_space<vmem_shared>>) target(%arg7 : memref<312x32xf32, #tpu.memory_space<vmem>>) offsets(%dma_start3A_441 : memref<312xi32, #tpu.memory_space<vmem>>) semaphore(%arg14 : memref<!tpu.dma_semaphore, #tpu.memory_space<semaphore_mem>>)
    %dma_wait3A_445 = arith.constant 5928 : i32
    %dma_wait3A_446 = tpu.memref_slice %arg5[%dma_wait3A_445] : memref<10112xi32, #tpu.memory_space<vmem>> -> memref<312xi32, #tpu.memory_space<vmem>>
    %dma_wait3A_447 = arith.constant 0 : i32
    %dma_wait3A_448 = arith.constant 0 : i32
    %dma_wait3A_449 = tpu.memref_slice %arg13[%dma_wait3A_447, %dma_wait3A_448] : memref<10112x32xf32, #tpu.memory_space<vmem_shared>> -> memref<10112x32xf32, #tpu.memory_space<vmem_shared>>
    tpu.wait_indirect_dma semaphore(%arg17 : memref<!tpu.dma_semaphore, #tpu.memory_space<semaphore_mem>>) src(%dma_wait3A_449 : memref<10112x32xf32, #tpu.memory_space<vmem_shared>>) dst(%arg10 : memref<312x32xf32, #tpu.memory_space<vmem>>)
    %dma_wait3A_450 = arith.constant 5304 : i32
    %dma_wait3A_451 = tpu.memref_slice %arg6[%dma_wait3A_450] : memref<10112xi32, #tpu.memory_space<vmem>> -> memref<312xi32, #tpu.memory_space<vmem>>
    %dma_wait3A_452 = arith.constant 0 : i32
    %dma_wait3A_453 = arith.constant 0 : i32
    %dma_wait3A_454 = tpu.memref_slice %arg12[%dma_wait3A_452, %dma_wait3A_453] : memref<10112x32xf32, #tpu.memory_space<vmem_shared>> -> memref<10112x32xf32, #tpu.memory_space<vmem_shared>>
    tpu.wait_indirect_dma semaphore(%arg19 : memref<!tpu.dma_semaphore, #tpu.memory_space<semaphore_mem>>) src(%arg8 : memref<312x32xf32, #tpu.memory_space<vmem>>) dst(%dma_wait3A_454 : memref<10112x32xf32, #tpu.memory_space<vmem_shared>>)
    %dma_start3A_455 = arith.constant 5928 : i32
    %dma_start3A_456 = tpu.memref_slice %arg6[%dma_start3A_455] : memref<10112xi32, #tpu.memory_space<vmem>> -> memref<312xi32, #tpu.memory_space<vmem>>
    %dma_start3A_457 = arith.constant 0 : i32
    %dma_start3A_458 = arith.constant 0 : i32
    %dma_start3A_459 = tpu.memref_slice %arg12[%dma_start3A_457, %dma_start3A_458] : memref<10112x32xf32, #tpu.memory_space<vmem_shared>> -> memref<10112x32xf32, #tpu.memory_space<vmem_shared>>
    tpu.enqueue_indirect_dma source(%arg10 : memref<312x32xf32, #tpu.memory_space<vmem>>) target(%dma_start3A_459 : memref<10112x32xf32, #tpu.memory_space<vmem_shared>>) offsets(%dma_start3A_456 : memref<312xi32, #tpu.memory_space<vmem>>) semaphore(%arg21 : memref<!tpu.dma_semaphore, #tpu.memory_space<semaphore_mem>>) {add = true}
    %dma_start3A_460 = arith.constant 6552 : i32
    %dma_start3A_461 = tpu.memref_slice %arg5[%dma_start3A_460] : memref<10112xi32, #tpu.memory_space<vmem>> -> memref<312xi32, #tpu.memory_space<vmem>>
    %dma_start3A_462 = arith.constant 0 : i32
    %dma_start3A_463 = arith.constant 0 : i32
    %dma_start3A_464 = tpu.memref_slice %arg13[%dma_start3A_462, %dma_start3A_463] : memref<10112x32xf32, #tpu.memory_space<vmem_shared>> -> memref<10112x32xf32, #tpu.memory_space<vmem_shared>>
    tpu.enqueue_indirect_dma source(%dma_start3A_464 : memref<10112x32xf32, #tpu.memory_space<vmem_shared>>) target(%arg8 : memref<312x32xf32, #tpu.memory_space<vmem>>) offsets(%dma_start3A_461 : memref<312xi32, #tpu.memory_space<vmem>>) semaphore(%arg15 : memref<!tpu.dma_semaphore, #tpu.memory_space<semaphore_mem>>)
    %dma_wait3A_465 = arith.constant 6240 : i32
    %dma_wait3A_466 = tpu.memref_slice %arg5[%dma_wait3A_465] : memref<10112xi32, #tpu.memory_space<vmem>> -> memref<312xi32, #tpu.memory_space<vmem>>
    %dma_wait3A_467 = arith.constant 0 : i32
    %dma_wait3A_468 = arith.constant 0 : i32
    %dma_wait3A_469 = tpu.memref_slice %arg13[%dma_wait3A_467, %dma_wait3A_468] : memref<10112x32xf32, #tpu.memory_space<vmem_shared>> -> memref<10112x32xf32, #tpu.memory_space<vmem_shared>>
    tpu.wait_indirect_dma semaphore(%arg14 : memref<!tpu.dma_semaphore, #tpu.memory_space<semaphore_mem>>) src(%dma_wait3A_469 : memref<10112x32xf32, #tpu.memory_space<vmem_shared>>) dst(%arg7 : memref<312x32xf32, #tpu.memory_space<vmem>>)
    %dma_wait3A_470 = arith.constant 5616 : i32
    %dma_wait3A_471 = tpu.memref_slice %arg6[%dma_wait3A_470] : memref<10112xi32, #tpu.memory_space<vmem>> -> memref<312xi32, #tpu.memory_space<vmem>>
    %dma_wait3A_472 = arith.constant 0 : i32
    %dma_wait3A_473 = arith.constant 0 : i32
    %dma_wait3A_474 = tpu.memref_slice %arg12[%dma_wait3A_472, %dma_wait3A_473] : memref<10112x32xf32, #tpu.memory_space<vmem_shared>> -> memref<10112x32xf32, #tpu.memory_space<vmem_shared>>
    tpu.wait_indirect_dma semaphore(%arg20 : memref<!tpu.dma_semaphore, #tpu.memory_space<semaphore_mem>>) src(%arg9 : memref<312x32xf32, #tpu.memory_space<vmem>>) dst(%dma_wait3A_474 : memref<10112x32xf32, #tpu.memory_space<vmem_shared>>)
    %dma_start3A_475 = arith.constant 6240 : i32
    %dma_start3A_476 = tpu.memref_slice %arg6[%dma_start3A_475] : memref<10112xi32, #tpu.memory_space<vmem>> -> memref<312xi32, #tpu.memory_space<vmem>>
    %dma_start3A_477 = arith.constant 0 : i32
    %dma_start3A_478 = arith.constant 0 : i32
    %dma_start3A_479 = tpu.memref_slice %arg12[%dma_start3A_477, %dma_start3A_478] : memref<10112x32xf32, #tpu.memory_space<vmem_shared>> -> memref<10112x32xf32, #tpu.memory_space<vmem_shared>>
    tpu.enqueue_indirect_dma source(%arg7 : memref<312x32xf32, #tpu.memory_space<vmem>>) target(%dma_start3A_479 : memref<10112x32xf32, #tpu.memory_space<vmem_shared>>) offsets(%dma_start3A_476 : memref<312xi32, #tpu.memory_space<vmem>>) semaphore(%arg18 : memref<!tpu.dma_semaphore, #tpu.memory_space<semaphore_mem>>) {add = true}
    %dma_start3A_480 = arith.constant 6864 : i32
    %dma_start3A_481 = tpu.memref_slice %arg5[%dma_start3A_480] : memref<10112xi32, #tpu.memory_space<vmem>> -> memref<312xi32, #tpu.memory_space<vmem>>
    %dma_start3A_482 = arith.constant 0 : i32
    %dma_start3A_483 = arith.constant 0 : i32
    %dma_start3A_484 = tpu.memref_slice %arg13[%dma_start3A_482, %dma_start3A_483] : memref<10112x32xf32, #tpu.memory_space<vmem_shared>> -> memref<10112x32xf32, #tpu.memory_space<vmem_shared>>
    tpu.enqueue_indirect_dma source(%dma_start3A_484 : memref<10112x32xf32, #tpu.memory_space<vmem_shared>>) target(%arg9 : memref<312x32xf32, #tpu.memory_space<vmem>>) offsets(%dma_start3A_481 : memref<312xi32, #tpu.memory_space<vmem>>) semaphore(%arg16 : memref<!tpu.dma_semaphore, #tpu.memory_space<semaphore_mem>>)
    %dma_wait3A_485 = arith.constant 6552 : i32
    %dma_wait3A_486 = tpu.memref_slice %arg5[%dma_wait3A_485] : memref<10112xi32, #tpu.memory_space<vmem>> -> memref<312xi32, #tpu.memory_space<vmem>>
    %dma_wait3A_487 = arith.constant 0 : i32
    %dma_wait3A_488 = arith.constant 0 : i32
    %dma_wait3A_489 = tpu.memref_slice %arg13[%dma_wait3A_487, %dma_wait3A_488] : memref<10112x32xf32, #tpu.memory_space<vmem_shared>> -> memref<10112x32xf32, #tpu.memory_space<vmem_shared>>
    tpu.wait_indirect_dma semaphore(%arg15 : memref<!tpu.dma_semaphore, #tpu.memory_space<semaphore_mem>>) src(%dma_wait3A_489 : memref<10112x32xf32, #tpu.memory_space<vmem_shared>>) dst(%arg8 : memref<312x32xf32, #tpu.memory_space<vmem>>)
    %dma_wait3A_490 = arith.constant 5928 : i32
    %dma_wait3A_491 = tpu.memref_slice %arg6[%dma_wait3A_490] : memref<10112xi32, #tpu.memory_space<vmem>> -> memref<312xi32, #tpu.memory_space<vmem>>
    %dma_wait3A_492 = arith.constant 0 : i32
    %dma_wait3A_493 = arith.constant 0 : i32
    %dma_wait3A_494 = tpu.memref_slice %arg12[%dma_wait3A_492, %dma_wait3A_493] : memref<10112x32xf32, #tpu.memory_space<vmem_shared>> -> memref<10112x32xf32, #tpu.memory_space<vmem_shared>>
    tpu.wait_indirect_dma semaphore(%arg21 : memref<!tpu.dma_semaphore, #tpu.memory_space<semaphore_mem>>) src(%arg10 : memref<312x32xf32, #tpu.memory_space<vmem>>) dst(%dma_wait3A_494 : memref<10112x32xf32, #tpu.memory_space<vmem_shared>>)
    %dma_start3A_495 = arith.constant 6552 : i32
    %dma_start3A_496 = tpu.memref_slice %arg6[%dma_start3A_495] : memref<10112xi32, #tpu.memory_space<vmem>> -> memref<312xi32, #tpu.memory_space<vmem>>
    %dma_start3A_497 = arith.constant 0 : i32
    %dma_start3A_498 = arith.constant 0 : i32
    %dma_start3A_499 = tpu.memref_slice %arg12[%dma_start3A_497, %dma_start3A_498] : memref<10112x32xf32, #tpu.memory_space<vmem_shared>> -> memref<10112x32xf32, #tpu.memory_space<vmem_shared>>
    tpu.enqueue_indirect_dma source(%arg8 : memref<312x32xf32, #tpu.memory_space<vmem>>) target(%dma_start3A_499 : memref<10112x32xf32, #tpu.memory_space<vmem_shared>>) offsets(%dma_start3A_496 : memref<312xi32, #tpu.memory_space<vmem>>) semaphore(%arg19 : memref<!tpu.dma_semaphore, #tpu.memory_space<semaphore_mem>>) {add = true}
    %dma_start3A_500 = arith.constant 7176 : i32
    %dma_start3A_501 = tpu.memref_slice %arg5[%dma_start3A_500] : memref<10112xi32, #tpu.memory_space<vmem>> -> memref<312xi32, #tpu.memory_space<vmem>>
    %dma_start3A_502 = arith.constant 0 : i32
    %dma_start3A_503 = arith.constant 0 : i32
    %dma_start3A_504 = tpu.memref_slice %arg13[%dma_start3A_502, %dma_start3A_503] : memref<10112x32xf32, #tpu.memory_space<vmem_shared>> -> memref<10112x32xf32, #tpu.memory_space<vmem_shared>>
    tpu.enqueue_indirect_dma source(%dma_start3A_504 : memref<10112x32xf32, #tpu.memory_space<vmem_shared>>) target(%arg10 : memref<312x32xf32, #tpu.memory_space<vmem>>) offsets(%dma_start3A_501 : memref<312xi32, #tpu.memory_space<vmem>>) semaphore(%arg17 : memref<!tpu.dma_semaphore, #tpu.memory_space<semaphore_mem>>)
    %dma_wait3A_505 = arith.constant 6864 : i32
    %dma_wait3A_506 = tpu.memref_slice %arg5[%dma_wait3A_505] : memref<10112xi32, #tpu.memory_space<vmem>> -> memref<312xi32, #tpu.memory_space<vmem>>
    %dma_wait3A_507 = arith.constant 0 : i32
    %dma_wait3A_508 = arith.constant 0 : i32
    %dma_wait3A_509 = tpu.memref_slice %arg13[%dma_wait3A_507, %dma_wait3A_508] : memref<10112x32xf32, #tpu.memory_space<vmem_shared>> -> memref<10112x32xf32, #tpu.memory_space<vmem_shared>>
    tpu.wait_indirect_dma semaphore(%arg16 : memref<!tpu.dma_semaphore, #tpu.memory_space<semaphore_mem>>) src(%dma_wait3A_509 : memref<10112x32xf32, #tpu.memory_space<vmem_shared>>) dst(%arg9 : memref<312x32xf32, #tpu.memory_space<vmem>>)
    %dma_wait3A_510 = arith.constant 6240 : i32
    %dma_wait3A_511 = tpu.memref_slice %arg6[%dma_wait3A_510] : memref<10112xi32, #tpu.memory_space<vmem>> -> memref<312xi32, #tpu.memory_space<vmem>>
    %dma_wait3A_512 = arith.constant 0 : i32
    %dma_wait3A_513 = arith.constant 0 : i32
    %dma_wait3A_514 = tpu.memref_slice %arg12[%dma_wait3A_512, %dma_wait3A_513] : memref<10112x32xf32, #tpu.memory_space<vmem_shared>> -> memref<10112x32xf32, #tpu.memory_space<vmem_shared>>
    tpu.wait_indirect_dma semaphore(%arg18 : memref<!tpu.dma_semaphore, #tpu.memory_space<semaphore_mem>>) src(%arg7 : memref<312x32xf32, #tpu.memory_space<vmem>>) dst(%dma_wait3A_514 : memref<10112x32xf32, #tpu.memory_space<vmem_shared>>)
    %dma_start3A_515 = arith.constant 6864 : i32
    %dma_start3A_516 = tpu.memref_slice %arg6[%dma_start3A_515] : memref<10112xi32, #tpu.memory_space<vmem>> -> memref<312xi32, #tpu.memory_space<vmem>>
    %dma_start3A_517 = arith.constant 0 : i32
    %dma_start3A_518 = arith.constant 0 : i32
    %dma_start3A_519 = tpu.memref_slice %arg12[%dma_start3A_517, %dma_start3A_518] : memref<10112x32xf32, #tpu.memory_space<vmem_shared>> -> memref<10112x32xf32, #tpu.memory_space<vmem_shared>>
    tpu.enqueue_indirect_dma source(%arg9 : memref<312x32xf32, #tpu.memory_space<vmem>>) target(%dma_start3A_519 : memref<10112x32xf32, #tpu.memory_space<vmem_shared>>) offsets(%dma_start3A_516 : memref<312xi32, #tpu.memory_space<vmem>>) semaphore(%arg20 : memref<!tpu.dma_semaphore, #tpu.memory_space<semaphore_mem>>) {add = true}
    %dma_start3A_520 = arith.constant 7488 : i32
    %dma_start3A_521 = tpu.memref_slice %arg5[%dma_start3A_520] : memref<10112xi32, #tpu.memory_space<vmem>> -> memref<312xi32, #tpu.memory_space<vmem>>
    %dma_start3A_522 = arith.constant 0 : i32
    %dma_start3A_523 = arith.constant 0 : i32
    %dma_start3A_524 = tpu.memref_slice %arg13[%dma_start3A_522, %dma_start3A_523] : memref<10112x32xf32, #tpu.memory_space<vmem_shared>> -> memref<10112x32xf32, #tpu.memory_space<vmem_shared>>
    tpu.enqueue_indirect_dma source(%dma_start3A_524 : memref<10112x32xf32, #tpu.memory_space<vmem_shared>>) target(%arg7 : memref<312x32xf32, #tpu.memory_space<vmem>>) offsets(%dma_start3A_521 : memref<312xi32, #tpu.memory_space<vmem>>) semaphore(%arg14 : memref<!tpu.dma_semaphore, #tpu.memory_space<semaphore_mem>>)
    %dma_wait3A_525 = arith.constant 7176 : i32
    %dma_wait3A_526 = tpu.memref_slice %arg5[%dma_wait3A_525] : memref<10112xi32, #tpu.memory_space<vmem>> -> memref<312xi32, #tpu.memory_space<vmem>>
    %dma_wait3A_527 = arith.constant 0 : i32
    %dma_wait3A_528 = arith.constant 0 : i32
    %dma_wait3A_529 = tpu.memref_slice %arg13[%dma_wait3A_527, %dma_wait3A_528] : memref<10112x32xf32, #tpu.memory_space<vmem_shared>> -> memref<10112x32xf32, #tpu.memory_space<vmem_shared>>
    tpu.wait_indirect_dma semaphore(%arg17 : memref<!tpu.dma_semaphore, #tpu.memory_space<semaphore_mem>>) src(%dma_wait3A_529 : memref<10112x32xf32, #tpu.memory_space<vmem_shared>>) dst(%arg10 : memref<312x32xf32, #tpu.memory_space<vmem>>)
    %dma_wait3A_530 = arith.constant 6552 : i32
    %dma_wait3A_531 = tpu.memref_slice %arg6[%dma_wait3A_530] : memref<10112xi32, #tpu.memory_space<vmem>> -> memref<312xi32, #tpu.memory_space<vmem>>
    %dma_wait3A_532 = arith.constant 0 : i32
    %dma_wait3A_533 = arith.constant 0 : i32
    %dma_wait3A_534 = tpu.memref_slice %arg12[%dma_wait3A_532, %dma_wait3A_533] : memref<10112x32xf32, #tpu.memory_space<vmem_shared>> -> memref<10112x32xf32, #tpu.memory_space<vmem_shared>>
    tpu.wait_indirect_dma semaphore(%arg19 : memref<!tpu.dma_semaphore, #tpu.memory_space<semaphore_mem>>) src(%arg8 : memref<312x32xf32, #tpu.memory_space<vmem>>) dst(%dma_wait3A_534 : memref<10112x32xf32, #tpu.memory_space<vmem_shared>>)
    %dma_start3A_535 = arith.constant 7176 : i32
    %dma_start3A_536 = tpu.memref_slice %arg6[%dma_start3A_535] : memref<10112xi32, #tpu.memory_space<vmem>> -> memref<312xi32, #tpu.memory_space<vmem>>
    %dma_start3A_537 = arith.constant 0 : i32
    %dma_start3A_538 = arith.constant 0 : i32
    %dma_start3A_539 = tpu.memref_slice %arg12[%dma_start3A_537, %dma_start3A_538] : memref<10112x32xf32, #tpu.memory_space<vmem_shared>> -> memref<10112x32xf32, #tpu.memory_space<vmem_shared>>
    tpu.enqueue_indirect_dma source(%arg10 : memref<312x32xf32, #tpu.memory_space<vmem>>) target(%dma_start3A_539 : memref<10112x32xf32, #tpu.memory_space<vmem_shared>>) offsets(%dma_start3A_536 : memref<312xi32, #tpu.memory_space<vmem>>) semaphore(%arg21 : memref<!tpu.dma_semaphore, #tpu.memory_space<semaphore_mem>>) {add = true}
    %dma_start3A_540 = arith.constant 7800 : i32
    %dma_start3A_541 = tpu.memref_slice %arg5[%dma_start3A_540] : memref<10112xi32, #tpu.memory_space<vmem>> -> memref<312xi32, #tpu.memory_space<vmem>>
    %dma_start3A_542 = arith.constant 0 : i32
    %dma_start3A_543 = arith.constant 0 : i32
    %dma_start3A_544 = tpu.memref_slice %arg13[%dma_start3A_542, %dma_start3A_543] : memref<10112x32xf32, #tpu.memory_space<vmem_shared>> -> memref<10112x32xf32, #tpu.memory_space<vmem_shared>>
    tpu.enqueue_indirect_dma source(%dma_start3A_544 : memref<10112x32xf32, #tpu.memory_space<vmem_shared>>) target(%arg8 : memref<312x32xf32, #tpu.memory_space<vmem>>) offsets(%dma_start3A_541 : memref<312xi32, #tpu.memory_space<vmem>>) semaphore(%arg15 : memref<!tpu.dma_semaphore, #tpu.memory_space<semaphore_mem>>)
    %dma_wait3A_545 = arith.constant 7488 : i32
    %dma_wait3A_546 = tpu.memref_slice %arg5[%dma_wait3A_545] : memref<10112xi32, #tpu.memory_space<vmem>> -> memref<312xi32, #tpu.memory_space<vmem>>
    %dma_wait3A_547 = arith.constant 0 : i32
    %dma_wait3A_548 = arith.constant 0 : i32
    %dma_wait3A_549 = tpu.memref_slice %arg13[%dma_wait3A_547, %dma_wait3A_548] : memref<10112x32xf32, #tpu.memory_space<vmem_shared>> -> memref<10112x32xf32, #tpu.memory_space<vmem_shared>>
    tpu.wait_indirect_dma semaphore(%arg14 : memref<!tpu.dma_semaphore, #tpu.memory_space<semaphore_mem>>) src(%dma_wait3A_549 : memref<10112x32xf32, #tpu.memory_space<vmem_shared>>) dst(%arg7 : memref<312x32xf32, #tpu.memory_space<vmem>>)
    %dma_wait3A_550 = arith.constant 6864 : i32
    %dma_wait3A_551 = tpu.memref_slice %arg6[%dma_wait3A_550] : memref<10112xi32, #tpu.memory_space<vmem>> -> memref<312xi32, #tpu.memory_space<vmem>>
    %dma_wait3A_552 = arith.constant 0 : i32
    %dma_wait3A_553 = arith.constant 0 : i32
    %dma_wait3A_554 = tpu.memref_slice %arg12[%dma_wait3A_552, %dma_wait3A_553] : memref<10112x32xf32, #tpu.memory_space<vmem_shared>> -> memref<10112x32xf32, #tpu.memory_space<vmem_shared>>
    tpu.wait_indirect_dma semaphore(%arg20 : memref<!tpu.dma_semaphore, #tpu.memory_space<semaphore_mem>>) src(%arg9 : memref<312x32xf32, #tpu.memory_space<vmem>>) dst(%dma_wait3A_554 : memref<10112x32xf32, #tpu.memory_space<vmem_shared>>)
    %dma_start3A_555 = arith.constant 7488 : i32
    %dma_start3A_556 = tpu.memref_slice %arg6[%dma_start3A_555] : memref<10112xi32, #tpu.memory_space<vmem>> -> memref<312xi32, #tpu.memory_space<vmem>>
    %dma_start3A_557 = arith.constant 0 : i32
    %dma_start3A_558 = arith.constant 0 : i32
    %dma_start3A_559 = tpu.memref_slice %arg12[%dma_start3A_557, %dma_start3A_558] : memref<10112x32xf32, #tpu.memory_space<vmem_shared>> -> memref<10112x32xf32, #tpu.memory_space<vmem_shared>>
    tpu.enqueue_indirect_dma source(%arg7 : memref<312x32xf32, #tpu.memory_space<vmem>>) target(%dma_start3A_559 : memref<10112x32xf32, #tpu.memory_space<vmem_shared>>) offsets(%dma_start3A_556 : memref<312xi32, #tpu.memory_space<vmem>>) semaphore(%arg18 : memref<!tpu.dma_semaphore, #tpu.memory_space<semaphore_mem>>) {add = true}
    %dma_start3A_560 = arith.constant 8112 : i32
    %dma_start3A_561 = tpu.memref_slice %arg5[%dma_start3A_560] : memref<10112xi32, #tpu.memory_space<vmem>> -> memref<312xi32, #tpu.memory_space<vmem>>
    %dma_start3A_562 = arith.constant 0 : i32
    %dma_start3A_563 = arith.constant 0 : i32
    %dma_start3A_564 = tpu.memref_slice %arg13[%dma_start3A_562, %dma_start3A_563] : memref<10112x32xf32, #tpu.memory_space<vmem_shared>> -> memref<10112x32xf32, #tpu.memory_space<vmem_shared>>
    tpu.enqueue_indirect_dma source(%dma_start3A_564 : memref<10112x32xf32, #tpu.memory_space<vmem_shared>>) target(%arg9 : memref<312x32xf32, #tpu.memory_space<vmem>>) offsets(%dma_start3A_561 : memref<312xi32, #tpu.memory_space<vmem>>) semaphore(%arg16 : memref<!tpu.dma_semaphore, #tpu.memory_space<semaphore_mem>>)
    %dma_wait3A_565 = arith.constant 7800 : i32
    %dma_wait3A_566 = tpu.memref_slice %arg5[%dma_wait3A_565] : memref<10112xi32, #tpu.memory_space<vmem>> -> memref<312xi32, #tpu.memory_space<vmem>>
    %dma_wait3A_567 = arith.constant 0 : i32
    %dma_wait3A_568 = arith.constant 0 : i32
    %dma_wait3A_569 = tpu.memref_slice %arg13[%dma_wait3A_567, %dma_wait3A_568] : memref<10112x32xf32, #tpu.memory_space<vmem_shared>> -> memref<10112x32xf32, #tpu.memory_space<vmem_shared>>
    tpu.wait_indirect_dma semaphore(%arg15 : memref<!tpu.dma_semaphore, #tpu.memory_space<semaphore_mem>>) src(%dma_wait3A_569 : memref<10112x32xf32, #tpu.memory_space<vmem_shared>>) dst(%arg8 : memref<312x32xf32, #tpu.memory_space<vmem>>)
    %dma_wait3A_570 = arith.constant 7176 : i32
    %dma_wait3A_571 = tpu.memref_slice %arg6[%dma_wait3A_570] : memref<10112xi32, #tpu.memory_space<vmem>> -> memref<312xi32, #tpu.memory_space<vmem>>
    %dma_wait3A_572 = arith.constant 0 : i32
    %dma_wait3A_573 = arith.constant 0 : i32
    %dma_wait3A_574 = tpu.memref_slice %arg12[%dma_wait3A_572, %dma_wait3A_573] : memref<10112x32xf32, #tpu.memory_space<vmem_shared>> -> memref<10112x32xf32, #tpu.memory_space<vmem_shared>>
    tpu.wait_indirect_dma semaphore(%arg21 : memref<!tpu.dma_semaphore, #tpu.memory_space<semaphore_mem>>) src(%arg10 : memref<312x32xf32, #tpu.memory_space<vmem>>) dst(%dma_wait3A_574 : memref<10112x32xf32, #tpu.memory_space<vmem_shared>>)
    %dma_start3A_575 = arith.constant 7800 : i32
    %dma_start3A_576 = tpu.memref_slice %arg6[%dma_start3A_575] : memref<10112xi32, #tpu.memory_space<vmem>> -> memref<312xi32, #tpu.memory_space<vmem>>
    %dma_start3A_577 = arith.constant 0 : i32
    %dma_start3A_578 = arith.constant 0 : i32
    %dma_start3A_579 = tpu.memref_slice %arg12[%dma_start3A_577, %dma_start3A_578] : memref<10112x32xf32, #tpu.memory_space<vmem_shared>> -> memref<10112x32xf32, #tpu.memory_space<vmem_shared>>
    tpu.enqueue_indirect_dma source(%arg8 : memref<312x32xf32, #tpu.memory_space<vmem>>) target(%dma_start3A_579 : memref<10112x32xf32, #tpu.memory_space<vmem_shared>>) offsets(%dma_start3A_576 : memref<312xi32, #tpu.memory_space<vmem>>) semaphore(%arg19 : memref<!tpu.dma_semaphore, #tpu.memory_space<semaphore_mem>>) {add = true}
    %dma_start3A_580 = arith.constant 8424 : i32
    %dma_start3A_581 = tpu.memref_slice %arg5[%dma_start3A_580] : memref<10112xi32, #tpu.memory_space<vmem>> -> memref<312xi32, #tpu.memory_space<vmem>>
    %dma_start3A_582 = arith.constant 0 : i32
    %dma_start3A_583 = arith.constant 0 : i32
    %dma_start3A_584 = tpu.memref_slice %arg13[%dma_start3A_582, %dma_start3A_583] : memref<10112x32xf32, #tpu.memory_space<vmem_shared>> -> memref<10112x32xf32, #tpu.memory_space<vmem_shared>>
    tpu.enqueue_indirect_dma source(%dma_start3A_584 : memref<10112x32xf32, #tpu.memory_space<vmem_shared>>) target(%arg10 : memref<312x32xf32, #tpu.memory_space<vmem>>) offsets(%dma_start3A_581 : memref<312xi32, #tpu.memory_space<vmem>>) semaphore(%arg17 : memref<!tpu.dma_semaphore, #tpu.memory_space<semaphore_mem>>)
    %dma_wait3A_585 = arith.constant 8112 : i32
    %dma_wait3A_586 = tpu.memref_slice %arg5[%dma_wait3A_585] : memref<10112xi32, #tpu.memory_space<vmem>> -> memref<312xi32, #tpu.memory_space<vmem>>
    %dma_wait3A_587 = arith.constant 0 : i32
    %dma_wait3A_588 = arith.constant 0 : i32
    %dma_wait3A_589 = tpu.memref_slice %arg13[%dma_wait3A_587, %dma_wait3A_588] : memref<10112x32xf32, #tpu.memory_space<vmem_shared>> -> memref<10112x32xf32, #tpu.memory_space<vmem_shared>>
    tpu.wait_indirect_dma semaphore(%arg16 : memref<!tpu.dma_semaphore, #tpu.memory_space<semaphore_mem>>) src(%dma_wait3A_589 : memref<10112x32xf32, #tpu.memory_space<vmem_shared>>) dst(%arg9 : memref<312x32xf32, #tpu.memory_space<vmem>>)
    %dma_wait3A_590 = arith.constant 7488 : i32
    %dma_wait3A_591 = tpu.memref_slice %arg6[%dma_wait3A_590] : memref<10112xi32, #tpu.memory_space<vmem>> -> memref<312xi32, #tpu.memory_space<vmem>>
    %dma_wait3A_592 = arith.constant 0 : i32
    %dma_wait3A_593 = arith.constant 0 : i32
    %dma_wait3A_594 = tpu.memref_slice %arg12[%dma_wait3A_592, %dma_wait3A_593] : memref<10112x32xf32, #tpu.memory_space<vmem_shared>> -> memref<10112x32xf32, #tpu.memory_space<vmem_shared>>
    tpu.wait_indirect_dma semaphore(%arg18 : memref<!tpu.dma_semaphore, #tpu.memory_space<semaphore_mem>>) src(%arg7 : memref<312x32xf32, #tpu.memory_space<vmem>>) dst(%dma_wait3A_594 : memref<10112x32xf32, #tpu.memory_space<vmem_shared>>)
    %dma_start3A_595 = arith.constant 8112 : i32
    %dma_start3A_596 = tpu.memref_slice %arg6[%dma_start3A_595] : memref<10112xi32, #tpu.memory_space<vmem>> -> memref<312xi32, #tpu.memory_space<vmem>>
    %dma_start3A_597 = arith.constant 0 : i32
    %dma_start3A_598 = arith.constant 0 : i32
    %dma_start3A_599 = tpu.memref_slice %arg12[%dma_start3A_597, %dma_start3A_598] : memref<10112x32xf32, #tpu.memory_space<vmem_shared>> -> memref<10112x32xf32, #tpu.memory_space<vmem_shared>>
    tpu.enqueue_indirect_dma source(%arg9 : memref<312x32xf32, #tpu.memory_space<vmem>>) target(%dma_start3A_599 : memref<10112x32xf32, #tpu.memory_space<vmem_shared>>) offsets(%dma_start3A_596 : memref<312xi32, #tpu.memory_space<vmem>>) semaphore(%arg20 : memref<!tpu.dma_semaphore, #tpu.memory_space<semaphore_mem>>) {add = true}
    %dma_start3A_600 = arith.constant 8736 : i32
    %dma_start3A_601 = tpu.memref_slice %arg5[%dma_start3A_600] : memref<10112xi32, #tpu.memory_space<vmem>> -> memref<312xi32, #tpu.memory_space<vmem>>
    %dma_start3A_602 = arith.constant 0 : i32
    %dma_start3A_603 = arith.constant 0 : i32
    %dma_start3A_604 = tpu.memref_slice %arg13[%dma_start3A_602, %dma_start3A_603] : memref<10112x32xf32, #tpu.memory_space<vmem_shared>> -> memref<10112x32xf32, #tpu.memory_space<vmem_shared>>
    tpu.enqueue_indirect_dma source(%dma_start3A_604 : memref<10112x32xf32, #tpu.memory_space<vmem_shared>>) target(%arg7 : memref<312x32xf32, #tpu.memory_space<vmem>>) offsets(%dma_start3A_601 : memref<312xi32, #tpu.memory_space<vmem>>) semaphore(%arg14 : memref<!tpu.dma_semaphore, #tpu.memory_space<semaphore_mem>>)
    %dma_wait3A_605 = arith.constant 8424 : i32
    %dma_wait3A_606 = tpu.memref_slice %arg5[%dma_wait3A_605] : memref<10112xi32, #tpu.memory_space<vmem>> -> memref<312xi32, #tpu.memory_space<vmem>>
    %dma_wait3A_607 = arith.constant 0 : i32
    %dma_wait3A_608 = arith.constant 0 : i32
    %dma_wait3A_609 = tpu.memref_slice %arg13[%dma_wait3A_607, %dma_wait3A_608] : memref<10112x32xf32, #tpu.memory_space<vmem_shared>> -> memref<10112x32xf32, #tpu.memory_space<vmem_shared>>
    tpu.wait_indirect_dma semaphore(%arg17 : memref<!tpu.dma_semaphore, #tpu.memory_space<semaphore_mem>>) src(%dma_wait3A_609 : memref<10112x32xf32, #tpu.memory_space<vmem_shared>>) dst(%arg10 : memref<312x32xf32, #tpu.memory_space<vmem>>)
    %dma_wait3A_610 = arith.constant 7800 : i32
    %dma_wait3A_611 = tpu.memref_slice %arg6[%dma_wait3A_610] : memref<10112xi32, #tpu.memory_space<vmem>> -> memref<312xi32, #tpu.memory_space<vmem>>
    %dma_wait3A_612 = arith.constant 0 : i32
    %dma_wait3A_613 = arith.constant 0 : i32
    %dma_wait3A_614 = tpu.memref_slice %arg12[%dma_wait3A_612, %dma_wait3A_613] : memref<10112x32xf32, #tpu.memory_space<vmem_shared>> -> memref<10112x32xf32, #tpu.memory_space<vmem_shared>>
    tpu.wait_indirect_dma semaphore(%arg19 : memref<!tpu.dma_semaphore, #tpu.memory_space<semaphore_mem>>) src(%arg8 : memref<312x32xf32, #tpu.memory_space<vmem>>) dst(%dma_wait3A_614 : memref<10112x32xf32, #tpu.memory_space<vmem_shared>>)
    %dma_start3A_615 = arith.constant 8424 : i32
    %dma_start3A_616 = tpu.memref_slice %arg6[%dma_start3A_615] : memref<10112xi32, #tpu.memory_space<vmem>> -> memref<312xi32, #tpu.memory_space<vmem>>
    %dma_start3A_617 = arith.constant 0 : i32
    %dma_start3A_618 = arith.constant 0 : i32
    %dma_start3A_619 = tpu.memref_slice %arg12[%dma_start3A_617, %dma_start3A_618] : memref<10112x32xf32, #tpu.memory_space<vmem_shared>> -> memref<10112x32xf32, #tpu.memory_space<vmem_shared>>
    tpu.enqueue_indirect_dma source(%arg10 : memref<312x32xf32, #tpu.memory_space<vmem>>) target(%dma_start3A_619 : memref<10112x32xf32, #tpu.memory_space<vmem_shared>>) offsets(%dma_start3A_616 : memref<312xi32, #tpu.memory_space<vmem>>) semaphore(%arg21 : memref<!tpu.dma_semaphore, #tpu.memory_space<semaphore_mem>>) {add = true}
    %dma_start3A_620 = arith.constant 9048 : i32
    %dma_start3A_621 = tpu.memref_slice %arg5[%dma_start3A_620] : memref<10112xi32, #tpu.memory_space<vmem>> -> memref<312xi32, #tpu.memory_space<vmem>>
    %dma_start3A_622 = arith.constant 0 : i32
    %dma_start3A_623 = arith.constant 0 : i32
    %dma_start3A_624 = tpu.memref_slice %arg13[%dma_start3A_622, %dma_start3A_623] : memref<10112x32xf32, #tpu.memory_space<vmem_shared>> -> memref<10112x32xf32, #tpu.memory_space<vmem_shared>>
    tpu.enqueue_indirect_dma source(%dma_start3A_624 : memref<10112x32xf32, #tpu.memory_space<vmem_shared>>) target(%arg8 : memref<312x32xf32, #tpu.memory_space<vmem>>) offsets(%dma_start3A_621 : memref<312xi32, #tpu.memory_space<vmem>>) semaphore(%arg15 : memref<!tpu.dma_semaphore, #tpu.memory_space<semaphore_mem>>)
    %dma_wait3A_625 = arith.constant 8736 : i32
    %dma_wait3A_626 = tpu.memref_slice %arg5[%dma_wait3A_625] : memref<10112xi32, #tpu.memory_space<vmem>> -> memref<312xi32, #tpu.memory_space<vmem>>
    %dma_wait3A_627 = arith.constant 0 : i32
    %dma_wait3A_628 = arith.constant 0 : i32
    %dma_wait3A_629 = tpu.memref_slice %arg13[%dma_wait3A_627, %dma_wait3A_628] : memref<10112x32xf32, #tpu.memory_space<vmem_shared>> -> memref<10112x32xf32, #tpu.memory_space<vmem_shared>>
    tpu.wait_indirect_dma semaphore(%arg14 : memref<!tpu.dma_semaphore, #tpu.memory_space<semaphore_mem>>) src(%dma_wait3A_629 : memref<10112x32xf32, #tpu.memory_space<vmem_shared>>) dst(%arg7 : memref<312x32xf32, #tpu.memory_space<vmem>>)
    %dma_wait3A_630 = arith.constant 8112 : i32
    %dma_wait3A_631 = tpu.memref_slice %arg6[%dma_wait3A_630] : memref<10112xi32, #tpu.memory_space<vmem>> -> memref<312xi32, #tpu.memory_space<vmem>>
    %dma_wait3A_632 = arith.constant 0 : i32
    %dma_wait3A_633 = arith.constant 0 : i32
    %dma_wait3A_634 = tpu.memref_slice %arg12[%dma_wait3A_632, %dma_wait3A_633] : memref<10112x32xf32, #tpu.memory_space<vmem_shared>> -> memref<10112x32xf32, #tpu.memory_space<vmem_shared>>
    tpu.wait_indirect_dma semaphore(%arg20 : memref<!tpu.dma_semaphore, #tpu.memory_space<semaphore_mem>>) src(%arg9 : memref<312x32xf32, #tpu.memory_space<vmem>>) dst(%dma_wait3A_634 : memref<10112x32xf32, #tpu.memory_space<vmem_shared>>)
    %dma_start3A_635 = arith.constant 8736 : i32
    %dma_start3A_636 = tpu.memref_slice %arg6[%dma_start3A_635] : memref<10112xi32, #tpu.memory_space<vmem>> -> memref<312xi32, #tpu.memory_space<vmem>>
    %dma_start3A_637 = arith.constant 0 : i32
    %dma_start3A_638 = arith.constant 0 : i32
    %dma_start3A_639 = tpu.memref_slice %arg12[%dma_start3A_637, %dma_start3A_638] : memref<10112x32xf32, #tpu.memory_space<vmem_shared>> -> memref<10112x32xf32, #tpu.memory_space<vmem_shared>>
    tpu.enqueue_indirect_dma source(%arg7 : memref<312x32xf32, #tpu.memory_space<vmem>>) target(%dma_start3A_639 : memref<10112x32xf32, #tpu.memory_space<vmem_shared>>) offsets(%dma_start3A_636 : memref<312xi32, #tpu.memory_space<vmem>>) semaphore(%arg18 : memref<!tpu.dma_semaphore, #tpu.memory_space<semaphore_mem>>) {add = true}
    %dma_start3A_640 = arith.constant 9360 : i32
    %dma_start3A_641 = tpu.memref_slice %arg5[%dma_start3A_640] : memref<10112xi32, #tpu.memory_space<vmem>> -> memref<312xi32, #tpu.memory_space<vmem>>
    %dma_start3A_642 = arith.constant 0 : i32
    %dma_start3A_643 = arith.constant 0 : i32
    %dma_start3A_644 = tpu.memref_slice %arg13[%dma_start3A_642, %dma_start3A_643] : memref<10112x32xf32, #tpu.memory_space<vmem_shared>> -> memref<10112x32xf32, #tpu.memory_space<vmem_shared>>
    tpu.enqueue_indirect_dma source(%dma_start3A_644 : memref<10112x32xf32, #tpu.memory_space<vmem_shared>>) target(%arg9 : memref<312x32xf32, #tpu.memory_space<vmem>>) offsets(%dma_start3A_641 : memref<312xi32, #tpu.memory_space<vmem>>) semaphore(%arg16 : memref<!tpu.dma_semaphore, #tpu.memory_space<semaphore_mem>>)
    %dma_wait3A_645 = arith.constant 9048 : i32
    %dma_wait3A_646 = tpu.memref_slice %arg5[%dma_wait3A_645] : memref<10112xi32, #tpu.memory_space<vmem>> -> memref<312xi32, #tpu.memory_space<vmem>>
    %dma_wait3A_647 = arith.constant 0 : i32
    %dma_wait3A_648 = arith.constant 0 : i32
    %dma_wait3A_649 = tpu.memref_slice %arg13[%dma_wait3A_647, %dma_wait3A_648] : memref<10112x32xf32, #tpu.memory_space<vmem_shared>> -> memref<10112x32xf32, #tpu.memory_space<vmem_shared>>
    tpu.wait_indirect_dma semaphore(%arg15 : memref<!tpu.dma_semaphore, #tpu.memory_space<semaphore_mem>>) src(%dma_wait3A_649 : memref<10112x32xf32, #tpu.memory_space<vmem_shared>>) dst(%arg8 : memref<312x32xf32, #tpu.memory_space<vmem>>)
    %dma_wait3A_650 = arith.constant 8424 : i32
    %dma_wait3A_651 = tpu.memref_slice %arg6[%dma_wait3A_650] : memref<10112xi32, #tpu.memory_space<vmem>> -> memref<312xi32, #tpu.memory_space<vmem>>
    %dma_wait3A_652 = arith.constant 0 : i32
    %dma_wait3A_653 = arith.constant 0 : i32
    %dma_wait3A_654 = tpu.memref_slice %arg12[%dma_wait3A_652, %dma_wait3A_653] : memref<10112x32xf32, #tpu.memory_space<vmem_shared>> -> memref<10112x32xf32, #tpu.memory_space<vmem_shared>>
    tpu.wait_indirect_dma semaphore(%arg21 : memref<!tpu.dma_semaphore, #tpu.memory_space<semaphore_mem>>) src(%arg10 : memref<312x32xf32, #tpu.memory_space<vmem>>) dst(%dma_wait3A_654 : memref<10112x32xf32, #tpu.memory_space<vmem_shared>>)
    %dma_start3A_655 = arith.constant 9048 : i32
    %dma_start3A_656 = tpu.memref_slice %arg6[%dma_start3A_655] : memref<10112xi32, #tpu.memory_space<vmem>> -> memref<312xi32, #tpu.memory_space<vmem>>
    %dma_start3A_657 = arith.constant 0 : i32
    %dma_start3A_658 = arith.constant 0 : i32
    %dma_start3A_659 = tpu.memref_slice %arg12[%dma_start3A_657, %dma_start3A_658] : memref<10112x32xf32, #tpu.memory_space<vmem_shared>> -> memref<10112x32xf32, #tpu.memory_space<vmem_shared>>
    tpu.enqueue_indirect_dma source(%arg8 : memref<312x32xf32, #tpu.memory_space<vmem>>) target(%dma_start3A_659 : memref<10112x32xf32, #tpu.memory_space<vmem_shared>>) offsets(%dma_start3A_656 : memref<312xi32, #tpu.memory_space<vmem>>) semaphore(%arg19 : memref<!tpu.dma_semaphore, #tpu.memory_space<semaphore_mem>>) {add = true}
    %dma_start3A_660 = arith.constant 9672 : i32
    %dma_start3A_661 = tpu.memref_slice %arg5[%dma_start3A_660] : memref<10112xi32, #tpu.memory_space<vmem>> -> memref<312xi32, #tpu.memory_space<vmem>>
    %dma_start3A_662 = arith.constant 0 : i32
    %dma_start3A_663 = arith.constant 0 : i32
    %dma_start3A_664 = tpu.memref_slice %arg13[%dma_start3A_662, %dma_start3A_663] : memref<10112x32xf32, #tpu.memory_space<vmem_shared>> -> memref<10112x32xf32, #tpu.memory_space<vmem_shared>>
    tpu.enqueue_indirect_dma source(%dma_start3A_664 : memref<10112x32xf32, #tpu.memory_space<vmem_shared>>) target(%arg10 : memref<312x32xf32, #tpu.memory_space<vmem>>) offsets(%dma_start3A_661 : memref<312xi32, #tpu.memory_space<vmem>>) semaphore(%arg17 : memref<!tpu.dma_semaphore, #tpu.memory_space<semaphore_mem>>)
    %dma_wait3A_665 = arith.constant 9360 : i32
    %dma_wait3A_666 = tpu.memref_slice %arg5[%dma_wait3A_665] : memref<10112xi32, #tpu.memory_space<vmem>> -> memref<312xi32, #tpu.memory_space<vmem>>
    %dma_wait3A_667 = arith.constant 0 : i32
    %dma_wait3A_668 = arith.constant 0 : i32
    %dma_wait3A_669 = tpu.memref_slice %arg13[%dma_wait3A_667, %dma_wait3A_668] : memref<10112x32xf32, #tpu.memory_space<vmem_shared>> -> memref<10112x32xf32, #tpu.memory_space<vmem_shared>>
    tpu.wait_indirect_dma semaphore(%arg16 : memref<!tpu.dma_semaphore, #tpu.memory_space<semaphore_mem>>) src(%dma_wait3A_669 : memref<10112x32xf32, #tpu.memory_space<vmem_shared>>) dst(%arg9 : memref<312x32xf32, #tpu.memory_space<vmem>>)
    %dma_wait3A_670 = arith.constant 8736 : i32
    %dma_wait3A_671 = tpu.memref_slice %arg6[%dma_wait3A_670] : memref<10112xi32, #tpu.memory_space<vmem>> -> memref<312xi32, #tpu.memory_space<vmem>>
    %dma_wait3A_672 = arith.constant 0 : i32
    %dma_wait3A_673 = arith.constant 0 : i32
    %dma_wait3A_674 = tpu.memref_slice %arg12[%dma_wait3A_672, %dma_wait3A_673] : memref<10112x32xf32, #tpu.memory_space<vmem_shared>> -> memref<10112x32xf32, #tpu.memory_space<vmem_shared>>
    tpu.wait_indirect_dma semaphore(%arg18 : memref<!tpu.dma_semaphore, #tpu.memory_space<semaphore_mem>>) src(%arg7 : memref<312x32xf32, #tpu.memory_space<vmem>>) dst(%dma_wait3A_674 : memref<10112x32xf32, #tpu.memory_space<vmem_shared>>)
    %dma_start3A_675 = arith.constant 9360 : i32
    %dma_start3A_676 = tpu.memref_slice %arg6[%dma_start3A_675] : memref<10112xi32, #tpu.memory_space<vmem>> -> memref<312xi32, #tpu.memory_space<vmem>>
    %dma_start3A_677 = arith.constant 0 : i32
    %dma_start3A_678 = arith.constant 0 : i32
    %dma_start3A_679 = tpu.memref_slice %arg12[%dma_start3A_677, %dma_start3A_678] : memref<10112x32xf32, #tpu.memory_space<vmem_shared>> -> memref<10112x32xf32, #tpu.memory_space<vmem_shared>>
    tpu.enqueue_indirect_dma source(%arg9 : memref<312x32xf32, #tpu.memory_space<vmem>>) target(%dma_start3A_679 : memref<10112x32xf32, #tpu.memory_space<vmem_shared>>) offsets(%dma_start3A_676 : memref<312xi32, #tpu.memory_space<vmem>>) semaphore(%arg20 : memref<!tpu.dma_semaphore, #tpu.memory_space<semaphore_mem>>) {add = true}
    %dma_wait3A_680 = arith.constant 9672 : i32
    %dma_wait3A_681 = tpu.memref_slice %arg5[%dma_wait3A_680] : memref<10112xi32, #tpu.memory_space<vmem>> -> memref<312xi32, #tpu.memory_space<vmem>>
    %dma_wait3A_682 = arith.constant 0 : i32
    %dma_wait3A_683 = arith.constant 0 : i32
    %dma_wait3A_684 = tpu.memref_slice %arg13[%dma_wait3A_682, %dma_wait3A_683] : memref<10112x32xf32, #tpu.memory_space<vmem_shared>> -> memref<10112x32xf32, #tpu.memory_space<vmem_shared>>
    tpu.wait_indirect_dma semaphore(%arg17 : memref<!tpu.dma_semaphore, #tpu.memory_space<semaphore_mem>>) src(%dma_wait3A_684 : memref<10112x32xf32, #tpu.memory_space<vmem_shared>>) dst(%arg10 : memref<312x32xf32, #tpu.memory_space<vmem>>)
    %dma_wait3A_685 = arith.constant 9048 : i32
    %dma_wait3A_686 = tpu.memref_slice %arg6[%dma_wait3A_685] : memref<10112xi32, #tpu.memory_space<vmem>> -> memref<312xi32, #tpu.memory_space<vmem>>
    %dma_wait3A_687 = arith.constant 0 : i32
    %dma_wait3A_688 = arith.constant 0 : i32
    %dma_wait3A_689 = tpu.memref_slice %arg12[%dma_wait3A_687, %dma_wait3A_688] : memref<10112x32xf32, #tpu.memory_space<vmem_shared>> -> memref<10112x32xf32, #tpu.memory_space<vmem_shared>>
    tpu.wait_indirect_dma semaphore(%arg19 : memref<!tpu.dma_semaphore, #tpu.memory_space<semaphore_mem>>) src(%arg8 : memref<312x32xf32, #tpu.memory_space<vmem>>) dst(%dma_wait3A_689 : memref<10112x32xf32, #tpu.memory_space<vmem_shared>>)
    %dma_start3A_690 = arith.constant 9672 : i32
    %dma_start3A_691 = tpu.memref_slice %arg6[%dma_start3A_690] : memref<10112xi32, #tpu.memory_space<vmem>> -> memref<312xi32, #tpu.memory_space<vmem>>
    %dma_start3A_692 = arith.constant 0 : i32
    %dma_start3A_693 = arith.constant 0 : i32
    %dma_start3A_694 = tpu.memref_slice %arg12[%dma_start3A_692, %dma_start3A_693] : memref<10112x32xf32, #tpu.memory_space<vmem_shared>> -> memref<10112x32xf32, #tpu.memory_space<vmem_shared>>
    tpu.enqueue_indirect_dma source(%arg10 : memref<312x32xf32, #tpu.memory_space<vmem>>) target(%dma_start3A_694 : memref<10112x32xf32, #tpu.memory_space<vmem_shared>>) offsets(%dma_start3A_691 : memref<312xi32, #tpu.memory_space<vmem>>) semaphore(%arg21 : memref<!tpu.dma_semaphore, #tpu.memory_space<semaphore_mem>>) {add = true}
    %lt3A_695 = arith.constant 4 : i32
    %lt3A_696 = arith.cmpi slt, %add3A, %lt3A_695 : i32
    %convert_element_type3A_697 = arith.extui %lt3A_696 : i1 to i32
    %cond3A_698 = arith.constant 0 : i32
    %cond3A_699 = arith.cmpi ne, %convert_element_type3A_697, %cond3A_698 : i32
    scf.if %cond3A_699 {
      %dma_start3A_711 = arith.constant 0 : i32
      %dma_start3A_712 = arith.constant 0 : i32
      %dma_start3A_713 = tpu.memref_slice %arg7[%dma_start3A_711, %dma_start3A_712] : memref<312x32xf32, #tpu.memory_space<vmem>> -> memref<128x32xf32, #tpu.memory_space<vmem>>
      %dma_start3A_714 = arith.constant 9984 : i32
      %dma_start3A_715 = tpu.memref_slice %arg5[%dma_start3A_714] : memref<10112xi32, #tpu.memory_space<vmem>> -> memref<128xi32, #tpu.memory_space<vmem>>
      %dma_start3A_716 = arith.constant 0 : i32
      %dma_start3A_717 = arith.constant 0 : i32
      %dma_start3A_718 = tpu.memref_slice %arg13[%dma_start3A_716, %dma_start3A_717] : memref<10112x32xf32, #tpu.memory_space<vmem_shared>> -> memref<10112x32xf32, #tpu.memory_space<vmem_shared>>
      tpu.enqueue_indirect_dma source(%dma_start3A_718 : memref<10112x32xf32, #tpu.memory_space<vmem_shared>>) target(%dma_start3A_713 : memref<128x32xf32, #tpu.memory_space<vmem>>) offsets(%dma_start3A_715 : memref<128xi32, #tpu.memory_space<vmem>>) semaphore(%arg14 : memref<!tpu.dma_semaphore, #tpu.memory_space<semaphore_mem>>)
      %dma_wait3A_719 = arith.constant 0 : i32
      %dma_wait3A_720 = arith.constant 0 : i32
      %dma_wait3A_721 = tpu.memref_slice %arg7[%dma_wait3A_719, %dma_wait3A_720] : memref<312x32xf32, #tpu.memory_space<vmem>> -> memref<128x32xf32, #tpu.memory_space<vmem>>
      %dma_wait3A_722 = arith.constant 9984 : i32
      %dma_wait3A_723 = tpu.memref_slice %arg5[%dma_wait3A_722] : memref<10112xi32, #tpu.memory_space<vmem>> -> memref<128xi32, #tpu.memory_space<vmem>>
      %dma_wait3A_724 = arith.constant 0 : i32
      %dma_wait3A_725 = arith.constant 0 : i32
      %dma_wait3A_726 = tpu.memref_slice %arg13[%dma_wait3A_724, %dma_wait3A_725] : memref<10112x32xf32, #tpu.memory_space<vmem_shared>> -> memref<10112x32xf32, #tpu.memory_space<vmem_shared>>
      tpu.wait_indirect_dma semaphore(%arg14 : memref<!tpu.dma_semaphore, #tpu.memory_space<semaphore_mem>>) src(%dma_wait3A_726 : memref<10112x32xf32, #tpu.memory_space<vmem_shared>>) dst(%dma_wait3A_721 : memref<128x32xf32, #tpu.memory_space<vmem>>)
      %dma_start3A_727 = arith.constant 0 : i32
      %dma_start3A_728 = arith.constant 0 : i32
      %dma_start3A_729 = tpu.memref_slice %arg7[%dma_start3A_727, %dma_start3A_728] : memref<312x32xf32, #tpu.memory_space<vmem>> -> memref<128x32xf32, #tpu.memory_space<vmem>>
      %dma_start3A_730 = arith.constant 9984 : i32
      %dma_start3A_731 = tpu.memref_slice %arg6[%dma_start3A_730] : memref<10112xi32, #tpu.memory_space<vmem>> -> memref<128xi32, #tpu.memory_space<vmem>>
      %dma_start3A_732 = arith.constant 0 : i32
      %dma_start3A_733 = arith.constant 0 : i32
      %dma_start3A_734 = tpu.memref_slice %arg12[%dma_start3A_732, %dma_start3A_733] : memref<10112x32xf32, #tpu.memory_space<vmem_shared>> -> memref<10112x32xf32, #tpu.memory_space<vmem_shared>>
      tpu.enqueue_indirect_dma source(%dma_start3A_729 : memref<128x32xf32, #tpu.memory_space<vmem>>) target(%dma_start3A_734 : memref<10112x32xf32, #tpu.memory_space<vmem_shared>>) offsets(%dma_start3A_731 : memref<128xi32, #tpu.memory_space<vmem>>) semaphore(%arg18 : memref<!tpu.dma_semaphore, #tpu.memory_space<semaphore_mem>>) {add = true}
      %dma_wait3A_735 = arith.constant 0 : i32
      %dma_wait3A_736 = arith.constant 0 : i32
      %dma_wait3A_737 = tpu.memref_slice %arg7[%dma_wait3A_735, %dma_wait3A_736] : memref<312x32xf32, #tpu.memory_space<vmem>> -> memref<128x32xf32, #tpu.memory_space<vmem>>
      %dma_wait3A_738 = arith.constant 9984 : i32
      %dma_wait3A_739 = tpu.memref_slice %arg6[%dma_wait3A_738] : memref<10112xi32, #tpu.memory_space<vmem>> -> memref<128xi32, #tpu.memory_space<vmem>>
      %dma_wait3A_740 = arith.constant 0 : i32
      %dma_wait3A_741 = arith.constant 0 : i32
      %dma_wait3A_742 = tpu.memref_slice %arg12[%dma_wait3A_740, %dma_wait3A_741] : memref<10112x32xf32, #tpu.memory_space<vmem_shared>> -> memref<10112x32xf32, #tpu.memory_space<vmem_shared>>
      tpu.wait_indirect_dma semaphore(%arg18 : memref<!tpu.dma_semaphore, #tpu.memory_space<semaphore_mem>>) src(%dma_wait3A_737 : memref<128x32xf32, #tpu.memory_space<vmem>>) dst(%dma_wait3A_742 : memref<10112x32xf32, #tpu.memory_space<vmem_shared>>)
    } else {
    }
    %dma_wait3A_700 = arith.constant 9360 : i32
    %dma_wait3A_701 = tpu.memref_slice %arg6[%dma_wait3A_700] : memref<10112xi32, #tpu.memory_space<vmem>> -> memref<312xi32, #tpu.memory_space<vmem>>
    %dma_wait3A_702 = arith.constant 0 : i32
    %dma_wait3A_703 = arith.constant 0 : i32
    %dma_wait3A_704 = tpu.memref_slice %arg12[%dma_wait3A_702, %dma_wait3A_703] : memref<10112x32xf32, #tpu.memory_space<vmem_shared>> -> memref<10112x32xf32, #tpu.memory_space<vmem_shared>>
    tpu.wait_indirect_dma semaphore(%arg20 : memref<!tpu.dma_semaphore, #tpu.memory_space<semaphore_mem>>) src(%arg9 : memref<312x32xf32, #tpu.memory_space<vmem>>) dst(%dma_wait3A_704 : memref<10112x32xf32, #tpu.memory_space<vmem_shared>>)
    %dma_wait3A_705 = arith.constant 9672 : i32
    %dma_wait3A_706 = tpu.memref_slice %arg6[%dma_wait3A_705] : memref<10112xi32, #tpu.memory_space<vmem>> -> memref<312xi32, #tpu.memory_space<vmem>>
    %dma_wait3A_707 = arith.constant 0 : i32
    %dma_wait3A_708 = arith.constant 0 : i32
    %dma_wait3A_709 = tpu.memref_slice %arg12[%dma_wait3A_707, %dma_wait3A_708] : memref<10112x32xf32, #tpu.memory_space<vmem_shared>> -> memref<10112x32xf32, #tpu.memory_space<vmem_shared>>
    tpu.wait_indirect_dma semaphore(%arg21 : memref<!tpu.dma_semaphore, #tpu.memory_space<semaphore_mem>>) src(%arg10 : memref<312x32xf32, #tpu.memory_space<vmem>>) dst(%dma_wait3A_709 : memref<10112x32xf32, #tpu.memory_space<vmem_shared>>)
    %barrier3A_710 = arith.constant 0 : index
    tpu.barrier barrier_id(%barrier3A_710)
    "tpu.region"() ({
      %run_scoped3A = tpu.sem_alloc : memref<!tpu.dma_semaphore, #tpu.memory_space<semaphore_mem>>
      %dma_start3A_711 = arith.constant 0 : i32
      %dma_start3A_712 = tpu.memref_slice %arg12[%mul3A_2, %dma_start3A_711] : memref<10112x32xf32, #tpu.memory_space<vmem_shared>> -> memref<632x32xf32, #tpu.memory_space<vmem_shared>>
      %dma_start3A_713 = arith.constant 0 : i32
      %dma_start3A_714 = tpu.memref_slice %arg12[%mul3A_2, %dma_start3A_713] : memref<10112x32xf32, #tpu.memory_space<vmem_shared>> -> memref<632x32xf32, #tpu.memory_space<vmem_shared>>
      tpu.enqueue_dma source(%dma_start3A_714 : memref<632x32xf32, #tpu.memory_space<vmem_shared>>) target(%arg11 : memref<632x32xf32, #tpu.memory_space<vmem>>) target_semaphore(%run_scoped3A : memref<!tpu.dma_semaphore, #tpu.memory_space<semaphore_mem>>)
      %dma_wait3A_715 = arith.constant 0 : i32
      %dma_wait3A_716 = tpu.memref_slice %arg12[%mul3A_2, %dma_wait3A_715] : memref<10112x32xf32, #tpu.memory_space<vmem_shared>> -> memref<632x32xf32, #tpu.memory_space<vmem_shared>>
      %dma_wait3A_717 = arith.constant 0 : i32
      %dma_wait3A_718 = tpu.memref_slice %arg12[%mul3A_2, %dma_wait3A_717] : memref<10112x32xf32, #tpu.memory_space<vmem_shared>> -> memref<632x32xf32, #tpu.memory_space<vmem_shared>>
      tpu.wait_dma2 semaphore(%run_scoped3A : memref<!tpu.dma_semaphore, #tpu.memory_space<semaphore_mem>>) src(%dma_wait3A_718 : memref<632x32xf32, #tpu.memory_space<vmem_shared>>) dst(%arg11 : memref<632x32xf32, #tpu.memory_space<vmem>>)
      tpu.yield
    }) : () -> ()
    "tpu.region"() ({
      %run_scoped3A = tpu.sem_alloc : memref<!tpu.dma_semaphore, #tpu.memory_space<semaphore_mem>>
      %dma_start3A_711 = arith.constant 0 : i32
      %dma_start3A_712 = tpu.memref_slice %arg4[%arg0, %mul3A_2, %dma_start3A_711] : memref<2x10112x32xf32, #tpu.memory_space<hbm>> -> memref<1x632x32xf32, #tpu.memory_space<hbm>>
      %dma_start3A_713 = tpu.memref_squeeze %dma_start3A_712 : memref<1x632x32xf32, #tpu.memory_space<hbm>> -> memref<632x32xf32, #tpu.memory_space<hbm>>
      %dma_start3A_714 = arith.constant 0 : i32
      %dma_start3A_715 = tpu.memref_slice %arg4[%arg0, %mul3A_2, %dma_start3A_714] : memref<2x10112x32xf32, #tpu.memory_space<hbm>> -> memref<1x632x32xf32, #tpu.memory_space<hbm>>
      %dma_start3A_716 = tpu.memref_squeeze %dma_start3A_715 : memref<1x632x32xf32, #tpu.memory_space<hbm>> -> memref<632x32xf32, #tpu.memory_space<hbm>>
      tpu.enqueue_dma source(%arg11 : memref<632x32xf32, #tpu.memory_space<vmem>>) target(%dma_start3A_716 : memref<632x32xf32, #tpu.memory_space<hbm>>) target_semaphore(%run_scoped3A : memref<!tpu.dma_semaphore, #tpu.memory_space<semaphore_mem>>)
      %dma_wait3A_717 = arith.constant 0 : i32
      %dma_wait3A_718 = tpu.memref_slice %arg4[%arg0, %mul3A_2, %dma_wait3A_717] : memref<2x10112x32xf32, #tpu.memory_space<hbm>> -> memref<1x632x32xf32, #tpu.memory_space<hbm>>
      %dma_wait3A_719 = tpu.memref_squeeze %dma_wait3A_718 : memref<1x632x32xf32, #tpu.memory_space<hbm>> -> memref<632x32xf32, #tpu.memory_space<hbm>>
      %dma_wait3A_720 = arith.constant 0 : i32
      %dma_wait3A_721 = tpu.memref_slice %arg4[%arg0, %mul3A_2, %dma_wait3A_720] : memref<2x10112x32xf32, #tpu.memory_space<hbm>> -> memref<1x632x32xf32, #tpu.memory_space<hbm>>
      %dma_wait3A_722 = tpu.memref_squeeze %dma_wait3A_721 : memref<1x632x32xf32, #tpu.memory_space<hbm>> -> memref<632x32xf32, #tpu.memory_space<hbm>>
      tpu.wait_dma2 semaphore(%run_scoped3A : memref<!tpu.dma_semaphore, #tpu.memory_space<semaphore_mem>>) src(%arg11 : memref<632x32xf32, #tpu.memory_space<vmem>>) dst(%dma_wait3A_722 : memref<632x32xf32, #tpu.memory_space<hbm>>)
      tpu.yield
    }) : () -> ()
    return
  }
}

#map = affine_map<(d0, d1) -> (0, 0)>
#map1 = affine_map<(d0, d1) -> (0, 0, 0)>
module attributes {stable_mosaic.version = 14 : i64} {
  func.func @seg_kernel(%arg0: i32, %arg1: i32, %arg2: memref<10112x32xf32, #tpu.memory_space<hbm>>, %arg3: memref<2x320000xi32, #tpu.memory_space<hbm>>, %arg4: memref<2x10112x32xf32, #tpu.memory_space<hbm>>, %arg5: memref<10112xi32, #tpu.memory_space<vmem>>, %arg6: memref<10112xi32, #tpu.memory_space<vmem>>, %arg7: memref<312x32xf32, #tpu.memory_space<vmem>>, %arg8: memref<312x32xf32, #tpu.memory_space<vmem>>, %arg9: memref<312x32xf32, #tpu.memory_space<vmem>>, %arg10: memref<312x32xf32, #tpu.memory_space<vmem>>, %arg11: memref<632x32xf32, #tpu.memory_space<vmem>>, %arg12: memref<10112x32xf32, #tpu.memory_space<vmem_shared>>, %arg13: memref<10112x32xf32, #tpu.memory_space<vmem_shared>>, %arg14: memref<!tpu.dma_semaphore, #tpu.memory_space<semaphore_mem>>, %arg15: memref<!tpu.dma_semaphore, #tpu.memory_space<semaphore_mem>>, %arg16: memref<!tpu.dma_semaphore, #tpu.memory_space<semaphore_mem>>, %arg17: memref<!tpu.dma_semaphore, #tpu.memory_space<semaphore_mem>>, %arg18: memref<!tpu.dma_semaphore, #tpu.memory_space<semaphore_mem>>, %arg19: memref<!tpu.dma_semaphore, #tpu.memory_space<semaphore_mem>>, %arg20: memref<!tpu.dma_semaphore, #tpu.memory_space<semaphore_mem>>, %arg21: memref<!tpu.dma_semaphore, #tpu.memory_space<semaphore_mem>>, %arg22: memref<!tpu.dma_semaphore, #tpu.memory_space<semaphore_mem>>, %arg23: memref<!tpu.dma_semaphore, #tpu.memory_space<semaphore_mem>>) attributes {dimension_semantics = [#tpu.dimension_semantics<core_parallel>, #tpu.dimension_semantics<subcore_parallel>], iteration_bounds = array<i64: 2, 16>, scalar_prefetch = 0 : i64, scratch_operands = 19 : i64, tpu.core_type = #tpu.core_type<sc_vector_subcore>, window_params = [{transform_indices = #map}, {transform_indices = #map}, {transform_indices = #map1}]} {
    %mul3A = arith.constant 2 : i32
    %mul3A_0 = arith.muli %arg1, %mul3A : i32
    %add3A = arith.addi %mul3A_0, %arg0 : i32
    %mul3A_1 = arith.constant 632 : i32
    %mul3A_2 = arith.muli %arg1, %mul3A_1 : i32
    %mul3A_3 = arith.constant 9984 : i32
    %mul3A_4 = arith.muli %add3A, %mul3A_3 : i32
    %min3A = arith.constant 4 : i32
    %min3A_5 = arith.minsi %add3A, %min3A : i32
    %mul3A_6 = arith.constant 128 : i32
    %mul3A_7 = arith.muli %min3A_5, %mul3A_6 : i32
    %add3A_8 = arith.addi %mul3A_4, %mul3A_7 : i32
    %dma_start3A = arith.constant 0 : i32
    %dma_start3A_9 = arith.constant 0 : i32
    %dma_start3A_10 = tpu.memref_slice %arg5[%dma_start3A_9] : memref<10112xi32, #tpu.memory_space<vmem>> -> memref<9984xi32, #tpu.memory_space<vmem>>
    %dma_start3A_11 = tpu.memref_slice %arg3[%dma_start3A, %add3A_8] : memref<2x320000xi32, #tpu.memory_space<hbm>> -> memref<1x9984xi32, #tpu.memory_space<hbm>>
    %dma_start3A_12 = tpu.memref_squeeze %dma_start3A_11 : memref<1x9984xi32, #tpu.memory_space<hbm>> -> memref<9984xi32, #tpu.memory_space<hbm>>
    %dma_start3A_13 = arith.constant 0 : i32
    %dma_start3A_14 = tpu.memref_slice %arg5[%dma_start3A_13] : memref<10112xi32, #tpu.memory_space<vmem>> -> memref<9984xi32, #tpu.memory_space<vmem>>
    %dma_start3A_15 = tpu.memref_slice %arg3[%dma_start3A, %add3A_8] : memref<2x320000xi32, #tpu.memory_space<hbm>> -> memref<1x9984xi32, #tpu.memory_space<hbm>>
    %dma_start3A_16 = tpu.memref_squeeze %dma_start3A_15 : memref<1x9984xi32, #tpu.memory_space<hbm>> -> memref<9984xi32, #tpu.memory_space<hbm>>
    tpu.enqueue_dma source(%dma_start3A_16 : memref<9984xi32, #tpu.memory_space<hbm>>) target(%dma_start3A_14 : memref<9984xi32, #tpu.memory_space<vmem>>) target_semaphore(%arg22 : memref<!tpu.dma_semaphore, #tpu.memory_space<semaphore_mem>>)
    %dma_start3A_17 = arith.constant 1 : i32
    %dma_start3A_18 = arith.constant 0 : i32
    %dma_start3A_19 = tpu.memref_slice %arg6[%dma_start3A_18] : memref<10112xi32, #tpu.memory_space<vmem>> -> memref<9984xi32, #tpu.memory_space<vmem>>
    %dma_start3A_20 = tpu.memref_slice %arg3[%dma_start3A_17, %add3A_8] : memref<2x320000xi32, #tpu.memory_space<hbm>> -> memref<1x9984xi32, #tpu.memory_space<hbm>>
    %dma_start3A_21 = tpu.memref_squeeze %dma_start3A_20 : memref<1x9984xi32, #tpu.memory_space<hbm>> -> memref<9984xi32, #tpu.memory_space<hbm>>
    %dma_start3A_22 = arith.constant 0 : i32
    %dma_start3A_23 = tpu.memref_slice %arg6[%dma_start3A_22] : memref<10112xi32, #tpu.memory_space<vmem>> -> memref<9984xi32, #tpu.memory_space<vmem>>
    %dma_start3A_24 = tpu.memref_slice %arg3[%dma_start3A_17, %add3A_8] : memref<2x320000xi32, #tpu.memory_space<hbm>> -> memref<1x9984xi32, #tpu.memory_space<hbm>>
    %dma_start3A_25 = tpu.memref_squeeze %dma_start3A_24 : memref<1x9984xi32, #tpu.memory_space<hbm>> -> memref<9984xi32, #tpu.memory_space<hbm>>
    tpu.enqueue_dma source(%dma_start3A_25 : memref<9984xi32, #tpu.memory_space<hbm>>) target(%dma_start3A_23 : memref<9984xi32, #tpu.memory_space<vmem>>) target_semaphore(%arg23 : memref<!tpu.dma_semaphore, #tpu.memory_space<semaphore_mem>>)
    %lt3A = arith.constant 4 : i32
    %lt3A_26 = arith.cmpi slt, %add3A, %lt3A : i32
    %convert_element_type3A = arith.extui %lt3A_26 : i1 to i32
    %cond3A = arith.constant 0 : i32
    %cond3A_27 = arith.cmpi ne, %convert_element_type3A, %cond3A : i32
    scf.if %cond3A_27 {
      %add3A_711 = arith.constant 9984 : i32
      %add3A_712 = arith.addi %add3A_8, %add3A_711 : i32
      %dma_start3A_713 = arith.constant 0 : i32
      %dma_start3A_714 = arith.constant 9984 : i32
      %dma_start3A_715 = tpu.memref_slice %arg5[%dma_start3A_714] : memref<10112xi32, #tpu.memory_space<vmem>> -> memref<128xi32, #tpu.memory_space<vmem>>
      %dma_start3A_716 = tpu.memref_slice %arg3[%dma_start3A_713, %add3A_712] : memref<2x320000xi32, #tpu.memory_space<hbm>> -> memref<1x128xi32, #tpu.memory_space<hbm>>
      %dma_start3A_717 = tpu.memref_squeeze %dma_start3A_716 : memref<1x128xi32, #tpu.memory_space<hbm>> -> memref<128xi32, #tpu.memory_space<hbm>>
      %dma_start3A_718 = arith.constant 9984 : i32
      %dma_start3A_719 = tpu.memref_slice %arg5[%dma_start3A_718] : memref<10112xi32, #tpu.memory_space<vmem>> -> memref<128xi32, #tpu.memory_space<vmem>>
      %dma_start3A_720 = tpu.memref_slice %arg3[%dma_start3A_713, %add3A_712] : memref<2x320000xi32, #tpu.memory_space<hbm>> -> memref<1x128xi32, #tpu.memory_space<hbm>>
      %dma_start3A_721 = tpu.memref_squeeze %dma_start3A_720 : memref<1x128xi32, #tpu.memory_space<hbm>> -> memref<128xi32, #tpu.memory_space<hbm>>
      tpu.enqueue_dma source(%dma_start3A_721 : memref<128xi32, #tpu.memory_space<hbm>>) target(%dma_start3A_719 : memref<128xi32, #tpu.memory_space<vmem>>) target_semaphore(%arg22 : memref<!tpu.dma_semaphore, #tpu.memory_space<semaphore_mem>>)
      %add3A_722 = arith.constant 9984 : i32
      %add3A_723 = arith.addi %add3A_8, %add3A_722 : i32
      %dma_start3A_724 = arith.constant 1 : i32
      %dma_start3A_725 = arith.constant 9984 : i32
      %dma_start3A_726 = tpu.memref_slice %arg6[%dma_start3A_725] : memref<10112xi32, #tpu.memory_space<vmem>> -> memref<128xi32, #tpu.memory_space<vmem>>
      %dma_start3A_727 = tpu.memref_slice %arg3[%dma_start3A_724, %add3A_723] : memref<2x320000xi32, #tpu.memory_space<hbm>> -> memref<1x128xi32, #tpu.memory_space<hbm>>
      %dma_start3A_728 = tpu.memref_squeeze %dma_start3A_727 : memref<1x128xi32, #tpu.memory_space<hbm>> -> memref<128xi32, #tpu.memory_space<hbm>>
      %dma_start3A_729 = arith.constant 9984 : i32
      %dma_start3A_730 = tpu.memref_slice %arg6[%dma_start3A_729] : memref<10112xi32, #tpu.memory_space<vmem>> -> memref<128xi32, #tpu.memory_space<vmem>>
      %dma_start3A_731 = tpu.memref_slice %arg3[%dma_start3A_724, %add3A_723] : memref<2x320000xi32, #tpu.memory_space<hbm>> -> memref<1x128xi32, #tpu.memory_space<hbm>>
      %dma_start3A_732 = tpu.memref_squeeze %dma_start3A_731 : memref<1x128xi32, #tpu.memory_space<hbm>> -> memref<128xi32, #tpu.memory_space<hbm>>
      tpu.enqueue_dma source(%dma_start3A_732 : memref<128xi32, #tpu.memory_space<hbm>>) target(%dma_start3A_730 : memref<128xi32, #tpu.memory_space<vmem>>) target_semaphore(%arg23 : memref<!tpu.dma_semaphore, #tpu.memory_space<semaphore_mem>>)
    } else {
    }
    "tpu.region"() ({
      %run_scoped3A = tpu.sem_alloc : memref<!tpu.dma_semaphore, #tpu.memory_space<semaphore_mem>>
      %dma_start3A_711 = arith.constant 0 : i32
      %dma_start3A_712 = tpu.memref_slice %arg2[%mul3A_2, %dma_start3A_711] : memref<10112x32xf32, #tpu.memory_space<hbm>> -> memref<632x32xf32, #tpu.memory_space<hbm>>
      %dma_start3A_713 = arith.constant 0 : i32
      %dma_start3A_714 = tpu.memref_slice %arg2[%mul3A_2, %dma_start3A_713] : memref<10112x32xf32, #tpu.memory_space<hbm>> -> memref<632x32xf32, #tpu.memory_space<hbm>>
      tpu.enqueue_dma source(%dma_start3A_714 : memref<632x32xf32, #tpu.memory_space<hbm>>) target(%arg11 : memref<632x32xf32, #tpu.memory_space<vmem>>) target_semaphore(%run_scoped3A : memref<!tpu.dma_semaphore, #tpu.memory_space<semaphore_mem>>)
      %dma_wait3A_715 = arith.constant 0 : i32
      %dma_wait3A_716 = tpu.memref_slice %arg2[%mul3A_2, %dma_wait3A_715] : memref<10112x32xf32, #tpu.memory_space<hbm>> -> memref<632x32xf32, #tpu.memory_space<hbm>>
      %dma_wait3A_717 = arith.constant 0 : i32
      %dma_wait3A_718 = tpu.memref_slice %arg2[%mul3A_2, %dma_wait3A_717] : memref<10112x32xf32, #tpu.memory_space<hbm>> -> memref<632x32xf32, #tpu.memory_space<hbm>>
      tpu.wait_dma2 semaphore(%run_scoped3A : memref<!tpu.dma_semaphore, #tpu.memory_space<semaphore_mem>>) src(%dma_wait3A_718 : memref<632x32xf32, #tpu.memory_space<hbm>>) dst(%arg11 : memref<632x32xf32, #tpu.memory_space<vmem>>)
      tpu.yield
    }) : () -> ()
    "tpu.region"() ({
      %run_scoped3A = tpu.sem_alloc : memref<!tpu.dma_semaphore, #tpu.memory_space<semaphore_mem>>
      %dma_start3A_711 = arith.constant 0 : i32
      %dma_start3A_712 = tpu.memref_slice %arg13[%mul3A_2, %dma_start3A_711] : memref<10112x32xf32, #tpu.memory_space<vmem_shared>> -> memref<632x32xf32, #tpu.memory_space<vmem_shared>>
      %dma_start3A_713 = arith.constant 0 : i32
      %dma_start3A_714 = tpu.memref_slice %arg13[%mul3A_2, %dma_start3A_713] : memref<10112x32xf32, #tpu.memory_space<vmem_shared>> -> memref<632x32xf32, #tpu.memory_space<vmem_shared>>
      tpu.enqueue_dma source(%arg11 : memref<632x32xf32, #tpu.memory_space<vmem>>) target(%dma_start3A_714 : memref<632x32xf32, #tpu.memory_space<vmem_shared>>) target_semaphore(%run_scoped3A : memref<!tpu.dma_semaphore, #tpu.memory_space<semaphore_mem>>)
      %dma_wait3A_715 = arith.constant 0 : i32
      %dma_wait3A_716 = tpu.memref_slice %arg13[%mul3A_2, %dma_wait3A_715] : memref<10112x32xf32, #tpu.memory_space<vmem_shared>> -> memref<632x32xf32, #tpu.memory_space<vmem_shared>>
      %dma_wait3A_717 = arith.constant 0 : i32
      %dma_wait3A_718 = tpu.memref_slice %arg13[%mul3A_2, %dma_wait3A_717] : memref<10112x32xf32, #tpu.memory_space<vmem_shared>> -> memref<632x32xf32, #tpu.memory_space<vmem_shared>>
      tpu.wait_dma2 semaphore(%run_scoped3A : memref<!tpu.dma_semaphore, #tpu.memory_space<semaphore_mem>>) src(%arg11 : memref<632x32xf32, #tpu.memory_space<vmem>>) dst(%dma_wait3A_718 : memref<632x32xf32, #tpu.memory_space<vmem_shared>>)
      tpu.yield
    }) : () -> ()
    %eq3A = arith.constant 0 : i32
    %eq3A_28 = arith.cmpi eq, %arg0, %eq3A : i32
    %convert_element_type3A_29 = arith.extui %eq3A_28 : i1 to i32
    %cond3A_30 = arith.constant 0 : i32
    %cond3A_31 = arith.cmpi ne, %convert_element_type3A_29, %cond3A_30 : i32
    scf.if %cond3A_31 {
      "tpu.region"() ({
        %run_scoped3A = tpu.sem_alloc : memref<!tpu.dma_semaphore, #tpu.memory_space<semaphore_mem>>
        %dma_start3A_711 = arith.constant 0 : i32
        %dma_start3A_712 = tpu.memref_slice %arg12[%mul3A_2, %dma_start3A_711] : memref<10112x32xf32, #tpu.memory_space<vmem_shared>> -> memref<632x32xf32, #tpu.memory_space<vmem_shared>>
        %dma_start3A_713 = arith.constant 0 : i32
        %dma_start3A_714 = tpu.memref_slice %arg12[%mul3A_2, %dma_start3A_713] : memref<10112x32xf32, #tpu.memory_space<vmem_shared>> -> memref<632x32xf32, #tpu.memory_space<vmem_shared>>
        tpu.enqueue_dma source(%arg11 : memref<632x32xf32, #tpu.memory_space<vmem>>) target(%dma_start3A_714 : memref<632x32xf32, #tpu.memory_space<vmem_shared>>) target_semaphore(%run_scoped3A : memref<!tpu.dma_semaphore, #tpu.memory_space<semaphore_mem>>)
        %dma_wait3A_715 = arith.constant 0 : i32
        %dma_wait3A_716 = tpu.memref_slice %arg12[%mul3A_2, %dma_wait3A_715] : memref<10112x32xf32, #tpu.memory_space<vmem_shared>> -> memref<632x32xf32, #tpu.memory_space<vmem_shared>>
        %dma_wait3A_717 = arith.constant 0 : i32
        %dma_wait3A_718 = tpu.memref_slice %arg12[%mul3A_2, %dma_wait3A_717] : memref<10112x32xf32, #tpu.memory_space<vmem_shared>> -> memref<632x32xf32, #tpu.memory_space<vmem_shared>>
        tpu.wait_dma2 semaphore(%run_scoped3A : memref<!tpu.dma_semaphore, #tpu.memory_space<semaphore_mem>>) src(%arg11 : memref<632x32xf32, #tpu.memory_space<vmem>>) dst(%dma_wait3A_718 : memref<632x32xf32, #tpu.memory_space<vmem_shared>>)
        tpu.yield
      }) : () -> ()
    } else {
    }
    %broadcast_in_dim3A = arith.constant 0.000000e+00 : f32
    %broadcast_in_dim3A_32 = vector.broadcast %broadcast_in_dim3A : f32 to vector<16xf32>
    %scan3A = arith.constant 0 : i32
    %scan3A_33 = arith.constant 0 : i32
    %scan3A_34 = arith.constant 632 : i32
    %scan3A_35 = arith.addi %scan3A_33, %scan3A_34 : i32
    %scan3A_36 = arith.constant 4 : i32
    scf.for %scan3A_711 = %scan3A_33 to %scan3A_35 step %scan3A_36  : i32 {
      %swap3A = arith.index_cast %scan3A_711 : i32 to index
      %swap3A_712 = arith.constant 0 : index
      %swap3A_713 = tpu.vector_load %arg11[%swap3A, %swap3A_712] {strides = array<i32>} : memref<632x32xf32, #tpu.memory_space<vmem>>, vector<1x16xf32>,
      %swap3A_714 = vector.shape_cast %swap3A_713 : vector<1x16xf32> to vector<16xf32>
      %swap3A_715 = vector.shape_cast %broadcast_in_dim3A_32 : vector<16xf32> to vector<1x16xf32>
      tpu.vector_store %arg11[%swap3A, %swap3A_712], %swap3A_715 {strides = array<i32>} : memref<632x32xf32, #tpu.memory_space<vmem>>, vector<1x16xf32>,
      %swap3A_716 = arith.index_cast %scan3A_711 : i32 to index
      %swap3A_717 = arith.constant 16 : index
      %swap3A_718 = tpu.vector_load %arg11[%swap3A_716, %swap3A_717] {strides = array<i32>} : memref<632x32xf32, #tpu.memory_space<vmem>>, vector<1x16xf32>,
      %swap3A_719 = vector.shape_cast %swap3A_718 : vector<1x16xf32> to vector<16xf32>
      %swap3A_720 = vector.shape_cast %broadcast_in_dim3A_32 : vector<16xf32> to vector<1x16xf32>
      tpu.vector_store %arg11[%swap3A_716, %swap3A_717], %swap3A_720 {strides = array<i32>} : memref<632x32xf32, #tpu.memory_space<vmem>>, vector<1x16xf32>,
      %scan3A_721 = arith.constant 1 : i32
      %scan3A_722 = arith.addi %scan3A_711, %scan3A_721 : i32
      %swap3A_723 = arith.index_cast %scan3A_722 : i32 to index
      %swap3A_724 = arith.constant 0 : index
      %swap3A_725 = tpu.vector_load %arg11[%swap3A_723, %swap3A_724] {strides = array<i32>} : memref<632x32xf32, #tpu.memory_space<vmem>>, vector<1x16xf32>,
      %swap3A_726 = vector.shape_cast %swap3A_725 : vector<1x16xf32> to vector<16xf32>
      %swap3A_727 = vector.shape_cast %broadcast_in_dim3A_32 : vector<16xf32> to vector<1x16xf32>
      tpu.vector_store %arg11[%swap3A_723, %swap3A_724], %swap3A_727 {strides = array<i32>} : memref<632x32xf32, #tpu.memory_space<vmem>>, vector<1x16xf32>,
      %swap3A_728 = arith.index_cast %scan3A_722 : i32 to index
      %swap3A_729 = arith.constant 16 : index
      %swap3A_730 = tpu.vector_load %arg11[%swap3A_728, %swap3A_729] {strides = array<i32>} : memref<632x32xf32, #tpu.memory_space<vmem>>, vector<1x16xf32>,
      %swap3A_731 = vector.shape_cast %swap3A_730 : vector<1x16xf32> to vector<16xf32>
      %swap3A_732 = vector.shape_cast %broadcast_in_dim3A_32 : vector<16xf32> to vector<1x16xf32>
      tpu.vector_store %arg11[%swap3A_728, %swap3A_729], %swap3A_732 {strides = array<i32>} : memref<632x32xf32, #tpu.memory_space<vmem>>, vector<1x16xf32>,
      %scan3A_733 = arith.constant 2 : i32
      %scan3A_734 = arith.addi %scan3A_711, %scan3A_733 : i32
      %swap3A_735 = arith.index_cast %scan3A_734 : i32 to index
      %swap3A_736 = arith.constant 0 : index
      %swap3A_737 = tpu.vector_load %arg11[%swap3A_735, %swap3A_736] {strides = array<i32>} : memref<632x32xf32, #tpu.memory_space<vmem>>, vector<1x16xf32>,
      %swap3A_738 = vector.shape_cast %swap3A_737 : vector<1x16xf32> to vector<16xf32>
      %swap3A_739 = vector.shape_cast %broadcast_in_dim3A_32 : vector<16xf32> to vector<1x16xf32>
      tpu.vector_store %arg11[%swap3A_735, %swap3A_736], %swap3A_739 {strides = array<i32>} : memref<632x32xf32, #tpu.memory_space<vmem>>, vector<1x16xf32>,
      %swap3A_740 = arith.index_cast %scan3A_734 : i32 to index
      %swap3A_741 = arith.constant 16 : index
      %swap3A_742 = tpu.vector_load %arg11[%swap3A_740, %swap3A_741] {strides = array<i32>} : memref<632x32xf32, #tpu.memory_space<vmem>>, vector<1x16xf32>,
      %swap3A_743 = vector.shape_cast %swap3A_742 : vector<1x16xf32> to vector<16xf32>
      %swap3A_744 = vector.shape_cast %broadcast_in_dim3A_32 : vector<16xf32> to vector<1x16xf32>
      tpu.vector_store %arg11[%swap3A_740, %swap3A_741], %swap3A_744 {strides = array<i32>} : memref<632x32xf32, #tpu.memory_space<vmem>>, vector<1x16xf32>,
      %scan3A_745 = arith.constant 3 : i32
      %scan3A_746 = arith.addi %scan3A_711, %scan3A_745 : i32
      %swap3A_747 = arith.index_cast %scan3A_746 : i32 to index
      %swap3A_748 = arith.constant 0 : index
      %swap3A_749 = tpu.vector_load %arg11[%swap3A_747, %swap3A_748] {strides = array<i32>} : memref<632x32xf32, #tpu.memory_space<vmem>>, vector<1x16xf32>,
      %swap3A_750 = vector.shape_cast %swap3A_749 : vector<1x16xf32> to vector<16xf32>
      %swap3A_751 = vector.shape_cast %broadcast_in_dim3A_32 : vector<16xf32> to vector<1x16xf32>
      tpu.vector_store %arg11[%swap3A_747, %swap3A_748], %swap3A_751 {strides = array<i32>} : memref<632x32xf32, #tpu.memory_space<vmem>>, vector<1x16xf32>,
      %swap3A_752 = arith.index_cast %scan3A_746 : i32 to index
      %swap3A_753 = arith.constant 16 : index
      %swap3A_754 = tpu.vector_load %arg11[%swap3A_752, %swap3A_753] {strides = array<i32>} : memref<632x32xf32, #tpu.memory_space<vmem>>, vector<1x16xf32>,
      %swap3A_755 = vector.shape_cast %swap3A_754 : vector<1x16xf32> to vector<16xf32>
      %swap3A_756 = vector.shape_cast %broadcast_in_dim3A_32 : vector<16xf32> to vector<1x16xf32>
      tpu.vector_store %arg11[%swap3A_752, %swap3A_753], %swap3A_756 {strides = array<i32>} : memref<632x32xf32, #tpu.memory_space<vmem>>, vector<1x16xf32>,
    }
    %scan3A_37 = arith.constant 632 : i32
    %eq3A_38 = arith.constant 1 : i32
    %eq3A_39 = arith.cmpi eq, %arg0, %eq3A_38 : i32
    %convert_element_type3A_40 = arith.extui %eq3A_39 : i1 to i32
    %cond3A_41 = arith.constant 0 : i32
    %cond3A_42 = arith.cmpi ne, %convert_element_type3A_40, %cond3A_41 : i32
    scf.if %cond3A_42 {
      "tpu.region"() ({
        %run_scoped3A = tpu.sem_alloc : memref<!tpu.dma_semaphore, #tpu.memory_space<semaphore_mem>>
        %dma_start3A_711 = arith.constant 0 : i32
        %dma_start3A_712 = tpu.memref_slice %arg12[%mul3A_2, %dma_start3A_711] : memref<10112x32xf32, #tpu.memory_space<vmem_shared>> -> memref<632x32xf32, #tpu.memory_space<vmem_shared>>
        %dma_start3A_713 = arith.constant 0 : i32
        %dma_start3A_714 = tpu.memref_slice %arg12[%mul3A_2, %dma_start3A_713] : memref<10112x32xf32, #tpu.memory_space<vmem_shared>> -> memref<632x32xf32, #tpu.memory_space<vmem_shared>>
        tpu.enqueue_dma source(%arg11 : memref<632x32xf32, #tpu.memory_space<vmem>>) target(%dma_start3A_714 : memref<632x32xf32, #tpu.memory_space<vmem_shared>>) target_semaphore(%run_scoped3A : memref<!tpu.dma_semaphore, #tpu.memory_space<semaphore_mem>>)
        %dma_wait3A_715 = arith.constant 0 : i32
        %dma_wait3A_716 = tpu.memref_slice %arg12[%mul3A_2, %dma_wait3A_715] : memref<10112x32xf32, #tpu.memory_space<vmem_shared>> -> memref<632x32xf32, #tpu.memory_space<vmem_shared>>
        %dma_wait3A_717 = arith.constant 0 : i32
        %dma_wait3A_718 = tpu.memref_slice %arg12[%mul3A_2, %dma_wait3A_717] : memref<10112x32xf32, #tpu.memory_space<vmem_shared>> -> memref<632x32xf32, #tpu.memory_space<vmem_shared>>
        tpu.wait_dma2 semaphore(%run_scoped3A : memref<!tpu.dma_semaphore, #tpu.memory_space<semaphore_mem>>) src(%arg11 : memref<632x32xf32, #tpu.memory_space<vmem>>) dst(%dma_wait3A_718 : memref<632x32xf32, #tpu.memory_space<vmem_shared>>)
        tpu.yield
      }) : () -> ()
    } else {
    }
    %barrier3A = arith.constant 0 : index
    tpu.barrier barrier_id(%barrier3A)
    %dma_wait3A = arith.constant 0 : i32
    %dma_wait3A_43 = arith.constant 0 : i32
    %dma_wait3A_44 = tpu.memref_slice %arg5[%dma_wait3A_43] : memref<10112xi32, #tpu.memory_space<vmem>> -> memref<9984xi32, #tpu.memory_space<vmem>>
    %dma_wait3A_45 = tpu.memref_slice %arg3[%dma_wait3A, %add3A_8] : memref<2x320000xi32, #tpu.memory_space<hbm>> -> memref<1x9984xi32, #tpu.memory_space<hbm>>
    %dma_wait3A_46 = tpu.memref_squeeze %dma_wait3A_45 : memref<1x9984xi32, #tpu.memory_space<hbm>> -> memref<9984xi32, #tpu.memory_space<hbm>>
    %dma_wait3A_47 = arith.constant 0 : i32
    %dma_wait3A_48 = tpu.memref_slice %arg5[%dma_wait3A_47] : memref<10112xi32, #tpu.memory_space<vmem>> -> memref<9984xi32, #tpu.memory_space<vmem>>
    %dma_wait3A_49 = tpu.memref_slice %arg3[%dma_wait3A, %add3A_8] : memref<2x320000xi32, #tpu.memory_space<hbm>> -> memref<1x9984xi32, #tpu.memory_space<hbm>>
    %dma_wait3A_50 = tpu.memref_squeeze %dma_wait3A_49 : memref<1x9984xi32, #tpu.memory_space<hbm>> -> memref<9984xi32, #tpu.memory_space<hbm>>
    tpu.wait_dma2 semaphore(%arg22 : memref<!tpu.dma_semaphore, #tpu.memory_space<semaphore_mem>>) src(%dma_wait3A_50 : memref<9984xi32, #tpu.memory_space<hbm>>) dst(%dma_wait3A_48 : memref<9984xi32, #tpu.memory_space<vmem>>)
    %dma_wait3A_51 = arith.constant 1 : i32
    %dma_wait3A_52 = arith.constant 0 : i32
    %dma_wait3A_53 = tpu.memref_slice %arg6[%dma_wait3A_52] : memref<10112xi32, #tpu.memory_space<vmem>> -> memref<9984xi32, #tpu.memory_space<vmem>>
    %dma_wait3A_54 = tpu.memref_slice %arg3[%dma_wait3A_51, %add3A_8] : memref<2x320000xi32, #tpu.memory_space<hbm>> -> memref<1x9984xi32, #tpu.memory_space<hbm>>
    %dma_wait3A_55 = tpu.memref_squeeze %dma_wait3A_54 : memref<1x9984xi32, #tpu.memory_space<hbm>> -> memref<9984xi32, #tpu.memory_space<hbm>>
    %dma_wait3A_56 = arith.constant 0 : i32
    %dma_wait3A_57 = tpu.memref_slice %arg6[%dma_wait3A_56] : memref<10112xi32, #tpu.memory_space<vmem>> -> memref<9984xi32, #tpu.memory_space<vmem>>
    %dma_wait3A_58 = tpu.memref_slice %arg3[%dma_wait3A_51, %add3A_8] : memref<2x320000xi32, #tpu.memory_space<hbm>> -> memref<1x9984xi32, #tpu.memory_space<hbm>>
    %dma_wait3A_59 = tpu.memref_squeeze %dma_wait3A_58 : memref<1x9984xi32, #tpu.memory_space<hbm>> -> memref<9984xi32, #tpu.memory_space<hbm>>
    tpu.wait_dma2 semaphore(%arg23 : memref<!tpu.dma_semaphore, #tpu.memory_space<semaphore_mem>>) src(%dma_wait3A_59 : memref<9984xi32, #tpu.memory_space<hbm>>) dst(%dma_wait3A_57 : memref<9984xi32, #tpu.memory_space<vmem>>)
    %lt3A_60 = arith.constant 4 : i32
    %lt3A_61 = arith.cmpi slt, %add3A, %lt3A_60 : i32
    %convert_element_type3A_62 = arith.extui %lt3A_61 : i1 to i32
    %cond3A_63 = arith.constant 0 : i32
    %cond3A_64 = arith.cmpi ne, %convert_element_type3A_62, %cond3A_63 : i32
    scf.if %cond3A_64 {
      %add3A_711 = arith.constant 9984 : i32
      %add3A_712 = arith.addi %add3A_8, %add3A_711 : i32
      %dma_wait3A_713 = arith.constant 0 : i32
      %dma_wait3A_714 = arith.constant 9984 : i32
      %dma_wait3A_715 = tpu.memref_slice %arg5[%dma_wait3A_714] : memref<10112xi32, #tpu.memory_space<vmem>> -> memref<128xi32, #tpu.memory_space<vmem>>
      %dma_wait3A_716 = tpu.memref_slice %arg3[%dma_wait3A_713, %add3A_712] : memref<2x320000xi32, #tpu.memory_space<hbm>> -> memref<1x128xi32, #tpu.memory_space<hbm>>
      %dma_wait3A_717 = tpu.memref_squeeze %dma_wait3A_716 : memref<1x128xi32, #tpu.memory_space<hbm>> -> memref<128xi32, #tpu.memory_space<hbm>>
      %dma_wait3A_718 = arith.constant 9984 : i32
      %dma_wait3A_719 = tpu.memref_slice %arg5[%dma_wait3A_718] : memref<10112xi32, #tpu.memory_space<vmem>> -> memref<128xi32, #tpu.memory_space<vmem>>
      %dma_wait3A_720 = tpu.memref_slice %arg3[%dma_wait3A_713, %add3A_712] : memref<2x320000xi32, #tpu.memory_space<hbm>> -> memref<1x128xi32, #tpu.memory_space<hbm>>
      %dma_wait3A_721 = tpu.memref_squeeze %dma_wait3A_720 : memref<1x128xi32, #tpu.memory_space<hbm>> -> memref<128xi32, #tpu.memory_space<hbm>>
      tpu.wait_dma2 semaphore(%arg22 : memref<!tpu.dma_semaphore, #tpu.memory_space<semaphore_mem>>) src(%dma_wait3A_721 : memref<128xi32, #tpu.memory_space<hbm>>) dst(%dma_wait3A_719 : memref<128xi32, #tpu.memory_space<vmem>>)
      %add3A_722 = arith.constant 9984 : i32
      %add3A_723 = arith.addi %add3A_8, %add3A_722 : i32
      %dma_wait3A_724 = arith.constant 1 : i32
      %dma_wait3A_725 = arith.constant 9984 : i32
      %dma_wait3A_726 = tpu.memref_slice %arg6[%dma_wait3A_725] : memref<10112xi32, #tpu.memory_space<vmem>> -> memref<128xi32, #tpu.memory_space<vmem>>
      %dma_wait3A_727 = tpu.memref_slice %arg3[%dma_wait3A_724, %add3A_723] : memref<2x320000xi32, #tpu.memory_space<hbm>> -> memref<1x128xi32, #tpu.memory_space<hbm>>
      %dma_wait3A_728 = tpu.memref_squeeze %dma_wait3A_727 : memref<1x128xi32, #tpu.memory_space<hbm>> -> memref<128xi32, #tpu.memory_space<hbm>>
      %dma_wait3A_729 = arith.constant 9984 : i32
      %dma_wait3A_730 = tpu.memref_slice %arg6[%dma_wait3A_729] : memref<10112xi32, #tpu.memory_space<vmem>> -> memref<128xi32, #tpu.memory_space<vmem>>
      %dma_wait3A_731 = tpu.memref_slice %arg3[%dma_wait3A_724, %add3A_723] : memref<2x320000xi32, #tpu.memory_space<hbm>> -> memref<1x128xi32, #tpu.memory_space<hbm>>
      %dma_wait3A_732 = tpu.memref_squeeze %dma_wait3A_731 : memref<1x128xi32, #tpu.memory_space<hbm>> -> memref<128xi32, #tpu.memory_space<hbm>>
      tpu.wait_dma2 semaphore(%arg23 : memref<!tpu.dma_semaphore, #tpu.memory_space<semaphore_mem>>) src(%dma_wait3A_732 : memref<128xi32, #tpu.memory_space<hbm>>) dst(%dma_wait3A_730 : memref<128xi32, #tpu.memory_space<vmem>>)
    } else {
    }
    %dma_start3A_65 = arith.constant 0 : i32
    %dma_start3A_66 = tpu.memref_slice %arg5[%dma_start3A_65] : memref<10112xi32, #tpu.memory_space<vmem>> -> memref<312xi32, #tpu.memory_space<vmem>>
    %dma_start3A_67 = arith.constant 0 : i32
    %dma_start3A_68 = arith.constant 0 : i32
    %dma_start3A_69 = tpu.memref_slice %arg13[%dma_start3A_67, %dma_start3A_68] : memref<10112x32xf32, #tpu.memory_space<vmem_shared>> -> memref<10112x32xf32, #tpu.memory_space<vmem_shared>>
    tpu.enqueue_indirect_dma source(%dma_start3A_69 : memref<10112x32xf32, #tpu.memory_space<vmem_shared>>) target(%arg7 : memref<312x32xf32, #tpu.memory_space<vmem>>) offsets(%dma_start3A_66 : memref<312xi32, #tpu.memory_space<vmem>>) semaphore(%arg14 : memref<!tpu.dma_semaphore, #tpu.memory_space<semaphore_mem>>)
    %dma_start3A_70 = arith.constant 312 : i32
    %dma_start3A_71 = tpu.memref_slice %arg5[%dma_start3A_70] : memref<10112xi32, #tpu.memory_space<vmem>> -> memref<312xi32, #tpu.memory_space<vmem>>
    %dma_start3A_72 = arith.constant 0 : i32
    %dma_start3A_73 = arith.constant 0 : i32
    %dma_start3A_74 = tpu.memref_slice %arg13[%dma_start3A_72, %dma_start3A_73] : memref<10112x32xf32, #tpu.memory_space<vmem_shared>> -> memref<10112x32xf32, #tpu.memory_space<vmem_shared>>
    tpu.enqueue_indirect_dma source(%dma_start3A_74 : memref<10112x32xf32, #tpu.memory_space<vmem_shared>>) target(%arg8 : memref<312x32xf32, #tpu.memory_space<vmem>>) offsets(%dma_start3A_71 : memref<312xi32, #tpu.memory_space<vmem>>) semaphore(%arg15 : memref<!tpu.dma_semaphore, #tpu.memory_space<semaphore_mem>>)
    %dma_wait3A_75 = arith.constant 0 : i32
    %dma_wait3A_76 = tpu.memref_slice %arg5[%dma_wait3A_75] : memref<10112xi32, #tpu.memory_space<vmem>> -> memref<312xi32, #tpu.memory_space<vmem>>
    %dma_wait3A_77 = arith.constant 0 : i32
    %dma_wait3A_78 = arith.constant 0 : i32
    %dma_wait3A_79 = tpu.memref_slice %arg13[%dma_wait3A_77, %dma_wait3A_78] : memref<10112x32xf32, #tpu.memory_space<vmem_shared>> -> memref<10112x32xf32, #tpu.memory_space<vmem_shared>>
    tpu.wait_indirect_dma semaphore(%arg14 : memref<!tpu.dma_semaphore, #tpu.memory_space<semaphore_mem>>) src(%dma_wait3A_79 : memref<10112x32xf32, #tpu.memory_space<vmem_shared>>) dst(%arg7 : memref<312x32xf32, #tpu.memory_space<vmem>>)
    %dma_start3A_80 = arith.constant 0 : i32
    %dma_start3A_81 = tpu.memref_slice %arg6[%dma_start3A_80] : memref<10112xi32, #tpu.memory_space<vmem>> -> memref<312xi32, #tpu.memory_space<vmem>>
    %dma_start3A_82 = arith.constant 0 : i32
    %dma_start3A_83 = arith.constant 0 : i32
    %dma_start3A_84 = tpu.memref_slice %arg12[%dma_start3A_82, %dma_start3A_83] : memref<10112x32xf32, #tpu.memory_space<vmem_shared>> -> memref<10112x32xf32, #tpu.memory_space<vmem_shared>>
    tpu.enqueue_indirect_dma source(%arg7 : memref<312x32xf32, #tpu.memory_space<vmem>>) target(%dma_start3A_84 : memref<10112x32xf32, #tpu.memory_space<vmem_shared>>) offsets(%dma_start3A_81 : memref<312xi32, #tpu.memory_space<vmem>>) semaphore(%arg18 : memref<!tpu.dma_semaphore, #tpu.memory_space<semaphore_mem>>) {add = true}
    %dma_start3A_85 = arith.constant 624 : i32
    %dma_start3A_86 = tpu.memref_slice %arg5[%dma_start3A_85] : memref<10112xi32, #tpu.memory_space<vmem>> -> memref<312xi32, #tpu.memory_space<vmem>>
    %dma_start3A_87 = arith.constant 0 : i32
    %dma_start3A_88 = arith.constant 0 : i32
    %dma_start3A_89 = tpu.memref_slice %arg13[%dma_start3A_87, %dma_start3A_88] : memref<10112x32xf32, #tpu.memory_space<vmem_shared>> -> memref<10112x32xf32, #tpu.memory_space<vmem_shared>>
    tpu.enqueue_indirect_dma source(%dma_start3A_89 : memref<10112x32xf32, #tpu.memory_space<vmem_shared>>) target(%arg9 : memref<312x32xf32, #tpu.memory_space<vmem>>) offsets(%dma_start3A_86 : memref<312xi32, #tpu.memory_space<vmem>>) semaphore(%arg16 : memref<!tpu.dma_semaphore, #tpu.memory_space<semaphore_mem>>)
    %dma_wait3A_90 = arith.constant 312 : i32
    %dma_wait3A_91 = tpu.memref_slice %arg5[%dma_wait3A_90] : memref<10112xi32, #tpu.memory_space<vmem>> -> memref<312xi32, #tpu.memory_space<vmem>>
    %dma_wait3A_92 = arith.constant 0 : i32
    %dma_wait3A_93 = arith.constant 0 : i32
    %dma_wait3A_94 = tpu.memref_slice %arg13[%dma_wait3A_92, %dma_wait3A_93] : memref<10112x32xf32, #tpu.memory_space<vmem_shared>> -> memref<10112x32xf32, #tpu.memory_space<vmem_shared>>
    tpu.wait_indirect_dma semaphore(%arg15 : memref<!tpu.dma_semaphore, #tpu.memory_space<semaphore_mem>>) src(%dma_wait3A_94 : memref<10112x32xf32, #tpu.memory_space<vmem_shared>>) dst(%arg8 : memref<312x32xf32, #tpu.memory_space<vmem>>)
    %dma_start3A_95 = arith.constant 312 : i32
    %dma_start3A_96 = tpu.memref_slice %arg6[%dma_start3A_95] : memref<10112xi32, #tpu.memory_space<vmem>> -> memref<312xi32, #tpu.memory_space<vmem>>
    %dma_start3A_97 = arith.constant 0 : i32
    %dma_start3A_98 = arith.constant 0 : i32
    %dma_start3A_99 = tpu.memref_slice %arg12[%dma_start3A_97, %dma_start3A_98] : memref<10112x32xf32, #tpu.memory_space<vmem_shared>> -> memref<10112x32xf32, #tpu.memory_space<vmem_shared>>
    tpu.enqueue_indirect_dma source(%arg8 : memref<312x32xf32, #tpu.memory_space<vmem>>) target(%dma_start3A_99 : memref<10112x32xf32, #tpu.memory_space<vmem_shared>>) offsets(%dma_start3A_96 : memref<312xi32, #tpu.memory_space<vmem>>) semaphore(%arg19 : memref<!tpu.dma_semaphore, #tpu.memory_space<semaphore_mem>>) {add = true}
    %dma_start3A_100 = arith.constant 936 : i32
    %dma_start3A_101 = tpu.memref_slice %arg5[%dma_start3A_100] : memref<10112xi32, #tpu.memory_space<vmem>> -> memref<312xi32, #tpu.memory_space<vmem>>
    %dma_start3A_102 = arith.constant 0 : i32
    %dma_start3A_103 = arith.constant 0 : i32
    %dma_start3A_104 = tpu.memref_slice %arg13[%dma_start3A_102, %dma_start3A_103] : memref<10112x32xf32, #tpu.memory_space<vmem_shared>> -> memref<10112x32xf32, #tpu.memory_space<vmem_shared>>
    tpu.enqueue_indirect_dma source(%dma_start3A_104 : memref<10112x32xf32, #tpu.memory_space<vmem_shared>>) target(%arg10 : memref<312x32xf32, #tpu.memory_space<vmem>>) offsets(%dma_start3A_101 : memref<312xi32, #tpu.memory_space<vmem>>) semaphore(%arg17 : memref<!tpu.dma_semaphore, #tpu.memory_space<semaphore_mem>>)
    %dma_wait3A_105 = arith.constant 624 : i32
    %dma_wait3A_106 = tpu.memref_slice %arg5[%dma_wait3A_105] : memref<10112xi32, #tpu.memory_space<vmem>> -> memref<312xi32, #tpu.memory_space<vmem>>
    %dma_wait3A_107 = arith.constant 0 : i32
    %dma_wait3A_108 = arith.constant 0 : i32
    %dma_wait3A_109 = tpu.memref_slice %arg13[%dma_wait3A_107, %dma_wait3A_108] : memref<10112x32xf32, #tpu.memory_space<vmem_shared>> -> memref<10112x32xf32, #tpu.memory_space<vmem_shared>>
    tpu.wait_indirect_dma semaphore(%arg16 : memref<!tpu.dma_semaphore, #tpu.memory_space<semaphore_mem>>) src(%dma_wait3A_109 : memref<10112x32xf32, #tpu.memory_space<vmem_shared>>) dst(%arg9 : memref<312x32xf32, #tpu.memory_space<vmem>>)
    %dma_wait3A_110 = arith.constant 0 : i32
    %dma_wait3A_111 = tpu.memref_slice %arg6[%dma_wait3A_110] : memref<10112xi32, #tpu.memory_space<vmem>> -> memref<312xi32, #tpu.memory_space<vmem>>
    %dma_wait3A_112 = arith.constant 0 : i32
    %dma_wait3A_113 = arith.constant 0 : i32
    %dma_wait3A_114 = tpu.memref_slice %arg12[%dma_wait3A_112, %dma_wait3A_113] : memref<10112x32xf32, #tpu.memory_space<vmem_shared>> -> memref<10112x32xf32, #tpu.memory_space<vmem_shared>>
    tpu.wait_indirect_dma semaphore(%arg18 : memref<!tpu.dma_semaphore, #tpu.memory_space<semaphore_mem>>) src(%arg7 : memref<312x32xf32, #tpu.memory_space<vmem>>) dst(%dma_wait3A_114 : memref<10112x32xf32, #tpu.memory_space<vmem_shared>>)
    %dma_start3A_115 = arith.constant 624 : i32
    %dma_start3A_116 = tpu.memref_slice %arg6[%dma_start3A_115] : memref<10112xi32, #tpu.memory_space<vmem>> -> memref<312xi32, #tpu.memory_space<vmem>>
    %dma_start3A_117 = arith.constant 0 : i32
    %dma_start3A_118 = arith.constant 0 : i32
    %dma_start3A_119 = tpu.memref_slice %arg12[%dma_start3A_117, %dma_start3A_118] : memref<10112x32xf32, #tpu.memory_space<vmem_shared>> -> memref<10112x32xf32, #tpu.memory_space<vmem_shared>>
    tpu.enqueue_indirect_dma source(%arg9 : memref<312x32xf32, #tpu.memory_space<vmem>>) target(%dma_start3A_119 : memref<10112x32xf32, #tpu.memory_space<vmem_shared>>) offsets(%dma_start3A_116 : memref<312xi32, #tpu.memory_space<vmem>>) semaphore(%arg20 : memref<!tpu.dma_semaphore, #tpu.memory_space<semaphore_mem>>) {add = true}
    %dma_start3A_120 = arith.constant 1248 : i32
    %dma_start3A_121 = tpu.memref_slice %arg5[%dma_start3A_120] : memref<10112xi32, #tpu.memory_space<vmem>> -> memref<312xi32, #tpu.memory_space<vmem>>
    %dma_start3A_122 = arith.constant 0 : i32
    %dma_start3A_123 = arith.constant 0 : i32
    %dma_start3A_124 = tpu.memref_slice %arg13[%dma_start3A_122, %dma_start3A_123] : memref<10112x32xf32, #tpu.memory_space<vmem_shared>> -> memref<10112x32xf32, #tpu.memory_space<vmem_shared>>
    tpu.enqueue_indirect_dma source(%dma_start3A_124 : memref<10112x32xf32, #tpu.memory_space<vmem_shared>>) target(%arg7 : memref<312x32xf32, #tpu.memory_space<vmem>>) offsets(%dma_start3A_121 : memref<312xi32, #tpu.memory_space<vmem>>) semaphore(%arg14 : memref<!tpu.dma_semaphore, #tpu.memory_space<semaphore_mem>>)
    %dma_wait3A_125 = arith.constant 936 : i32
    %dma_wait3A_126 = tpu.memref_slice %arg5[%dma_wait3A_125] : memref<10112xi32, #tpu.memory_space<vmem>> -> memref<312xi32, #tpu.memory_space<vmem>>
    %dma_wait3A_127 = arith.constant 0 : i32
    %dma_wait3A_128 = arith.constant 0 : i32
    %dma_wait3A_129 = tpu.memref_slice %arg13[%dma_wait3A_127, %dma_wait3A_128] : memref<10112x32xf32, #tpu.memory_space<vmem_shared>> -> memref<10112x32xf32, #tpu.memory_space<vmem_shared>>
    tpu.wait_indirect_dma semaphore(%arg17 : memref<!tpu.dma_semaphore, #tpu.memory_space<semaphore_mem>>) src(%dma_wait3A_129 : memref<10112x32xf32, #tpu.memory_space<vmem_shared>>) dst(%arg10 : memref<312x32xf32, #tpu.memory_space<vmem>>)
    %dma_wait3A_130 = arith.constant 312 : i32
    %dma_wait3A_131 = tpu.memref_slice %arg6[%dma_wait3A_130] : memref<10112xi32, #tpu.memory_space<vmem>> -> memref<312xi32, #tpu.memory_space<vmem>>
    %dma_wait3A_132 = arith.constant 0 : i32
    %dma_wait3A_133 = arith.constant 0 : i32
    %dma_wait3A_134 = tpu.memref_slice %arg12[%dma_wait3A_132, %dma_wait3A_133] : memref<10112x32xf32, #tpu.memory_space<vmem_shared>> -> memref<10112x32xf32, #tpu.memory_space<vmem_shared>>
    tpu.wait_indirect_dma semaphore(%arg19 : memref<!tpu.dma_semaphore, #tpu.memory_space<semaphore_mem>>) src(%arg8 : memref<312x32xf32, #tpu.memory_space<vmem>>) dst(%dma_wait3A_134 : memref<10112x32xf32, #tpu.memory_space<vmem_shared>>)
    %dma_start3A_135 = arith.constant 936 : i32
    %dma_start3A_136 = tpu.memref_slice %arg6[%dma_start3A_135] : memref<10112xi32, #tpu.memory_space<vmem>> -> memref<312xi32, #tpu.memory_space<vmem>>
    %dma_start3A_137 = arith.constant 0 : i32
    %dma_start3A_138 = arith.constant 0 : i32
    %dma_start3A_139 = tpu.memref_slice %arg12[%dma_start3A_137, %dma_start3A_138] : memref<10112x32xf32, #tpu.memory_space<vmem_shared>> -> memref<10112x32xf32, #tpu.memory_space<vmem_shared>>
    tpu.enqueue_indirect_dma source(%arg10 : memref<312x32xf32, #tpu.memory_space<vmem>>) target(%dma_start3A_139 : memref<10112x32xf32, #tpu.memory_space<vmem_shared>>) offsets(%dma_start3A_136 : memref<312xi32, #tpu.memory_space<vmem>>) semaphore(%arg21 : memref<!tpu.dma_semaphore, #tpu.memory_space<semaphore_mem>>) {add = true}
    %dma_start3A_140 = arith.constant 1560 : i32
    %dma_start3A_141 = tpu.memref_slice %arg5[%dma_start3A_140] : memref<10112xi32, #tpu.memory_space<vmem>> -> memref<312xi32, #tpu.memory_space<vmem>>
    %dma_start3A_142 = arith.constant 0 : i32
    %dma_start3A_143 = arith.constant 0 : i32
    %dma_start3A_144 = tpu.memref_slice %arg13[%dma_start3A_142, %dma_start3A_143] : memref<10112x32xf32, #tpu.memory_space<vmem_shared>> -> memref<10112x32xf32, #tpu.memory_space<vmem_shared>>
    tpu.enqueue_indirect_dma source(%dma_start3A_144 : memref<10112x32xf32, #tpu.memory_space<vmem_shared>>) target(%arg8 : memref<312x32xf32, #tpu.memory_space<vmem>>) offsets(%dma_start3A_141 : memref<312xi32, #tpu.memory_space<vmem>>) semaphore(%arg15 : memref<!tpu.dma_semaphore, #tpu.memory_space<semaphore_mem>>)
    %dma_wait3A_145 = arith.constant 1248 : i32
    %dma_wait3A_146 = tpu.memref_slice %arg5[%dma_wait3A_145] : memref<10112xi32, #tpu.memory_space<vmem>> -> memref<312xi32, #tpu.memory_space<vmem>>
    %dma_wait3A_147 = arith.constant 0 : i32
    %dma_wait3A_148 = arith.constant 0 : i32
    %dma_wait3A_149 = tpu.memref_slice %arg13[%dma_wait3A_147, %dma_wait3A_148] : memref<10112x32xf32, #tpu.memory_space<vmem_shared>> -> memref<10112x32xf32, #tpu.memory_space<vmem_shared>>
    tpu.wait_indirect_dma semaphore(%arg14 : memref<!tpu.dma_semaphore, #tpu.memory_space<semaphore_mem>>) src(%dma_wait3A_149 : memref<10112x32xf32, #tpu.memory_space<vmem_shared>>) dst(%arg7 : memref<312x32xf32, #tpu.memory_space<vmem>>)
    %dma_wait3A_150 = arith.constant 624 : i32
    %dma_wait3A_151 = tpu.memref_slice %arg6[%dma_wait3A_150] : memref<10112xi32, #tpu.memory_space<vmem>> -> memref<312xi32, #tpu.memory_space<vmem>>
    %dma_wait3A_152 = arith.constant 0 : i32
    %dma_wait3A_153 = arith.constant 0 : i32
    %dma_wait3A_154 = tpu.memref_slice %arg12[%dma_wait3A_152, %dma_wait3A_153] : memref<10112x32xf32, #tpu.memory_space<vmem_shared>> -> memref<10112x32xf32, #tpu.memory_space<vmem_shared>>
    tpu.wait_indirect_dma semaphore(%arg20 : memref<!tpu.dma_semaphore, #tpu.memory_space<semaphore_mem>>) src(%arg9 : memref<312x32xf32, #tpu.memory_space<vmem>>) dst(%dma_wait3A_154 : memref<10112x32xf32, #tpu.memory_space<vmem_shared>>)
    %dma_start3A_155 = arith.constant 1248 : i32
    %dma_start3A_156 = tpu.memref_slice %arg6[%dma_start3A_155] : memref<10112xi32, #tpu.memory_space<vmem>> -> memref<312xi32, #tpu.memory_space<vmem>>
    %dma_start3A_157 = arith.constant 0 : i32
    %dma_start3A_158 = arith.constant 0 : i32
    %dma_start3A_159 = tpu.memref_slice %arg12[%dma_start3A_157, %dma_start3A_158] : memref<10112x32xf32, #tpu.memory_space<vmem_shared>> -> memref<10112x32xf32, #tpu.memory_space<vmem_shared>>
    tpu.enqueue_indirect_dma source(%arg7 : memref<312x32xf32, #tpu.memory_space<vmem>>) target(%dma_start3A_159 : memref<10112x32xf32, #tpu.memory_space<vmem_shared>>) offsets(%dma_start3A_156 : memref<312xi32, #tpu.memory_space<vmem>>) semaphore(%arg18 : memref<!tpu.dma_semaphore, #tpu.memory_space<semaphore_mem>>) {add = true}
    %dma_start3A_160 = arith.constant 1872 : i32
    %dma_start3A_161 = tpu.memref_slice %arg5[%dma_start3A_160] : memref<10112xi32, #tpu.memory_space<vmem>> -> memref<312xi32, #tpu.memory_space<vmem>>
    %dma_start3A_162 = arith.constant 0 : i32
    %dma_start3A_163 = arith.constant 0 : i32
    %dma_start3A_164 = tpu.memref_slice %arg13[%dma_start3A_162, %dma_start3A_163] : memref<10112x32xf32, #tpu.memory_space<vmem_shared>> -> memref<10112x32xf32, #tpu.memory_space<vmem_shared>>
    tpu.enqueue_indirect_dma source(%dma_start3A_164 : memref<10112x32xf32, #tpu.memory_space<vmem_shared>>) target(%arg9 : memref<312x32xf32, #tpu.memory_space<vmem>>) offsets(%dma_start3A_161 : memref<312xi32, #tpu.memory_space<vmem>>) semaphore(%arg16 : memref<!tpu.dma_semaphore, #tpu.memory_space<semaphore_mem>>)
    %dma_wait3A_165 = arith.constant 1560 : i32
    %dma_wait3A_166 = tpu.memref_slice %arg5[%dma_wait3A_165] : memref<10112xi32, #tpu.memory_space<vmem>> -> memref<312xi32, #tpu.memory_space<vmem>>
    %dma_wait3A_167 = arith.constant 0 : i32
    %dma_wait3A_168 = arith.constant 0 : i32
    %dma_wait3A_169 = tpu.memref_slice %arg13[%dma_wait3A_167, %dma_wait3A_168] : memref<10112x32xf32, #tpu.memory_space<vmem_shared>> -> memref<10112x32xf32, #tpu.memory_space<vmem_shared>>
    tpu.wait_indirect_dma semaphore(%arg15 : memref<!tpu.dma_semaphore, #tpu.memory_space<semaphore_mem>>) src(%dma_wait3A_169 : memref<10112x32xf32, #tpu.memory_space<vmem_shared>>) dst(%arg8 : memref<312x32xf32, #tpu.memory_space<vmem>>)
    %dma_wait3A_170 = arith.constant 936 : i32
    %dma_wait3A_171 = tpu.memref_slice %arg6[%dma_wait3A_170] : memref<10112xi32, #tpu.memory_space<vmem>> -> memref<312xi32, #tpu.memory_space<vmem>>
    %dma_wait3A_172 = arith.constant 0 : i32
    %dma_wait3A_173 = arith.constant 0 : i32
    %dma_wait3A_174 = tpu.memref_slice %arg12[%dma_wait3A_172, %dma_wait3A_173] : memref<10112x32xf32, #tpu.memory_space<vmem_shared>> -> memref<10112x32xf32, #tpu.memory_space<vmem_shared>>
    tpu.wait_indirect_dma semaphore(%arg21 : memref<!tpu.dma_semaphore, #tpu.memory_space<semaphore_mem>>) src(%arg10 : memref<312x32xf32, #tpu.memory_space<vmem>>) dst(%dma_wait3A_174 : memref<10112x32xf32, #tpu.memory_space<vmem_shared>>)
    %dma_start3A_175 = arith.constant 1560 : i32
    %dma_start3A_176 = tpu.memref_slice %arg6[%dma_start3A_175] : memref<10112xi32, #tpu.memory_space<vmem>> -> memref<312xi32, #tpu.memory_space<vmem>>
    %dma_start3A_177 = arith.constant 0 : i32
    %dma_start3A_178 = arith.constant 0 : i32
    %dma_start3A_179 = tpu.memref_slice %arg12[%dma_start3A_177, %dma_start3A_178] : memref<10112x32xf32, #tpu.memory_space<vmem_shared>> -> memref<10112x32xf32, #tpu.memory_space<vmem_shared>>
    tpu.enqueue_indirect_dma source(%arg8 : memref<312x32xf32, #tpu.memory_space<vmem>>) target(%dma_start3A_179 : memref<10112x32xf32, #tpu.memory_space<vmem_shared>>) offsets(%dma_start3A_176 : memref<312xi32, #tpu.memory_space<vmem>>) semaphore(%arg19 : memref<!tpu.dma_semaphore, #tpu.memory_space<semaphore_mem>>) {add = true}
    %dma_start3A_180 = arith.constant 2184 : i32
    %dma_start3A_181 = tpu.memref_slice %arg5[%dma_start3A_180] : memref<10112xi32, #tpu.memory_space<vmem>> -> memref<312xi32, #tpu.memory_space<vmem>>
    %dma_start3A_182 = arith.constant 0 : i32
    %dma_start3A_183 = arith.constant 0 : i32
    %dma_start3A_184 = tpu.memref_slice %arg13[%dma_start3A_182, %dma_start3A_183] : memref<10112x32xf32, #tpu.memory_space<vmem_shared>> -> memref<10112x32xf32, #tpu.memory_space<vmem_shared>>
    tpu.enqueue_indirect_dma source(%dma_start3A_184 : memref<10112x32xf32, #tpu.memory_space<vmem_shared>>) target(%arg10 : memref<312x32xf32, #tpu.memory_space<vmem>>) offsets(%dma_start3A_181 : memref<312xi32, #tpu.memory_space<vmem>>) semaphore(%arg17 : memref<!tpu.dma_semaphore, #tpu.memory_space<semaphore_mem>>)
    %dma_wait3A_185 = arith.constant 1872 : i32
    %dma_wait3A_186 = tpu.memref_slice %arg5[%dma_wait3A_185] : memref<10112xi32, #tpu.memory_space<vmem>> -> memref<312xi32, #tpu.memory_space<vmem>>
    %dma_wait3A_187 = arith.constant 0 : i32
    %dma_wait3A_188 = arith.constant 0 : i32
    %dma_wait3A_189 = tpu.memref_slice %arg13[%dma_wait3A_187, %dma_wait3A_188] : memref<10112x32xf32, #tpu.memory_space<vmem_shared>> -> memref<10112x32xf32, #tpu.memory_space<vmem_shared>>
    tpu.wait_indirect_dma semaphore(%arg16 : memref<!tpu.dma_semaphore, #tpu.memory_space<semaphore_mem>>) src(%dma_wait3A_189 : memref<10112x32xf32, #tpu.memory_space<vmem_shared>>) dst(%arg9 : memref<312x32xf32, #tpu.memory_space<vmem>>)
    %dma_wait3A_190 = arith.constant 1248 : i32
    %dma_wait3A_191 = tpu.memref_slice %arg6[%dma_wait3A_190] : memref<10112xi32, #tpu.memory_space<vmem>> -> memref<312xi32, #tpu.memory_space<vmem>>
    %dma_wait3A_192 = arith.constant 0 : i32
    %dma_wait3A_193 = arith.constant 0 : i32
    %dma_wait3A_194 = tpu.memref_slice %arg12[%dma_wait3A_192, %dma_wait3A_193] : memref<10112x32xf32, #tpu.memory_space<vmem_shared>> -> memref<10112x32xf32, #tpu.memory_space<vmem_shared>>
    tpu.wait_indirect_dma semaphore(%arg18 : memref<!tpu.dma_semaphore, #tpu.memory_space<semaphore_mem>>) src(%arg7 : memref<312x32xf32, #tpu.memory_space<vmem>>) dst(%dma_wait3A_194 : memref<10112x32xf32, #tpu.memory_space<vmem_shared>>)
    %dma_start3A_195 = arith.constant 1872 : i32
    %dma_start3A_196 = tpu.memref_slice %arg6[%dma_start3A_195] : memref<10112xi32, #tpu.memory_space<vmem>> -> memref<312xi32, #tpu.memory_space<vmem>>
    %dma_start3A_197 = arith.constant 0 : i32
    %dma_start3A_198 = arith.constant 0 : i32
    %dma_start3A_199 = tpu.memref_slice %arg12[%dma_start3A_197, %dma_start3A_198] : memref<10112x32xf32, #tpu.memory_space<vmem_shared>> -> memref<10112x32xf32, #tpu.memory_space<vmem_shared>>
    tpu.enqueue_indirect_dma source(%arg9 : memref<312x32xf32, #tpu.memory_space<vmem>>) target(%dma_start3A_199 : memref<10112x32xf32, #tpu.memory_space<vmem_shared>>) offsets(%dma_start3A_196 : memref<312xi32, #tpu.memory_space<vmem>>) semaphore(%arg20 : memref<!tpu.dma_semaphore, #tpu.memory_space<semaphore_mem>>) {add = true}
    %dma_start3A_200 = arith.constant 2496 : i32
    %dma_start3A_201 = tpu.memref_slice %arg5[%dma_start3A_200] : memref<10112xi32, #tpu.memory_space<vmem>> -> memref<312xi32, #tpu.memory_space<vmem>>
    %dma_start3A_202 = arith.constant 0 : i32
    %dma_start3A_203 = arith.constant 0 : i32
    %dma_start3A_204 = tpu.memref_slice %arg13[%dma_start3A_202, %dma_start3A_203] : memref<10112x32xf32, #tpu.memory_space<vmem_shared>> -> memref<10112x32xf32, #tpu.memory_space<vmem_shared>>
    tpu.enqueue_indirect_dma source(%dma_start3A_204 : memref<10112x32xf32, #tpu.memory_space<vmem_shared>>) target(%arg7 : memref<312x32xf32, #tpu.memory_space<vmem>>) offsets(%dma_start3A_201 : memref<312xi32, #tpu.memory_space<vmem>>) semaphore(%arg14 : memref<!tpu.dma_semaphore, #tpu.memory_space<semaphore_mem>>)
    %dma_wait3A_205 = arith.constant 2184 : i32
    %dma_wait3A_206 = tpu.memref_slice %arg5[%dma_wait3A_205] : memref<10112xi32, #tpu.memory_space<vmem>> -> memref<312xi32, #tpu.memory_space<vmem>>
    %dma_wait3A_207 = arith.constant 0 : i32
    %dma_wait3A_208 = arith.constant 0 : i32
    %dma_wait3A_209 = tpu.memref_slice %arg13[%dma_wait3A_207, %dma_wait3A_208] : memref<10112x32xf32, #tpu.memory_space<vmem_shared>> -> memref<10112x32xf32, #tpu.memory_space<vmem_shared>>
    tpu.wait_indirect_dma semaphore(%arg17 : memref<!tpu.dma_semaphore, #tpu.memory_space<semaphore_mem>>) src(%dma_wait3A_209 : memref<10112x32xf32, #tpu.memory_space<vmem_shared>>) dst(%arg10 : memref<312x32xf32, #tpu.memory_space<vmem>>)
    %dma_wait3A_210 = arith.constant 1560 : i32
    %dma_wait3A_211 = tpu.memref_slice %arg6[%dma_wait3A_210] : memref<10112xi32, #tpu.memory_space<vmem>> -> memref<312xi32, #tpu.memory_space<vmem>>
    %dma_wait3A_212 = arith.constant 0 : i32
    %dma_wait3A_213 = arith.constant 0 : i32
    %dma_wait3A_214 = tpu.memref_slice %arg12[%dma_wait3A_212, %dma_wait3A_213] : memref<10112x32xf32, #tpu.memory_space<vmem_shared>> -> memref<10112x32xf32, #tpu.memory_space<vmem_shared>>
    tpu.wait_indirect_dma semaphore(%arg19 : memref<!tpu.dma_semaphore, #tpu.memory_space<semaphore_mem>>) src(%arg8 : memref<312x32xf32, #tpu.memory_space<vmem>>) dst(%dma_wait3A_214 : memref<10112x32xf32, #tpu.memory_space<vmem_shared>>)
    %dma_start3A_215 = arith.constant 2184 : i32
    %dma_start3A_216 = tpu.memref_slice %arg6[%dma_start3A_215] : memref<10112xi32, #tpu.memory_space<vmem>> -> memref<312xi32, #tpu.memory_space<vmem>>
    %dma_start3A_217 = arith.constant 0 : i32
    %dma_start3A_218 = arith.constant 0 : i32
    %dma_start3A_219 = tpu.memref_slice %arg12[%dma_start3A_217, %dma_start3A_218] : memref<10112x32xf32, #tpu.memory_space<vmem_shared>> -> memref<10112x32xf32, #tpu.memory_space<vmem_shared>>
    tpu.enqueue_indirect_dma source(%arg10 : memref<312x32xf32, #tpu.memory_space<vmem>>) target(%dma_start3A_219 : memref<10112x32xf32, #tpu.memory_space<vmem_shared>>) offsets(%dma_start3A_216 : memref<312xi32, #tpu.memory_space<vmem>>) semaphore(%arg21 : memref<!tpu.dma_semaphore, #tpu.memory_space<semaphore_mem>>) {add = true}
    %dma_start3A_220 = arith.constant 2808 : i32
    %dma_start3A_221 = tpu.memref_slice %arg5[%dma_start3A_220] : memref<10112xi32, #tpu.memory_space<vmem>> -> memref<312xi32, #tpu.memory_space<vmem>>
    %dma_start3A_222 = arith.constant 0 : i32
    %dma_start3A_223 = arith.constant 0 : i32
    %dma_start3A_224 = tpu.memref_slice %arg13[%dma_start3A_222, %dma_start3A_223] : memref<10112x32xf32, #tpu.memory_space<vmem_shared>> -> memref<10112x32xf32, #tpu.memory_space<vmem_shared>>
    tpu.enqueue_indirect_dma source(%dma_start3A_224 : memref<10112x32xf32, #tpu.memory_space<vmem_shared>>) target(%arg8 : memref<312x32xf32, #tpu.memory_space<vmem>>) offsets(%dma_start3A_221 : memref<312xi32, #tpu.memory_space<vmem>>) semaphore(%arg15 : memref<!tpu.dma_semaphore, #tpu.memory_space<semaphore_mem>>)
    %dma_wait3A_225 = arith.constant 2496 : i32
    %dma_wait3A_226 = tpu.memref_slice %arg5[%dma_wait3A_225] : memref<10112xi32, #tpu.memory_space<vmem>> -> memref<312xi32, #tpu.memory_space<vmem>>
    %dma_wait3A_227 = arith.constant 0 : i32
    %dma_wait3A_228 = arith.constant 0 : i32
    %dma_wait3A_229 = tpu.memref_slice %arg13[%dma_wait3A_227, %dma_wait3A_228] : memref<10112x32xf32, #tpu.memory_space<vmem_shared>> -> memref<10112x32xf32, #tpu.memory_space<vmem_shared>>
    tpu.wait_indirect_dma semaphore(%arg14 : memref<!tpu.dma_semaphore, #tpu.memory_space<semaphore_mem>>) src(%dma_wait3A_229 : memref<10112x32xf32, #tpu.memory_space<vmem_shared>>) dst(%arg7 : memref<312x32xf32, #tpu.memory_space<vmem>>)
    %dma_wait3A_230 = arith.constant 1872 : i32
    %dma_wait3A_231 = tpu.memref_slice %arg6[%dma_wait3A_230] : memref<10112xi32, #tpu.memory_space<vmem>> -> memref<312xi32, #tpu.memory_space<vmem>>
    %dma_wait3A_232 = arith.constant 0 : i32
    %dma_wait3A_233 = arith.constant 0 : i32
    %dma_wait3A_234 = tpu.memref_slice %arg12[%dma_wait3A_232, %dma_wait3A_233] : memref<10112x32xf32, #tpu.memory_space<vmem_shared>> -> memref<10112x32xf32, #tpu.memory_space<vmem_shared>>
    tpu.wait_indirect_dma semaphore(%arg20 : memref<!tpu.dma_semaphore, #tpu.memory_space<semaphore_mem>>) src(%arg9 : memref<312x32xf32, #tpu.memory_space<vmem>>) dst(%dma_wait3A_234 : memref<10112x32xf32, #tpu.memory_space<vmem_shared>>)
    %dma_start3A_235 = arith.constant 2496 : i32
    %dma_start3A_236 = tpu.memref_slice %arg6[%dma_start3A_235] : memref<10112xi32, #tpu.memory_space<vmem>> -> memref<312xi32, #tpu.memory_space<vmem>>
    %dma_start3A_237 = arith.constant 0 : i32
    %dma_start3A_238 = arith.constant 0 : i32
    %dma_start3A_239 = tpu.memref_slice %arg12[%dma_start3A_237, %dma_start3A_238] : memref<10112x32xf32, #tpu.memory_space<vmem_shared>> -> memref<10112x32xf32, #tpu.memory_space<vmem_shared>>
    tpu.enqueue_indirect_dma source(%arg7 : memref<312x32xf32, #tpu.memory_space<vmem>>) target(%dma_start3A_239 : memref<10112x32xf32, #tpu.memory_space<vmem_shared>>) offsets(%dma_start3A_236 : memref<312xi32, #tpu.memory_space<vmem>>) semaphore(%arg18 : memref<!tpu.dma_semaphore, #tpu.memory_space<semaphore_mem>>) {add = true}
    %dma_start3A_240 = arith.constant 3120 : i32
    %dma_start3A_241 = tpu.memref_slice %arg5[%dma_start3A_240] : memref<10112xi32, #tpu.memory_space<vmem>> -> memref<312xi32, #tpu.memory_space<vmem>>
    %dma_start3A_242 = arith.constant 0 : i32
    %dma_start3A_243 = arith.constant 0 : i32
    %dma_start3A_244 = tpu.memref_slice %arg13[%dma_start3A_242, %dma_start3A_243] : memref<10112x32xf32, #tpu.memory_space<vmem_shared>> -> memref<10112x32xf32, #tpu.memory_space<vmem_shared>>
    tpu.enqueue_indirect_dma source(%dma_start3A_244 : memref<10112x32xf32, #tpu.memory_space<vmem_shared>>) target(%arg9 : memref<312x32xf32, #tpu.memory_space<vmem>>) offsets(%dma_start3A_241 : memref<312xi32, #tpu.memory_space<vmem>>) semaphore(%arg16 : memref<!tpu.dma_semaphore, #tpu.memory_space<semaphore_mem>>)
    %dma_wait3A_245 = arith.constant 2808 : i32
    %dma_wait3A_246 = tpu.memref_slice %arg5[%dma_wait3A_245] : memref<10112xi32, #tpu.memory_space<vmem>> -> memref<312xi32, #tpu.memory_space<vmem>>
    %dma_wait3A_247 = arith.constant 0 : i32
    %dma_wait3A_248 = arith.constant 0 : i32
    %dma_wait3A_249 = tpu.memref_slice %arg13[%dma_wait3A_247, %dma_wait3A_248] : memref<10112x32xf32, #tpu.memory_space<vmem_shared>> -> memref<10112x32xf32, #tpu.memory_space<vmem_shared>>
    tpu.wait_indirect_dma semaphore(%arg15 : memref<!tpu.dma_semaphore, #tpu.memory_space<semaphore_mem>>) src(%dma_wait3A_249 : memref<10112x32xf32, #tpu.memory_space<vmem_shared>>) dst(%arg8 : memref<312x32xf32, #tpu.memory_space<vmem>>)
    %dma_wait3A_250 = arith.constant 2184 : i32
    %dma_wait3A_251 = tpu.memref_slice %arg6[%dma_wait3A_250] : memref<10112xi32, #tpu.memory_space<vmem>> -> memref<312xi32, #tpu.memory_space<vmem>>
    %dma_wait3A_252 = arith.constant 0 : i32
    %dma_wait3A_253 = arith.constant 0 : i32
    %dma_wait3A_254 = tpu.memref_slice %arg12[%dma_wait3A_252, %dma_wait3A_253] : memref<10112x32xf32, #tpu.memory_space<vmem_shared>> -> memref<10112x32xf32, #tpu.memory_space<vmem_shared>>
    tpu.wait_indirect_dma semaphore(%arg21 : memref<!tpu.dma_semaphore, #tpu.memory_space<semaphore_mem>>) src(%arg10 : memref<312x32xf32, #tpu.memory_space<vmem>>) dst(%dma_wait3A_254 : memref<10112x32xf32, #tpu.memory_space<vmem_shared>>)
    %dma_start3A_255 = arith.constant 2808 : i32
    %dma_start3A_256 = tpu.memref_slice %arg6[%dma_start3A_255] : memref<10112xi32, #tpu.memory_space<vmem>> -> memref<312xi32, #tpu.memory_space<vmem>>
    %dma_start3A_257 = arith.constant 0 : i32
    %dma_start3A_258 = arith.constant 0 : i32
    %dma_start3A_259 = tpu.memref_slice %arg12[%dma_start3A_257, %dma_start3A_258] : memref<10112x32xf32, #tpu.memory_space<vmem_shared>> -> memref<10112x32xf32, #tpu.memory_space<vmem_shared>>
    tpu.enqueue_indirect_dma source(%arg8 : memref<312x32xf32, #tpu.memory_space<vmem>>) target(%dma_start3A_259 : memref<10112x32xf32, #tpu.memory_space<vmem_shared>>) offsets(%dma_start3A_256 : memref<312xi32, #tpu.memory_space<vmem>>) semaphore(%arg19 : memref<!tpu.dma_semaphore, #tpu.memory_space<semaphore_mem>>) {add = true}
    %dma_start3A_260 = arith.constant 3432 : i32
    %dma_start3A_261 = tpu.memref_slice %arg5[%dma_start3A_260] : memref<10112xi32, #tpu.memory_space<vmem>> -> memref<312xi32, #tpu.memory_space<vmem>>
    %dma_start3A_262 = arith.constant 0 : i32
    %dma_start3A_263 = arith.constant 0 : i32
    %dma_start3A_264 = tpu.memref_slice %arg13[%dma_start3A_262, %dma_start3A_263] : memref<10112x32xf32, #tpu.memory_space<vmem_shared>> -> memref<10112x32xf32, #tpu.memory_space<vmem_shared>>
    tpu.enqueue_indirect_dma source(%dma_start3A_264 : memref<10112x32xf32, #tpu.memory_space<vmem_shared>>) target(%arg10 : memref<312x32xf32, #tpu.memory_space<vmem>>) offsets(%dma_start3A_261 : memref<312xi32, #tpu.memory_space<vmem>>) semaphore(%arg17 : memref<!tpu.dma_semaphore, #tpu.memory_space<semaphore_mem>>)
    %dma_wait3A_265 = arith.constant 3120 : i32
    %dma_wait3A_266 = tpu.memref_slice %arg5[%dma_wait3A_265] : memref<10112xi32, #tpu.memory_space<vmem>> -> memref<312xi32, #tpu.memory_space<vmem>>
    %dma_wait3A_267 = arith.constant 0 : i32
    %dma_wait3A_268 = arith.constant 0 : i32
    %dma_wait3A_269 = tpu.memref_slice %arg13[%dma_wait3A_267, %dma_wait3A_268] : memref<10112x32xf32, #tpu.memory_space<vmem_shared>> -> memref<10112x32xf32, #tpu.memory_space<vmem_shared>>
    tpu.wait_indirect_dma semaphore(%arg16 : memref<!tpu.dma_semaphore, #tpu.memory_space<semaphore_mem>>) src(%dma_wait3A_269 : memref<10112x32xf32, #tpu.memory_space<vmem_shared>>) dst(%arg9 : memref<312x32xf32, #tpu.memory_space<vmem>>)
    %dma_wait3A_270 = arith.constant 2496 : i32
    %dma_wait3A_271 = tpu.memref_slice %arg6[%dma_wait3A_270] : memref<10112xi32, #tpu.memory_space<vmem>> -> memref<312xi32, #tpu.memory_space<vmem>>
    %dma_wait3A_272 = arith.constant 0 : i32
    %dma_wait3A_273 = arith.constant 0 : i32
    %dma_wait3A_274 = tpu.memref_slice %arg12[%dma_wait3A_272, %dma_wait3A_273] : memref<10112x32xf32, #tpu.memory_space<vmem_shared>> -> memref<10112x32xf32, #tpu.memory_space<vmem_shared>>
    tpu.wait_indirect_dma semaphore(%arg18 : memref<!tpu.dma_semaphore, #tpu.memory_space<semaphore_mem>>) src(%arg7 : memref<312x32xf32, #tpu.memory_space<vmem>>) dst(%dma_wait3A_274 : memref<10112x32xf32, #tpu.memory_space<vmem_shared>>)
    %dma_start3A_275 = arith.constant 3120 : i32
    %dma_start3A_276 = tpu.memref_slice %arg6[%dma_start3A_275] : memref<10112xi32, #tpu.memory_space<vmem>> -> memref<312xi32, #tpu.memory_space<vmem>>
    %dma_start3A_277 = arith.constant 0 : i32
    %dma_start3A_278 = arith.constant 0 : i32
    %dma_start3A_279 = tpu.memref_slice %arg12[%dma_start3A_277, %dma_start3A_278] : memref<10112x32xf32, #tpu.memory_space<vmem_shared>> -> memref<10112x32xf32, #tpu.memory_space<vmem_shared>>
    tpu.enqueue_indirect_dma source(%arg9 : memref<312x32xf32, #tpu.memory_space<vmem>>) target(%dma_start3A_279 : memref<10112x32xf32, #tpu.memory_space<vmem_shared>>) offsets(%dma_start3A_276 : memref<312xi32, #tpu.memory_space<vmem>>) semaphore(%arg20 : memref<!tpu.dma_semaphore, #tpu.memory_space<semaphore_mem>>) {add = true}
    %dma_start3A_280 = arith.constant 3744 : i32
    %dma_start3A_281 = tpu.memref_slice %arg5[%dma_start3A_280] : memref<10112xi32, #tpu.memory_space<vmem>> -> memref<312xi32, #tpu.memory_space<vmem>>
    %dma_start3A_282 = arith.constant 0 : i32
    %dma_start3A_283 = arith.constant 0 : i32
    %dma_start3A_284 = tpu.memref_slice %arg13[%dma_start3A_282, %dma_start3A_283] : memref<10112x32xf32, #tpu.memory_space<vmem_shared>> -> memref<10112x32xf32, #tpu.memory_space<vmem_shared>>
    tpu.enqueue_indirect_dma source(%dma_start3A_284 : memref<10112x32xf32, #tpu.memory_space<vmem_shared>>) target(%arg7 : memref<312x32xf32, #tpu.memory_space<vmem>>) offsets(%dma_start3A_281 : memref<312xi32, #tpu.memory_space<vmem>>) semaphore(%arg14 : memref<!tpu.dma_semaphore, #tpu.memory_space<semaphore_mem>>)
    %dma_wait3A_285 = arith.constant 3432 : i32
    %dma_wait3A_286 = tpu.memref_slice %arg5[%dma_wait3A_285] : memref<10112xi32, #tpu.memory_space<vmem>> -> memref<312xi32, #tpu.memory_space<vmem>>
    %dma_wait3A_287 = arith.constant 0 : i32
    %dma_wait3A_288 = arith.constant 0 : i32
    %dma_wait3A_289 = tpu.memref_slice %arg13[%dma_wait3A_287, %dma_wait3A_288] : memref<10112x32xf32, #tpu.memory_space<vmem_shared>> -> memref<10112x32xf32, #tpu.memory_space<vmem_shared>>
    tpu.wait_indirect_dma semaphore(%arg17 : memref<!tpu.dma_semaphore, #tpu.memory_space<semaphore_mem>>) src(%dma_wait3A_289 : memref<10112x32xf32, #tpu.memory_space<vmem_shared>>) dst(%arg10 : memref<312x32xf32, #tpu.memory_space<vmem>>)
    %dma_wait3A_290 = arith.constant 2808 : i32
    %dma_wait3A_291 = tpu.memref_slice %arg6[%dma_wait3A_290] : memref<10112xi32, #tpu.memory_space<vmem>> -> memref<312xi32, #tpu.memory_space<vmem>>
    %dma_wait3A_292 = arith.constant 0 : i32
    %dma_wait3A_293 = arith.constant 0 : i32
    %dma_wait3A_294 = tpu.memref_slice %arg12[%dma_wait3A_292, %dma_wait3A_293] : memref<10112x32xf32, #tpu.memory_space<vmem_shared>> -> memref<10112x32xf32, #tpu.memory_space<vmem_shared>>
    tpu.wait_indirect_dma semaphore(%arg19 : memref<!tpu.dma_semaphore, #tpu.memory_space<semaphore_mem>>) src(%arg8 : memref<312x32xf32, #tpu.memory_space<vmem>>) dst(%dma_wait3A_294 : memref<10112x32xf32, #tpu.memory_space<vmem_shared>>)
    %dma_start3A_295 = arith.constant 3432 : i32
    %dma_start3A_296 = tpu.memref_slice %arg6[%dma_start3A_295] : memref<10112xi32, #tpu.memory_space<vmem>> -> memref<312xi32, #tpu.memory_space<vmem>>
    %dma_start3A_297 = arith.constant 0 : i32
    %dma_start3A_298 = arith.constant 0 : i32
    %dma_start3A_299 = tpu.memref_slice %arg12[%dma_start3A_297, %dma_start3A_298] : memref<10112x32xf32, #tpu.memory_space<vmem_shared>> -> memref<10112x32xf32, #tpu.memory_space<vmem_shared>>
    tpu.enqueue_indirect_dma source(%arg10 : memref<312x32xf32, #tpu.memory_space<vmem>>) target(%dma_start3A_299 : memref<10112x32xf32, #tpu.memory_space<vmem_shared>>) offsets(%dma_start3A_296 : memref<312xi32, #tpu.memory_space<vmem>>) semaphore(%arg21 : memref<!tpu.dma_semaphore, #tpu.memory_space<semaphore_mem>>) {add = true}
    %dma_start3A_300 = arith.constant 4056 : i32
    %dma_start3A_301 = tpu.memref_slice %arg5[%dma_start3A_300] : memref<10112xi32, #tpu.memory_space<vmem>> -> memref<312xi32, #tpu.memory_space<vmem>>
    %dma_start3A_302 = arith.constant 0 : i32
    %dma_start3A_303 = arith.constant 0 : i32
    %dma_start3A_304 = tpu.memref_slice %arg13[%dma_start3A_302, %dma_start3A_303] : memref<10112x32xf32, #tpu.memory_space<vmem_shared>> -> memref<10112x32xf32, #tpu.memory_space<vmem_shared>>
    tpu.enqueue_indirect_dma source(%dma_start3A_304 : memref<10112x32xf32, #tpu.memory_space<vmem_shared>>) target(%arg8 : memref<312x32xf32, #tpu.memory_space<vmem>>) offsets(%dma_start3A_301 : memref<312xi32, #tpu.memory_space<vmem>>) semaphore(%arg15 : memref<!tpu.dma_semaphore, #tpu.memory_space<semaphore_mem>>)
    %dma_wait3A_305 = arith.constant 3744 : i32
    %dma_wait3A_306 = tpu.memref_slice %arg5[%dma_wait3A_305] : memref<10112xi32, #tpu.memory_space<vmem>> -> memref<312xi32, #tpu.memory_space<vmem>>
    %dma_wait3A_307 = arith.constant 0 : i32
    %dma_wait3A_308 = arith.constant 0 : i32
    %dma_wait3A_309 = tpu.memref_slice %arg13[%dma_wait3A_307, %dma_wait3A_308] : memref<10112x32xf32, #tpu.memory_space<vmem_shared>> -> memref<10112x32xf32, #tpu.memory_space<vmem_shared>>
    tpu.wait_indirect_dma semaphore(%arg14 : memref<!tpu.dma_semaphore, #tpu.memory_space<semaphore_mem>>) src(%dma_wait3A_309 : memref<10112x32xf32, #tpu.memory_space<vmem_shared>>) dst(%arg7 : memref<312x32xf32, #tpu.memory_space<vmem>>)
    %dma_wait3A_310 = arith.constant 3120 : i32
    %dma_wait3A_311 = tpu.memref_slice %arg6[%dma_wait3A_310] : memref<10112xi32, #tpu.memory_space<vmem>> -> memref<312xi32, #tpu.memory_space<vmem>>
    %dma_wait3A_312 = arith.constant 0 : i32
    %dma_wait3A_313 = arith.constant 0 : i32
    %dma_wait3A_314 = tpu.memref_slice %arg12[%dma_wait3A_312, %dma_wait3A_313] : memref<10112x32xf32, #tpu.memory_space<vmem_shared>> -> memref<10112x32xf32, #tpu.memory_space<vmem_shared>>
    tpu.wait_indirect_dma semaphore(%arg20 : memref<!tpu.dma_semaphore, #tpu.memory_space<semaphore_mem>>) src(%arg9 : memref<312x32xf32, #tpu.memory_space<vmem>>) dst(%dma_wait3A_314 : memref<10112x32xf32, #tpu.memory_space<vmem_shared>>)
    %dma_start3A_315 = arith.constant 3744 : i32
    %dma_start3A_316 = tpu.memref_slice %arg6[%dma_start3A_315] : memref<10112xi32, #tpu.memory_space<vmem>> -> memref<312xi32, #tpu.memory_space<vmem>>
    %dma_start3A_317 = arith.constant 0 : i32
    %dma_start3A_318 = arith.constant 0 : i32
    %dma_start3A_319 = tpu.memref_slice %arg12[%dma_start3A_317, %dma_start3A_318] : memref<10112x32xf32, #tpu.memory_space<vmem_shared>> -> memref<10112x32xf32, #tpu.memory_space<vmem_shared>>
    tpu.enqueue_indirect_dma source(%arg7 : memref<312x32xf32, #tpu.memory_space<vmem>>) target(%dma_start3A_319 : memref<10112x32xf32, #tpu.memory_space<vmem_shared>>) offsets(%dma_start3A_316 : memref<312xi32, #tpu.memory_space<vmem>>) semaphore(%arg18 : memref<!tpu.dma_semaphore, #tpu.memory_space<semaphore_mem>>) {add = true}
    %dma_start3A_320 = arith.constant 4368 : i32
    %dma_start3A_321 = tpu.memref_slice %arg5[%dma_start3A_320] : memref<10112xi32, #tpu.memory_space<vmem>> -> memref<312xi32, #tpu.memory_space<vmem>>
    %dma_start3A_322 = arith.constant 0 : i32
    %dma_start3A_323 = arith.constant 0 : i32
    %dma_start3A_324 = tpu.memref_slice %arg13[%dma_start3A_322, %dma_start3A_323] : memref<10112x32xf32, #tpu.memory_space<vmem_shared>> -> memref<10112x32xf32, #tpu.memory_space<vmem_shared>>
    tpu.enqueue_indirect_dma source(%dma_start3A_324 : memref<10112x32xf32, #tpu.memory_space<vmem_shared>>) target(%arg9 : memref<312x32xf32, #tpu.memory_space<vmem>>) offsets(%dma_start3A_321 : memref<312xi32, #tpu.memory_space<vmem>>) semaphore(%arg16 : memref<!tpu.dma_semaphore, #tpu.memory_space<semaphore_mem>>)
    %dma_wait3A_325 = arith.constant 4056 : i32
    %dma_wait3A_326 = tpu.memref_slice %arg5[%dma_wait3A_325] : memref<10112xi32, #tpu.memory_space<vmem>> -> memref<312xi32, #tpu.memory_space<vmem>>
    %dma_wait3A_327 = arith.constant 0 : i32
    %dma_wait3A_328 = arith.constant 0 : i32
    %dma_wait3A_329 = tpu.memref_slice %arg13[%dma_wait3A_327, %dma_wait3A_328] : memref<10112x32xf32, #tpu.memory_space<vmem_shared>> -> memref<10112x32xf32, #tpu.memory_space<vmem_shared>>
    tpu.wait_indirect_dma semaphore(%arg15 : memref<!tpu.dma_semaphore, #tpu.memory_space<semaphore_mem>>) src(%dma_wait3A_329 : memref<10112x32xf32, #tpu.memory_space<vmem_shared>>) dst(%arg8 : memref<312x32xf32, #tpu.memory_space<vmem>>)
    %dma_wait3A_330 = arith.constant 3432 : i32
    %dma_wait3A_331 = tpu.memref_slice %arg6[%dma_wait3A_330] : memref<10112xi32, #tpu.memory_space<vmem>> -> memref<312xi32, #tpu.memory_space<vmem>>
    %dma_wait3A_332 = arith.constant 0 : i32
    %dma_wait3A_333 = arith.constant 0 : i32
    %dma_wait3A_334 = tpu.memref_slice %arg12[%dma_wait3A_332, %dma_wait3A_333] : memref<10112x32xf32, #tpu.memory_space<vmem_shared>> -> memref<10112x32xf32, #tpu.memory_space<vmem_shared>>
    tpu.wait_indirect_dma semaphore(%arg21 : memref<!tpu.dma_semaphore, #tpu.memory_space<semaphore_mem>>) src(%arg10 : memref<312x32xf32, #tpu.memory_space<vmem>>) dst(%dma_wait3A_334 : memref<10112x32xf32, #tpu.memory_space<vmem_shared>>)
    %dma_start3A_335 = arith.constant 4056 : i32
    %dma_start3A_336 = tpu.memref_slice %arg6[%dma_start3A_335] : memref<10112xi32, #tpu.memory_space<vmem>> -> memref<312xi32, #tpu.memory_space<vmem>>
    %dma_start3A_337 = arith.constant 0 : i32
    %dma_start3A_338 = arith.constant 0 : i32
    %dma_start3A_339 = tpu.memref_slice %arg12[%dma_start3A_337, %dma_start3A_338] : memref<10112x32xf32, #tpu.memory_space<vmem_shared>> -> memref<10112x32xf32, #tpu.memory_space<vmem_shared>>
    tpu.enqueue_indirect_dma source(%arg8 : memref<312x32xf32, #tpu.memory_space<vmem>>) target(%dma_start3A_339 : memref<10112x32xf32, #tpu.memory_space<vmem_shared>>) offsets(%dma_start3A_336 : memref<312xi32, #tpu.memory_space<vmem>>) semaphore(%arg19 : memref<!tpu.dma_semaphore, #tpu.memory_space<semaphore_mem>>) {add = true}
    %dma_start3A_340 = arith.constant 4680 : i32
    %dma_start3A_341 = tpu.memref_slice %arg5[%dma_start3A_340] : memref<10112xi32, #tpu.memory_space<vmem>> -> memref<312xi32, #tpu.memory_space<vmem>>
    %dma_start3A_342 = arith.constant 0 : i32
    %dma_start3A_343 = arith.constant 0 : i32
    %dma_start3A_344 = tpu.memref_slice %arg13[%dma_start3A_342, %dma_start3A_343] : memref<10112x32xf32, #tpu.memory_space<vmem_shared>> -> memref<10112x32xf32, #tpu.memory_space<vmem_shared>>
    tpu.enqueue_indirect_dma source(%dma_start3A_344 : memref<10112x32xf32, #tpu.memory_space<vmem_shared>>) target(%arg10 : memref<312x32xf32, #tpu.memory_space<vmem>>) offsets(%dma_start3A_341 : memref<312xi32, #tpu.memory_space<vmem>>) semaphore(%arg17 : memref<!tpu.dma_semaphore, #tpu.memory_space<semaphore_mem>>)
    %dma_wait3A_345 = arith.constant 4368 : i32
    %dma_wait3A_346 = tpu.memref_slice %arg5[%dma_wait3A_345] : memref<10112xi32, #tpu.memory_space<vmem>> -> memref<312xi32, #tpu.memory_space<vmem>>
    %dma_wait3A_347 = arith.constant 0 : i32
    %dma_wait3A_348 = arith.constant 0 : i32
    %dma_wait3A_349 = tpu.memref_slice %arg13[%dma_wait3A_347, %dma_wait3A_348] : memref<10112x32xf32, #tpu.memory_space<vmem_shared>> -> memref<10112x32xf32, #tpu.memory_space<vmem_shared>>
    tpu.wait_indirect_dma semaphore(%arg16 : memref<!tpu.dma_semaphore, #tpu.memory_space<semaphore_mem>>) src(%dma_wait3A_349 : memref<10112x32xf32, #tpu.memory_space<vmem_shared>>) dst(%arg9 : memref<312x32xf32, #tpu.memory_space<vmem>>)
    %dma_wait3A_350 = arith.constant 3744 : i32
    %dma_wait3A_351 = tpu.memref_slice %arg6[%dma_wait3A_350] : memref<10112xi32, #tpu.memory_space<vmem>> -> memref<312xi32, #tpu.memory_space<vmem>>
    %dma_wait3A_352 = arith.constant 0 : i32
    %dma_wait3A_353 = arith.constant 0 : i32
    %dma_wait3A_354 = tpu.memref_slice %arg12[%dma_wait3A_352, %dma_wait3A_353] : memref<10112x32xf32, #tpu.memory_space<vmem_shared>> -> memref<10112x32xf32, #tpu.memory_space<vmem_shared>>
    tpu.wait_indirect_dma semaphore(%arg18 : memref<!tpu.dma_semaphore, #tpu.memory_space<semaphore_mem>>) src(%arg7 : memref<312x32xf32, #tpu.memory_space<vmem>>) dst(%dma_wait3A_354 : memref<10112x32xf32, #tpu.memory_space<vmem_shared>>)
    %dma_start3A_355 = arith.constant 4368 : i32
    %dma_start3A_356 = tpu.memref_slice %arg6[%dma_start3A_355] : memref<10112xi32, #tpu.memory_space<vmem>> -> memref<312xi32, #tpu.memory_space<vmem>>
    %dma_start3A_357 = arith.constant 0 : i32
    %dma_start3A_358 = arith.constant 0 : i32
    %dma_start3A_359 = tpu.memref_slice %arg12[%dma_start3A_357, %dma_start3A_358] : memref<10112x32xf32, #tpu.memory_space<vmem_shared>> -> memref<10112x32xf32, #tpu.memory_space<vmem_shared>>
    tpu.enqueue_indirect_dma source(%arg9 : memref<312x32xf32, #tpu.memory_space<vmem>>) target(%dma_start3A_359 : memref<10112x32xf32, #tpu.memory_space<vmem_shared>>) offsets(%dma_start3A_356 : memref<312xi32, #tpu.memory_space<vmem>>) semaphore(%arg20 : memref<!tpu.dma_semaphore, #tpu.memory_space<semaphore_mem>>) {add = true}
    %dma_start3A_360 = arith.constant 4992 : i32
    %dma_start3A_361 = tpu.memref_slice %arg5[%dma_start3A_360] : memref<10112xi32, #tpu.memory_space<vmem>> -> memref<312xi32, #tpu.memory_space<vmem>>
    %dma_start3A_362 = arith.constant 0 : i32
    %dma_start3A_363 = arith.constant 0 : i32
    %dma_start3A_364 = tpu.memref_slice %arg13[%dma_start3A_362, %dma_start3A_363] : memref<10112x32xf32, #tpu.memory_space<vmem_shared>> -> memref<10112x32xf32, #tpu.memory_space<vmem_shared>>
    tpu.enqueue_indirect_dma source(%dma_start3A_364 : memref<10112x32xf32, #tpu.memory_space<vmem_shared>>) target(%arg7 : memref<312x32xf32, #tpu.memory_space<vmem>>) offsets(%dma_start3A_361 : memref<312xi32, #tpu.memory_space<vmem>>) semaphore(%arg14 : memref<!tpu.dma_semaphore, #tpu.memory_space<semaphore_mem>>)
    %dma_wait3A_365 = arith.constant 4680 : i32
    %dma_wait3A_366 = tpu.memref_slice %arg5[%dma_wait3A_365] : memref<10112xi32, #tpu.memory_space<vmem>> -> memref<312xi32, #tpu.memory_space<vmem>>
    %dma_wait3A_367 = arith.constant 0 : i32
    %dma_wait3A_368 = arith.constant 0 : i32
    %dma_wait3A_369 = tpu.memref_slice %arg13[%dma_wait3A_367, %dma_wait3A_368] : memref<10112x32xf32, #tpu.memory_space<vmem_shared>> -> memref<10112x32xf32, #tpu.memory_space<vmem_shared>>
    tpu.wait_indirect_dma semaphore(%arg17 : memref<!tpu.dma_semaphore, #tpu.memory_space<semaphore_mem>>) src(%dma_wait3A_369 : memref<10112x32xf32, #tpu.memory_space<vmem_shared>>) dst(%arg10 : memref<312x32xf32, #tpu.memory_space<vmem>>)
    %dma_wait3A_370 = arith.constant 4056 : i32
    %dma_wait3A_371 = tpu.memref_slice %arg6[%dma_wait3A_370] : memref<10112xi32, #tpu.memory_space<vmem>> -> memref<312xi32, #tpu.memory_space<vmem>>
    %dma_wait3A_372 = arith.constant 0 : i32
    %dma_wait3A_373 = arith.constant 0 : i32
    %dma_wait3A_374 = tpu.memref_slice %arg12[%dma_wait3A_372, %dma_wait3A_373] : memref<10112x32xf32, #tpu.memory_space<vmem_shared>> -> memref<10112x32xf32, #tpu.memory_space<vmem_shared>>
    tpu.wait_indirect_dma semaphore(%arg19 : memref<!tpu.dma_semaphore, #tpu.memory_space<semaphore_mem>>) src(%arg8 : memref<312x32xf32, #tpu.memory_space<vmem>>) dst(%dma_wait3A_374 : memref<10112x32xf32, #tpu.memory_space<vmem_shared>>)
    %dma_start3A_375 = arith.constant 4680 : i32
    %dma_start3A_376 = tpu.memref_slice %arg6[%dma_start3A_375] : memref<10112xi32, #tpu.memory_space<vmem>> -> memref<312xi32, #tpu.memory_space<vmem>>
    %dma_start3A_377 = arith.constant 0 : i32
    %dma_start3A_378 = arith.constant 0 : i32
    %dma_start3A_379 = tpu.memref_slice %arg12[%dma_start3A_377, %dma_start3A_378] : memref<10112x32xf32, #tpu.memory_space<vmem_shared>> -> memref<10112x32xf32, #tpu.memory_space<vmem_shared>>
    tpu.enqueue_indirect_dma source(%arg10 : memref<312x32xf32, #tpu.memory_space<vmem>>) target(%dma_start3A_379 : memref<10112x32xf32, #tpu.memory_space<vmem_shared>>) offsets(%dma_start3A_376 : memref<312xi32, #tpu.memory_space<vmem>>) semaphore(%arg21 : memref<!tpu.dma_semaphore, #tpu.memory_space<semaphore_mem>>) {add = true}
    %dma_start3A_380 = arith.constant 5304 : i32
    %dma_start3A_381 = tpu.memref_slice %arg5[%dma_start3A_380] : memref<10112xi32, #tpu.memory_space<vmem>> -> memref<312xi32, #tpu.memory_space<vmem>>
    %dma_start3A_382 = arith.constant 0 : i32
    %dma_start3A_383 = arith.constant 0 : i32
    %dma_start3A_384 = tpu.memref_slice %arg13[%dma_start3A_382, %dma_start3A_383] : memref<10112x32xf32, #tpu.memory_space<vmem_shared>> -> memref<10112x32xf32, #tpu.memory_space<vmem_shared>>
    tpu.enqueue_indirect_dma source(%dma_start3A_384 : memref<10112x32xf32, #tpu.memory_space<vmem_shared>>) target(%arg8 : memref<312x32xf32, #tpu.memory_space<vmem>>) offsets(%dma_start3A_381 : memref<312xi32, #tpu.memory_space<vmem>>) semaphore(%arg15 : memref<!tpu.dma_semaphore, #tpu.memory_space<semaphore_mem>>)
    %dma_wait3A_385 = arith.constant 4992 : i32
    %dma_wait3A_386 = tpu.memref_slice %arg5[%dma_wait3A_385] : memref<10112xi32, #tpu.memory_space<vmem>> -> memref<312xi32, #tpu.memory_space<vmem>>
    %dma_wait3A_387 = arith.constant 0 : i32
    %dma_wait3A_388 = arith.constant 0 : i32
    %dma_wait3A_389 = tpu.memref_slice %arg13[%dma_wait3A_387, %dma_wait3A_388] : memref<10112x32xf32, #tpu.memory_space<vmem_shared>> -> memref<10112x32xf32, #tpu.memory_space<vmem_shared>>
    tpu.wait_indirect_dma semaphore(%arg14 : memref<!tpu.dma_semaphore, #tpu.memory_space<semaphore_mem>>) src(%dma_wait3A_389 : memref<10112x32xf32, #tpu.memory_space<vmem_shared>>) dst(%arg7 : memref<312x32xf32, #tpu.memory_space<vmem>>)
    %dma_wait3A_390 = arith.constant 4368 : i32
    %dma_wait3A_391 = tpu.memref_slice %arg6[%dma_wait3A_390] : memref<10112xi32, #tpu.memory_space<vmem>> -> memref<312xi32, #tpu.memory_space<vmem>>
    %dma_wait3A_392 = arith.constant 0 : i32
    %dma_wait3A_393 = arith.constant 0 : i32
    %dma_wait3A_394 = tpu.memref_slice %arg12[%dma_wait3A_392, %dma_wait3A_393] : memref<10112x32xf32, #tpu.memory_space<vmem_shared>> -> memref<10112x32xf32, #tpu.memory_space<vmem_shared>>
    tpu.wait_indirect_dma semaphore(%arg20 : memref<!tpu.dma_semaphore, #tpu.memory_space<semaphore_mem>>) src(%arg9 : memref<312x32xf32, #tpu.memory_space<vmem>>) dst(%dma_wait3A_394 : memref<10112x32xf32, #tpu.memory_space<vmem_shared>>)
    %dma_start3A_395 = arith.constant 4992 : i32
    %dma_start3A_396 = tpu.memref_slice %arg6[%dma_start3A_395] : memref<10112xi32, #tpu.memory_space<vmem>> -> memref<312xi32, #tpu.memory_space<vmem>>
    %dma_start3A_397 = arith.constant 0 : i32
    %dma_start3A_398 = arith.constant 0 : i32
    %dma_start3A_399 = tpu.memref_slice %arg12[%dma_start3A_397, %dma_start3A_398] : memref<10112x32xf32, #tpu.memory_space<vmem_shared>> -> memref<10112x32xf32, #tpu.memory_space<vmem_shared>>
    tpu.enqueue_indirect_dma source(%arg7 : memref<312x32xf32, #tpu.memory_space<vmem>>) target(%dma_start3A_399 : memref<10112x32xf32, #tpu.memory_space<vmem_shared>>) offsets(%dma_start3A_396 : memref<312xi32, #tpu.memory_space<vmem>>) semaphore(%arg18 : memref<!tpu.dma_semaphore, #tpu.memory_space<semaphore_mem>>) {add = true}
    %dma_start3A_400 = arith.constant 5616 : i32
    %dma_start3A_401 = tpu.memref_slice %arg5[%dma_start3A_400] : memref<10112xi32, #tpu.memory_space<vmem>> -> memref<312xi32, #tpu.memory_space<vmem>>
    %dma_start3A_402 = arith.constant 0 : i32
    %dma_start3A_403 = arith.constant 0 : i32
    %dma_start3A_404 = tpu.memref_slice %arg13[%dma_start3A_402, %dma_start3A_403] : memref<10112x32xf32, #tpu.memory_space<vmem_shared>> -> memref<10112x32xf32, #tpu.memory_space<vmem_shared>>
    tpu.enqueue_indirect_dma source(%dma_start3A_404 : memref<10112x32xf32, #tpu.memory_space<vmem_shared>>) target(%arg9 : memref<312x32xf32, #tpu.memory_space<vmem>>) offsets(%dma_start3A_401 : memref<312xi32, #tpu.memory_space<vmem>>) semaphore(%arg16 : memref<!tpu.dma_semaphore, #tpu.memory_space<semaphore_mem>>)
    %dma_wait3A_405 = arith.constant 5304 : i32
    %dma_wait3A_406 = tpu.memref_slice %arg5[%dma_wait3A_405] : memref<10112xi32, #tpu.memory_space<vmem>> -> memref<312xi32, #tpu.memory_space<vmem>>
    %dma_wait3A_407 = arith.constant 0 : i32
    %dma_wait3A_408 = arith.constant 0 : i32
    %dma_wait3A_409 = tpu.memref_slice %arg13[%dma_wait3A_407, %dma_wait3A_408] : memref<10112x32xf32, #tpu.memory_space<vmem_shared>> -> memref<10112x32xf32, #tpu.memory_space<vmem_shared>>
    tpu.wait_indirect_dma semaphore(%arg15 : memref<!tpu.dma_semaphore, #tpu.memory_space<semaphore_mem>>) src(%dma_wait3A_409 : memref<10112x32xf32, #tpu.memory_space<vmem_shared>>) dst(%arg8 : memref<312x32xf32, #tpu.memory_space<vmem>>)
    %dma_wait3A_410 = arith.constant 4680 : i32
    %dma_wait3A_411 = tpu.memref_slice %arg6[%dma_wait3A_410] : memref<10112xi32, #tpu.memory_space<vmem>> -> memref<312xi32, #tpu.memory_space<vmem>>
    %dma_wait3A_412 = arith.constant 0 : i32
    %dma_wait3A_413 = arith.constant 0 : i32
    %dma_wait3A_414 = tpu.memref_slice %arg12[%dma_wait3A_412, %dma_wait3A_413] : memref<10112x32xf32, #tpu.memory_space<vmem_shared>> -> memref<10112x32xf32, #tpu.memory_space<vmem_shared>>
    tpu.wait_indirect_dma semaphore(%arg21 : memref<!tpu.dma_semaphore, #tpu.memory_space<semaphore_mem>>) src(%arg10 : memref<312x32xf32, #tpu.memory_space<vmem>>) dst(%dma_wait3A_414 : memref<10112x32xf32, #tpu.memory_space<vmem_shared>>)
    %dma_start3A_415 = arith.constant 5304 : i32
    %dma_start3A_416 = tpu.memref_slice %arg6[%dma_start3A_415] : memref<10112xi32, #tpu.memory_space<vmem>> -> memref<312xi32, #tpu.memory_space<vmem>>
    %dma_start3A_417 = arith.constant 0 : i32
    %dma_start3A_418 = arith.constant 0 : i32
    %dma_start3A_419 = tpu.memref_slice %arg12[%dma_start3A_417, %dma_start3A_418] : memref<10112x32xf32, #tpu.memory_space<vmem_shared>> -> memref<10112x32xf32, #tpu.memory_space<vmem_shared>>
    tpu.enqueue_indirect_dma source(%arg8 : memref<312x32xf32, #tpu.memory_space<vmem>>) target(%dma_start3A_419 : memref<10112x32xf32, #tpu.memory_space<vmem_shared>>) offsets(%dma_start3A_416 : memref<312xi32, #tpu.memory_space<vmem>>) semaphore(%arg19 : memref<!tpu.dma_semaphore, #tpu.memory_space<semaphore_mem>>) {add = true}
    %dma_start3A_420 = arith.constant 5928 : i32
    %dma_start3A_421 = tpu.memref_slice %arg5[%dma_start3A_420] : memref<10112xi32, #tpu.memory_space<vmem>> -> memref<312xi32, #tpu.memory_space<vmem>>
    %dma_start3A_422 = arith.constant 0 : i32
    %dma_start3A_423 = arith.constant 0 : i32
    %dma_start3A_424 = tpu.memref_slice %arg13[%dma_start3A_422, %dma_start3A_423] : memref<10112x32xf32, #tpu.memory_space<vmem_shared>> -> memref<10112x32xf32, #tpu.memory_space<vmem_shared>>
    tpu.enqueue_indirect_dma source(%dma_start3A_424 : memref<10112x32xf32, #tpu.memory_space<vmem_shared>>) target(%arg10 : memref<312x32xf32, #tpu.memory_space<vmem>>) offsets(%dma_start3A_421 : memref<312xi32, #tpu.memory_space<vmem>>) semaphore(%arg17 : memref<!tpu.dma_semaphore, #tpu.memory_space<semaphore_mem>>)
    %dma_wait3A_425 = arith.constant 5616 : i32
    %dma_wait3A_426 = tpu.memref_slice %arg5[%dma_wait3A_425] : memref<10112xi32, #tpu.memory_space<vmem>> -> memref<312xi32, #tpu.memory_space<vmem>>
    %dma_wait3A_427 = arith.constant 0 : i32
    %dma_wait3A_428 = arith.constant 0 : i32
    %dma_wait3A_429 = tpu.memref_slice %arg13[%dma_wait3A_427, %dma_wait3A_428] : memref<10112x32xf32, #tpu.memory_space<vmem_shared>> -> memref<10112x32xf32, #tpu.memory_space<vmem_shared>>
    tpu.wait_indirect_dma semaphore(%arg16 : memref<!tpu.dma_semaphore, #tpu.memory_space<semaphore_mem>>) src(%dma_wait3A_429 : memref<10112x32xf32, #tpu.memory_space<vmem_shared>>) dst(%arg9 : memref<312x32xf32, #tpu.memory_space<vmem>>)
    %dma_wait3A_430 = arith.constant 4992 : i32
    %dma_wait3A_431 = tpu.memref_slice %arg6[%dma_wait3A_430] : memref<10112xi32, #tpu.memory_space<vmem>> -> memref<312xi32, #tpu.memory_space<vmem>>
    %dma_wait3A_432 = arith.constant 0 : i32
    %dma_wait3A_433 = arith.constant 0 : i32
    %dma_wait3A_434 = tpu.memref_slice %arg12[%dma_wait3A_432, %dma_wait3A_433] : memref<10112x32xf32, #tpu.memory_space<vmem_shared>> -> memref<10112x32xf32, #tpu.memory_space<vmem_shared>>
    tpu.wait_indirect_dma semaphore(%arg18 : memref<!tpu.dma_semaphore, #tpu.memory_space<semaphore_mem>>) src(%arg7 : memref<312x32xf32, #tpu.memory_space<vmem>>) dst(%dma_wait3A_434 : memref<10112x32xf32, #tpu.memory_space<vmem_shared>>)
    %dma_start3A_435 = arith.constant 5616 : i32
    %dma_start3A_436 = tpu.memref_slice %arg6[%dma_start3A_435] : memref<10112xi32, #tpu.memory_space<vmem>> -> memref<312xi32, #tpu.memory_space<vmem>>
    %dma_start3A_437 = arith.constant 0 : i32
    %dma_start3A_438 = arith.constant 0 : i32
    %dma_start3A_439 = tpu.memref_slice %arg12[%dma_start3A_437, %dma_start3A_438] : memref<10112x32xf32, #tpu.memory_space<vmem_shared>> -> memref<10112x32xf32, #tpu.memory_space<vmem_shared>>
    tpu.enqueue_indirect_dma source(%arg9 : memref<312x32xf32, #tpu.memory_space<vmem>>) target(%dma_start3A_439 : memref<10112x32xf32, #tpu.memory_space<vmem_shared>>) offsets(%dma_start3A_436 : memref<312xi32, #tpu.memory_space<vmem>>) semaphore(%arg20 : memref<!tpu.dma_semaphore, #tpu.memory_space<semaphore_mem>>) {add = true}
    %dma_start3A_440 = arith.constant 6240 : i32
    %dma_start3A_441 = tpu.memref_slice %arg5[%dma_start3A_440] : memref<10112xi32, #tpu.memory_space<vmem>> -> memref<312xi32, #tpu.memory_space<vmem>>
    %dma_start3A_442 = arith.constant 0 : i32
    %dma_start3A_443 = arith.constant 0 : i32
    %dma_start3A_444 = tpu.memref_slice %arg13[%dma_start3A_442, %dma_start3A_443] : memref<10112x32xf32, #tpu.memory_space<vmem_shared>> -> memref<10112x32xf32, #tpu.memory_space<vmem_shared>>
    tpu.enqueue_indirect_dma source(%dma_start3A_444 : memref<10112x32xf32, #tpu.memory_space<vmem_shared>>) target(%arg7 : memref<312x32xf32, #tpu.memory_space<vmem>>) offsets(%dma_start3A_441 : memref<312xi32, #tpu.memory_space<vmem>>) semaphore(%arg14 : memref<!tpu.dma_semaphore, #tpu.memory_space<semaphore_mem>>)
    %dma_wait3A_445 = arith.constant 5928 : i32
    %dma_wait3A_446 = tpu.memref_slice %arg5[%dma_wait3A_445] : memref<10112xi32, #tpu.memory_space<vmem>> -> memref<312xi32, #tpu.memory_space<vmem>>
    %dma_wait3A_447 = arith.constant 0 : i32
    %dma_wait3A_448 = arith.constant 0 : i32
    %dma_wait3A_449 = tpu.memref_slice %arg13[%dma_wait3A_447, %dma_wait3A_448] : memref<10112x32xf32, #tpu.memory_space<vmem_shared>> -> memref<10112x32xf32, #tpu.memory_space<vmem_shared>>
    tpu.wait_indirect_dma semaphore(%arg17 : memref<!tpu.dma_semaphore, #tpu.memory_space<semaphore_mem>>) src(%dma_wait3A_449 : memref<10112x32xf32, #tpu.memory_space<vmem_shared>>) dst(%arg10 : memref<312x32xf32, #tpu.memory_space<vmem>>)
    %dma_wait3A_450 = arith.constant 5304 : i32
    %dma_wait3A_451 = tpu.memref_slice %arg6[%dma_wait3A_450] : memref<10112xi32, #tpu.memory_space<vmem>> -> memref<312xi32, #tpu.memory_space<vmem>>
    %dma_wait3A_452 = arith.constant 0 : i32
    %dma_wait3A_453 = arith.constant 0 : i32
    %dma_wait3A_454 = tpu.memref_slice %arg12[%dma_wait3A_452, %dma_wait3A_453] : memref<10112x32xf32, #tpu.memory_space<vmem_shared>> -> memref<10112x32xf32, #tpu.memory_space<vmem_shared>>
    tpu.wait_indirect_dma semaphore(%arg19 : memref<!tpu.dma_semaphore, #tpu.memory_space<semaphore_mem>>) src(%arg8 : memref<312x32xf32, #tpu.memory_space<vmem>>) dst(%dma_wait3A_454 : memref<10112x32xf32, #tpu.memory_space<vmem_shared>>)
    %dma_start3A_455 = arith.constant 5928 : i32
    %dma_start3A_456 = tpu.memref_slice %arg6[%dma_start3A_455] : memref<10112xi32, #tpu.memory_space<vmem>> -> memref<312xi32, #tpu.memory_space<vmem>>
    %dma_start3A_457 = arith.constant 0 : i32
    %dma_start3A_458 = arith.constant 0 : i32
    %dma_start3A_459 = tpu.memref_slice %arg12[%dma_start3A_457, %dma_start3A_458] : memref<10112x32xf32, #tpu.memory_space<vmem_shared>> -> memref<10112x32xf32, #tpu.memory_space<vmem_shared>>
    tpu.enqueue_indirect_dma source(%arg10 : memref<312x32xf32, #tpu.memory_space<vmem>>) target(%dma_start3A_459 : memref<10112x32xf32, #tpu.memory_space<vmem_shared>>) offsets(%dma_start3A_456 : memref<312xi32, #tpu.memory_space<vmem>>) semaphore(%arg21 : memref<!tpu.dma_semaphore, #tpu.memory_space<semaphore_mem>>) {add = true}
    %dma_start3A_460 = arith.constant 6552 : i32
    %dma_start3A_461 = tpu.memref_slice %arg5[%dma_start3A_460] : memref<10112xi32, #tpu.memory_space<vmem>> -> memref<312xi32, #tpu.memory_space<vmem>>
    %dma_start3A_462 = arith.constant 0 : i32
    %dma_start3A_463 = arith.constant 0 : i32
    %dma_start3A_464 = tpu.memref_slice %arg13[%dma_start3A_462, %dma_start3A_463] : memref<10112x32xf32, #tpu.memory_space<vmem_shared>> -> memref<10112x32xf32, #tpu.memory_space<vmem_shared>>
    tpu.enqueue_indirect_dma source(%dma_start3A_464 : memref<10112x32xf32, #tpu.memory_space<vmem_shared>>) target(%arg8 : memref<312x32xf32, #tpu.memory_space<vmem>>) offsets(%dma_start3A_461 : memref<312xi32, #tpu.memory_space<vmem>>) semaphore(%arg15 : memref<!tpu.dma_semaphore, #tpu.memory_space<semaphore_mem>>)
    %dma_wait3A_465 = arith.constant 6240 : i32
    %dma_wait3A_466 = tpu.memref_slice %arg5[%dma_wait3A_465] : memref<10112xi32, #tpu.memory_space<vmem>> -> memref<312xi32, #tpu.memory_space<vmem>>
    %dma_wait3A_467 = arith.constant 0 : i32
    %dma_wait3A_468 = arith.constant 0 : i32
    %dma_wait3A_469 = tpu.memref_slice %arg13[%dma_wait3A_467, %dma_wait3A_468] : memref<10112x32xf32, #tpu.memory_space<vmem_shared>> -> memref<10112x32xf32, #tpu.memory_space<vmem_shared>>
    tpu.wait_indirect_dma semaphore(%arg14 : memref<!tpu.dma_semaphore, #tpu.memory_space<semaphore_mem>>) src(%dma_wait3A_469 : memref<10112x32xf32, #tpu.memory_space<vmem_shared>>) dst(%arg7 : memref<312x32xf32, #tpu.memory_space<vmem>>)
    %dma_wait3A_470 = arith.constant 5616 : i32
    %dma_wait3A_471 = tpu.memref_slice %arg6[%dma_wait3A_470] : memref<10112xi32, #tpu.memory_space<vmem>> -> memref<312xi32, #tpu.memory_space<vmem>>
    %dma_wait3A_472 = arith.constant 0 : i32
    %dma_wait3A_473 = arith.constant 0 : i32
    %dma_wait3A_474 = tpu.memref_slice %arg12[%dma_wait3A_472, %dma_wait3A_473] : memref<10112x32xf32, #tpu.memory_space<vmem_shared>> -> memref<10112x32xf32, #tpu.memory_space<vmem_shared>>
    tpu.wait_indirect_dma semaphore(%arg20 : memref<!tpu.dma_semaphore, #tpu.memory_space<semaphore_mem>>) src(%arg9 : memref<312x32xf32, #tpu.memory_space<vmem>>) dst(%dma_wait3A_474 : memref<10112x32xf32, #tpu.memory_space<vmem_shared>>)
    %dma_start3A_475 = arith.constant 6240 : i32
    %dma_start3A_476 = tpu.memref_slice %arg6[%dma_start3A_475] : memref<10112xi32, #tpu.memory_space<vmem>> -> memref<312xi32, #tpu.memory_space<vmem>>
    %dma_start3A_477 = arith.constant 0 : i32
    %dma_start3A_478 = arith.constant 0 : i32
    %dma_start3A_479 = tpu.memref_slice %arg12[%dma_start3A_477, %dma_start3A_478] : memref<10112x32xf32, #tpu.memory_space<vmem_shared>> -> memref<10112x32xf32, #tpu.memory_space<vmem_shared>>
    tpu.enqueue_indirect_dma source(%arg7 : memref<312x32xf32, #tpu.memory_space<vmem>>) target(%dma_start3A_479 : memref<10112x32xf32, #tpu.memory_space<vmem_shared>>) offsets(%dma_start3A_476 : memref<312xi32, #tpu.memory_space<vmem>>) semaphore(%arg18 : memref<!tpu.dma_semaphore, #tpu.memory_space<semaphore_mem>>) {add = true}
    %dma_start3A_480 = arith.constant 6864 : i32
    %dma_start3A_481 = tpu.memref_slice %arg5[%dma_start3A_480] : memref<10112xi32, #tpu.memory_space<vmem>> -> memref<312xi32, #tpu.memory_space<vmem>>
    %dma_start3A_482 = arith.constant 0 : i32
    %dma_start3A_483 = arith.constant 0 : i32
    %dma_start3A_484 = tpu.memref_slice %arg13[%dma_start3A_482, %dma_start3A_483] : memref<10112x32xf32, #tpu.memory_space<vmem_shared>> -> memref<10112x32xf32, #tpu.memory_space<vmem_shared>>
    tpu.enqueue_indirect_dma source(%dma_start3A_484 : memref<10112x32xf32, #tpu.memory_space<vmem_shared>>) target(%arg9 : memref<312x32xf32, #tpu.memory_space<vmem>>) offsets(%dma_start3A_481 : memref<312xi32, #tpu.memory_space<vmem>>) semaphore(%arg16 : memref<!tpu.dma_semaphore, #tpu.memory_space<semaphore_mem>>)
    %dma_wait3A_485 = arith.constant 6552 : i32
    %dma_wait3A_486 = tpu.memref_slice %arg5[%dma_wait3A_485] : memref<10112xi32, #tpu.memory_space<vmem>> -> memref<312xi32, #tpu.memory_space<vmem>>
    %dma_wait3A_487 = arith.constant 0 : i32
    %dma_wait3A_488 = arith.constant 0 : i32
    %dma_wait3A_489 = tpu.memref_slice %arg13[%dma_wait3A_487, %dma_wait3A_488] : memref<10112x32xf32, #tpu.memory_space<vmem_shared>> -> memref<10112x32xf32, #tpu.memory_space<vmem_shared>>
    tpu.wait_indirect_dma semaphore(%arg15 : memref<!tpu.dma_semaphore, #tpu.memory_space<semaphore_mem>>) src(%dma_wait3A_489 : memref<10112x32xf32, #tpu.memory_space<vmem_shared>>) dst(%arg8 : memref<312x32xf32, #tpu.memory_space<vmem>>)
    %dma_wait3A_490 = arith.constant 5928 : i32
    %dma_wait3A_491 = tpu.memref_slice %arg6[%dma_wait3A_490] : memref<10112xi32, #tpu.memory_space<vmem>> -> memref<312xi32, #tpu.memory_space<vmem>>
    %dma_wait3A_492 = arith.constant 0 : i32
    %dma_wait3A_493 = arith.constant 0 : i32
    %dma_wait3A_494 = tpu.memref_slice %arg12[%dma_wait3A_492, %dma_wait3A_493] : memref<10112x32xf32, #tpu.memory_space<vmem_shared>> -> memref<10112x32xf32, #tpu.memory_space<vmem_shared>>
    tpu.wait_indirect_dma semaphore(%arg21 : memref<!tpu.dma_semaphore, #tpu.memory_space<semaphore_mem>>) src(%arg10 : memref<312x32xf32, #tpu.memory_space<vmem>>) dst(%dma_wait3A_494 : memref<10112x32xf32, #tpu.memory_space<vmem_shared>>)
    %dma_start3A_495 = arith.constant 6552 : i32
    %dma_start3A_496 = tpu.memref_slice %arg6[%dma_start3A_495] : memref<10112xi32, #tpu.memory_space<vmem>> -> memref<312xi32, #tpu.memory_space<vmem>>
    %dma_start3A_497 = arith.constant 0 : i32
    %dma_start3A_498 = arith.constant 0 : i32
    %dma_start3A_499 = tpu.memref_slice %arg12[%dma_start3A_497, %dma_start3A_498] : memref<10112x32xf32, #tpu.memory_space<vmem_shared>> -> memref<10112x32xf32, #tpu.memory_space<vmem_shared>>
    tpu.enqueue_indirect_dma source(%arg8 : memref<312x32xf32, #tpu.memory_space<vmem>>) target(%dma_start3A_499 : memref<10112x32xf32, #tpu.memory_space<vmem_shared>>) offsets(%dma_start3A_496 : memref<312xi32, #tpu.memory_space<vmem>>) semaphore(%arg19 : memref<!tpu.dma_semaphore, #tpu.memory_space<semaphore_mem>>) {add = true}
    %dma_start3A_500 = arith.constant 7176 : i32
    %dma_start3A_501 = tpu.memref_slice %arg5[%dma_start3A_500] : memref<10112xi32, #tpu.memory_space<vmem>> -> memref<312xi32, #tpu.memory_space<vmem>>
    %dma_start3A_502 = arith.constant 0 : i32
    %dma_start3A_503 = arith.constant 0 : i32
    %dma_start3A_504 = tpu.memref_slice %arg13[%dma_start3A_502, %dma_start3A_503] : memref<10112x32xf32, #tpu.memory_space<vmem_shared>> -> memref<10112x32xf32, #tpu.memory_space<vmem_shared>>
    tpu.enqueue_indirect_dma source(%dma_start3A_504 : memref<10112x32xf32, #tpu.memory_space<vmem_shared>>) target(%arg10 : memref<312x32xf32, #tpu.memory_space<vmem>>) offsets(%dma_start3A_501 : memref<312xi32, #tpu.memory_space<vmem>>) semaphore(%arg17 : memref<!tpu.dma_semaphore, #tpu.memory_space<semaphore_mem>>)
    %dma_wait3A_505 = arith.constant 6864 : i32
    %dma_wait3A_506 = tpu.memref_slice %arg5[%dma_wait3A_505] : memref<10112xi32, #tpu.memory_space<vmem>> -> memref<312xi32, #tpu.memory_space<vmem>>
    %dma_wait3A_507 = arith.constant 0 : i32
    %dma_wait3A_508 = arith.constant 0 : i32
    %dma_wait3A_509 = tpu.memref_slice %arg13[%dma_wait3A_507, %dma_wait3A_508] : memref<10112x32xf32, #tpu.memory_space<vmem_shared>> -> memref<10112x32xf32, #tpu.memory_space<vmem_shared>>
    tpu.wait_indirect_dma semaphore(%arg16 : memref<!tpu.dma_semaphore, #tpu.memory_space<semaphore_mem>>) src(%dma_wait3A_509 : memref<10112x32xf32, #tpu.memory_space<vmem_shared>>) dst(%arg9 : memref<312x32xf32, #tpu.memory_space<vmem>>)
    %dma_wait3A_510 = arith.constant 6240 : i32
    %dma_wait3A_511 = tpu.memref_slice %arg6[%dma_wait3A_510] : memref<10112xi32, #tpu.memory_space<vmem>> -> memref<312xi32, #tpu.memory_space<vmem>>
    %dma_wait3A_512 = arith.constant 0 : i32
    %dma_wait3A_513 = arith.constant 0 : i32
    %dma_wait3A_514 = tpu.memref_slice %arg12[%dma_wait3A_512, %dma_wait3A_513] : memref<10112x32xf32, #tpu.memory_space<vmem_shared>> -> memref<10112x32xf32, #tpu.memory_space<vmem_shared>>
    tpu.wait_indirect_dma semaphore(%arg18 : memref<!tpu.dma_semaphore, #tpu.memory_space<semaphore_mem>>) src(%arg7 : memref<312x32xf32, #tpu.memory_space<vmem>>) dst(%dma_wait3A_514 : memref<10112x32xf32, #tpu.memory_space<vmem_shared>>)
    %dma_start3A_515 = arith.constant 6864 : i32
    %dma_start3A_516 = tpu.memref_slice %arg6[%dma_start3A_515] : memref<10112xi32, #tpu.memory_space<vmem>> -> memref<312xi32, #tpu.memory_space<vmem>>
    %dma_start3A_517 = arith.constant 0 : i32
    %dma_start3A_518 = arith.constant 0 : i32
    %dma_start3A_519 = tpu.memref_slice %arg12[%dma_start3A_517, %dma_start3A_518] : memref<10112x32xf32, #tpu.memory_space<vmem_shared>> -> memref<10112x32xf32, #tpu.memory_space<vmem_shared>>
    tpu.enqueue_indirect_dma source(%arg9 : memref<312x32xf32, #tpu.memory_space<vmem>>) target(%dma_start3A_519 : memref<10112x32xf32, #tpu.memory_space<vmem_shared>>) offsets(%dma_start3A_516 : memref<312xi32, #tpu.memory_space<vmem>>) semaphore(%arg20 : memref<!tpu.dma_semaphore, #tpu.memory_space<semaphore_mem>>) {add = true}
    %dma_start3A_520 = arith.constant 7488 : i32
    %dma_start3A_521 = tpu.memref_slice %arg5[%dma_start3A_520] : memref<10112xi32, #tpu.memory_space<vmem>> -> memref<312xi32, #tpu.memory_space<vmem>>
    %dma_start3A_522 = arith.constant 0 : i32
    %dma_start3A_523 = arith.constant 0 : i32
    %dma_start3A_524 = tpu.memref_slice %arg13[%dma_start3A_522, %dma_start3A_523] : memref<10112x32xf32, #tpu.memory_space<vmem_shared>> -> memref<10112x32xf32, #tpu.memory_space<vmem_shared>>
    tpu.enqueue_indirect_dma source(%dma_start3A_524 : memref<10112x32xf32, #tpu.memory_space<vmem_shared>>) target(%arg7 : memref<312x32xf32, #tpu.memory_space<vmem>>) offsets(%dma_start3A_521 : memref<312xi32, #tpu.memory_space<vmem>>) semaphore(%arg14 : memref<!tpu.dma_semaphore, #tpu.memory_space<semaphore_mem>>)
    %dma_wait3A_525 = arith.constant 7176 : i32
    %dma_wait3A_526 = tpu.memref_slice %arg5[%dma_wait3A_525] : memref<10112xi32, #tpu.memory_space<vmem>> -> memref<312xi32, #tpu.memory_space<vmem>>
    %dma_wait3A_527 = arith.constant 0 : i32
    %dma_wait3A_528 = arith.constant 0 : i32
    %dma_wait3A_529 = tpu.memref_slice %arg13[%dma_wait3A_527, %dma_wait3A_528] : memref<10112x32xf32, #tpu.memory_space<vmem_shared>> -> memref<10112x32xf32, #tpu.memory_space<vmem_shared>>
    tpu.wait_indirect_dma semaphore(%arg17 : memref<!tpu.dma_semaphore, #tpu.memory_space<semaphore_mem>>) src(%dma_wait3A_529 : memref<10112x32xf32, #tpu.memory_space<vmem_shared>>) dst(%arg10 : memref<312x32xf32, #tpu.memory_space<vmem>>)
    %dma_wait3A_530 = arith.constant 6552 : i32
    %dma_wait3A_531 = tpu.memref_slice %arg6[%dma_wait3A_530] : memref<10112xi32, #tpu.memory_space<vmem>> -> memref<312xi32, #tpu.memory_space<vmem>>
    %dma_wait3A_532 = arith.constant 0 : i32
    %dma_wait3A_533 = arith.constant 0 : i32
    %dma_wait3A_534 = tpu.memref_slice %arg12[%dma_wait3A_532, %dma_wait3A_533] : memref<10112x32xf32, #tpu.memory_space<vmem_shared>> -> memref<10112x32xf32, #tpu.memory_space<vmem_shared>>
    tpu.wait_indirect_dma semaphore(%arg19 : memref<!tpu.dma_semaphore, #tpu.memory_space<semaphore_mem>>) src(%arg8 : memref<312x32xf32, #tpu.memory_space<vmem>>) dst(%dma_wait3A_534 : memref<10112x32xf32, #tpu.memory_space<vmem_shared>>)
    %dma_start3A_535 = arith.constant 7176 : i32
    %dma_start3A_536 = tpu.memref_slice %arg6[%dma_start3A_535] : memref<10112xi32, #tpu.memory_space<vmem>> -> memref<312xi32, #tpu.memory_space<vmem>>
    %dma_start3A_537 = arith.constant 0 : i32
    %dma_start3A_538 = arith.constant 0 : i32
    %dma_start3A_539 = tpu.memref_slice %arg12[%dma_start3A_537, %dma_start3A_538] : memref<10112x32xf32, #tpu.memory_space<vmem_shared>> -> memref<10112x32xf32, #tpu.memory_space<vmem_shared>>
    tpu.enqueue_indirect_dma source(%arg10 : memref<312x32xf32, #tpu.memory_space<vmem>>) target(%dma_start3A_539 : memref<10112x32xf32, #tpu.memory_space<vmem_shared>>) offsets(%dma_start3A_536 : memref<312xi32, #tpu.memory_space<vmem>>) semaphore(%arg21 : memref<!tpu.dma_semaphore, #tpu.memory_space<semaphore_mem>>) {add = true}
    %dma_start3A_540 = arith.constant 7800 : i32
    %dma_start3A_541 = tpu.memref_slice %arg5[%dma_start3A_540] : memref<10112xi32, #tpu.memory_space<vmem>> -> memref<312xi32, #tpu.memory_space<vmem>>
    %dma_start3A_542 = arith.constant 0 : i32
    %dma_start3A_543 = arith.constant 0 : i32
    %dma_start3A_544 = tpu.memref_slice %arg13[%dma_start3A_542, %dma_start3A_543] : memref<10112x32xf32, #tpu.memory_space<vmem_shared>> -> memref<10112x32xf32, #tpu.memory_space<vmem_shared>>
    tpu.enqueue_indirect_dma source(%dma_start3A_544 : memref<10112x32xf32, #tpu.memory_space<vmem_shared>>) target(%arg8 : memref<312x32xf32, #tpu.memory_space<vmem>>) offsets(%dma_start3A_541 : memref<312xi32, #tpu.memory_space<vmem>>) semaphore(%arg15 : memref<!tpu.dma_semaphore, #tpu.memory_space<semaphore_mem>>)
    %dma_wait3A_545 = arith.constant 7488 : i32
    %dma_wait3A_546 = tpu.memref_slice %arg5[%dma_wait3A_545] : memref<10112xi32, #tpu.memory_space<vmem>> -> memref<312xi32, #tpu.memory_space<vmem>>
    %dma_wait3A_547 = arith.constant 0 : i32
    %dma_wait3A_548 = arith.constant 0 : i32
    %dma_wait3A_549 = tpu.memref_slice %arg13[%dma_wait3A_547, %dma_wait3A_548] : memref<10112x32xf32, #tpu.memory_space<vmem_shared>> -> memref<10112x32xf32, #tpu.memory_space<vmem_shared>>
    tpu.wait_indirect_dma semaphore(%arg14 : memref<!tpu.dma_semaphore, #tpu.memory_space<semaphore_mem>>) src(%dma_wait3A_549 : memref<10112x32xf32, #tpu.memory_space<vmem_shared>>) dst(%arg7 : memref<312x32xf32, #tpu.memory_space<vmem>>)
    %dma_wait3A_550 = arith.constant 6864 : i32
    %dma_wait3A_551 = tpu.memref_slice %arg6[%dma_wait3A_550] : memref<10112xi32, #tpu.memory_space<vmem>> -> memref<312xi32, #tpu.memory_space<vmem>>
    %dma_wait3A_552 = arith.constant 0 : i32
    %dma_wait3A_553 = arith.constant 0 : i32
    %dma_wait3A_554 = tpu.memref_slice %arg12[%dma_wait3A_552, %dma_wait3A_553] : memref<10112x32xf32, #tpu.memory_space<vmem_shared>> -> memref<10112x32xf32, #tpu.memory_space<vmem_shared>>
    tpu.wait_indirect_dma semaphore(%arg20 : memref<!tpu.dma_semaphore, #tpu.memory_space<semaphore_mem>>) src(%arg9 : memref<312x32xf32, #tpu.memory_space<vmem>>) dst(%dma_wait3A_554 : memref<10112x32xf32, #tpu.memory_space<vmem_shared>>)
    %dma_start3A_555 = arith.constant 7488 : i32
    %dma_start3A_556 = tpu.memref_slice %arg6[%dma_start3A_555] : memref<10112xi32, #tpu.memory_space<vmem>> -> memref<312xi32, #tpu.memory_space<vmem>>
    %dma_start3A_557 = arith.constant 0 : i32
    %dma_start3A_558 = arith.constant 0 : i32
    %dma_start3A_559 = tpu.memref_slice %arg12[%dma_start3A_557, %dma_start3A_558] : memref<10112x32xf32, #tpu.memory_space<vmem_shared>> -> memref<10112x32xf32, #tpu.memory_space<vmem_shared>>
    tpu.enqueue_indirect_dma source(%arg7 : memref<312x32xf32, #tpu.memory_space<vmem>>) target(%dma_start3A_559 : memref<10112x32xf32, #tpu.memory_space<vmem_shared>>) offsets(%dma_start3A_556 : memref<312xi32, #tpu.memory_space<vmem>>) semaphore(%arg18 : memref<!tpu.dma_semaphore, #tpu.memory_space<semaphore_mem>>) {add = true}
    %dma_start3A_560 = arith.constant 8112 : i32
    %dma_start3A_561 = tpu.memref_slice %arg5[%dma_start3A_560] : memref<10112xi32, #tpu.memory_space<vmem>> -> memref<312xi32, #tpu.memory_space<vmem>>
    %dma_start3A_562 = arith.constant 0 : i32
    %dma_start3A_563 = arith.constant 0 : i32
    %dma_start3A_564 = tpu.memref_slice %arg13[%dma_start3A_562, %dma_start3A_563] : memref<10112x32xf32, #tpu.memory_space<vmem_shared>> -> memref<10112x32xf32, #tpu.memory_space<vmem_shared>>
    tpu.enqueue_indirect_dma source(%dma_start3A_564 : memref<10112x32xf32, #tpu.memory_space<vmem_shared>>) target(%arg9 : memref<312x32xf32, #tpu.memory_space<vmem>>) offsets(%dma_start3A_561 : memref<312xi32, #tpu.memory_space<vmem>>) semaphore(%arg16 : memref<!tpu.dma_semaphore, #tpu.memory_space<semaphore_mem>>)
    %dma_wait3A_565 = arith.constant 7800 : i32
    %dma_wait3A_566 = tpu.memref_slice %arg5[%dma_wait3A_565] : memref<10112xi32, #tpu.memory_space<vmem>> -> memref<312xi32, #tpu.memory_space<vmem>>
    %dma_wait3A_567 = arith.constant 0 : i32
    %dma_wait3A_568 = arith.constant 0 : i32
    %dma_wait3A_569 = tpu.memref_slice %arg13[%dma_wait3A_567, %dma_wait3A_568] : memref<10112x32xf32, #tpu.memory_space<vmem_shared>> -> memref<10112x32xf32, #tpu.memory_space<vmem_shared>>
    tpu.wait_indirect_dma semaphore(%arg15 : memref<!tpu.dma_semaphore, #tpu.memory_space<semaphore_mem>>) src(%dma_wait3A_569 : memref<10112x32xf32, #tpu.memory_space<vmem_shared>>) dst(%arg8 : memref<312x32xf32, #tpu.memory_space<vmem>>)
    %dma_wait3A_570 = arith.constant 7176 : i32
    %dma_wait3A_571 = tpu.memref_slice %arg6[%dma_wait3A_570] : memref<10112xi32, #tpu.memory_space<vmem>> -> memref<312xi32, #tpu.memory_space<vmem>>
    %dma_wait3A_572 = arith.constant 0 : i32
    %dma_wait3A_573 = arith.constant 0 : i32
    %dma_wait3A_574 = tpu.memref_slice %arg12[%dma_wait3A_572, %dma_wait3A_573] : memref<10112x32xf32, #tpu.memory_space<vmem_shared>> -> memref<10112x32xf32, #tpu.memory_space<vmem_shared>>
    tpu.wait_indirect_dma semaphore(%arg21 : memref<!tpu.dma_semaphore, #tpu.memory_space<semaphore_mem>>) src(%arg10 : memref<312x32xf32, #tpu.memory_space<vmem>>) dst(%dma_wait3A_574 : memref<10112x32xf32, #tpu.memory_space<vmem_shared>>)
    %dma_start3A_575 = arith.constant 7800 : i32
    %dma_start3A_576 = tpu.memref_slice %arg6[%dma_start3A_575] : memref<10112xi32, #tpu.memory_space<vmem>> -> memref<312xi32, #tpu.memory_space<vmem>>
    %dma_start3A_577 = arith.constant 0 : i32
    %dma_start3A_578 = arith.constant 0 : i32
    %dma_start3A_579 = tpu.memref_slice %arg12[%dma_start3A_577, %dma_start3A_578] : memref<10112x32xf32, #tpu.memory_space<vmem_shared>> -> memref<10112x32xf32, #tpu.memory_space<vmem_shared>>
    tpu.enqueue_indirect_dma source(%arg8 : memref<312x32xf32, #tpu.memory_space<vmem>>) target(%dma_start3A_579 : memref<10112x32xf32, #tpu.memory_space<vmem_shared>>) offsets(%dma_start3A_576 : memref<312xi32, #tpu.memory_space<vmem>>) semaphore(%arg19 : memref<!tpu.dma_semaphore, #tpu.memory_space<semaphore_mem>>) {add = true}
    %dma_start3A_580 = arith.constant 8424 : i32
    %dma_start3A_581 = tpu.memref_slice %arg5[%dma_start3A_580] : memref<10112xi32, #tpu.memory_space<vmem>> -> memref<312xi32, #tpu.memory_space<vmem>>
    %dma_start3A_582 = arith.constant 0 : i32
    %dma_start3A_583 = arith.constant 0 : i32
    %dma_start3A_584 = tpu.memref_slice %arg13[%dma_start3A_582, %dma_start3A_583] : memref<10112x32xf32, #tpu.memory_space<vmem_shared>> -> memref<10112x32xf32, #tpu.memory_space<vmem_shared>>
    tpu.enqueue_indirect_dma source(%dma_start3A_584 : memref<10112x32xf32, #tpu.memory_space<vmem_shared>>) target(%arg10 : memref<312x32xf32, #tpu.memory_space<vmem>>) offsets(%dma_start3A_581 : memref<312xi32, #tpu.memory_space<vmem>>) semaphore(%arg17 : memref<!tpu.dma_semaphore, #tpu.memory_space<semaphore_mem>>)
    %dma_wait3A_585 = arith.constant 8112 : i32
    %dma_wait3A_586 = tpu.memref_slice %arg5[%dma_wait3A_585] : memref<10112xi32, #tpu.memory_space<vmem>> -> memref<312xi32, #tpu.memory_space<vmem>>
    %dma_wait3A_587 = arith.constant 0 : i32
    %dma_wait3A_588 = arith.constant 0 : i32
    %dma_wait3A_589 = tpu.memref_slice %arg13[%dma_wait3A_587, %dma_wait3A_588] : memref<10112x32xf32, #tpu.memory_space<vmem_shared>> -> memref<10112x32xf32, #tpu.memory_space<vmem_shared>>
    tpu.wait_indirect_dma semaphore(%arg16 : memref<!tpu.dma_semaphore, #tpu.memory_space<semaphore_mem>>) src(%dma_wait3A_589 : memref<10112x32xf32, #tpu.memory_space<vmem_shared>>) dst(%arg9 : memref<312x32xf32, #tpu.memory_space<vmem>>)
    %dma_wait3A_590 = arith.constant 7488 : i32
    %dma_wait3A_591 = tpu.memref_slice %arg6[%dma_wait3A_590] : memref<10112xi32, #tpu.memory_space<vmem>> -> memref<312xi32, #tpu.memory_space<vmem>>
    %dma_wait3A_592 = arith.constant 0 : i32
    %dma_wait3A_593 = arith.constant 0 : i32
    %dma_wait3A_594 = tpu.memref_slice %arg12[%dma_wait3A_592, %dma_wait3A_593] : memref<10112x32xf32, #tpu.memory_space<vmem_shared>> -> memref<10112x32xf32, #tpu.memory_space<vmem_shared>>
    tpu.wait_indirect_dma semaphore(%arg18 : memref<!tpu.dma_semaphore, #tpu.memory_space<semaphore_mem>>) src(%arg7 : memref<312x32xf32, #tpu.memory_space<vmem>>) dst(%dma_wait3A_594 : memref<10112x32xf32, #tpu.memory_space<vmem_shared>>)
    %dma_start3A_595 = arith.constant 8112 : i32
    %dma_start3A_596 = tpu.memref_slice %arg6[%dma_start3A_595] : memref<10112xi32, #tpu.memory_space<vmem>> -> memref<312xi32, #tpu.memory_space<vmem>>
    %dma_start3A_597 = arith.constant 0 : i32
    %dma_start3A_598 = arith.constant 0 : i32
    %dma_start3A_599 = tpu.memref_slice %arg12[%dma_start3A_597, %dma_start3A_598] : memref<10112x32xf32, #tpu.memory_space<vmem_shared>> -> memref<10112x32xf32, #tpu.memory_space<vmem_shared>>
    tpu.enqueue_indirect_dma source(%arg9 : memref<312x32xf32, #tpu.memory_space<vmem>>) target(%dma_start3A_599 : memref<10112x32xf32, #tpu.memory_space<vmem_shared>>) offsets(%dma_start3A_596 : memref<312xi32, #tpu.memory_space<vmem>>) semaphore(%arg20 : memref<!tpu.dma_semaphore, #tpu.memory_space<semaphore_mem>>) {add = true}
    %dma_start3A_600 = arith.constant 8736 : i32
    %dma_start3A_601 = tpu.memref_slice %arg5[%dma_start3A_600] : memref<10112xi32, #tpu.memory_space<vmem>> -> memref<312xi32, #tpu.memory_space<vmem>>
    %dma_start3A_602 = arith.constant 0 : i32
    %dma_start3A_603 = arith.constant 0 : i32
    %dma_start3A_604 = tpu.memref_slice %arg13[%dma_start3A_602, %dma_start3A_603] : memref<10112x32xf32, #tpu.memory_space<vmem_shared>> -> memref<10112x32xf32, #tpu.memory_space<vmem_shared>>
    tpu.enqueue_indirect_dma source(%dma_start3A_604 : memref<10112x32xf32, #tpu.memory_space<vmem_shared>>) target(%arg7 : memref<312x32xf32, #tpu.memory_space<vmem>>) offsets(%dma_start3A_601 : memref<312xi32, #tpu.memory_space<vmem>>) semaphore(%arg14 : memref<!tpu.dma_semaphore, #tpu.memory_space<semaphore_mem>>)
    %dma_wait3A_605 = arith.constant 8424 : i32
    %dma_wait3A_606 = tpu.memref_slice %arg5[%dma_wait3A_605] : memref<10112xi32, #tpu.memory_space<vmem>> -> memref<312xi32, #tpu.memory_space<vmem>>
    %dma_wait3A_607 = arith.constant 0 : i32
    %dma_wait3A_608 = arith.constant 0 : i32
    %dma_wait3A_609 = tpu.memref_slice %arg13[%dma_wait3A_607, %dma_wait3A_608] : memref<10112x32xf32, #tpu.memory_space<vmem_shared>> -> memref<10112x32xf32, #tpu.memory_space<vmem_shared>>
    tpu.wait_indirect_dma semaphore(%arg17 : memref<!tpu.dma_semaphore, #tpu.memory_space<semaphore_mem>>) src(%dma_wait3A_609 : memref<10112x32xf32, #tpu.memory_space<vmem_shared>>) dst(%arg10 : memref<312x32xf32, #tpu.memory_space<vmem>>)
    %dma_wait3A_610 = arith.constant 7800 : i32
    %dma_wait3A_611 = tpu.memref_slice %arg6[%dma_wait3A_610] : memref<10112xi32, #tpu.memory_space<vmem>> -> memref<312xi32, #tpu.memory_space<vmem>>
    %dma_wait3A_612 = arith.constant 0 : i32
    %dma_wait3A_613 = arith.constant 0 : i32
    %dma_wait3A_614 = tpu.memref_slice %arg12[%dma_wait3A_612, %dma_wait3A_613] : memref<10112x32xf32, #tpu.memory_space<vmem_shared>> -> memref<10112x32xf32, #tpu.memory_space<vmem_shared>>
    tpu.wait_indirect_dma semaphore(%arg19 : memref<!tpu.dma_semaphore, #tpu.memory_space<semaphore_mem>>) src(%arg8 : memref<312x32xf32, #tpu.memory_space<vmem>>) dst(%dma_wait3A_614 : memref<10112x32xf32, #tpu.memory_space<vmem_shared>>)
    %dma_start3A_615 = arith.constant 8424 : i32
    %dma_start3A_616 = tpu.memref_slice %arg6[%dma_start3A_615] : memref<10112xi32, #tpu.memory_space<vmem>> -> memref<312xi32, #tpu.memory_space<vmem>>
    %dma_start3A_617 = arith.constant 0 : i32
    %dma_start3A_618 = arith.constant 0 : i32
    %dma_start3A_619 = tpu.memref_slice %arg12[%dma_start3A_617, %dma_start3A_618] : memref<10112x32xf32, #tpu.memory_space<vmem_shared>> -> memref<10112x32xf32, #tpu.memory_space<vmem_shared>>
    tpu.enqueue_indirect_dma source(%arg10 : memref<312x32xf32, #tpu.memory_space<vmem>>) target(%dma_start3A_619 : memref<10112x32xf32, #tpu.memory_space<vmem_shared>>) offsets(%dma_start3A_616 : memref<312xi32, #tpu.memory_space<vmem>>) semaphore(%arg21 : memref<!tpu.dma_semaphore, #tpu.memory_space<semaphore_mem>>) {add = true}
    %dma_start3A_620 = arith.constant 9048 : i32
    %dma_start3A_621 = tpu.memref_slice %arg5[%dma_start3A_620] : memref<10112xi32, #tpu.memory_space<vmem>> -> memref<312xi32, #tpu.memory_space<vmem>>
    %dma_start3A_622 = arith.constant 0 : i32
    %dma_start3A_623 = arith.constant 0 : i32
    %dma_start3A_624 = tpu.memref_slice %arg13[%dma_start3A_622, %dma_start3A_623] : memref<10112x32xf32, #tpu.memory_space<vmem_shared>> -> memref<10112x32xf32, #tpu.memory_space<vmem_shared>>
    tpu.enqueue_indirect_dma source(%dma_start3A_624 : memref<10112x32xf32, #tpu.memory_space<vmem_shared>>) target(%arg8 : memref<312x32xf32, #tpu.memory_space<vmem>>) offsets(%dma_start3A_621 : memref<312xi32, #tpu.memory_space<vmem>>) semaphore(%arg15 : memref<!tpu.dma_semaphore, #tpu.memory_space<semaphore_mem>>)
    %dma_wait3A_625 = arith.constant 8736 : i32
    %dma_wait3A_626 = tpu.memref_slice %arg5[%dma_wait3A_625] : memref<10112xi32, #tpu.memory_space<vmem>> -> memref<312xi32, #tpu.memory_space<vmem>>
    %dma_wait3A_627 = arith.constant 0 : i32
    %dma_wait3A_628 = arith.constant 0 : i32
    %dma_wait3A_629 = tpu.memref_slice %arg13[%dma_wait3A_627, %dma_wait3A_628] : memref<10112x32xf32, #tpu.memory_space<vmem_shared>> -> memref<10112x32xf32, #tpu.memory_space<vmem_shared>>
    tpu.wait_indirect_dma semaphore(%arg14 : memref<!tpu.dma_semaphore, #tpu.memory_space<semaphore_mem>>) src(%dma_wait3A_629 : memref<10112x32xf32, #tpu.memory_space<vmem_shared>>) dst(%arg7 : memref<312x32xf32, #tpu.memory_space<vmem>>)
    %dma_wait3A_630 = arith.constant 8112 : i32
    %dma_wait3A_631 = tpu.memref_slice %arg6[%dma_wait3A_630] : memref<10112xi32, #tpu.memory_space<vmem>> -> memref<312xi32, #tpu.memory_space<vmem>>
    %dma_wait3A_632 = arith.constant 0 : i32
    %dma_wait3A_633 = arith.constant 0 : i32
    %dma_wait3A_634 = tpu.memref_slice %arg12[%dma_wait3A_632, %dma_wait3A_633] : memref<10112x32xf32, #tpu.memory_space<vmem_shared>> -> memref<10112x32xf32, #tpu.memory_space<vmem_shared>>
    tpu.wait_indirect_dma semaphore(%arg20 : memref<!tpu.dma_semaphore, #tpu.memory_space<semaphore_mem>>) src(%arg9 : memref<312x32xf32, #tpu.memory_space<vmem>>) dst(%dma_wait3A_634 : memref<10112x32xf32, #tpu.memory_space<vmem_shared>>)
    %dma_start3A_635 = arith.constant 8736 : i32
    %dma_start3A_636 = tpu.memref_slice %arg6[%dma_start3A_635] : memref<10112xi32, #tpu.memory_space<vmem>> -> memref<312xi32, #tpu.memory_space<vmem>>
    %dma_start3A_637 = arith.constant 0 : i32
    %dma_start3A_638 = arith.constant 0 : i32
    %dma_start3A_639 = tpu.memref_slice %arg12[%dma_start3A_637, %dma_start3A_638] : memref<10112x32xf32, #tpu.memory_space<vmem_shared>> -> memref<10112x32xf32, #tpu.memory_space<vmem_shared>>
    tpu.enqueue_indirect_dma source(%arg7 : memref<312x32xf32, #tpu.memory_space<vmem>>) target(%dma_start3A_639 : memref<10112x32xf32, #tpu.memory_space<vmem_shared>>) offsets(%dma_start3A_636 : memref<312xi32, #tpu.memory_space<vmem>>) semaphore(%arg18 : memref<!tpu.dma_semaphore, #tpu.memory_space<semaphore_mem>>) {add = true}
    %dma_start3A_640 = arith.constant 9360 : i32
    %dma_start3A_641 = tpu.memref_slice %arg5[%dma_start3A_640] : memref<10112xi32, #tpu.memory_space<vmem>> -> memref<312xi32, #tpu.memory_space<vmem>>
    %dma_start3A_642 = arith.constant 0 : i32
    %dma_start3A_643 = arith.constant 0 : i32
    %dma_start3A_644 = tpu.memref_slice %arg13[%dma_start3A_642, %dma_start3A_643] : memref<10112x32xf32, #tpu.memory_space<vmem_shared>> -> memref<10112x32xf32, #tpu.memory_space<vmem_shared>>
    tpu.enqueue_indirect_dma source(%dma_start3A_644 : memref<10112x32xf32, #tpu.memory_space<vmem_shared>>) target(%arg9 : memref<312x32xf32, #tpu.memory_space<vmem>>) offsets(%dma_start3A_641 : memref<312xi32, #tpu.memory_space<vmem>>) semaphore(%arg16 : memref<!tpu.dma_semaphore, #tpu.memory_space<semaphore_mem>>)
    %dma_wait3A_645 = arith.constant 9048 : i32
    %dma_wait3A_646 = tpu.memref_slice %arg5[%dma_wait3A_645] : memref<10112xi32, #tpu.memory_space<vmem>> -> memref<312xi32, #tpu.memory_space<vmem>>
    %dma_wait3A_647 = arith.constant 0 : i32
    %dma_wait3A_648 = arith.constant 0 : i32
    %dma_wait3A_649 = tpu.memref_slice %arg13[%dma_wait3A_647, %dma_wait3A_648] : memref<10112x32xf32, #tpu.memory_space<vmem_shared>> -> memref<10112x32xf32, #tpu.memory_space<vmem_shared>>
    tpu.wait_indirect_dma semaphore(%arg15 : memref<!tpu.dma_semaphore, #tpu.memory_space<semaphore_mem>>) src(%dma_wait3A_649 : memref<10112x32xf32, #tpu.memory_space<vmem_shared>>) dst(%arg8 : memref<312x32xf32, #tpu.memory_space<vmem>>)
    %dma_wait3A_650 = arith.constant 8424 : i32
    %dma_wait3A_651 = tpu.memref_slice %arg6[%dma_wait3A_650] : memref<10112xi32, #tpu.memory_space<vmem>> -> memref<312xi32, #tpu.memory_space<vmem>>
    %dma_wait3A_652 = arith.constant 0 : i32
    %dma_wait3A_653 = arith.constant 0 : i32
    %dma_wait3A_654 = tpu.memref_slice %arg12[%dma_wait3A_652, %dma_wait3A_653] : memref<10112x32xf32, #tpu.memory_space<vmem_shared>> -> memref<10112x32xf32, #tpu.memory_space<vmem_shared>>
    tpu.wait_indirect_dma semaphore(%arg21 : memref<!tpu.dma_semaphore, #tpu.memory_space<semaphore_mem>>) src(%arg10 : memref<312x32xf32, #tpu.memory_space<vmem>>) dst(%dma_wait3A_654 : memref<10112x32xf32, #tpu.memory_space<vmem_shared>>)
    %dma_start3A_655 = arith.constant 9048 : i32
    %dma_start3A_656 = tpu.memref_slice %arg6[%dma_start3A_655] : memref<10112xi32, #tpu.memory_space<vmem>> -> memref<312xi32, #tpu.memory_space<vmem>>
    %dma_start3A_657 = arith.constant 0 : i32
    %dma_start3A_658 = arith.constant 0 : i32
    %dma_start3A_659 = tpu.memref_slice %arg12[%dma_start3A_657, %dma_start3A_658] : memref<10112x32xf32, #tpu.memory_space<vmem_shared>> -> memref<10112x32xf32, #tpu.memory_space<vmem_shared>>
    tpu.enqueue_indirect_dma source(%arg8 : memref<312x32xf32, #tpu.memory_space<vmem>>) target(%dma_start3A_659 : memref<10112x32xf32, #tpu.memory_space<vmem_shared>>) offsets(%dma_start3A_656 : memref<312xi32, #tpu.memory_space<vmem>>) semaphore(%arg19 : memref<!tpu.dma_semaphore, #tpu.memory_space<semaphore_mem>>) {add = true}
    %dma_start3A_660 = arith.constant 9672 : i32
    %dma_start3A_661 = tpu.memref_slice %arg5[%dma_start3A_660] : memref<10112xi32, #tpu.memory_space<vmem>> -> memref<312xi32, #tpu.memory_space<vmem>>
    %dma_start3A_662 = arith.constant 0 : i32
    %dma_start3A_663 = arith.constant 0 : i32
    %dma_start3A_664 = tpu.memref_slice %arg13[%dma_start3A_662, %dma_start3A_663] : memref<10112x32xf32, #tpu.memory_space<vmem_shared>> -> memref<10112x32xf32, #tpu.memory_space<vmem_shared>>
    tpu.enqueue_indirect_dma source(%dma_start3A_664 : memref<10112x32xf32, #tpu.memory_space<vmem_shared>>) target(%arg10 : memref<312x32xf32, #tpu.memory_space<vmem>>) offsets(%dma_start3A_661 : memref<312xi32, #tpu.memory_space<vmem>>) semaphore(%arg17 : memref<!tpu.dma_semaphore, #tpu.memory_space<semaphore_mem>>)
    %dma_wait3A_665 = arith.constant 9360 : i32
    %dma_wait3A_666 = tpu.memref_slice %arg5[%dma_wait3A_665] : memref<10112xi32, #tpu.memory_space<vmem>> -> memref<312xi32, #tpu.memory_space<vmem>>
    %dma_wait3A_667 = arith.constant 0 : i32
    %dma_wait3A_668 = arith.constant 0 : i32
    %dma_wait3A_669 = tpu.memref_slice %arg13[%dma_wait3A_667, %dma_wait3A_668] : memref<10112x32xf32, #tpu.memory_space<vmem_shared>> -> memref<10112x32xf32, #tpu.memory_space<vmem_shared>>
    tpu.wait_indirect_dma semaphore(%arg16 : memref<!tpu.dma_semaphore, #tpu.memory_space<semaphore_mem>>) src(%dma_wait3A_669 : memref<10112x32xf32, #tpu.memory_space<vmem_shared>>) dst(%arg9 : memref<312x32xf32, #tpu.memory_space<vmem>>)
    %dma_wait3A_670 = arith.constant 8736 : i32
    %dma_wait3A_671 = tpu.memref_slice %arg6[%dma_wait3A_670] : memref<10112xi32, #tpu.memory_space<vmem>> -> memref<312xi32, #tpu.memory_space<vmem>>
    %dma_wait3A_672 = arith.constant 0 : i32
    %dma_wait3A_673 = arith.constant 0 : i32
    %dma_wait3A_674 = tpu.memref_slice %arg12[%dma_wait3A_672, %dma_wait3A_673] : memref<10112x32xf32, #tpu.memory_space<vmem_shared>> -> memref<10112x32xf32, #tpu.memory_space<vmem_shared>>
    tpu.wait_indirect_dma semaphore(%arg18 : memref<!tpu.dma_semaphore, #tpu.memory_space<semaphore_mem>>) src(%arg7 : memref<312x32xf32, #tpu.memory_space<vmem>>) dst(%dma_wait3A_674 : memref<10112x32xf32, #tpu.memory_space<vmem_shared>>)
    %dma_start3A_675 = arith.constant 9360 : i32
    %dma_start3A_676 = tpu.memref_slice %arg6[%dma_start3A_675] : memref<10112xi32, #tpu.memory_space<vmem>> -> memref<312xi32, #tpu.memory_space<vmem>>
    %dma_start3A_677 = arith.constant 0 : i32
    %dma_start3A_678 = arith.constant 0 : i32
    %dma_start3A_679 = tpu.memref_slice %arg12[%dma_start3A_677, %dma_start3A_678] : memref<10112x32xf32, #tpu.memory_space<vmem_shared>> -> memref<10112x32xf32, #tpu.memory_space<vmem_shared>>
    tpu.enqueue_indirect_dma source(%arg9 : memref<312x32xf32, #tpu.memory_space<vmem>>) target(%dma_start3A_679 : memref<10112x32xf32, #tpu.memory_space<vmem_shared>>) offsets(%dma_start3A_676 : memref<312xi32, #tpu.memory_space<vmem>>) semaphore(%arg20 : memref<!tpu.dma_semaphore, #tpu.memory_space<semaphore_mem>>) {add = true}
    %dma_wait3A_680 = arith.constant 9672 : i32
    %dma_wait3A_681 = tpu.memref_slice %arg5[%dma_wait3A_680] : memref<10112xi32, #tpu.memory_space<vmem>> -> memref<312xi32, #tpu.memory_space<vmem>>
    %dma_wait3A_682 = arith.constant 0 : i32
    %dma_wait3A_683 = arith.constant 0 : i32
    %dma_wait3A_684 = tpu.memref_slice %arg13[%dma_wait3A_682, %dma_wait3A_683] : memref<10112x32xf32, #tpu.memory_space<vmem_shared>> -> memref<10112x32xf32, #tpu.memory_space<vmem_shared>>
    tpu.wait_indirect_dma semaphore(%arg17 : memref<!tpu.dma_semaphore, #tpu.memory_space<semaphore_mem>>) src(%dma_wait3A_684 : memref<10112x32xf32, #tpu.memory_space<vmem_shared>>) dst(%arg10 : memref<312x32xf32, #tpu.memory_space<vmem>>)
    %dma_wait3A_685 = arith.constant 9048 : i32
    %dma_wait3A_686 = tpu.memref_slice %arg6[%dma_wait3A_685] : memref<10112xi32, #tpu.memory_space<vmem>> -> memref<312xi32, #tpu.memory_space<vmem>>
    %dma_wait3A_687 = arith.constant 0 : i32
    %dma_wait3A_688 = arith.constant 0 : i32
    %dma_wait3A_689 = tpu.memref_slice %arg12[%dma_wait3A_687, %dma_wait3A_688] : memref<10112x32xf32, #tpu.memory_space<vmem_shared>> -> memref<10112x32xf32, #tpu.memory_space<vmem_shared>>
    tpu.wait_indirect_dma semaphore(%arg19 : memref<!tpu.dma_semaphore, #tpu.memory_space<semaphore_mem>>) src(%arg8 : memref<312x32xf32, #tpu.memory_space<vmem>>) dst(%dma_wait3A_689 : memref<10112x32xf32, #tpu.memory_space<vmem_shared>>)
    %dma_start3A_690 = arith.constant 9672 : i32
    %dma_start3A_691 = tpu.memref_slice %arg6[%dma_start3A_690] : memref<10112xi32, #tpu.memory_space<vmem>> -> memref<312xi32, #tpu.memory_space<vmem>>
    %dma_start3A_692 = arith.constant 0 : i32
    %dma_start3A_693 = arith.constant 0 : i32
    %dma_start3A_694 = tpu.memref_slice %arg12[%dma_start3A_692, %dma_start3A_693] : memref<10112x32xf32, #tpu.memory_space<vmem_shared>> -> memref<10112x32xf32, #tpu.memory_space<vmem_shared>>
    tpu.enqueue_indirect_dma source(%arg10 : memref<312x32xf32, #tpu.memory_space<vmem>>) target(%dma_start3A_694 : memref<10112x32xf32, #tpu.memory_space<vmem_shared>>) offsets(%dma_start3A_691 : memref<312xi32, #tpu.memory_space<vmem>>) semaphore(%arg21 : memref<!tpu.dma_semaphore, #tpu.memory_space<semaphore_mem>>) {add = true}
    %lt3A_695 = arith.constant 4 : i32
    %lt3A_696 = arith.cmpi slt, %add3A, %lt3A_695 : i32
    %convert_element_type3A_697 = arith.extui %lt3A_696 : i1 to i32
    %cond3A_698 = arith.constant 0 : i32
    %cond3A_699 = arith.cmpi ne, %convert_element_type3A_697, %cond3A_698 : i32
    scf.if %cond3A_699 {
      %dma_start3A_711 = arith.constant 0 : i32
      %dma_start3A_712 = arith.constant 0 : i32
      %dma_start3A_713 = tpu.memref_slice %arg7[%dma_start3A_711, %dma_start3A_712] : memref<312x32xf32, #tpu.memory_space<vmem>> -> memref<128x32xf32, #tpu.memory_space<vmem>>
      %dma_start3A_714 = arith.constant 9984 : i32
      %dma_start3A_715 = tpu.memref_slice %arg5[%dma_start3A_714] : memref<10112xi32, #tpu.memory_space<vmem>> -> memref<128xi32, #tpu.memory_space<vmem>>
      %dma_start3A_716 = arith.constant 0 : i32
      %dma_start3A_717 = arith.constant 0 : i32
      %dma_start3A_718 = tpu.memref_slice %arg13[%dma_start3A_716, %dma_start3A_717] : memref<10112x32xf32, #tpu.memory_space<vmem_shared>> -> memref<10112x32xf32, #tpu.memory_space<vmem_shared>>
      tpu.enqueue_indirect_dma source(%dma_start3A_718 : memref<10112x32xf32, #tpu.memory_space<vmem_shared>>) target(%dma_start3A_713 : memref<128x32xf32, #tpu.memory_space<vmem>>) offsets(%dma_start3A_715 : memref<128xi32, #tpu.memory_space<vmem>>) semaphore(%arg14 : memref<!tpu.dma_semaphore, #tpu.memory_space<semaphore_mem>>)
      %dma_wait3A_719 = arith.constant 0 : i32
      %dma_wait3A_720 = arith.constant 0 : i32
      %dma_wait3A_721 = tpu.memref_slice %arg7[%dma_wait3A_719, %dma_wait3A_720] : memref<312x32xf32, #tpu.memory_space<vmem>> -> memref<128x32xf32, #tpu.memory_space<vmem>>
      %dma_wait3A_722 = arith.constant 9984 : i32
      %dma_wait3A_723 = tpu.memref_slice %arg5[%dma_wait3A_722] : memref<10112xi32, #tpu.memory_space<vmem>> -> memref<128xi32, #tpu.memory_space<vmem>>
      %dma_wait3A_724 = arith.constant 0 : i32
      %dma_wait3A_725 = arith.constant 0 : i32
      %dma_wait3A_726 = tpu.memref_slice %arg13[%dma_wait3A_724, %dma_wait3A_725] : memref<10112x32xf32, #tpu.memory_space<vmem_shared>> -> memref<10112x32xf32, #tpu.memory_space<vmem_shared>>
      tpu.wait_indirect_dma semaphore(%arg14 : memref<!tpu.dma_semaphore, #tpu.memory_space<semaphore_mem>>) src(%dma_wait3A_726 : memref<10112x32xf32, #tpu.memory_space<vmem_shared>>) dst(%dma_wait3A_721 : memref<128x32xf32, #tpu.memory_space<vmem>>)
      %dma_start3A_727 = arith.constant 0 : i32
      %dma_start3A_728 = arith.constant 0 : i32
      %dma_start3A_729 = tpu.memref_slice %arg7[%dma_start3A_727, %dma_start3A_728] : memref<312x32xf32, #tpu.memory_space<vmem>> -> memref<128x32xf32, #tpu.memory_space<vmem>>
      %dma_start3A_730 = arith.constant 9984 : i32
      %dma_start3A_731 = tpu.memref_slice %arg6[%dma_start3A_730] : memref<10112xi32, #tpu.memory_space<vmem>> -> memref<128xi32, #tpu.memory_space<vmem>>
      %dma_start3A_732 = arith.constant 0 : i32
      %dma_start3A_733 = arith.constant 0 : i32
      %dma_start3A_734 = tpu.memref_slice %arg12[%dma_start3A_732, %dma_start3A_733] : memref<10112x32xf32, #tpu.memory_space<vmem_shared>> -> memref<10112x32xf32, #tpu.memory_space<vmem_shared>>
      tpu.enqueue_indirect_dma source(%dma_start3A_729 : memref<128x32xf32, #tpu.memory_space<vmem>>) target(%dma_start3A_734 : memref<10112x32xf32, #tpu.memory_space<vmem_shared>>) offsets(%dma_start3A_731 : memref<128xi32, #tpu.memory_space<vmem>>) semaphore(%arg18 : memref<!tpu.dma_semaphore, #tpu.memory_space<semaphore_mem>>) {add = true}
      %dma_wait3A_735 = arith.constant 0 : i32
      %dma_wait3A_736 = arith.constant 0 : i32
      %dma_wait3A_737 = tpu.memref_slice %arg7[%dma_wait3A_735, %dma_wait3A_736] : memref<312x32xf32, #tpu.memory_space<vmem>> -> memref<128x32xf32, #tpu.memory_space<vmem>>
      %dma_wait3A_738 = arith.constant 9984 : i32
      %dma_wait3A_739 = tpu.memref_slice %arg6[%dma_wait3A_738] : memref<10112xi32, #tpu.memory_space<vmem>> -> memref<128xi32, #tpu.memory_space<vmem>>
      %dma_wait3A_740 = arith.constant 0 : i32
      %dma_wait3A_741 = arith.constant 0 : i32
      %dma_wait3A_742 = tpu.memref_slice %arg12[%dma_wait3A_740, %dma_wait3A_741] : memref<10112x32xf32, #tpu.memory_space<vmem_shared>> -> memref<10112x32xf32, #tpu.memory_space<vmem_shared>>
      tpu.wait_indirect_dma semaphore(%arg18 : memref<!tpu.dma_semaphore, #tpu.memory_space<semaphore_mem>>) src(%dma_wait3A_737 : memref<128x32xf32, #tpu.memory_space<vmem>>) dst(%dma_wait3A_742 : memref<10112x32xf32, #tpu.memory_space<vmem_shared>>)
    } else {
    }
    %dma_wait3A_700 = arith.constant 9360 : i32
    %dma_wait3A_701 = tpu.memref_slice %arg6[%dma_wait3A_700] : memref<10112xi32, #tpu.memory_space<vmem>> -> memref<312xi32, #tpu.memory_space<vmem>>
    %dma_wait3A_702 = arith.constant 0 : i32
    %dma_wait3A_703 = arith.constant 0 : i32
    %dma_wait3A_704 = tpu.memref_slice %arg12[%dma_wait3A_702, %dma_wait3A_703] : memref<10112x32xf32, #tpu.memory_space<vmem_shared>> -> memref<10112x32xf32, #tpu.memory_space<vmem_shared>>
    tpu.wait_indirect_dma semaphore(%arg20 : memref<!tpu.dma_semaphore, #tpu.memory_space<semaphore_mem>>) src(%arg9 : memref<312x32xf32, #tpu.memory_space<vmem>>) dst(%dma_wait3A_704 : memref<10112x32xf32, #tpu.memory_space<vmem_shared>>)
    %dma_wait3A_705 = arith.constant 9672 : i32
    %dma_wait3A_706 = tpu.memref_slice %arg6[%dma_wait3A_705] : memref<10112xi32, #tpu.memory_space<vmem>> -> memref<312xi32, #tpu.memory_space<vmem>>
    %dma_wait3A_707 = arith.constant 0 : i32
    %dma_wait3A_708 = arith.constant 0 : i32
    %dma_wait3A_709 = tpu.memref_slice %arg12[%dma_wait3A_707, %dma_wait3A_708] : memref<10112x32xf32, #tpu.memory_space<vmem_shared>> -> memref<10112x32xf32, #tpu.memory_space<vmem_shared>>
    tpu.wait_indirect_dma semaphore(%arg21 : memref<!tpu.dma_semaphore, #tpu.memory_space<semaphore_mem>>) src(%arg10 : memref<312x32xf32, #tpu.memory_space<vmem>>) dst(%dma_wait3A_709 : memref<10112x32xf32, #tpu.memory_space<vmem_shared>>)
    %barrier3A_710 = arith.constant 0 : index
    tpu.barrier barrier_id(%barrier3A_710)
    "tpu.region"() ({
      %run_scoped3A = tpu.sem_alloc : memref<!tpu.dma_semaphore, #tpu.memory_space<semaphore_mem>>
      %dma_start3A_711 = arith.constant 0 : i32
      %dma_start3A_712 = tpu.memref_slice %arg12[%mul3A_2, %dma_start3A_711] : memref<10112x32xf32, #tpu.memory_space<vmem_shared>> -> memref<632x32xf32, #tpu.memory_space<vmem_shared>>
      %dma_start3A_713 = arith.constant 0 : i32
      %dma_start3A_714 = tpu.memref_slice %arg12[%mul3A_2, %dma_start3A_713] : memref<10112x32xf32, #tpu.memory_space<vmem_shared>> -> memref<632x32xf32, #tpu.memory_space<vmem_shared>>
      tpu.enqueue_dma source(%dma_start3A_714 : memref<632x32xf32, #tpu.memory_space<vmem_shared>>) target(%arg11 : memref<632x32xf32, #tpu.memory_space<vmem>>) target_semaphore(%run_scoped3A : memref<!tpu.dma_semaphore, #tpu.memory_space<semaphore_mem>>)
      %dma_wait3A_715 = arith.constant 0 : i32
      %dma_wait3A_716 = tpu.memref_slice %arg12[%mul3A_2, %dma_wait3A_715] : memref<10112x32xf32, #tpu.memory_space<vmem_shared>> -> memref<632x32xf32, #tpu.memory_space<vmem_shared>>
      %dma_wait3A_717 = arith.constant 0 : i32
      %dma_wait3A_718 = tpu.memref_slice %arg12[%mul3A_2, %dma_wait3A_717] : memref<10112x32xf32, #tpu.memory_space<vmem_shared>> -> memref<632x32xf32, #tpu.memory_space<vmem_shared>>
      tpu.wait_dma2 semaphore(%run_scoped3A : memref<!tpu.dma_semaphore, #tpu.memory_space<semaphore_mem>>) src(%dma_wait3A_718 : memref<632x32xf32, #tpu.memory_space<vmem_shared>>) dst(%arg11 : memref<632x32xf32, #tpu.memory_space<vmem>>)
      tpu.yield
    }) : () -> ()
    "tpu.region"() ({
      %run_scoped3A = tpu.sem_alloc : memref<!tpu.dma_semaphore, #tpu.memory_space<semaphore_mem>>
      %dma_start3A_711 = arith.constant 0 : i32
      %dma_start3A_712 = tpu.memref_slice %arg4[%arg0, %mul3A_2, %dma_start3A_711] : memref<2x10112x32xf32, #tpu.memory_space<hbm>> -> memref<1x632x32xf32, #tpu.memory_space<hbm>>
      %dma_start3A_713 = tpu.memref_squeeze %dma_start3A_712 : memref<1x632x32xf32, #tpu.memory_space<hbm>> -> memref<632x32xf32, #tpu.memory_space<hbm>>
      %dma_start3A_714 = arith.constant 0 : i32
      %dma_start3A_715 = tpu.memref_slice %arg4[%arg0, %mul3A_2, %dma_start3A_714] : memref<2x10112x32xf32, #tpu.memory_space<hbm>> -> memref<1x632x32xf32, #tpu.memory_space<hbm>>
      %dma_start3A_716 = tpu.memref_squeeze %dma_start3A_715 : memref<1x632x32xf32, #tpu.memory_space<hbm>> -> memref<632x32xf32, #tpu.memory_space<hbm>>
      tpu.enqueue_dma source(%arg11 : memref<632x32xf32, #tpu.memory_space<vmem>>) target(%dma_start3A_716 : memref<632x32xf32, #tpu.memory_space<hbm>>) target_semaphore(%run_scoped3A : memref<!tpu.dma_semaphore, #tpu.memory_space<semaphore_mem>>)
      %dma_wait3A_717 = arith.constant 0 : i32
      %dma_wait3A_718 = tpu.memref_slice %arg4[%arg0, %mul3A_2, %dma_wait3A_717] : memref<2x10112x32xf32, #tpu.memory_space<hbm>> -> memref<1x632x32xf32, #tpu.memory_space<hbm>>
      %dma_wait3A_719 = tpu.memref_squeeze %dma_wait3A_718 : memref<1x632x32xf32, #tpu.memory_space<hbm>> -> memref<632x32xf32, #tpu.memory_space<hbm>>
      %dma_wait3A_720 = arith.constant 0 : i32
      %dma_wait3A_721 = tpu.memref_slice %arg4[%arg0, %mul3A_2, %dma_wait3A_720] : memref<2x10112x32xf32, #tpu.memory_space<hbm>> -> memref<1x632x32xf32, #tpu.memory_space<hbm>>
      %dma_wait3A_722 = tpu.memref_squeeze %dma_wait3A_721 : memref<1x632x32xf32, #tpu.memory_space<hbm>> -> memref<632x32xf32, #tpu.memory_space<hbm>>
      tpu.wait_dma2 semaphore(%run_scoped3A : memref<!tpu.dma_semaphore, #tpu.memory_space<semaphore_mem>>) src(%arg11 : memref<632x32xf32, #tpu.memory_space<vmem>>) dst(%dma_wait3A_722 : memref<632x32xf32, #tpu.memory_space<hbm>>)
      tpu.yield
    }) : () -> ()
    return
  }
}

module attributes {stable_mosaic.version = 14 : i64} {
  func.func @_proj_body(%arg0: i32, %arg1: memref<2000x128xf32, #tpu.memory_space<vmem>>, %arg2: memref<128x32xf32, #tpu.memory_space<vmem>>, %arg3: memref<2000x32xf32, #tpu.memory_space<vmem>>) attributes {dimension_semantics = [#tpu.dimension_semantics<arbitrary>], iteration_bounds = array<i64: 5>, scalar_prefetch = 0 : i64, scratch_operands = 0 : i64, tpu.core_type = #tpu.core_type<tc>, window_params = [{transform_indices = @transform_0, window_bounds = array<i64: 2000, 128>}, {pipeline_mode = #tpu.pipeline_mode<synchronous>, transform_indices = @transform_1, window_bounds = array<i64: 128, 32>}, {transform_indices = @transform_2, window_bounds = array<i64: 2000, 32>}]} {
    %get3A = arith.constant 0 : index
    %get3A_0 = arith.constant 0 : index
    %get3A_1 = vector.load %arg1[%get3A, %get3A_0] : memref<2000x128xf32, #tpu.memory_space<vmem>>, vector<2000x128xf32>
    %get3A_2 = arith.constant 0 : index
    %get3A_3 = arith.constant 0 : index
    %get3A_4 = vector.load %arg2[%get3A_2, %get3A_3] : memref<128x32xf32, #tpu.memory_space<vmem>>, vector<128x32xf32>
    %dot_general3A = arith.constant dense<0.000000e+00> : vector<2000x32xf32>
    %dot_general3A_5 = tpu.matmul %get3A_1, %get3A_4, %dot_general3A {dimension_numbers = #tpu.dot_dimension_numbers<[1], [0], [0], [1], [0, 0, 1, 1], [], []>, transpose_lhs_hint = false} : vector<2000x128xf32>, vector<128x32xf32>, vector<2000x32xf32> -> vector<2000x32xf32>
    %swap3A = arith.constant 0 : index
    %swap3A_6 = arith.constant 0 : index
    %swap3A_7 = vector.load %arg3[%swap3A, %swap3A_6] : memref<2000x32xf32, #tpu.memory_space<vmem>>, vector<2000x32xf32>
    tpu.vector_store %arg3[%swap3A, %swap3A_6], %dot_general3A_5 {strides = array<i32>} : memref<2000x32xf32, #tpu.memory_space<vmem>>, vector<2000x32xf32>,
    return
  }
  func.func @transform_0(%arg0: i32) -> (i32, i32) {
    %c0_i32 = arith.constant 0 : i32
    %c0_i32_0 = arith.constant 0 : i32
    return %arg0, %c0_i32 : i32, i32
  }
  func.func @transform_1(%arg0: i32) -> (i32, i32) {
    %c0_i32 = arith.constant 0 : i32
    %c0_i32_0 = arith.constant 0 : i32
    %c0_i32_1 = arith.constant 0 : i32
    return %c0_i32, %c0_i32_0 : i32, i32
  }
  func.func @transform_2(%arg0: i32) -> (i32, i32) {
    %c0_i32 = arith.constant 0 : i32
    %c0_i32_0 = arith.constant 0 : i32
    return %arg0, %c0_i32 : i32, i32
  }
}

module attributes {stable_mosaic.version = 14 : i64} {
  func.func @_combine_body(%arg0: i32, %arg1: memref<2x2000x32xf32, #tpu.memory_space<vmem>>, %arg2: memref<1x32xf32, #tpu.memory_space<vmem>>, %arg3: memref<32x32xf32, #tpu.memory_space<vmem>>, %arg4: memref<2000x32xf32, #tpu.memory_space<vmem>>) attributes {dimension_semantics = [#tpu.dimension_semantics<arbitrary>], iteration_bounds = array<i64: 5>, scalar_prefetch = 0 : i64, scratch_operands = 0 : i64, tpu.core_type = #tpu.core_type<tc>, window_params = [{transform_indices = @transform_0, window_bounds = array<i64: 2, 2000, 32>}, {pipeline_mode = #tpu.pipeline_mode<synchronous>, transform_indices = @transform_1, window_bounds = array<i64: 1, 32>}, {pipeline_mode = #tpu.pipeline_mode<synchronous>, transform_indices = @transform_2, window_bounds = array<i64: 32, 32>}, {transform_indices = @transform_3, window_bounds = array<i64: 2000, 32>}]} {
    %get3A = arith.constant 0 : index
    %get3A_0 = arith.constant 0 : index
    %get3A_1 = arith.constant 0 : index
    %get3A_2 = vector.load %arg1[%get3A, %get3A_0, %get3A_1] : memref<2x2000x32xf32, #tpu.memory_space<vmem>>, vector<1x2000x32xf32>
    %get3A_3 = vector.shape_cast %get3A_2 : vector<1x2000x32xf32> to vector<2000x32xf32>
    %get3A_4 = arith.constant 1 : index
    %get3A_5 = arith.constant 0 : index
    %get3A_6 = arith.constant 0 : index
    %get3A_7 = vector.load %arg1[%get3A_4, %get3A_5, %get3A_6] : memref<2x2000x32xf32, #tpu.memory_space<vmem>>, vector<1x2000x32xf32>
    %get3A_8 = vector.shape_cast %get3A_7 : vector<1x2000x32xf32> to vector<2000x32xf32>
    %add3A = arith.addf %get3A_3, %get3A_8 : vector<2000x32xf32>
    %get3A_9 = arith.constant 0 : index
    %get3A_10 = arith.constant 0 : index
    %get3A_11 = vector.load %arg2[%get3A_9, %get3A_10] : memref<1x32xf32, #tpu.memory_space<vmem>>, vector<1x32xf32>
    %add3A_12 = vector.broadcast %get3A_11 : vector<1x32xf32> to vector<2000x32xf32>
    %add3A_13 = arith.addf %add3A, %add3A_12 : vector<2000x32xf32>
    %max3A = arith.constant 0.000000e+00 : f32
    %max3A_14 = vector.broadcast %max3A : f32 to vector<2000x32xf32>
    %max3A_15 = arith.maximumf %add3A_13, %max3A_14 : vector<2000x32xf32>
    %get3A_16 = arith.constant 0 : index
    %get3A_17 = arith.constant 0 : index
    %get3A_18 = vector.load %arg3[%get3A_16, %get3A_17] : memref<32x32xf32, #tpu.memory_space<vmem>>, vector<32x32xf32>
    %dot_general3A = arith.constant dense<0.000000e+00> : vector<2000x32xf32>
    %dot_general3A_19 = tpu.matmul %max3A_15, %get3A_18, %dot_general3A {dimension_numbers = #tpu.dot_dimension_numbers<[1], [0], [0], [1], [0, 0, 1, 1], [], []>, transpose_lhs_hint = false} : vector<2000x32xf32>, vector<32x32xf32>, vector<2000x32xf32> -> vector<2000x32xf32>
    %swap3A = arith.constant 0 : index
    %swap3A_20 = arith.constant 0 : index
    %swap3A_21 = vector.load %arg4[%swap3A, %swap3A_20] : memref<2000x32xf32, #tpu.memory_space<vmem>>, vector<2000x32xf32>
    tpu.vector_store %arg4[%swap3A, %swap3A_20], %dot_general3A_19 {strides = array<i32>} : memref<2000x32xf32, #tpu.memory_space<vmem>>, vector<2000x32xf32>,
    return
  }
  func.func @transform_0(%arg0: i32) -> (i32, i32, i32) {
    %c0_i32 = arith.constant 0 : i32
    %c0_i32_0 = arith.constant 0 : i32
    %c0_i32_1 = arith.constant 0 : i32
    return %c0_i32, %arg0, %c0_i32_0 : i32, i32, i32
  }
  func.func @transform_1(%arg0: i32) -> (i32, i32) {
    %c0_i32 = arith.constant 0 : i32
    %c0_i32_0 = arith.constant 0 : i32
    %c0_i32_1 = arith.constant 0 : i32
    return %c0_i32, %c0_i32_0 : i32, i32
  }
  func.func @transform_2(%arg0: i32) -> (i32, i32) {
    %c0_i32 = arith.constant 0 : i32
    %c0_i32_0 = arith.constant 0 : i32
    %c0_i32_1 = arith.constant 0 : i32
    return %c0_i32, %c0_i32_0 : i32, i32
  }
  func.func @transform_3(%arg0: i32) -> (i32, i32) {
    %c0_i32 = arith.constant 0 : i32
    %c0_i32_0 = arith.constant 0 : i32
    return %arg0, %c0_i32 : i32, i32
  }
}

module attributes {stable_mosaic.version = 14 : i64} {
  func.func @_pool_mlp_body(%arg0: i32, %arg1: memref<2x2000x32xf32, #tpu.memory_space<vmem>>, %arg2: memref<1x32xf32, #tpu.memory_space<vmem>>, %arg3: memref<2000x1xi32, #tpu.memory_space<vmem>>, %arg4: memref<32x32xf32, #tpu.memory_space<vmem>>, %arg5: memref<1x32xf32, #tpu.memory_space<vmem>>, %arg6: memref<32x10xf32, #tpu.memory_space<vmem>>, %arg7: memref<1x10xf32, #tpu.memory_space<vmem>>, %arg8: memref<64x10xf32, #tpu.memory_space<vmem>>, %arg9: memref<64x32xf32, #tpu.memory_space<vmem>>, %arg10: memref<64x32xf32, #tpu.memory_space<vmem>>) attributes {dimension_semantics = [#tpu.dimension_semantics<arbitrary>], iteration_bounds = array<i64: 5>, scalar_prefetch = 0 : i64, scratch_operands = 2 : i64, tpu.core_type = #tpu.core_type<tc>, window_params = [{transform_indices = @transform_0, window_bounds = array<i64: 2, 2000, 32>}, {pipeline_mode = #tpu.pipeline_mode<synchronous>, transform_indices = @transform_1, window_bounds = array<i64: 1, 32>}, {transform_indices = @transform_2, window_bounds = array<i64: 2000, 1>}, {pipeline_mode = #tpu.pipeline_mode<synchronous>, transform_indices = @transform_3, window_bounds = array<i64: 32, 32>}, {pipeline_mode = #tpu.pipeline_mode<synchronous>, transform_indices = @transform_4, window_bounds = array<i64: 1, 32>}, {pipeline_mode = #tpu.pipeline_mode<synchronous>, transform_indices = @transform_5, window_bounds = array<i64: 32, 10>}, {pipeline_mode = #tpu.pipeline_mode<synchronous>, transform_indices = @transform_6, window_bounds = array<i64: 1, 10>}, {pipeline_mode = #tpu.pipeline_mode<synchronous>, transform_indices = @transform_7, window_bounds = array<i64: 64, 10>}]} {
    %get3A = arith.constant 0 : index
    %get3A_0 = arith.constant 0 : index
    %get3A_1 = arith.constant 0 : index
    %get3A_2 = vector.load %arg1[%get3A, %get3A_0, %get3A_1] : memref<2x2000x32xf32, #tpu.memory_space<vmem>>, vector<1x2000x32xf32>
    %get3A_3 = vector.shape_cast %get3A_2 : vector<1x2000x32xf32> to vector<2000x32xf32>
    %get3A_4 = arith.constant 1 : index
    %get3A_5 = arith.constant 0 : index
    %get3A_6 = arith.constant 0 : index
    %get3A_7 = vector.load %arg1[%get3A_4, %get3A_5, %get3A_6] : memref<2x2000x32xf32, #tpu.memory_space<vmem>>, vector<1x2000x32xf32>
    %get3A_8 = vector.shape_cast %get3A_7 : vector<1x2000x32xf32> to vector<2000x32xf32>
    %add3A = arith.addf %get3A_3, %get3A_8 : vector<2000x32xf32>
    %get3A_9 = arith.constant 0 : index
    %get3A_10 = arith.constant 0 : index
    %get3A_11 = vector.load %arg2[%get3A_9, %get3A_10] : memref<1x32xf32, #tpu.memory_space<vmem>>, vector<1x32xf32>
    %add3A_12 = vector.broadcast %get3A_11 : vector<1x32xf32> to vector<2000x32xf32>
    %add3A_13 = arith.addf %add3A, %add3A_12 : vector<2000x32xf32>
    %max3A = arith.constant 0.000000e+00 : f32
    %max3A_14 = vector.broadcast %max3A : f32 to vector<2000x32xf32>
    %max3A_15 = arith.maximumf %add3A_13, %max3A_14 : vector<2000x32xf32>
    %get3A_16 = arith.constant 0 : index
    %get3A_17 = arith.constant 0 : index
    %get3A_18 = vector.load %arg3[%get3A_16, %get3A_17] : memref<2000x1xi32, #tpu.memory_space<vmem>>, vector<2000x1xi32>
    %iota3A = tpu.iota {dimensions = array<i32: 1>} : vector<2000x64xi32>
    %eq3A = vector.broadcast %get3A_18 : vector<2000x1xi32> to vector<2000x64xi32>
    %eq3A_19 = arith.cmpi eq, %eq3A, %iota3A : vector<2000x64xi32>
    %convert_element_type3A = arith.extui %eq3A_19 : vector<2000x64xi1> to vector<2000x64xi32>
    %convert_element_type3A_20 = arith.sitofp %convert_element_type3A : vector<2000x64xi32> to vector<2000x64xf32>
    %dot_general3A = arith.constant dense<0.000000e+00> : vector<64x32xf32>
    %dot_general3A_21 = tpu.matmul %convert_element_type3A_20, %max3A_15, %dot_general3A {dimension_numbers = #tpu.dot_dimension_numbers<[0], [0], [1], [1], [0, 1, 1, 1], [], []>, transpose_lhs_hint = false} : vector<2000x64xf32>, vector<2000x32xf32>, vector<64x32xf32> -> vector<64x32xf32>
    %broadcast_in_dim3A = arith.constant 1.000000e+00 : f32
    %broadcast_in_dim3A_22 = vector.broadcast %broadcast_in_dim3A : f32 to vector<2000x32xf32>
    %dot_general3A_23 = arith.constant dense<0.000000e+00> : vector<64x32xf32>
    %dot_general3A_24 = tpu.matmul %convert_element_type3A_20, %broadcast_in_dim3A_22, %dot_general3A_23 {dimension_numbers = #tpu.dot_dimension_numbers<[0], [0], [1], [1], [0, 1, 1, 1], [], []>, transpose_lhs_hint = false} : vector<2000x64xf32>, vector<2000x32xf32>, vector<64x32xf32> -> vector<64x32xf32>
    %eq3A_25 = arith.constant 0 : i32
    %eq3A_26 = arith.cmpi eq, %arg0, %eq3A_25 : i32
    %convert_element_type3A_27 = arith.extui %eq3A_26 : i1 to i32
    %cond3A = arith.constant 0 : i32
    %cond3A_28 = arith.cmpi ne, %convert_element_type3A_27, %cond3A : i32
    scf.if %cond3A_28 {
      %broadcast_in_dim3A_47 = arith.constant 0.000000e+00 : f32
      %broadcast_in_dim3A_48 = vector.broadcast %broadcast_in_dim3A_47 : f32 to vector<64x32xf32>
      %swap3A_49 = arith.constant 0 : index
      %swap3A_50 = arith.constant 0 : index
      %swap3A_51 = vector.load %arg9[%swap3A_49, %swap3A_50] : memref<64x32xf32, #tpu.memory_space<vmem>>, vector<64x32xf32>
      tpu.vector_store %arg9[%swap3A_49, %swap3A_50], %broadcast_in_dim3A_48 {strides = array<i32>} : memref<64x32xf32, #tpu.memory_space<vmem>>, vector<64x32xf32>,
      %broadcast_in_dim3A_52 = arith.constant 0.000000e+00 : f32
      %broadcast_in_dim3A_53 = vector.broadcast %broadcast_in_dim3A_52 : f32 to vector<64x32xf32>
      %swap3A_54 = arith.constant 0 : index
      %swap3A_55 = arith.constant 0 : index
      %swap3A_56 = vector.load %arg10[%swap3A_54, %swap3A_55] : memref<64x32xf32, #tpu.memory_space<vmem>>, vector<64x32xf32>
      tpu.vector_store %arg10[%swap3A_54, %swap3A_55], %broadcast_in_dim3A_53 {strides = array<i32>} : memref<64x32xf32, #tpu.memory_space<vmem>>, vector<64x32xf32>,
    } else {
    }
    %get3A_29 = arith.constant 0 : index
    %get3A_30 = arith.constant 0 : index
    %get3A_31 = vector.load %arg9[%get3A_29, %get3A_30] : memref<64x32xf32, #tpu.memory_space<vmem>>, vector<64x32xf32>
    %add3A_32 = arith.addf %get3A_31, %dot_general3A_21 : vector<64x32xf32>
    %swap3A = arith.constant 0 : index
    %swap3A_33 = arith.constant 0 : index
    %swap3A_34 = vector.load %arg9[%swap3A, %swap3A_33] : memref<64x32xf32, #tpu.memory_space<vmem>>, vector<64x32xf32>
    tpu.vector_store %arg9[%swap3A, %swap3A_33], %add3A_32 {strides = array<i32>} : memref<64x32xf32, #tpu.memory_space<vmem>>, vector<64x32xf32>,
    %get3A_35 = arith.constant 0 : index
    %get3A_36 = arith.constant 0 : index
    %get3A_37 = vector.load %arg10[%get3A_35, %get3A_36] : memref<64x32xf32, #tpu.memory_space<vmem>>, vector<64x32xf32>
    %add3A_38 = arith.addf %get3A_37, %dot_general3A_24 : vector<64x32xf32>
    %swap3A_39 = arith.constant 0 : index
    %swap3A_40 = arith.constant 0 : index
    %swap3A_41 = vector.load %arg10[%swap3A_39, %swap3A_40] : memref<64x32xf32, #tpu.memory_space<vmem>>, vector<64x32xf32>
    tpu.vector_store %arg10[%swap3A_39, %swap3A_40], %add3A_38 {strides = array<i32>} : memref<64x32xf32, #tpu.memory_space<vmem>>, vector<64x32xf32>,
    %eq3A_42 = arith.constant 4 : i32
    %eq3A_43 = arith.cmpi eq, %arg0, %eq3A_42 : i32
    %convert_element_type3A_44 = arith.extui %eq3A_43 : i1 to i32
    %cond3A_45 = arith.constant 0 : i32
    %cond3A_46 = arith.cmpi ne, %convert_element_type3A_44, %cond3A_45 : i32
    scf.if %cond3A_46 {
      %get3A_47 = arith.constant 0 : index
      %get3A_48 = arith.constant 0 : index
      %get3A_49 = vector.load %arg9[%get3A_47, %get3A_48] : memref<64x32xf32, #tpu.memory_space<vmem>>, vector<64x32xf32>
      %get3A_50 = arith.constant 0 : index
      %get3A_51 = arith.constant 0 : index
      %get3A_52 = vector.load %arg10[%get3A_50, %get3A_51] : memref<64x32xf32, #tpu.memory_space<vmem>>, vector<64x32xf32>
      %max3A_53 = arith.constant 1.000000e+00 : f32
      %max3A_54 = vector.broadcast %max3A_53 : f32 to vector<64x32xf32>
      %max3A_55 = arith.maximumf %get3A_52, %max3A_54 : vector<64x32xf32>
      %div3A = arith.divf %get3A_49, %max3A_55 : vector<64x32xf32>
      %get3A_56 = arith.constant 0 : index
      %get3A_57 = arith.constant 0 : index
      %get3A_58 = vector.load %arg4[%get3A_56, %get3A_57] : memref<32x32xf32, #tpu.memory_space<vmem>>, vector<32x32xf32>
      %dot_general3A_59 = arith.constant dense<0.000000e+00> : vector<64x32xf32>
      %dot_general3A_60 = tpu.matmul %div3A, %get3A_58, %dot_general3A_59 {dimension_numbers = #tpu.dot_dimension_numbers<[1], [0], [0], [1], [0, 0, 1, 1], [], []>, transpose_lhs_hint = false} : vector<64x32xf32>, vector<32x32xf32>, vector<64x32xf32> -> vector<64x32xf32>
      %get3A_61 = arith.constant 0 : index
      %get3A_62 = arith.constant 0 : index
      %get3A_63 = vector.load %arg5[%get3A_61, %get3A_62] : memref<1x32xf32, #tpu.memory_space<vmem>>, vector<1x32xf32>
      %add3A_64 = vector.broadcast %get3A_63 : vector<1x32xf32> to vector<64x32xf32>
      %add3A_65 = arith.addf %dot_general3A_60, %add3A_64 : vector<64x32xf32>
      %max3A_66 = arith.constant 0.000000e+00 : f32
      %max3A_67 = vector.broadcast %max3A_66 : f32 to vector<64x32xf32>
      %max3A_68 = arith.maximumf %add3A_65, %max3A_67 : vector<64x32xf32>
      %get3A_69 = arith.constant 0 : index
      %get3A_70 = arith.constant 0 : index
      %get3A_71 = vector.load %arg6[%get3A_69, %get3A_70] : memref<32x10xf32, #tpu.memory_space<vmem>>, vector<32x10xf32>
      %dot_general3A_72 = arith.constant dense<0.000000e+00> : vector<64x10xf32>
      %dot_general3A_73 = tpu.matmul %max3A_68, %get3A_71, %dot_general3A_72 {dimension_numbers = #tpu.dot_dimension_numbers<[1], [0], [0], [1], [0, 0, 1, 1], [], []>, transpose_lhs_hint = false} : vector<64x32xf32>, vector<32x10xf32>, vector<64x10xf32> -> vector<64x10xf32>
      %get3A_74 = arith.constant 0 : index
      %get3A_75 = arith.constant 0 : index
      %get3A_76 = vector.load %arg7[%get3A_74, %get3A_75] : memref<1x10xf32, #tpu.memory_space<vmem>>, vector<1x10xf32>
      %add3A_77 = vector.broadcast %get3A_76 : vector<1x10xf32> to vector<64x10xf32>
      %add3A_78 = arith.addf %dot_general3A_73, %add3A_77 : vector<64x10xf32>
      %swap3A_79 = arith.constant 0 : index
      %swap3A_80 = arith.constant 0 : index
      %swap3A_81 = vector.load %arg8[%swap3A_79, %swap3A_80] : memref<64x10xf32, #tpu.memory_space<vmem>>, vector<64x10xf32>
      tpu.vector_store %arg8[%swap3A_79, %swap3A_80], %add3A_78 {strides = array<i32>} : memref<64x10xf32, #tpu.memory_space<vmem>>, vector<64x10xf32>,
    } else {
    }
    return
  }
  func.func @transform_0(%arg0: i32) -> (i32, i32, i32) {
    %c0_i32 = arith.constant 0 : i32
    %c0_i32_0 = arith.constant 0 : i32
    %c0_i32_1 = arith.constant 0 : i32
    return %c0_i32, %arg0, %c0_i32_0 : i32, i32, i32
  }
  func.func @transform_1(%arg0: i32) -> (i32, i32) {
    %c0_i32 = arith.constant 0 : i32
    %c0_i32_0 = arith.constant 0 : i32
    %c0_i32_1 = arith.constant 0 : i32
    return %c0_i32, %c0_i32_0 : i32, i32
  }
  func.func @transform_2(%arg0: i32) -> (i32, i32) {
    %c0_i32 = arith.constant 0 : i32
    %c0_i32_0 = arith.constant 0 : i32
    return %arg0, %c0_i32 : i32, i32
  }
  func.func @transform_3(%arg0: i32) -> (i32, i32) {
    %c0_i32 = arith.constant 0 : i32
    %c0_i32_0 = arith.constant 0 : i32
    %c0_i32_1 = arith.constant 0 : i32
    return %c0_i32, %c0_i32_0 : i32, i32
  }
  func.func @transform_4(%arg0: i32) -> (i32, i32) {
    %c0_i32 = arith.constant 0 : i32
    %c0_i32_0 = arith.constant 0 : i32
    %c0_i32_1 = arith.constant 0 : i32
    return %c0_i32, %c0_i32_0 : i32, i32
  }
  func.func @transform_5(%arg0: i32) -> (i32, i32) {
    %c0_i32 = arith.constant 0 : i32
    %c0_i32_0 = arith.constant 0 : i32
    %c0_i32_1 = arith.constant 0 : i32
    return %c0_i32, %c0_i32_0 : i32, i32
  }
  func.func @transform_6(%arg0: i32) -> (i32, i32) {
    %c0_i32 = arith.constant 0 : i32
    %c0_i32_0 = arith.constant 0 : i32
    %c0_i32_1 = arith.constant 0 : i32
    return %c0_i32, %c0_i32_0 : i32, i32
  }
  func.func @transform_7(%arg0: i32) -> (i32, i32) {
    %c0_i32 = arith.constant 0 : i32
    %c0_i32_0 = arith.constant 0 : i32
    %c0_i32_1 = arith.constant 0 : i32
    return %c0_i32, %c0_i32_0 : i32, i32
  }
}

</mosaic_0001>

<sc_bundles>
// kernel: kernel.10.cloned.1.call-start
scs
__scs_entry_jumppad:
0x0: {  	(pc) =	sbr.rel $0x88, $3  }
0x1: {  	(tag) =	ssettag $0x0;
	lr =	simm.s32 $0x1  }
0x2: {  	[smem:$0x3F96] =	sst lr;
	_ =	strace $0xD0000000  }
0x3: {  	_ = 	snop  }
0x4: {  	_ = 	snop  }
0x5: {  	_ = 	snop  }
0x6: {  	_ = 	snop  }
0x7: {  	_ = 	snop  }
__scs_overlays_trampoline_lowered:
0x8: {  	[smem:$0x3FA5] =	sst s0  }
0x9: {  	[smem:$0x3FA6] =	sst s1  }
0xa: {  	[smem:$0x3FA7] =	sst s2  }
0xb: {  	[smem:$0x3FA8] =	sst s3  }
0xc: {  	[smem:$0x3FA9] =	sst s4  }
0xd: {  	[smem:$0x3FAA] =	sst s5  }
0xe: {  	[smem:$0x3FAB] =	sst s6  }
0xf: {  	[smem:$0x3FAC] =	sst s7  }
0x10: {  	[smem:$0x3FAD] =	sst s8  }
0x11: {  	[smem:$0x3FAE] =	sst s9;
	s0 =	simm.s32 @!p0 $0x0  }
0x12: {  	s1 =	sld [smem:$0x3F94];
	s0 =	simm.s32 @p0 $0x1  }
0x13: {  	[smem:$0x3FAF] =	sst s0;
	s0 =	simm.s32 @!p1 $0x0  }
0x14: {  	s2 =	sld [smem:$0x3F93];
	s0 =	simm.s32 @p1 $0x1  }
0x15: {  	[smem:$0x3FB0] =	sst s0;
	s0 =	simm.s32 @!p2 $0x0  }
0x16: {  	s3 =	sld [smem:$0x3FDB];
	s0 =	simm.s32 @p2 $0x1  }
0x17: {  	s4 =	simm.s32 $0x1BF5;
	[smem:$0x3FB2] =	sst s0  }
0x18: {  	s0 =	sld [smem:$0x3F95];
	_ =	swait.ge [sflag:s4], $0x0  }
0x19: {  	s7 =	sld [smem:$0x3F96]  }
0x1a: {  	s8 =	sadd.s32 $0xFFFFE003, lr  }
0x1b: {  	s9 =	sadd.s32 $0xFFFFFEF7, lr;
	s5 =	simm.s32 $0xFFFFFFFF;
	p2 =	slt.u32 s8, $0xFFFFF086  }
0x1c: {  	p1 =	slt.u32 s9, $0xF7A;
	s5 =	simm.s32 @!p2 $0x0  }
0x1d: {  	s5 =	simm.s32 @p1 $0x1;
	p0 =	seq.s32 s7, s2  }
0x1e: {  	s7 =	smul.u32 @!p0 $0xF7A, s2;
	p2 =	seq.s32 @!p0 s5, $0x0  }
0x1f: {  	s9 =	smul.u32 $0xF7A, s1;
	s8 =	simm.s32 @!p0 $0x1BF5;
	p2 =	por !p2, p0  }
0x20: {  	[sflag:s8] =	ssyncset.s32 @!p0 $0xFFFFF086;
	s6 =	sadd.s32 @!p0 s3, s7;
	s7 =	simm.s32 @!p0 $0x108  }
0x21: {  	s3 =	sadd.s32 s3, s9;
	s6 =	sadd.s32 @!p0 $0x88, s6;
	s7 =	simm.s32 @p2 $0x1082  }
0x22: {  	[simem:s7], [sflag:s8] =	dma.local @!p0 [hbm:s6], $0xF7A  }
0x23: {  	s9 =	sor.u32 $0xD0000000, s2;
	s6 =	simm.s32 $0x108;
	_ =	swait.ge @!p0 [sflag:s8], $0x0  }
0x24: {  	s3 =	sadd.s32 $0x88, s3;
	s6 =	simm.s32 @!p1 $0x1082;
	[sflag:s4] =	ssyncset.s32 $0xFFFFF086  }
0x25: {  	[simem:s6], [sflag:s4] =	dma.local [hbm:s3], $0xF7A  }
0x26: {  	[smem:$0x3F96] =	sst s1;
	(tag) =	ssettag s2;
	_ =	strace s9  }
0x27: {  	s1 =	sld [smem:$0x3FA6]  }
0x28: {  	s2 =	sld [smem:$0x3FA7]  }
0x29: {  	s4 =	sld [smem:$0x3FA9]  }
0x2a: {  	p0 =	seq.s32 s5, $0x0;
	s5 =	sld [smem:$0x3FAA]  }
0x2b: {  	s6 =	sld [smem:$0x3FAB]  }
0x2c: {  	s7 =	sld [smem:$0x3FAC]  }
0x2d: {  	s3 =	simm.s32 $0x108;
	s8 =	sld [smem:$0x3FAD]  }
0x2e: {  	s3 =	simm.s32 @!p0 $0x1082;
	s9 =	sld [smem:$0x3FAE]  }
0x2f: {  	lr =	sadd.s32 s0, s3;
	s0 =	sld [smem:$0x3FA5]  }
0x30: {  	s3 =	sld [smem:$0x3FA8]  }
0x31: {  	[smem:$0x3FB1] =	sst s10  }
0x32: {  	s10 =	sld [smem:$0x3FAF];
	_ =	sdelay $0x3  }
0x33: {  	p0 =	seq.s32 s10, $0x1;
	s10 =	sld [smem:$0x3FB1];
	_ =	sdelay $0x3  }
0x34: {  	[smem:$0x3FB1] =	sst s10  }
0x35: {  	s10 =	sld [smem:$0x3FB0];
	_ =	sdelay $0x3  }
0x36: {  	p1 =	seq.s32 s10, $0x1;
	s10 =	sld [smem:$0x3FB1];
	_ =	sdelay $0x3  }
0x37: {  	[smem:$0x3FB1] =	sst s10  }
0x38: {  	s10 =	sld [smem:$0x3FB2]  }
0x39: {  	_ = 	snop;
	(pc) =	sbr.ind lr, $3  }
0x3a: {  	_ = 	snop  }
0x3b: {  	_ = 	snop  }
0x3c: {  	p2 =	seq.s32 s10, $0x1;
	s10 =	sld [smem:$0x3FB1]  }
0x3d: {  	_ =	shalt  }
0x3e: {  	_ =	shalt  }
0x3f: {  	_ =	shalt  }
0x40: {  	_ =	shalt  }
0x41: {  	_ =	shalt  }
0x42: {  	_ =	shalt  }
0x43: {  	_ =	shalt  }
0x44: {  	_ =	shalt  }
0x45: {  	_ =	shalt  }
0x46: {  	_ =	shalt  }
0x47: {  	_ =	shalt  }
0x48: {  	_ =	shalt  }
0x49: {  	_ =	shalt  }
0x4a: {  	_ =	shalt  }
0x4b: {  	_ =	shalt  }
0x4c: {  	_ =	shalt  }
0x4d: {  	_ =	shalt  }
0x4e: {  	_ =	shalt  }
0x4f: {  	_ =	shalt  }
0x50: {  	_ =	shalt  }
0x51: {  	_ =	shalt  }
0x52: {  	_ =	shalt  }
0x53: {  	_ =	shalt  }
0x54: {  	_ =	shalt  }
0x55: {  	_ =	shalt  }
0x56: {  	_ =	shalt  }
0x57: {  	_ =	shalt  }
0x58: {  	_ =	shalt  }
0x59: {  	_ =	shalt  }
0x5a: {  	_ =	shalt  }
0x5b: {  	_ =	shalt  }
0x5c: {  	_ =	shalt  }
0x5d: {  	_ =	shalt  }
0x5e: {  	_ =	shalt  }
0x5f: {  	_ =	shalt  }
0x60: {  	_ =	shalt  }
0x61: {  	_ =	shalt  }
0x62: {  	_ =	shalt  }
0x63: {  	_ =	shalt  }
0x64: {  	_ =	shalt  }
0x65: {  	_ =	shalt  }
0x66: {  	_ =	shalt  }
0x67: {  	_ =	shalt  }
0x68: {  	_ =	shalt  }
0x69: {  	_ =	shalt  }
0x6a: {  	_ =	shalt  }
0x6b: {  	_ =	shalt  }
0x6c: {  	_ =	shalt  }
0x6d: {  	_ =	shalt  }
0x6e: {  	_ =	shalt  }
0x6f: {  	_ =	shalt  }
0x70: {  	_ =	shalt  }
0x71: {  	_ =	shalt  }
0x72: {  	_ =	shalt  }
0x73: {  	_ =	shalt  }
0x74: {  	_ =	shalt  }
0x75: {  	_ =	shalt  }
0x76: {  	_ =	shalt  }
0x77: {  	_ =	shalt  }
0x78: {  	_ =	shalt  }
0x79: {  	_ =	shalt  }
0x7a: {  	_ =	shalt  }
0x7b: {  	_ =	shalt  }
0x7c: {  	_ =	shalt  }
0x7d: {  	_ =	shalt  }
0x7e: {  	_ =	shalt  }
0x7f: {  	_ =	shalt  }
0x80: {  	_ =	shalt  }
0x81: {  	_ =	shalt  }
0x82: {  	_ =	shalt  }
0x83: {  	_ =	shalt  }
0x84: {  	_ =	shalt  }
0x85: {  	_ =	shalt  }
0x86: {  	_ =	shalt  }
0x87: {  	_ =	shalt  }
.Lfunc_end0:
.L_simem_size_0:
called_computation.1_lowered:
.L_overlay_start_0:
0x88: {  	s2 =	sld [smem:$0x3FD9]  }
0x89: {  	s3 =	sld [smem:$0x3FFE];
	_ =	sdelay $0x1  }
0x8a: {  	s1 =	srdreg.scid  }
0x8b: {  	s0 =	sand.u32 $0x1, s1  }
0x8c: {  	s16 =	sshll.u32 s0, $0xA;
	s2 =	sadd.s32 s3, s2  }
0x8d: {  	s2 =	sadd.s32 s2, s16  }
0x8e: {  	[smem:$0x3FBD] =	sst s2  }
0x8f: {  	_ = 	snop  }
0x90: {  	(tm) =	ssettm $0x1  }
0x91: {  	s17 =	sld [smem:$0x3FFB];
	_ =	sdelay $0x3  }
0x92: {  	_ =	strace s17  }
0x93: {  	s2 =	sld [smem:$0x3FFC];
	_ =	sdelay $0x3  }
0x94: {  	_ =	strace s2  }
0x95: {  	s2 =	sld [smem:$0x3FFD];
	_ =	sdelay $0x3  }
0x96: {  	_ =	strace s2  }
0x97: {  	_ =	strace $0x8FFFFFFF  }
0x98: {  	s18 =	sld [smem:$0x3FDB];
	_ =	sdelay $0x1  }
0x99: {  	s19 =	simm.s32 $_scs_section_size  }
0x9a: {  	s4 =	simm.s32 $_size__tile_overlayer_lowered;
	s5 =	simm.s32 $_tile_overlayer_lowered  }
0x9b: {  	s22 =	simm.s32 $0x1BFF;
	s21 =	sshll.u32 s5, $0x1;
	s2 =	sadd.s32 s19, s18  }
0x9c: {  	s6 =	simm.s32 $0x0;
	s20 =	sshll.u32 s4, $0x1;
	s4 =	sadd.s32 s21, s2  }
0x9d: {  	[timem:s6], [sflag:s22] =	dma.local [hbm:s4], s20  }
0x9e: {  	_ =	swait.ge [sflag:s22], s20  }
0x9f: {  	s3 =	ssub.s32 $0x0, s20;
	[sflag:s22] =	ssyncset.done $0x0  }
0xa0: {  	[sflag:s22] =	ssyncadd.s32 s3;
	_ =	sdelay $0x1  }
0xa1: {  	s23 =	simm.s32 $0x1B8B  }
0xa2: {  	_ =	swait.ge [sflag:s23], $0x1  }
0xa3: {  	[sflag:s23] =	ssyncset.done $0x0  }
0xa4: {  	s25 =	simm.s32 $0x1B8E;
	s24 =	sld [smem:$0x3FFE];
	[sflag:s23] =	ssyncadd.s32 $0xFFFFFFFF  }
0xa5: {  	s26 =	simm.s32 $execute0_lowered;
	[smem:$0x3FD2] =	sst s25  }
0xa6: {  	s4 =	sshll.u32 s26, $0x1;
	_ =	strace $0x80000049;
	[dreg:$0x1] =	wrdreg $0xFFFFFFFF  }
0xa7: {  	s28 =	simm.s32 $_size_execute0_lowered;
	s2 =	sadd.s32 s2, s4;
	[dreg:$0x0] =	wrdreg $0x0  }
0xa8: {  	s4 =	sshll.u32 s28, $0x1;
	[dreg:$0x2] =	wrdreg s2  }
0xa9: {  	[dreg:$0x3] =	wrdreg s4  }
0xaa: {  	[dreg:$0x4] =	wrdreg $0xC0  }
0xab: {  	_ =	task [dreg:s6], $0x5FFFF  }
0xac: {  	[dreg:$0x1] =	wrdreg $0xFFFFFFFF  }
0xad: {  	[dreg:$0x0] =	wrdreg $0x60  }
0xae: {  	[dreg:$0x2] =	wrdreg s24  }
0xaf: {  	[dreg:$0x3] =	wrdreg $0x189000  }
0xb0: {  	[dreg:$0x4] =	wrdreg $0x13A000  }
0xb1: {  	[dreg:$0x5] =	wrdreg $0x9  }
0xb2: {  	_ =	task.clear_ibuf [dreg:s6], $0x6FFFF;
	_ =	strace $0x90000049  }
0xb3: {  	s29 =	simm.s32 $0x9;
	_ =	strace $0x8000004B  }
0xb4: {  	_ =	swait.ge [sflag:s29], $0x1  }
0xb5: {  	[sflag:s29] =	ssyncadd.s32 $0xFFFFFFFF  }
0xb6: {  	_ =	strace $0x9000004B  }
0xb7: {  	_ =	sfence  }
0xb8: {  	s30 =	sld [smem:$0x0];
	_ =	sdelay $0x2  }
0xb9: {  	s31 =	sshll.u32 s1, $0xD;
	s1 =	sshrl.u32 s1, $0x2  }
0xba: {  	s3 =	sand.u32 $0x4000, s31;
	s1 =	sadd.s32 s1, s30  }
0xbb: {  	s0 =	sor.u32 s3, s0;
	s1 =	sshll.u32 s1, $0x11  }
0xbc: {  	s0 =	sor.u32 s1, s0  }
0xbd: {  	s0 =	sadd.s32 $0x8F2B, s0  }
0xbe: {  	[sflag:s0] =	ssyncadd.remote.s32 $0x1  }
0xbf: {  	_ =	sfence.sel $0xFFFF  }
0xc0: {  	[dreg:$0x0] =	wrdreg $0xFFFFFFFF;
	(pc) =	sbr.abs _section_cstart, $3  }
0xc1: {  	[dreg:$0x1] =	wrdreg $0xFFFFFFFF  }
0xc2: {  	_ =	task.clear_ibuf [dreg:s6], $0x2FFFF;
	_ =	strace $0x9FFFFFFF  }
0xc3: {  	(tm) =	ssettm $0x7FFFFFFF  }
tec
execute0_lowered:
.L_overlay_start_1:
0x0: {  	(tag) =	ssettag $0x1  }
0x1: {  	s0 =	rddreg [dreg:$0x0];
	s14 =	stileid.u32  }
0x2: {  	s1 =	srdreg.scid;
	s2 =	rddreg [dreg:$0x1]  }
0x3: {  	s3 =	rddreg [dreg:$0x2];
	s15 =	simm.s32 $0xEB00;
	s16 =	simm.s32 $0xB  }
0x4: {  	s17 =	simm.s32 $0x9;
	s18 =	simm.s32 $0xA;
	s19 =	simm.s32 $0x138  }
0x5: {  	s20 =	simm.s32 $0x4F00;
	s29 =	simm.s32 $0xC400;
	s30 =	simm.s32 $0x3  }
0x6: {  	s31 =	simm.s32 $0x5;
	s28 =	simm.s32 $0x8;
	s1 =	sand.u32 $0x1, s1  }
0x7: {  	s4 =	sshll.u32 s14, $0x1;
	s5 =	smul.u32 $0x4F00, s14;
	p0 =	sgt.u32 s14, $0x1  }
0x8: {  	s14 =	simm.s32 $0x2780;
	s6 =	sor.u32 s1, s4;
	s4 =	simm.s32 $0x0  }
0x9: {  	s8 =	smul.u32 $0x4F000, s1;
	s22 =	ssub.s32 $0x2, s1;
	p1 =	sne.s32 s1, $0x0  }
0xa: {  	p2 =	seq.s32 s1, $0x0;
	s1 =	simm.s32 $0x0;
	s7 =	smul.u32 $0x2700, s6  }
0xb: {  	[smem:$0x7FF] =	sst s4;
	s6 =	smin.u32 s6, $0x4;
	s9 =	sshrl.u32 s5, $0x3  }
0xc: {  	s23 =	sshrl.u32 s22, $0x1;
	s10 =	sadd.s32 s5, s2;
	s11 =	sadd.s32 s5, s3  }
0xd: {  	_ =	strace $0x8000004A;
	s6 =	sshll.u32 s6, $0x7;
	s9 =	sadd.s32 s9, s0  }
0xe: {  	s21 =	sadd.s32 s5, s8;
	s13 =	ssub.s32 s22, s23;
	s6 =	sadd.s32 s7, s6  }
0xf: {  	s22 =	simm.s32 $0x1;
	s23 =	simm.s32 $0x4;
	s6 =	sshrl.u32 s6, $0x3  }
0x10: {  	s7 =	sshrl.u32 s21, $0x3;
	s9 =	sadd.s32 $0x15600, s9;
	s6 =	sadd.s32 s6, s0  }
0x11: {  	s13 =	smax.u32 s13, $0x1;
	s21 =	simm.s32 $0x7600;
	s24 =	sadd.s32 $0x1C00, s6  }
0x12: {  	s0 =	sadd.s32 s7, s0;
	s25 =	sadd.s32 $0xB840, s6;
	[dreg:$0x4] =	wrdreg s24  }
0x13: {  	s26 =	sadd.s32 $0x20E0, s6;
	s8 =	sadd.s32 $0xBD20, s6;
	[dreg:$0x5] =	wrdreg s25  }
0x14: {  	s12 =	sadd.s32 $0x1F400, s0;
	s0 =	simm.s32 $0x7;
	[dreg:$0x6] =	wrdreg s26  }
0x15: {  	v0 =	vimm.f32 $0.0e+00;
	s24 =	simm.s32 $0x9D00;
	s25 =	simm.s32 $0x2;
	s26 =	simm.s32 $0x6  }
.LBB2_1:
0x16: {  	s5 =	rddreg [dreg:$0x4]  }
0x17: {  	[tilespmem:s4], [sflag:$0x9] =	stream.linear.gather [hbm4b:s5+s4], $0x2700, $0x38;
	[tilespmem:$0x1D800] =	vst v63  }
0x18: {  	s7 =	rddreg [dreg:$0x5]  }
0x19: {  	[tilespmem:s14], [sflag:$0xA] =	stream.linear.gather [hbm4b:s7+s4], $0x2700, $0x38;
	[tilespmem:$0x1D800] =	vst v63  }
0x1a: {  	s6 =	simm.s32 @!p0 $0x2700;
	s5 =	simm.s32 @!p0 $0x0;
	s7 =	rddreg [dreg:$0x6]  }
0x1b: {  	[tilespmem:s6], [sflag:$0x9] =	stream.linear.gather @!p0 [hbm4b:s7+s5], $0x80, $0x38;
	[tilespmem:$0x1D800] =	vst v63  }
0x1c: {  	s6 =	simm.s32 @!p0 $0x4E80  }
0x1d: {  	[tilespmem:s6], [sflag:$0xA] =	stream.linear.gather @!p0 [hbm4b:s8+s5], $0x80, $0x38;
	[tilespmem:$0x1D800] =	vst v63  }
0x1e: {  	_ = 	snop  }
0x1f: {  	[tilespmem:s15], [sflag:$0xB] =	stream.linear.gather [hbm4b:s9+s4], $0x4F00, $0x38;
	[tilespmem:$0x1D800] =	vst v63  }
0x20: {  	_ =	swait.ge [sflag:s16], $0x4F00  }
0x21: {  	[sflag:s16] =	ssyncset.done $0x0  }
0x22: {  	[sflag:s16] =	ssyncadd.s32 $0xFFFFB100  }
0x23: {  	[spmem:s10] =	stream.linear.scatter [tilespmem:s15], [sflag:$0xB], $0x4F00, $0x38;
	[tilespmem:$0x1D800] =	vst v63  }
0x24: {  	_ =	swait.ge [sflag:s16], $0x4F00  }
0x25: {  	[sflag:s16] =	ssyncset.done $0x0  }
0x26: {  	s5 =	simm.s32 @!p1 $0xEB00;
	[sflag:s16] =	ssyncadd.s32 $0xFFFFB100  }
0x27: {  	[spmem:s11] =	stream.linear.scatter @!p1 [tilespmem:s5], [sflag:$0xB], $0x4F00, $0x38;
	[tilespmem:$0x1D800] =	vst v63  }
0x28: {  	s5 =	simm.s32 @!p1 $0xB  }
0x29: {  	_ =	swait.ge @!p1 [sflag:s5], $0x4F00  }
0x2a: {  	[sflag:s5] =	ssyncset.done @!p1 $0x0  }
0x2b: {  	[sflag:s5] =	ssyncadd.s32 @!p1 $0xFFFFB100;
	s5 =	simm.s32 $0xEB40  }
0x2c: {  	[tilespmem:s5+$0xFFFFFFC0] =	vst v0  }
0x2d: {  	[tilespmem:s5+$0x30] =	vst v0  }
0x2e: {  	[tilespmem:s5+$0x20] =	vst v0  }
0x2f: {  	[tilespmem:s5+$0x10] =	vst v0  }
0x30: {  	[tilespmem:s5+$0x0] =	vst v0  }
0x31: {  	[tilespmem:s5+$0xFFFFFFF0] =	vst v0  }
0x32: {  	s6 =	simm.s32 $0x0;
	[tilespmem:s5+$0xFFFFFFE0] =	vst v0  }
.LBB2_2:
0x33: {  	s6 =	sadd.s32 $0x4, s6;
	[tilespmem:s5+$0xFFFFFFD0] =	vst v0;
	s5 =	sadd.s32 $0x80, s5  }
0x34: {  	[tilespmem:s5+$0xFFFFFFC0] =	vst v0;
	p3 =	slt.u32 s6, $0x274  }
0x35: {  	[tilespmem:s5+$0x30] =	vst v0  }
.Ltmp0:
0x36: {  	[tilespmem:s5+$0x20] =	vst v0;
	(pc) =	sbr.rel @p3 .LBB2_2-.Ltmp0, $4  }
0x37: {  	[tilespmem:s5+$0x10] =	vst v0  }
0x38: {  	[tilespmem:s5+$0x0] =	vst v0  }
0x39: {  	[tilespmem:s5+$0xFFFFFFF0] =	vst v0  }
0x3a: {  	[tilespmem:s5+$0xFFFFFFE0] =	vst v0  }
0x3b: {  	[tilespmem:s5+$0xFFFFFFD0] =	vst v0;
	s5 =	simm.s32 @!p2 $0xEB00  }
0x3c: {  	[spmem:s11] =	stream.linear.scatter @!p2 [tilespmem:s5], [sflag:$0xB], $0x4F00, $0x38;
	[tilespmem:$0x1D800] =	vst v63  }
0x3d: {  	s5 =	simm.s32 @!p2 $0xB  }
0x3e: {  	_ =	swait.ge @!p2 [sflag:s5], $0x4F00  }
0x3f: {  	[sflag:s5] =	ssyncset.done @!p2 $0x0  }
0x40: {  	[sflag:s5] =	ssyncadd.s32 @!p2 $0xFFFFB100  }
0x41: {  	[bflag:$0x0] =	sbarrier.arrive $0xFFFF  }
0x42: {  	_ =	swait.ge [sflag:s17], $0x2700  }
0x43: {  	[sflag:s17] =	ssyncset.done $0x0  }
0x44: {  	[sflag:s17] =	ssyncadd.s32 $0xFFFFD900  }
0x45: {  	_ =	swait.ge [sflag:s18], $0x2700  }
0x46: {  	[sflag:s18] =	ssyncset.done $0x0  }
0x47: {  	s5 =	simm.s32 @!p0 $0x9;
	[sflag:s18] =	ssyncadd.s32 $0xFFFFD900  }
0x48: {  	_ =	swait.ge @!p0 [sflag:s5], $0x80  }
0x49: {  	[sflag:s5] =	ssyncset.done @!p0 $0x0  }
0x4a: {  	[sflag:s5] =	ssyncadd.s32 @!p0 $0xFFFFFF80;
	s5 =	simm.s32 @!p0 $0xA  }
0x4b: {  	_ =	swait.ge @!p0 [sflag:s5], $0x80  }
0x4c: {  	[sflag:s5] =	ssyncset.done @!p0 $0x0  }
0x4d: {  	[sflag:s5] =	ssyncadd.s32 @!p0 $0xFFFFFF80  }
0x4e: {  	[tilespmem:s20], [sflag:$0x1] =	stream.indirect.gather [spmem:s2], $0x20, s4, s19, $0xb8;
	[tilespmem:$0x1D800] =	vst v63  }
0x4f: {  	_ = 	snop  }
0x50: {  	[tilespmem:s21], [sflag:$0x2] =	stream.indirect.gather [spmem:s2], $0x20, s19, s19, $0xb8;
	[tilespmem:$0x1D800] =	vst v63  }
0x51: {  	_ =	swait.ge [sflag:s22], $0x2700  }
0x52: {  	[sflag:s22] =	ssyncset.done $0x0  }
0x53: {  	[sflag:s22] =	ssyncadd.s32 $0xFFFFD900  }
0x54: {  	[spmem:s3] =	stream.indirect.scatter.add.f32 [tilespmem:s20], [sflag:$0x5], $0x20, s14, s19, $0xb8;
	[tilespmem:$0x1D800] =	vst v63  }
0x55: {  	s7 =	simm.s32 $0x270  }
0x56: {  	[tilespmem:s24], [sflag:$0x3] =	stream.indirect.gather [spmem:s2], $0x20, s7, s19, $0xb8;
	[tilespmem:$0x1D800] =	vst v63  }
0x57: {  	_ =	swait.ge [sflag:s25], $0x2700  }
0x58: {  	[sflag:s25] =	ssyncset.done $0x0  }
0x59: {  	s6 =	simm.s32 $0x28B8;
	[sflag:s25] =	ssyncadd.s32 $0xFFFFD900  }
0x5a: {  	[spmem:s3] =	stream.indirect.scatter.add.f32 [tilespmem:s21], [sflag:$0x6], $0x20, s6, s19, $0xb8;
	[tilespmem:$0x1D800] =	vst v63  }
0x5b: {  	s7 =	simm.s32 $0x3A8  }
0x5c: {  	[tilespmem:s29], [sflag:$0x4] =	stream.indirect.gather [spmem:s2], $0x20, s7, s19, $0xb8;
	[tilespmem:$0x1D800] =	vst v63  }
0x5d: {  	_ =	swait.ge [sflag:s30], $0x2700  }
0x5e: {  	[sflag:s30] =	ssyncset.done $0x0  }
0x5f: {  	[sflag:s30] =	ssyncadd.s32 $0xFFFFD900  }
0x60: {  	_ =	swait.ge [sflag:s31], $0x2700  }
0x61: {  	[sflag:s31] =	ssyncset.done $0x0  }
0x62: {  	s6 =	simm.s32 $0x29F0;
	[sflag:s31] =	ssyncadd.s32 $0xFFFFD900  }
0x63: {  	[spmem:s3] =	stream.indirect.scatter.add.f32 [tilespmem:s24], [sflag:$0x7], $0x20, s6, s19, $0xb8;
	[tilespmem:$0x1D800] =	vst v63  }
0x64: {  	s7 =	simm.s32 $0x4E0  }
0x65: {  	[tilespmem:s20], [sflag:$0x1] =	stream.indirect.gather [spmem:s2], $0x20, s7, s19, $0xb8;
	[tilespmem:$0x1D800] =	vst v63  }
0x66: {  	_ =	swait.ge [sflag:s23], $0x2700  }
0x67: {  	[sflag:s23] =	ssyncset.done $0x0  }
0x68: {  	[sflag:s23] =	ssyncadd.s32 $0xFFFFD900  }
0x69: {  	_ =	swait.ge [sflag:s26], $0x2700  }
0x6a: {  	[sflag:s26] =	ssyncset.done $0x0  }
0x6b: {  	s6 =	simm.s32 $0x2B28;
	[sflag:s26] =	ssyncadd.s32 $0xFFFFD900  }
0x6c: {  	[spmem:s3] =	stream.indirect.scatter.add.f32 [tilespmem:s29], [sflag:$0x8], $0x20, s6, s19, $0xb8;
	[tilespmem:$0x1D800] =	vst v63  }
0x6d: {  	s7 =	simm.s32 $0x618  }
0x6e: {  	[tilespmem:s21], [sflag:$0x2] =	stream.indirect.gather [spmem:s2], $0x20, s7, s19, $0xb8;
	[tilespmem:$0x1D800] =	vst v63  }
0x6f: {  	_ =	swait.ge [sflag:s22], $0x2700  }
0x70: {  	[sflag:s22] =	ssyncset.done $0x0  }
0x71: {  	[sflag:s22] =	ssyncadd.s32 $0xFFFFD900  }
0x72: {  	_ =	swait.ge [sflag:s0], $0x2700  }
0x73: {  	[sflag:s0] =	ssyncset.done $0x0  }
0x74: {  	s6 =	simm.s32 $0x2C60;
	[sflag:s0] =	ssyncadd.s32 $0xFFFFD900  }
0x75: {  	[spmem:s3] =	stream.indirect.scatter.add.f32 [tilespmem:s20], [sflag:$0x5], $0x20, s6, s19, $0xb8;
	[tilespmem:$0x1D800] =	vst v63  }
0x76: {  	s7 =	simm.s32 $0x750  }
0x77: {  	[tilespmem:s24], [sflag:$0x3] =	stream.indirect.gather [spmem:s2], $0x20, s7, s19, $0xb8;
	[tilespmem:$0x1D800] =	vst v63  }
0x78: {  	_ =	swait.ge [sflag:s25], $0x2700  }
0x79: {  	[sflag:s25] =	ssyncset.done $0x0  }
0x7a: {  	[sflag:s25] =	ssyncadd.s32 $0xFFFFD900  }
0x7b: {  	_ =	swait.ge [sflag:s28], $0x2700  }
0x7c: {  	[sflag:s28] =	ssyncset.done $0x0  }
0x7d: {  	s6 =	simm.s32 $0x2D98;
	[sflag:s28] =	ssyncadd.s32 $0xFFFFD900  }
0x7e: {  	[spmem:s3] =	stream.indirect.scatter.add.f32 [tilespmem:s21], [sflag:$0x6], $0x20, s6, s19, $0xb8;
	[tilespmem:$0x1D800] =	vst v63  }
0x7f: {  	s7 =	simm.s32 $0x888  }
0x80: {  	[tilespmem:s29], [sflag:$0x4] =	stream.indirect.gather [spmem:s2], $0x20, s7, s19, $0xb8;
	[tilespmem:$0x1D800] =	vst v63  }
0x81: {  	_ =	swait.ge [sflag:s30], $0x2700  }
0x82: {  	[sflag:s30] =	ssyncset.done $0x0  }
0x83: {  	[sflag:s30] =	ssyncadd.s32 $0xFFFFD900  }
0x84: {  	_ =	swait.ge [sflag:s31], $0x2700  }
0x85: {  	[sflag:s31] =	ssyncset.done $0x0  }
0x86: {  	s6 =	simm.s32 $0x2ED0;
	[sflag:s31] =	ssyncadd.s32 $0xFFFFD900  }
0x87: {  	[spmem:s3] =	stream.indirect.scatter.add.f32 [tilespmem:s24], [sflag:$0x7], $0x20, s6, s19, $0xb8;
	[tilespmem:$0x1D800] =	vst v63  }
0x88: {  	s7 =	simm.s32 $0x9C0  }
0x89: {  	[tilespmem:s20], [sflag:$0x1] =	stream.indirect.gather [spmem:s2], $0x20, s7, s19, $0xb8;
	[tilespmem:$0x1D800] =	vst v63  }
0x8a: {  	_ =	swait.ge [sflag:s23], $0x2700  }
0x8b: {  	[sflag:s23] =	ssyncset.done $0x0  }
0x8c: {  	[sflag:s23] =	ssyncadd.s32 $0xFFFFD900  }
0x8d: {  	_ =	swait.ge [sflag:s26], $0x2700  }
0x8e: {  	[sflag:s26] =	ssyncset.done $0x0  }
0x8f: {  	s6 =	simm.s32 $0x3008;
	[sflag:s26] =	ssyncadd.s32 $0xFFFFD900  }
0x90: {  	[spmem:s3] =	stream.indirect.scatter.add.f32 [tilespmem:s29], [sflag:$0x8], $0x20, s6, s19, $0xb8;
	[tilespmem:$0x1D800] =	vst v63  }
0x91: {  	s7 =	simm.s32 $0xAF8  }
0x92: {  	[tilespmem:s21], [sflag:$0x2] =	stream.indirect.gather [spmem:s2], $0x20, s7, s19, $0xb8;
	[tilespmem:$0x1D800] =	vst v63  }
0x93: {  	_ =	swait.ge [sflag:s22], $0x2700  }
0x94: {  	[sflag:s22] =	ssyncset.done $0x0  }
0x95: {  	[sflag:s22] =	ssyncadd.s32 $0xFFFFD900  }
0x96: {  	_ =	swait.ge [sflag:s0], $0x2700  }
0x97: {  	[sflag:s0] =	ssyncset.done $0x0  }
0x98: {  	s6 =	simm.s32 $0x3140;
	[sflag:s0] =	ssyncadd.s32 $0xFFFFD900  }
0x99: {  	[spmem:s3] =	stream.indirect.scatter.add.f32 [tilespmem:s20], [sflag:$0x5], $0x20, s6, s19, $0xb8;
	[tilespmem:$0x1D800] =	vst v63  }
0x9a: {  	s7 =	simm.s32 $0xC30  }
0x9b: {  	[tilespmem:s24], [sflag:$0x3] =	stream.indirect.gather [spmem:s2], $0x20, s7, s19, $0xb8;
	[tilespmem:$0x1D800] =	vst v63  }
0x9c: {  	_ =	swait.ge [sflag:s25], $0x2700  }
0x9d: {  	[sflag:s25] =	ssyncset.done $0x0  }
0x9e: {  	[sflag:s25] =	ssyncadd.s32 $0xFFFFD900  }
0x9f: {  	_ =	swait.ge [sflag:s28], $0x2700  }
0xa0: {  	[sflag:s28] =	ssyncset.done $0x0  }
0xa1: {  	s6 =	simm.s32 $0x3278;
	[sflag:s28] =	ssyncadd.s32 $0xFFFFD900  }
0xa2: {  	[spmem:s3] =	stream.indirect.scatter.add.f32 [tilespmem:s21], [sflag:$0x6], $0x20, s6, s19, $0xb8;
	[tilespmem:$0x1D800] =	vst v63  }
0xa3: {  	s7 =	simm.s32 $0xD68  }
0xa4: {  	[tilespmem:s29], [sflag:$0x4] =	stream.indirect.gather [spmem:s2], $0x20, s7, s19, $0xb8;
	[tilespmem:$0x1D800] =	vst v63  }
0xa5: {  	_ =	swait.ge [sflag:s30], $0x2700  }
0xa6: {  	[sflag:s30] =	ssyncset.done $0x0  }
0xa7: {  	[sflag:s30] =	ssyncadd.s32 $0xFFFFD900  }
0xa8: {  	_ =	swait.ge [sflag:s31], $0x2700  }
0xa9: {  	[sflag:s31] =	ssyncset.done $0x0  }
0xaa: {  	s6 =	simm.s32 $0x33B0;
	[sflag:s31] =	ssyncadd.s32 $0xFFFFD900  }
0xab: {  	[spmem:s3] =	stream.indirect.scatter.add.f32 [tilespmem:s24], [sflag:$0x7], $0x20, s6, s19, $0xb8;
	[tilespmem:$0x1D800] =	vst v63  }
0xac: {  	s7 =	simm.s32 $0xEA0  }
0xad: {  	[tilespmem:s20], [sflag:$0x1] =	stream.indirect.gather [spmem:s2], $0x20, s7, s19, $0xb8;
	[tilespmem:$0x1D800] =	vst v63  }
0xae: {  	_ =	swait.ge [sflag:s23], $0x2700  }
0xaf: {  	[sflag:s23] =	ssyncset.done $0x0  }
0xb0: {  	[sflag:s23] =	ssyncadd.s32 $0xFFFFD900  }
0xb1: {  	_ =	swait.ge [sflag:s26], $0x2700  }
0xb2: {  	[sflag:s26] =	ssyncset.done $0x0  }
0xb3: {  	s6 =	simm.s32 $0x34E8;
	[sflag:s26] =	ssyncadd.s32 $0xFFFFD900  }
0xb4: {  	[spmem:s3] =	stream.indirect.scatter.add.f32 [tilespmem:s29], [sflag:$0x8], $0x20, s6, s19, $0xb8;
	[tilespmem:$0x1D800] =	vst v63  }
0xb5: {  	s7 =	simm.s32 $0xFD8  }
0xb6: {  	[tilespmem:s21], [sflag:$0x2] =	stream.indirect.gather [spmem:s2], $0x20, s7, s19, $0xb8;
	[tilespmem:$0x1D800] =	vst v63  }
0xb7: {  	_ =	swait.ge [sflag:s22], $0x2700  }
0xb8: {  	[sflag:s22] =	ssyncset.done $0x0  }
0xb9: {  	[sflag:s22] =	ssyncadd.s32 $0xFFFFD900  }
0xba: {  	_ =	swait.ge [sflag:s0], $0x2700  }
0xbb: {  	[sflag:s0] =	ssyncset.done $0x0  }
0xbc: {  	s6 =	simm.s32 $0x3620;
	[sflag:s0] =	ssyncadd.s32 $0xFFFFD900  }
0xbd: {  	[spmem:s3] =	stream.indirect.scatter.add.f32 [tilespmem:s20], [sflag:$0x5], $0x20, s6, s19, $0xb8;
	[tilespmem:$0x1D800] =	vst v63  }
0xbe: {  	s7 =	simm.s32 $0x1110  }
0xbf: {  	[tilespmem:s24], [sflag:$0x3] =	stream.indirect.gather [spmem:s2], $0x20, s7, s19, $0xb8;
	[tilespmem:$0x1D800] =	vst v63  }
0xc0: {  	_ =	swait.ge [sflag:s25], $0x2700  }
0xc1: {  	[sflag:s25] =	ssyncset.done $0x0  }
0xc2: {  	[sflag:s25] =	ssyncadd.s32 $0xFFFFD900  }
0xc3: {  	_ =	swait.ge [sflag:s28], $0x2700  }
0xc4: {  	[sflag:s28] =	ssyncset.done $0x0  }
0xc5: {  	s6 =	simm.s32 $0x3758;
	[sflag:s28] =	ssyncadd.s32 $0xFFFFD900  }
0xc6: {  	[spmem:s3] =	stream.indirect.scatter.add.f32 [tilespmem:s21], [sflag:$0x6], $0x20, s6, s19, $0xb8;
	[tilespmem:$0x1D800] =	vst v63  }
0xc7: {  	s7 =	simm.s32 $0x1248  }
0xc8: {  	[tilespmem:s29], [sflag:$0x4] =	stream.indirect.gather [spmem:s2], $0x20, s7, s19, $0xb8;
	[tilespmem:$0x1D800] =	vst v63  }
0xc9: {  	_ =	swait.ge [sflag:s30], $0x2700  }
0xca: {  	[sflag:s30] =	ssyncset.done $0x0  }
0xcb: {  	[sflag:s30] =	ssyncadd.s32 $0xFFFFD900  }
0xcc: {  	_ =	swait.ge [sflag:s31], $0x2700  }
0xcd: {  	[sflag:s31] =	ssyncset.done $0x0  }
0xce: {  	s6 =	simm.s32 $0x3890;
	[sflag:s31] =	ssyncadd.s32 $0xFFFFD900  }
0xcf: {  	[spmem:s3] =	stream.indirect.scatter.add.f32 [tilespmem:s24], [sflag:$0x7], $0x20, s6, s19, $0xb8;
	[tilespmem:$0x1D800] =	vst v63  }
0xd0: {  	s7 =	simm.s32 $0x1380  }
0xd1: {  	[tilespmem:s20], [sflag:$0x1] =	stream.indirect.gather [spmem:s2], $0x20, s7, s19, $0xb8;
	[tilespmem:$0x1D800] =	vst v63  }
0xd2: {  	_ =	swait.ge [sflag:s23], $0x2700  }
0xd3: {  	[sflag:s23] =	ssyncset.done $0x0  }
0xd4: {  	[sflag:s23] =	ssyncadd.s32 $0xFFFFD900  }
0xd5: {  	_ =	swait.ge [sflag:s26], $0x2700  }
0xd6: {  	[sflag:s26] =	ssyncset.done $0x0  }
0xd7: {  	s6 =	simm.s32 $0x39C8;
	[sflag:s26] =	ssyncadd.s32 $0xFFFFD900  }
0xd8: {  	[spmem:s3] =	stream.indirect.scatter.add.f32 [tilespmem:s29], [sflag:$0x8], $0x20, s6, s19, $0xb8;
	[tilespmem:$0x1D800] =	vst v63  }
0xd9: {  	s7 =	simm.s32 $0x14B8  }
0xda: {  	[tilespmem:s21], [sflag:$0x2] =	stream.indirect.gather [spmem:s2], $0x20, s7, s19, $0xb8;
	[tilespmem:$0x1D800] =	vst v63  }
0xdb: {  	_ =	swait.ge [sflag:s22], $0x2700  }
0xdc: {  	[sflag:s22] =	ssyncset.done $0x0  }
0xdd: {  	[sflag:s22] =	ssyncadd.s32 $0xFFFFD900  }
0xde: {  	_ =	swait.ge [sflag:s0], $0x2700  }
0xdf: {  	[sflag:s0] =	ssyncset.done $0x0  }
0xe0: {  	s6 =	simm.s32 $0x3B00;
	[sflag:s0] =	ssyncadd.s32 $0xFFFFD900  }
0xe1: {  	[spmem:s3] =	stream.indirect.scatter.add.f32 [tilespmem:s20], [sflag:$0x5], $0x20, s6, s19, $0xb8;
	[tilespmem:$0x1D800] =	vst v63  }
0xe2: {  	s7 =	simm.s32 $0x15F0  }
0xe3: {  	[tilespmem:s24], [sflag:$0x3] =	stream.indirect.gather [spmem:s2], $0x20, s7, s19, $0xb8;
	[tilespmem:$0x1D800] =	vst v63  }
0xe4: {  	_ =	swait.ge [sflag:s25], $0x2700  }
0xe5: {  	[sflag:s25] =	ssyncset.done $0x0  }
0xe6: {  	[sflag:s25] =	ssyncadd.s32 $0xFFFFD900  }
0xe7: {  	_ =	swait.ge [sflag:s28], $0x2700  }
0xe8: {  	[sflag:s28] =	ssyncset.done $0x0  }
0xe9: {  	s6 =	simm.s32 $0x3C38;
	[sflag:s28] =	ssyncadd.s32 $0xFFFFD900  }
0xea: {  	[spmem:s3] =	stream.indirect.scatter.add.f32 [tilespmem:s21], [sflag:$0x6], $0x20, s6, s19, $0xb8;
	[tilespmem:$0x1D800] =	vst v63  }
0xeb: {  	s7 =	simm.s32 $0x1728  }
0xec: {  	[tilespmem:s29], [sflag:$0x4] =	stream.indirect.gather [spmem:s2], $0x20, s7, s19, $0xb8;
	[tilespmem:$0x1D800] =	vst v63  }
0xed: {  	_ =	swait.ge [sflag:s30], $0x2700  }
0xee: {  	[sflag:s30] =	ssyncset.done $0x0  }
0xef: {  	[sflag:s30] =	ssyncadd.s32 $0xFFFFD900  }
0xf0: {  	_ =	swait.ge [sflag:s31], $0x2700  }
0xf1: {  	[sflag:s31] =	ssyncset.done $0x0  }
0xf2: {  	s6 =	simm.s32 $0x3D70;
	[sflag:s31] =	ssyncadd.s32 $0xFFFFD900  }
0xf3: {  	[spmem:s3] =	stream.indirect.scatter.add.f32 [tilespmem:s24], [sflag:$0x7], $0x20, s6, s19, $0xb8;
	[tilespmem:$0x1D800] =	vst v63  }
0xf4: {  	s7 =	simm.s32 $0x1860  }
0xf5: {  	[tilespmem:s20], [sflag:$0x1] =	stream.indirect.gather [spmem:s2], $0x20, s7, s19, $0xb8;
	[tilespmem:$0x1D800] =	vst v63  }
0xf6: {  	_ =	swait.ge [sflag:s23], $0x2700  }
0xf7: {  	[sflag:s23] =	ssyncset.done $0x0  }
0xf8: {  	[sflag:s23] =	ssyncadd.s32 $0xFFFFD900  }
0xf9: {  	_ =	swait.ge [sflag:s26], $0x2700  }
0xfa: {  	[sflag:s26] =	ssyncset.done $0x0  }
0xfb: {  	s6 =	simm.s32 $0x3EA8;
	[sflag:s26] =	ssyncadd.s32 $0xFFFFD900  }
0xfc: {  	[spmem:s3] =	stream.indirect.scatter.add.f32 [tilespmem:s29], [sflag:$0x8], $0x20, s6, s19, $0xb8;
	[tilespmem:$0x1D800] =	vst v63  }
0xfd: {  	s7 =	simm.s32 $0x1998  }
0xfe: {  	[tilespmem:s21], [sflag:$0x2] =	stream.indirect.gather [spmem:s2], $0x20, s7, s19, $0xb8;
	[tilespmem:$0x1D800] =	vst v63  }
0xff: {  	_ =	swait.ge [sflag:s22], $0x2700  }
0x100: {  	[sflag:s22] =	ssyncset.done $0x0  }
0x101: {  	[sflag:s22] =	ssyncadd.s32 $0xFFFFD900  }
0x102: {  	_ =	swait.ge [sflag:s0], $0x2700  }
0x103: {  	[sflag:s0] =	ssyncset.done $0x0  }
0x104: {  	s6 =	simm.s32 $0x3FE0;
	[sflag:s0] =	ssyncadd.s32 $0xFFFFD900  }
0x105: {  	[spmem:s3] =	stream.indirect.scatter.add.f32 [tilespmem:s20], [sflag:$0x5], $0x20, s6, s19, $0xb8;
	[tilespmem:$0x1D800] =	vst v63  }
0x106: {  	s7 =	simm.s32 $0x1AD0  }
0x107: {  	[tilespmem:s24], [sflag:$0x3] =	stream.indirect.gather [spmem:s2], $0x20, s7, s19, $0xb8;
	[tilespmem:$0x1D800] =	vst v63  }
0x108: {  	_ =	swait.ge [sflag:s25], $0x2700  }
0x109: {  	[sflag:s25] =	ssyncset.done $0x0  }
0x10a: {  	[sflag:s25] =	ssyncadd.s32 $0xFFFFD900  }
0x10b: {  	_ =	swait.ge [sflag:s28], $0x2700  }
0x10c: {  	[sflag:s28] =	ssyncset.done $0x0  }
0x10d: {  	s6 =	simm.s32 $0x4118;
	[sflag:s28] =	ssyncadd.s32 $0xFFFFD900  }
0x10e: {  	[spmem:s3] =	stream.indirect.scatter.add.f32 [tilespmem:s21], [sflag:$0x6], $0x20, s6, s19, $0xb8;
	[tilespmem:$0x1D800] =	vst v63  }
0x10f: {  	s7 =	simm.s32 $0x1C08  }
0x110: {  	[tilespmem:s29], [sflag:$0x4] =	stream.indirect.gather [spmem:s2], $0x20, s7, s19, $0xb8;
	[tilespmem:$0x1D800] =	vst v63  }
0x111: {  	_ =	swait.ge [sflag:s30], $0x2700  }
0x112: {  	[sflag:s30] =	ssyncset.done $0x0  }
0x113: {  	[sflag:s30] =	ssyncadd.s32 $0xFFFFD900  }
0x114: {  	_ =	swait.ge [sflag:s31], $0x2700  }
0x115: {  	[sflag:s31] =	ssyncset.done $0x0  }
0x116: {  	s6 =	simm.s32 $0x4250;
	[sflag:s31] =	ssyncadd.s32 $0xFFFFD900  }
0x117: {  	[spmem:s3] =	stream.indirect.scatter.add.f32 [tilespmem:s24], [sflag:$0x7], $0x20, s6, s19, $0xb8;
	[tilespmem:$0x1D800] =	vst v63  }
0x118: {  	s7 =	simm.s32 $0x1D40  }
0x119: {  	[tilespmem:s20], [sflag:$0x1] =	stream.indirect.gather [spmem:s2], $0x20, s7, s19, $0xb8;
	[tilespmem:$0x1D800] =	vst v63  }
0x11a: {  	_ =	swait.ge [sflag:s23], $0x2700  }
0x11b: {  	[sflag:s23] =	ssyncset.done $0x0  }
0x11c: {  	[sflag:s23] =	ssyncadd.s32 $0xFFFFD900  }
0x11d: {  	_ =	swait.ge [sflag:s26], $0x2700  }
0x11e: {  	[sflag:s26] =	ssyncset.done $0x0  }
0x11f: {  	s6 =	simm.s32 $0x4388;
	[sflag:s26] =	ssyncadd.s32 $0xFFFFD900  }
0x120: {  	[spmem:s3] =	stream.indirect.scatter.add.f32 [tilespmem:s29], [sflag:$0x8], $0x20, s6, s19, $0xb8;
	[tilespmem:$0x1D800] =	vst v63  }
0x121: {  	s7 =	simm.s32 $0x1E78  }
0x122: {  	[tilespmem:s21], [sflag:$0x2] =	stream.indirect.gather [spmem:s2], $0x20, s7, s19, $0xb8;
	[tilespmem:$0x1D800] =	vst v63  }
0x123: {  	_ =	swait.ge [sflag:s22], $0x2700  }
0x124: {  	[sflag:s22] =	ssyncset.done $0x0  }
0x125: {  	[sflag:s22] =	ssyncadd.s32 $0xFFFFD900  }
0x126: {  	_ =	swait.ge [sflag:s0], $0x2700  }
0x127: {  	[sflag:s0] =	ssyncset.done $0x0  }
0x128: {  	s6 =	simm.s32 $0x44C0;
	[sflag:s0] =	ssyncadd.s32 $0xFFFFD900  }
0x129: {  	[spmem:s3] =	stream.indirect.scatter.add.f32 [tilespmem:s20], [sflag:$0x5], $0x20, s6, s19, $0xb8;
	[tilespmem:$0x1D800] =	vst v63  }
0x12a: {  	s7 =	simm.s32 $0x1FB0  }
0x12b: {  	[tilespmem:s24], [sflag:$0x3] =	stream.indirect.gather [spmem:s2], $0x20, s7, s19, $0xb8;
	[tilespmem:$0x1D800] =	vst v63  }
0x12c: {  	_ =	swait.ge [sflag:s25], $0x2700  }
0x12d: {  	[sflag:s25] =	ssyncset.done $0x0  }
0x12e: {  	[sflag:s25] =	ssyncadd.s32 $0xFFFFD900  }
0x12f: {  	_ =	swait.ge [sflag:s28], $0x2700  }
0x130: {  	[sflag:s28] =	ssyncset.done $0x0  }
0x131: {  	s6 =	simm.s32 $0x45F8;
	[sflag:s28] =	ssyncadd.s32 $0xFFFFD900  }
0x132: {  	[spmem:s3] =	stream.indirect.scatter.add.f32 [tilespmem:s21], [sflag:$0x6], $0x20, s6, s19, $0xb8;
	[tilespmem:$0x1D800] =	vst v63  }
0x133: {  	s7 =	simm.s32 $0x20E8  }
0x134: {  	[tilespmem:s29], [sflag:$0x4] =	stream.indirect.gather [spmem:s2], $0x20, s7, s19, $0xb8;
	[tilespmem:$0x1D800] =	vst v63  }
0x135: {  	_ =	swait.ge [sflag:s30], $0x2700  }
0x136: {  	[sflag:s30] =	ssyncset.done $0x0  }
0x137: {  	[sflag:s30] =	ssyncadd.s32 $0xFFFFD900  }
0x138: {  	_ =	swait.ge [sflag:s31], $0x2700  }
0x139: {  	[sflag:s31] =	ssyncset.done $0x0  }
0x13a: {  	s6 =	simm.s32 $0x4730;
	[sflag:s31] =	ssyncadd.s32 $0xFFFFD900  }
0x13b: {  	[spmem:s3] =	stream.indirect.scatter.add.f32 [tilespmem:s24], [sflag:$0x7], $0x20, s6, s19, $0xb8;
	[tilespmem:$0x1D800] =	vst v63  }
0x13c: {  	s7 =	simm.s32 $0x2220  }
0x13d: {  	[tilespmem:s20], [sflag:$0x1] =	stream.indirect.gather [spmem:s2], $0x20, s7, s19, $0xb8;
	[tilespmem:$0x1D800] =	vst v63  }
0x13e: {  	_ =	swait.ge [sflag:s23], $0x2700  }
0x13f: {  	[sflag:s23] =	ssyncset.done $0x0  }
0x140: {  	[sflag:s23] =	ssyncadd.s32 $0xFFFFD900  }
0x141: {  	_ =	swait.ge [sflag:s26], $0x2700  }
0x142: {  	[sflag:s26] =	ssyncset.done $0x0  }
0x143: {  	s6 =	simm.s32 $0x4868;
	[sflag:s26] =	ssyncadd.s32 $0xFFFFD900  }
0x144: {  	[spmem:s3] =	stream.indirect.scatter.add.f32 [tilespmem:s29], [sflag:$0x8], $0x20, s6, s19, $0xb8;
	[tilespmem:$0x1D800] =	vst v63  }
0x145: {  	s7 =	simm.s32 $0x2358  }
0x146: {  	[tilespmem:s21], [sflag:$0x2] =	stream.indirect.gather [spmem:s2], $0x20, s7, s19, $0xb8;
	[tilespmem:$0x1D800] =	vst v63  }
0x147: {  	_ =	swait.ge [sflag:s22], $0x2700  }
0x148: {  	[sflag:s22] =	ssyncset.done $0x0  }
0x149: {  	[sflag:s22] =	ssyncadd.s32 $0xFFFFD900  }
0x14a: {  	_ =	swait.ge [sflag:s0], $0x2700  }
0x14b: {  	[sflag:s0] =	ssyncset.done $0x0  }
0x14c: {  	s6 =	simm.s32 $0x49A0;
	[sflag:s0] =	ssyncadd.s32 $0xFFFFD900  }
0x14d: {  	[spmem:s3] =	stream.indirect.scatter.add.f32 [tilespmem:s20], [sflag:$0x5], $0x20, s6, s19, $0xb8;
	[tilespmem:$0x1D800] =	vst v63  }
0x14e: {  	s7 =	simm.s32 $0x2490  }
0x14f: {  	[tilespmem:s24], [sflag:$0x3] =	stream.indirect.gather [spmem:s2], $0x20, s7, s19, $0xb8;
	[tilespmem:$0x1D800] =	vst v63  }
0x150: {  	_ =	swait.ge [sflag:s25], $0x2700  }
0x151: {  	[sflag:s25] =	ssyncset.done $0x0  }
0x152: {  	[sflag:s25] =	ssyncadd.s32 $0xFFFFD900  }
0x153: {  	_ =	swait.ge [sflag:s28], $0x2700  }
0x154: {  	[sflag:s28] =	ssyncset.done $0x0  }
0x155: {  	s6 =	simm.s32 $0x4AD8;
	[sflag:s28] =	ssyncadd.s32 $0xFFFFD900  }
0x156: {  	[spmem:s3] =	stream.indirect.scatter.add.f32 [tilespmem:s21], [sflag:$0x6], $0x20, s6, s19, $0xb8;
	[tilespmem:$0x1D800] =	vst v63  }
0x157: {  	s7 =	simm.s32 $0x25C8  }
0x158: {  	[tilespmem:s29], [sflag:$0x4] =	stream.indirect.gather [spmem:s2], $0x20, s7, s19, $0xb8;
	[tilespmem:$0x1D800] =	vst v63  }
0x159: {  	_ =	swait.ge [sflag:s30], $0x2700  }
0x15a: {  	[sflag:s30] =	ssyncset.done $0x0  }
0x15b: {  	[sflag:s30] =	ssyncadd.s32 $0xFFFFD900  }
0x15c: {  	_ =	swait.ge [sflag:s31], $0x2700  }
0x15d: {  	[sflag:s31] =	ssyncset.done $0x0  }
0x15e: {  	s6 =	simm.s32 $0x4C10;
	[sflag:s31] =	ssyncadd.s32 $0xFFFFD900  }
0x15f: {  	[spmem:s3] =	stream.indirect.scatter.add.f32 [tilespmem:s24], [sflag:$0x7], $0x20, s6, s19, $0xb8;
	[tilespmem:$0x1D800] =	vst v63  }
0x160: {  	_ =	swait.ge [sflag:s23], $0x2700  }
0x161: {  	[sflag:s23] =	ssyncset.done $0x0  }
0x162: {  	[sflag:s23] =	ssyncadd.s32 $0xFFFFD900  }
0x163: {  	_ =	swait.ge [sflag:s26], $0x2700  }
0x164: {  	[sflag:s26] =	ssyncset.done $0x0  }
0x165: {  	s7 =	simm.s32 $0x4D48;
	[sflag:s26] =	ssyncadd.s32 $0xFFFFD900  }
0x166: {  	[spmem:s3] =	stream.indirect.scatter.add.f32 [tilespmem:s29], [sflag:$0x8], $0x20, s7, s19, $0xb8;
	[tilespmem:$0x1D800] =	vst v63  }
0x167: {  	s5 =	simm.s32 @!p0 $0x80;
	s6 =	simm.s32 @!p0 $0x2700;
	s7 =	simm.s32 @!p0 $0x4F00  }
0x168: {  	[tilespmem:s7], [sflag:$0x1] =	stream.indirect.gather @!p0 [spmem:s2], $0x20, s6, s5, $0xb8;
	[tilespmem:$0x1D800] =	vst v63  }
0x169: {  	s6 =	simm.s32 @!p0 $0x1  }
0x16a: {  	_ =	swait.ge @!p0 [sflag:s6], $0x1000  }
0x16b: {  	[sflag:s6] =	ssyncset.done @!p0 $0x0  }
0x16c: {  	[sflag:s6] =	ssyncadd.s32 @!p0 $0xFFFFF000;
	s6 =	simm.s32 @!p0 $0x4E80  }
0x16d: {  	[spmem:s3] =	stream.indirect.scatter.add.f32 @!p0 [tilespmem:s7], [sflag:$0x5], $0x20, s6, s5, $0xb8;
	[tilespmem:$0x1D800] =	vst v63  }
0x16e: {  	s5 =	simm.s32 @!p0 $0x5  }
0x16f: {  	_ =	swait.ge @!p0 [sflag:s5], $0x1000  }
0x170: {  	[sflag:s5] =	ssyncset.done @!p0 $0x0  }
0x171: {  	[sflag:s5] =	ssyncadd.s32 @!p0 $0xFFFFF000  }
0x172: {  	_ =	swait.ge [sflag:s0], $0x2700  }
0x173: {  	[sflag:s0] =	ssyncset.done $0x0  }
0x174: {  	[sflag:s0] =	ssyncadd.s32 $0xFFFFD900  }
0x175: {  	_ =	swait.ge [sflag:s28], $0x2700  }
0x176: {  	[sflag:s28] =	ssyncset.done $0x0  }
0x177: {  	[sflag:s28] =	ssyncadd.s32 $0xFFFFD900  }
0x178: {  	[bflag:$0x0] =	sbarrier.arrive $0xFFFF  }
0x179: {  	[tilespmem:s15], [sflag:$0xB] =	stream.linear.gather [spmem:s11], $0x4F00, $0x38;
	[tilespmem:$0x1D800] =	vst v63  }
0x17a: {  	s1 =	sadd.s32 $0x1, s1;
	_ =	swait.ge [sflag:s16], $0x4F00  }
0x17b: {  	p3 =	sne.s32 s1, s13;
	[sflag:s16] =	ssyncset.done $0x0  }
.Ltmp1:
0x17c: {  	[sflag:s16] =	ssyncadd.s32 $0xFFFFB100;
	(pc) =	sbr.rel @p3 .LBB2_1-.Ltmp1, $4  }
0x17d: {  	[hbm4b:s12+s4] =	stream.linear.scatter [tilespmem:s15], [sflag:$0xB], $0x4F00, $0x38;
	[tilespmem:$0x1D800] =	vst v63  }
0x17e: {  	_ =	swait.ge [sflag:s16], $0x4F00  }
0x17f: {  	[sflag:s16] =	ssyncset.done $0x0  }
0x180: {  	[sflag:s16] =	ssyncadd.s32 $0xFFFFB100  }
0x181: {  	_ =	sfence.sel $0x180000  }
0x182: {  	[bflag:$0x0] =	sbarrier.arrive $0xFFFF  }
0x183: {  	_ =	strace $0x9000004A  }
0x184: {  	s0 =	stileid.u32;
	[bflag:$0x2] =	sbarrier.arrive $0xFFFF  }
0x185: {  	p0 =	sne.s32 s0, $0x0;
	s0 =	rddreg [dreg:$0x3]  }
0x186: {  	s0 =	sadd.s32 @!p0 $0x100000, s0  }
0x187: {  	[sflag:s0] =	ssyncadd.tile.s32 @!p0 $0x1;
	_ =	shalt  }
.Lfunc_end2:
_tile_overlayer_lowered:
.L_overlay_start_2:
0x188: {  	(tag) =	ssettag $0x2  }
0x189: {  	s0 =	rddreg [dreg:$0x0];
	s2 =	stileid.u32  }
0x18a: {  	s1 =	rddreg [dreg:$0x1];
	p0 =	sne.s32 s2, $0x0  }
0x18b: {  	s3 =	rddreg [dreg:$0x2];
	[bflag:$0x3] =	sbarrier.arrive $0xFFFF;
	s2 =	simm.s32 @!p0 $0x1C0B  }
0x18c: {  	[timem:s3], [sflag:s2] =	dma.local @!p0 [hbm:s0], s1  }
0x18d: {  	s0 =	simm.s32 @!p0 $0xB  }
0x18e: {  	_ =	swait.ge @!p0 [sflag:s0], s1  }
0x18f: {  	s1 =	ssub.s32 @!p0 $0x0, s1;
	[sflag:s0] =	ssyncset.done @!p0 $0x0  }
0x190: {  	[sflag:s0] =	ssyncadd.s32 @!p0 s1  }
0x191: {  	[bflag:$0x3] =	sbarrier.arrive $0xFFFF  }
0x192: {  	_ =	shalt  }

// kernel: kernel.7.cloned.1.call-start
scs
__scs_entry_jumppad:
0x0: {  	(pc) =	sbr.rel $0x88, $3  }
0x1: {  	(tag) =	ssettag $0x0;
	lr =	simm.s32 $0x1  }
0x2: {  	[smem:$0x3F96] =	sst lr;
	_ =	strace $0xD0000000  }
0x3: {  	_ = 	snop  }
0x4: {  	_ = 	snop  }
0x5: {  	_ = 	snop  }
0x6: {  	_ = 	snop  }
0x7: {  	_ = 	snop  }
__scs_overlays_trampoline_lowered:
0x8: {  	[smem:$0x3FA5] =	sst s0  }
0x9: {  	[smem:$0x3FA6] =	sst s1  }
0xa: {  	[smem:$0x3FA7] =	sst s2  }
0xb: {  	[smem:$0x3FA8] =	sst s3  }
0xc: {  	[smem:$0x3FA9] =	sst s4  }
0xd: {  	[smem:$0x3FAA] =	sst s5  }
0xe: {  	[smem:$0x3FAB] =	sst s6  }
0xf: {  	[smem:$0x3FAC] =	sst s7  }
0x10: {  	[smem:$0x3FAD] =	sst s8  }
0x11: {  	[smem:$0x3FAE] =	sst s9;
	s0 =	simm.s32 @!p0 $0x0  }
0x12: {  	s1 =	sld [smem:$0x3F94];
	s0 =	simm.s32 @p0 $0x1  }
0x13: {  	[smem:$0x3FAF] =	sst s0;
	s0 =	simm.s32 @!p1 $0x0  }
0x14: {  	s2 =	sld [smem:$0x3F93];
	s0 =	simm.s32 @p1 $0x1  }
0x15: {  	[smem:$0x3FB0] =	sst s0;
	s0 =	simm.s32 @!p2 $0x0  }
0x16: {  	s3 =	sld [smem:$0x3FDB];
	s0 =	simm.s32 @p2 $0x1  }
0x17: {  	s4 =	simm.s32 $0x1BF5;
	[smem:$0x3FB2] =	sst s0  }
0x18: {  	s0 =	sld [smem:$0x3F95];
	_ =	swait.ge [sflag:s4], $0x0  }
0x19: {  	s7 =	sld [smem:$0x3F96]  }
0x1a: {  	s8 =	sadd.s32 $0xFFFFE003, lr  }
0x1b: {  	s9 =	sadd.s32 $0xFFFFFEF7, lr;
	s5 =	simm.s32 $0xFFFFFFFF;
	p2 =	slt.u32 s8, $0xFFFFF086  }
0x1c: {  	p1 =	slt.u32 s9, $0xF7A;
	s5 =	simm.s32 @!p2 $0x0  }
0x1d: {  	s5 =	simm.s32 @p1 $0x1;
	p0 =	seq.s32 s7, s2  }
0x1e: {  	s7 =	smul.u32 @!p0 $0xF7A, s2;
	p2 =	seq.s32 @!p0 s5, $0x0  }
0x1f: {  	s9 =	smul.u32 $0xF7A, s1;
	s8 =	simm.s32 @!p0 $0x1BF5;
	p2 =	por !p2, p0  }
0x20: {  	[sflag:s8] =	ssyncset.s32 @!p0 $0xFFFFF086;
	s6 =	sadd.s32 @!p0 s3, s7;
	s7 =	simm.s32 @!p0 $0x108  }
0x21: {  	s3 =	sadd.s32 s3, s9;
	s6 =	sadd.s32 @!p0 $0x88, s6;
	s7 =	simm.s32 @p2 $0x1082  }
0x22: {  	[simem:s7], [sflag:s8] =	dma.local @!p0 [hbm:s6], $0xF7A  }
0x23: {  	s9 =	sor.u32 $0xD0000000, s2;
	s6 =	simm.s32 $0x108;
	_ =	swait.ge @!p0 [sflag:s8], $0x0  }
0x24: {  	s3 =	sadd.s32 $0x88, s3;
	s6 =	simm.s32 @!p1 $0x1082;
	[sflag:s4] =	ssyncset.s32 $0xFFFFF086  }
0x25: {  	[simem:s6], [sflag:s4] =	dma.local [hbm:s3], $0xF7A  }
0x26: {  	[smem:$0x3F96] =	sst s1;
	(tag) =	ssettag s2;
	_ =	strace s9  }
0x27: {  	s1 =	sld [smem:$0x3FA6]  }
0x28: {  	s2 =	sld [smem:$0x3FA7]  }
0x29: {  	s4 =	sld [smem:$0x3FA9]  }
0x2a: {  	p0 =	seq.s32 s5, $0x0;
	s5 =	sld [smem:$0x3FAA]  }
0x2b: {  	s6 =	sld [smem:$0x3FAB]  }
0x2c: {  	s7 =	sld [smem:$0x3FAC]  }
0x2d: {  	s3 =	simm.s32 $0x108;
	s8 =	sld [smem:$0x3FAD]  }
0x2e: {  	s3 =	simm.s32 @!p0 $0x1082;
	s9 =	sld [smem:$0x3FAE]  }
0x2f: {  	lr =	sadd.s32 s0, s3;
	s0 =	sld [smem:$0x3FA5]  }
0x30: {  	s3 =	sld [smem:$0x3FA8]  }
0x31: {  	[smem:$0x3FB1] =	sst s10  }
0x32: {  	s10 =	sld [smem:$0x3FAF];
	_ =	sdelay $0x3  }
0x33: {  	p0 =	seq.s32 s10, $0x1;
	s10 =	sld [smem:$0x3FB1];
	_ =	sdelay $0x3  }
0x34: {  	[smem:$0x3FB1] =	sst s10  }
0x35: {  	s10 =	sld [smem:$0x3FB0];
	_ =	sdelay $0x3  }
0x36: {  	p1 =	seq.s32 s10, $0x1;
	s10 =	sld [smem:$0x3FB1];
	_ =	sdelay $0x3  }
0x37: {  	[smem:$0x3FB1] =	sst s10  }
0x38: {  	s10 =	sld [smem:$0x3FB2]  }
0x39: {  	_ = 	snop;
	(pc) =	sbr.ind lr, $3  }
0x3a: {  	_ = 	snop  }
0x3b: {  	_ = 	snop  }
0x3c: {  	p2 =	seq.s32 s10, $0x1;
	s10 =	sld [smem:$0x3FB1]  }
0x3d: {  	_ =	shalt  }
0x3e: {  	_ =	shalt  }
0x3f: {  	_ =	shalt  }
0x40: {  	_ =	shalt  }
0x41: {  	_ =	shalt  }
0x42: {  	_ =	shalt  }
0x43: {  	_ =	shalt  }
0x44: {  	_ =	shalt  }
0x45: {  	_ =	shalt  }
0x46: {  	_ =	shalt  }
0x47: {  	_ =	shalt  }
0x48: {  	_ =	shalt  }
0x49: {  	_ =	shalt  }
0x4a: {  	_ =	shalt  }
0x4b: {  	_ =	shalt  }
0x4c: {  	_ =	shalt  }
0x4d: {  	_ =	shalt  }
0x4e: {  	_ =	shalt  }
0x4f: {  	_ =	shalt  }
0x50: {  	_ =	shalt  }
0x51: {  	_ =	shalt  }
0x52: {  	_ =	shalt  }
0x53: {  	_ =	shalt  }
0x54: {  	_ =	shalt  }
0x55: {  	_ =	shalt  }
0x56: {  	_ =	shalt  }
0x57: {  	_ =	shalt  }
0x58: {  	_ =	shalt  }
0x59: {  	_ =	shalt  }
0x5a: {  	_ =	shalt  }
0x5b: {  	_ =	shalt  }
0x5c: {  	_ =	shalt  }
0x5d: {  	_ =	shalt  }
0x5e: {  	_ =	shalt  }
0x5f: {  	_ =	shalt  }
0x60: {  	_ =	shalt  }
0x61: {  	_ =	shalt  }
0x62: {  	_ =	shalt  }
0x63: {  	_ =	shalt  }
0x64: {  	_ =	shalt  }
0x65: {  	_ =	shalt  }
0x66: {  	_ =	shalt  }
0x67: {  	_ =	shalt  }
0x68: {  	_ =	shalt  }
0x69: {  	_ =	shalt  }
0x6a: {  	_ =	shalt  }
0x6b: {  	_ =	shalt  }
0x6c: {  	_ =	shalt  }
0x6d: {  	_ =	shalt  }
0x6e: {  	_ =	shalt  }
0x6f: {  	_ =	shalt  }
0x70: {  	_ =	shalt  }
0x71: {  	_ =	shalt  }
0x72: {  	_ =	shalt  }
0x73: {  	_ =	shalt  }
0x74: {  	_ =	shalt  }
0x75: {  	_ =	shalt  }
0x76: {  	_ =	shalt  }
0x77: {  	_ =	shalt  }
0x78: {  	_ =	shalt  }
0x79: {  	_ =	shalt  }
0x7a: {  	_ =	shalt  }
0x7b: {  	_ =	shalt  }
0x7c: {  	_ =	shalt  }
0x7d: {  	_ =	shalt  }
0x7e: {  	_ =	shalt  }
0x7f: {  	_ =	shalt  }
0x80: {  	_ =	shalt  }
0x81: {  	_ =	shalt  }
0x82: {  	_ =	shalt  }
0x83: {  	_ =	shalt  }
0x84: {  	_ =	shalt  }
0x85: {  	_ =	shalt  }
0x86: {  	_ =	shalt  }
0x87: {  	_ =	shalt  }
.Lfunc_end0:
.L_simem_size_0:
called_computation_lowered:
.L_overlay_start_0:
0x88: {  	s2 =	sld [smem:$0x3FD9]  }
0x89: {  	s3 =	sld [smem:$0x3FFE];
	_ =	sdelay $0x1  }
0x8a: {  	s1 =	srdreg.scid  }
0x8b: {  	s0 =	sand.u32 $0x1, s1  }
0x8c: {  	s16 =	sshll.u32 s0, $0xA;
	s2 =	sadd.s32 s3, s2  }
0x8d: {  	s2 =	sadd.s32 s2, s16  }
0x8e: {  	[smem:$0x3FBD] =	sst s2  }
0x8f: {  	_ = 	snop  }
0x90: {  	(tm) =	ssettm $0x1  }
0x91: {  	s17 =	sld [smem:$0x3FFB];
	_ =	sdelay $0x3  }
0x92: {  	_ =	strace s17  }
0x93: {  	s2 =	sld [smem:$0x3FFC];
	_ =	sdelay $0x3  }
0x94: {  	_ =	strace s2  }
0x95: {  	s2 =	sld [smem:$0x3FFD];
	_ =	sdelay $0x3  }
0x96: {  	_ =	strace s2  }
0x97: {  	_ =	strace $0x8FFFFFFF  }
0x98: {  	s18 =	sld [smem:$0x3FDB];
	_ =	sdelay $0x1  }
0x99: {  	s19 =	simm.s32 $_scs_section_size  }
0x9a: {  	s4 =	simm.s32 $_size__tile_overlayer_lowered;
	s5 =	simm.s32 $_tile_overlayer_lowered  }
0x9b: {  	s22 =	simm.s32 $0x1BFF;
	s21 =	sshll.u32 s5, $0x1;
	s2 =	sadd.s32 s19, s18  }
0x9c: {  	s6 =	simm.s32 $0x0;
	s20 =	sshll.u32 s4, $0x1;
	s4 =	sadd.s32 s21, s2  }
0x9d: {  	[timem:s6], [sflag:s22] =	dma.local [hbm:s4], s20  }
0x9e: {  	_ =	swait.ge [sflag:s22], s20  }
0x9f: {  	s3 =	ssub.s32 $0x0, s20;
	[sflag:s22] =	ssyncset.done $0x0  }
0xa0: {  	[sflag:s22] =	ssyncadd.s32 s3;
	_ =	sdelay $0x1  }
0xa1: {  	s23 =	simm.s32 $0x1B8B  }
0xa2: {  	_ =	swait.ge [sflag:s23], $0x1  }
0xa3: {  	[sflag:s23] =	ssyncset.done $0x0  }
0xa4: {  	s25 =	simm.s32 $0x1B8E;
	s24 =	sld [smem:$0x3FFE];
	[sflag:s23] =	ssyncadd.s32 $0xFFFFFFFF  }
0xa5: {  	s26 =	simm.s32 $execute0_lowered;
	[smem:$0x3FD2] =	sst s25  }
0xa6: {  	s4 =	sshll.u32 s26, $0x1;
	_ =	strace $0x80000046;
	[dreg:$0x1] =	wrdreg $0xFFFFFFFF  }
0xa7: {  	s28 =	simm.s32 $_size_execute0_lowered;
	s2 =	sadd.s32 s2, s4;
	[dreg:$0x0] =	wrdreg $0x0  }
0xa8: {  	s4 =	sshll.u32 s28, $0x1;
	[dreg:$0x2] =	wrdreg s2  }
0xa9: {  	[dreg:$0x3] =	wrdreg s4  }
0xaa: {  	[dreg:$0x4] =	wrdreg $0xC0  }
0xab: {  	_ =	task [dreg:s6], $0x5FFFF  }
0xac: {  	[dreg:$0x1] =	wrdreg $0xFFFFFFFF  }
0xad: {  	[dreg:$0x0] =	wrdreg $0x60  }
0xae: {  	[dreg:$0x2] =	wrdreg s24  }
0xaf: {  	[dreg:$0x3] =	wrdreg $0x189000  }
0xb0: {  	[dreg:$0x4] =	wrdreg $0x13A000  }
0xb1: {  	[dreg:$0x5] =	wrdreg $0x9  }
0xb2: {  	_ =	task.clear_ibuf [dreg:s6], $0x6FFFF;
	_ =	strace $0x90000046  }
0xb3: {  	s29 =	simm.s32 $0x9;
	_ =	strace $0x80000048  }
0xb4: {  	_ =	swait.ge [sflag:s29], $0x1  }
0xb5: {  	[sflag:s29] =	ssyncadd.s32 $0xFFFFFFFF  }
0xb6: {  	_ =	strace $0x90000048  }
0xb7: {  	_ =	sfence  }
0xb8: {  	s30 =	sld [smem:$0x0];
	_ =	sdelay $0x2  }
0xb9: {  	s31 =	sshll.u32 s1, $0xD;
	s1 =	sshrl.u32 s1, $0x2  }
0xba: {  	s3 =	sand.u32 $0x4000, s31;
	s1 =	sadd.s32 s1, s30  }
0xbb: {  	s0 =	sor.u32 s3, s0;
	s1 =	sshll.u32 s1, $0x11  }
0xbc: {  	s0 =	sor.u32 s1, s0  }
0xbd: {  	s0 =	sadd.s32 $0x8F2B, s0  }
0xbe: {  	[sflag:s0] =	ssyncadd.remote.s32 $0x1  }
0xbf: {  	_ =	sfence.sel $0xFFFF  }
0xc0: {  	[dreg:$0x0] =	wrdreg $0xFFFFFFFF;
	(pc) =	sbr.abs _section_cstart, $3  }
0xc1: {  	[dreg:$0x1] =	wrdreg $0xFFFFFFFF  }
0xc2: {  	_ =	task.clear_ibuf [dreg:s6], $0x2FFFF;
	_ =	strace $0x9FFFFFFF  }
0xc3: {  	(tm) =	ssettm $0x7FFFFFFF  }
tec
execute0_lowered:
.L_overlay_start_1:
0x0: {  	(tag) =	ssettag $0x1  }
0x1: {  	s0 =	rddreg [dreg:$0x0];
	s14 =	stileid.u32  }
0x2: {  	s1 =	srdreg.scid;
	s2 =	rddreg [dreg:$0x1]  }
0x3: {  	s3 =	rddreg [dreg:$0x2];
	s15 =	simm.s32 $0xEB00;
	s16 =	simm.s32 $0xB  }
0x4: {  	s17 =	simm.s32 $0x9;
	s18 =	simm.s32 $0xA;
	s19 =	simm.s32 $0x138  }
0x5: {  	s20 =	simm.s32 $0x4F00;
	s29 =	simm.s32 $0xC400;
	s30 =	simm.s32 $0x3  }
0x6: {  	s31 =	simm.s32 $0x5;
	s28 =	simm.s32 $0x8;
	s1 =	sand.u32 $0x1, s1  }
0x7: {  	s4 =	sshll.u32 s14, $0x1;
	s5 =	smul.u32 $0x4F00, s14;
	p0 =	sgt.u32 s14, $0x1  }
0x8: {  	s14 =	simm.s32 $0x2780;
	s6 =	sor.u32 s1, s4;
	s4 =	simm.s32 $0x0  }
0x9: {  	s8 =	smul.u32 $0x4F000, s1;
	s22 =	ssub.s32 $0x2, s1;
	p1 =	sne.s32 s1, $0x0  }
0xa: {  	p2 =	seq.s32 s1, $0x0;
	s1 =	simm.s32 $0x0;
	s7 =	smul.u32 $0x2700, s6  }
0xb: {  	[smem:$0x7FF] =	sst s4;
	s6 =	smin.u32 s6, $0x4;
	s9 =	sshrl.u32 s5, $0x3  }
0xc: {  	s23 =	sshrl.u32 s22, $0x1;
	s10 =	sadd.s32 s5, s2;
	s11 =	sadd.s32 s5, s3  }
0xd: {  	_ =	strace $0x80000047;
	s6 =	sshll.u32 s6, $0x7;
	s9 =	sadd.s32 s9, s0  }
0xe: {  	s21 =	sadd.s32 s5, s8;
	s13 =	ssub.s32 s22, s23;
	s6 =	sadd.s32 s7, s6  }
0xf: {  	s22 =	simm.s32 $0x1;
	s23 =	simm.s32 $0x4;
	s6 =	sshrl.u32 s6, $0x3  }
0x10: {  	s7 =	sshrl.u32 s21, $0x3;
	s9 =	sadd.s32 $0x15600, s9;
	s6 =	sadd.s32 s6, s0  }
0x11: {  	s13 =	smax.u32 s13, $0x1;
	s21 =	simm.s32 $0x7600;
	s24 =	sadd.s32 $0x1C00, s6  }
0x12: {  	s0 =	sadd.s32 s7, s0;
	s25 =	sadd.s32 $0xB840, s6;
	[dreg:$0x4] =	wrdreg s24  }
0x13: {  	s26 =	sadd.s32 $0x20E0, s6;
	s8 =	sadd.s32 $0xBD20, s6;
	[dreg:$0x5] =	wrdreg s25  }
0x14: {  	s12 =	sadd.s32 $0x1F400, s0;
	s0 =	simm.s32 $0x7;
	[dreg:$0x6] =	wrdreg s26  }
0x15: {  	v0 =	vimm.f32 $0.0e+00;
	s24 =	simm.s32 $0x9D00;
	s25 =	simm.s32 $0x2;
	s26 =	simm.s32 $0x6  }
.LBB2_1:
0x16: {  	s5 =	rddreg [dreg:$0x4]  }
0x17: {  	[tilespmem:s4], [sflag:$0x9] =	stream.linear.gather [hbm4b:s5+s4], $0x2700, $0x38;
	[tilespmem:$0x1D800] =	vst v63  }
0x18: {  	s7 =	rddreg [dreg:$0x5]  }
0x19: {  	[tilespmem:s14], [sflag:$0xA] =	stream.linear.gather [hbm4b:s7+s4], $0x2700, $0x38;
	[tilespmem:$0x1D800] =	vst v63  }
0x1a: {  	s6 =	simm.s32 @!p0 $0x2700;
	s5 =	simm.s32 @!p0 $0x0;
	s7 =	rddreg [dreg:$0x6]  }
0x1b: {  	[tilespmem:s6], [sflag:$0x9] =	stream.linear.gather @!p0 [hbm4b:s7+s5], $0x80, $0x38;
	[tilespmem:$0x1D800] =	vst v63  }
0x1c: {  	s6 =	simm.s32 @!p0 $0x4E80  }
0x1d: {  	[tilespmem:s6], [sflag:$0xA] =	stream.linear.gather @!p0 [hbm4b:s8+s5], $0x80, $0x38;
	[tilespmem:$0x1D800] =	vst v63  }
0x1e: {  	_ = 	snop  }
0x1f: {  	[tilespmem:s15], [sflag:$0xB] =	stream.linear.gather [hbm4b:s9+s4], $0x4F00, $0x38;
	[tilespmem:$0x1D800] =	vst v63  }
0x20: {  	_ =	swait.ge [sflag:s16], $0x4F00  }
0x21: {  	[sflag:s16] =	ssyncset.done $0x0  }
0x22: {  	[sflag:s16] =	ssyncadd.s32 $0xFFFFB100  }
0x23: {  	[spmem:s10] =	stream.linear.scatter [tilespmem:s15], [sflag:$0xB], $0x4F00, $0x38;
	[tilespmem:$0x1D800] =	vst v63  }
0x24: {  	_ =	swait.ge [sflag:s16], $0x4F00  }
0x25: {  	[sflag:s16] =	ssyncset.done $0x0  }
0x26: {  	s5 =	simm.s32 @!p1 $0xEB00;
	[sflag:s16] =	ssyncadd.s32 $0xFFFFB100  }
0x27: {  	[spmem:s11] =	stream.linear.scatter @!p1 [tilespmem:s5], [sflag:$0xB], $0x4F00, $0x38;
	[tilespmem:$0x1D800] =	vst v63  }
0x28: {  	s5 =	simm.s32 @!p1 $0xB  }
0x29: {  	_ =	swait.ge @!p1 [sflag:s5], $0x4F00  }
0x2a: {  	[sflag:s5] =	ssyncset.done @!p1 $0x0  }
0x2b: {  	[sflag:s5] =	ssyncadd.s32 @!p1 $0xFFFFB100;
	s5 =	simm.s32 $0xEB40  }
0x2c: {  	[tilespmem:s5+$0xFFFFFFC0] =	vst v0  }
0x2d: {  	[tilespmem:s5+$0x30] =	vst v0  }
0x2e: {  	[tilespmem:s5+$0x20] =	vst v0  }
0x2f: {  	[tilespmem:s5+$0x10] =	vst v0  }
0x30: {  	[tilespmem:s5+$0x0] =	vst v0  }
0x31: {  	[tilespmem:s5+$0xFFFFFFF0] =	vst v0  }
0x32: {  	s6 =	simm.s32 $0x0;
	[tilespmem:s5+$0xFFFFFFE0] =	vst v0  }
.LBB2_2:
0x33: {  	s6 =	sadd.s32 $0x4, s6;
	[tilespmem:s5+$0xFFFFFFD0] =	vst v0;
	s5 =	sadd.s32 $0x80, s5  }
0x34: {  	[tilespmem:s5+$0xFFFFFFC0] =	vst v0;
	p3 =	slt.u32 s6, $0x274  }
0x35: {  	[tilespmem:s5+$0x30] =	vst v0  }
.Ltmp0:
0x36: {  	[tilespmem:s5+$0x20] =	vst v0;
	(pc) =	sbr.rel @p3 .LBB2_2-.Ltmp0, $4  }
0x37: {  	[tilespmem:s5+$0x10] =	vst v0  }
0x38: {  	[tilespmem:s5+$0x0] =	vst v0  }
0x39: {  	[tilespmem:s5+$0xFFFFFFF0] =	vst v0  }
0x3a: {  	[tilespmem:s5+$0xFFFFFFE0] =	vst v0  }
0x3b: {  	[tilespmem:s5+$0xFFFFFFD0] =	vst v0;
	s5 =	simm.s32 @!p2 $0xEB00  }
0x3c: {  	[spmem:s11] =	stream.linear.scatter @!p2 [tilespmem:s5], [sflag:$0xB], $0x4F00, $0x38;
	[tilespmem:$0x1D800] =	vst v63  }
0x3d: {  	s5 =	simm.s32 @!p2 $0xB  }
0x3e: {  	_ =	swait.ge @!p2 [sflag:s5], $0x4F00  }
0x3f: {  	[sflag:s5] =	ssyncset.done @!p2 $0x0  }
0x40: {  	[sflag:s5] =	ssyncadd.s32 @!p2 $0xFFFFB100  }
0x41: {  	[bflag:$0x0] =	sbarrier.arrive $0xFFFF  }
0x42: {  	_ =	swait.ge [sflag:s17], $0x2700  }
0x43: {  	[sflag:s17] =	ssyncset.done $0x0  }
0x44: {  	[sflag:s17] =	ssyncadd.s32 $0xFFFFD900  }
0x45: {  	_ =	swait.ge [sflag:s18], $0x2700  }
0x46: {  	[sflag:s18] =	ssyncset.done $0x0  }
0x47: {  	s5 =	simm.s32 @!p0 $0x9;
	[sflag:s18] =	ssyncadd.s32 $0xFFFFD900  }
0x48: {  	_ =	swait.ge @!p0 [sflag:s5], $0x80  }
0x49: {  	[sflag:s5] =	ssyncset.done @!p0 $0x0  }
0x4a: {  	[sflag:s5] =	ssyncadd.s32 @!p0 $0xFFFFFF80;
	s5 =	simm.s32 @!p0 $0xA  }
0x4b: {  	_ =	swait.ge @!p0 [sflag:s5], $0x80  }
0x4c: {  	[sflag:s5] =	ssyncset.done @!p0 $0x0  }
0x4d: {  	[sflag:s5] =	ssyncadd.s32 @!p0 $0xFFFFFF80  }
0x4e: {  	[tilespmem:s20], [sflag:$0x1] =	stream.indirect.gather [spmem:s2], $0x20, s4, s19, $0xb8;
	[tilespmem:$0x1D800] =	vst v63  }
0x4f: {  	_ = 	snop  }
0x50: {  	[tilespmem:s21], [sflag:$0x2] =	stream.indirect.gather [spmem:s2], $0x20, s19, s19, $0xb8;
	[tilespmem:$0x1D800] =	vst v63  }
0x51: {  	_ =	swait.ge [sflag:s22], $0x2700  }
0x52: {  	[sflag:s22] =	ssyncset.done $0x0  }
0x53: {  	[sflag:s22] =	ssyncadd.s32 $0xFFFFD900  }
0x54: {  	[spmem:s3] =	stream.indirect.scatter.add.f32 [tilespmem:s20], [sflag:$0x5], $0x20, s14, s19, $0xb8;
	[tilespmem:$0x1D800] =	vst v63  }
0x55: {  	s7 =	simm.s32 $0x270  }
0x56: {  	[tilespmem:s24], [sflag:$0x3] =	stream.indirect.gather [spmem:s2], $0x20, s7, s19, $0xb8;
	[tilespmem:$0x1D800] =	vst v63  }
0x57: {  	_ =	swait.ge [sflag:s25], $0x2700  }
0x58: {  	[sflag:s25] =	ssyncset.done $0x0  }
0x59: {  	s6 =	simm.s32 $0x28B8;
	[sflag:s25] =	ssyncadd.s32 $0xFFFFD900  }
0x5a: {  	[spmem:s3] =	stream.indirect.scatter.add.f32 [tilespmem:s21], [sflag:$0x6], $0x20, s6, s19, $0xb8;
	[tilespmem:$0x1D800] =	vst v63  }
0x5b: {  	s7 =	simm.s32 $0x3A8  }
0x5c: {  	[tilespmem:s29], [sflag:$0x4] =	stream.indirect.gather [spmem:s2], $0x20, s7, s19, $0xb8;
	[tilespmem:$0x1D800] =	vst v63  }
0x5d: {  	_ =	swait.ge [sflag:s30], $0x2700  }
0x5e: {  	[sflag:s30] =	ssyncset.done $0x0  }
0x5f: {  	[sflag:s30] =	ssyncadd.s32 $0xFFFFD900  }
0x60: {  	_ =	swait.ge [sflag:s31], $0x2700  }
0x61: {  	[sflag:s31] =	ssyncset.done $0x0  }
0x62: {  	s6 =	simm.s32 $0x29F0;
	[sflag:s31] =	ssyncadd.s32 $0xFFFFD900  }
0x63: {  	[spmem:s3] =	stream.indirect.scatter.add.f32 [tilespmem:s24], [sflag:$0x7], $0x20, s6, s19, $0xb8;
	[tilespmem:$0x1D800] =	vst v63  }
0x64: {  	s7 =	simm.s32 $0x4E0  }
0x65: {  	[tilespmem:s20], [sflag:$0x1] =	stream.indirect.gather [spmem:s2], $0x20, s7, s19, $0xb8;
	[tilespmem:$0x1D800] =	vst v63  }
0x66: {  	_ =	swait.ge [sflag:s23], $0x2700  }
0x67: {  	[sflag:s23] =	ssyncset.done $0x0  }
0x68: {  	[sflag:s23] =	ssyncadd.s32 $0xFFFFD900  }
0x69: {  	_ =	swait.ge [sflag:s26], $0x2700  }
0x6a: {  	[sflag:s26] =	ssyncset.done $0x0  }
0x6b: {  	s6 =	simm.s32 $0x2B28;
	[sflag:s26] =	ssyncadd.s32 $0xFFFFD900  }
0x6c: {  	[spmem:s3] =	stream.indirect.scatter.add.f32 [tilespmem:s29], [sflag:$0x8], $0x20, s6, s19, $0xb8;
	[tilespmem:$0x1D800] =	vst v63  }
0x6d: {  	s7 =	simm.s32 $0x618  }
0x6e: {  	[tilespmem:s21], [sflag:$0x2] =	stream.indirect.gather [spmem:s2], $0x20, s7, s19, $0xb8;
	[tilespmem:$0x1D800] =	vst v63  }
0x6f: {  	_ =	swait.ge [sflag:s22], $0x2700  }
0x70: {  	[sflag:s22] =	ssyncset.done $0x0  }
0x71: {  	[sflag:s22] =	ssyncadd.s32 $0xFFFFD900  }
0x72: {  	_ =	swait.ge [sflag:s0], $0x2700  }
0x73: {  	[sflag:s0] =	ssyncset.done $0x0  }
0x74: {  	s6 =	simm.s32 $0x2C60;
	[sflag:s0] =	ssyncadd.s32 $0xFFFFD900  }
0x75: {  	[spmem:s3] =	stream.indirect.scatter.add.f32 [tilespmem:s20], [sflag:$0x5], $0x20, s6, s19, $0xb8;
	[tilespmem:$0x1D800] =	vst v63  }
0x76: {  	s7 =	simm.s32 $0x750  }
0x77: {  	[tilespmem:s24], [sflag:$0x3] =	stream.indirect.gather [spmem:s2], $0x20, s7, s19, $0xb8;
	[tilespmem:$0x1D800] =	vst v63  }
0x78: {  	_ =	swait.ge [sflag:s25], $0x2700  }
0x79: {  	[sflag:s25] =	ssyncset.done $0x0  }
0x7a: {  	[sflag:s25] =	ssyncadd.s32 $0xFFFFD900  }
0x7b: {  	_ =	swait.ge [sflag:s28], $0x2700  }
0x7c: {  	[sflag:s28] =	ssyncset.done $0x0  }
0x7d: {  	s6 =	simm.s32 $0x2D98;
	[sflag:s28] =	ssyncadd.s32 $0xFFFFD900  }
0x7e: {  	[spmem:s3] =	stream.indirect.scatter.add.f32 [tilespmem:s21], [sflag:$0x6], $0x20, s6, s19, $0xb8;
	[tilespmem:$0x1D800] =	vst v63  }
0x7f: {  	s7 =	simm.s32 $0x888  }
0x80: {  	[tilespmem:s29], [sflag:$0x4] =	stream.indirect.gather [spmem:s2], $0x20, s7, s19, $0xb8;
	[tilespmem:$0x1D800] =	vst v63  }
0x81: {  	_ =	swait.ge [sflag:s30], $0x2700  }
0x82: {  	[sflag:s30] =	ssyncset.done $0x0  }
0x83: {  	[sflag:s30] =	ssyncadd.s32 $0xFFFFD900  }
0x84: {  	_ =	swait.ge [sflag:s31], $0x2700  }
0x85: {  	[sflag:s31] =	ssyncset.done $0x0  }
0x86: {  	s6 =	simm.s32 $0x2ED0;
	[sflag:s31] =	ssyncadd.s32 $0xFFFFD900  }
0x87: {  	[spmem:s3] =	stream.indirect.scatter.add.f32 [tilespmem:s24], [sflag:$0x7], $0x20, s6, s19, $0xb8;
	[tilespmem:$0x1D800] =	vst v63  }
0x88: {  	s7 =	simm.s32 $0x9C0  }
0x89: {  	[tilespmem:s20], [sflag:$0x1] =	stream.indirect.gather [spmem:s2], $0x20, s7, s19, $0xb8;
	[tilespmem:$0x1D800] =	vst v63  }
0x8a: {  	_ =	swait.ge [sflag:s23], $0x2700  }
0x8b: {  	[sflag:s23] =	ssyncset.done $0x0  }
0x8c: {  	[sflag:s23] =	ssyncadd.s32 $0xFFFFD900  }
0x8d: {  	_ =	swait.ge [sflag:s26], $0x2700  }
0x8e: {  	[sflag:s26] =	ssyncset.done $0x0  }
0x8f: {  	s6 =	simm.s32 $0x3008;
	[sflag:s26] =	ssyncadd.s32 $0xFFFFD900  }
0x90: {  	[spmem:s3] =	stream.indirect.scatter.add.f32 [tilespmem:s29], [sflag:$0x8], $0x20, s6, s19, $0xb8;
	[tilespmem:$0x1D800] =	vst v63  }
0x91: {  	s7 =	simm.s32 $0xAF8  }
0x92: {  	[tilespmem:s21], [sflag:$0x2] =	stream.indirect.gather [spmem:s2], $0x20, s7, s19, $0xb8;
	[tilespmem:$0x1D800] =	vst v63  }
0x93: {  	_ =	swait.ge [sflag:s22], $0x2700  }
0x94: {  	[sflag:s22] =	ssyncset.done $0x0  }
0x95: {  	[sflag:s22] =	ssyncadd.s32 $0xFFFFD900  }
0x96: {  	_ =	swait.ge [sflag:s0], $0x2700  }
0x97: {  	[sflag:s0] =	ssyncset.done $0x0  }
0x98: {  	s6 =	simm.s32 $0x3140;
	[sflag:s0] =	ssyncadd.s32 $0xFFFFD900  }
0x99: {  	[spmem:s3] =	stream.indirect.scatter.add.f32 [tilespmem:s20], [sflag:$0x5], $0x20, s6, s19, $0xb8;
	[tilespmem:$0x1D800] =	vst v63  }
0x9a: {  	s7 =	simm.s32 $0xC30  }
0x9b: {  	[tilespmem:s24], [sflag:$0x3] =	stream.indirect.gather [spmem:s2], $0x20, s7, s19, $0xb8;
	[tilespmem:$0x1D800] =	vst v63  }
0x9c: {  	_ =	swait.ge [sflag:s25], $0x2700  }
0x9d: {  	[sflag:s25] =	ssyncset.done $0x0  }
0x9e: {  	[sflag:s25] =	ssyncadd.s32 $0xFFFFD900  }
0x9f: {  	_ =	swait.ge [sflag:s28], $0x2700  }
0xa0: {  	[sflag:s28] =	ssyncset.done $0x0  }
0xa1: {  	s6 =	simm.s32 $0x3278;
	[sflag:s28] =	ssyncadd.s32 $0xFFFFD900  }
0xa2: {  	[spmem:s3] =	stream.indirect.scatter.add.f32 [tilespmem:s21], [sflag:$0x6], $0x20, s6, s19, $0xb8;
	[tilespmem:$0x1D800] =	vst v63  }
0xa3: {  	s7 =	simm.s32 $0xD68  }
0xa4: {  	[tilespmem:s29], [sflag:$0x4] =	stream.indirect.gather [spmem:s2], $0x20, s7, s19, $0xb8;
	[tilespmem:$0x1D800] =	vst v63  }
0xa5: {  	_ =	swait.ge [sflag:s30], $0x2700  }
0xa6: {  	[sflag:s30] =	ssyncset.done $0x0  }
0xa7: {  	[sflag:s30] =	ssyncadd.s32 $0xFFFFD900  }
0xa8: {  	_ =	swait.ge [sflag:s31], $0x2700  }
0xa9: {  	[sflag:s31] =	ssyncset.done $0x0  }
0xaa: {  	s6 =	simm.s32 $0x33B0;
	[sflag:s31] =	ssyncadd.s32 $0xFFFFD900  }
0xab: {  	[spmem:s3] =	stream.indirect.scatter.add.f32 [tilespmem:s24], [sflag:$0x7], $0x20, s6, s19, $0xb8;
	[tilespmem:$0x1D800] =	vst v63  }
0xac: {  	s7 =	simm.s32 $0xEA0  }
0xad: {  	[tilespmem:s20], [sflag:$0x1] =	stream.indirect.gather [spmem:s2], $0x20, s7, s19, $0xb8;
	[tilespmem:$0x1D800] =	vst v63  }
0xae: {  	_ =	swait.ge [sflag:s23], $0x2700  }
0xaf: {  	[sflag:s23] =	ssyncset.done $0x0  }
0xb0: {  	[sflag:s23] =	ssyncadd.s32 $0xFFFFD900  }
0xb1: {  	_ =	swait.ge [sflag:s26], $0x2700  }
0xb2: {  	[sflag:s26] =	ssyncset.done $0x0  }
0xb3: {  	s6 =	simm.s32 $0x34E8;
	[sflag:s26] =	ssyncadd.s32 $0xFFFFD900  }
0xb4: {  	[spmem:s3] =	stream.indirect.scatter.add.f32 [tilespmem:s29], [sflag:$0x8], $0x20, s6, s19, $0xb8;
	[tilespmem:$0x1D800] =	vst v63  }
0xb5: {  	s7 =	simm.s32 $0xFD8  }
0xb6: {  	[tilespmem:s21], [sflag:$0x2] =	stream.indirect.gather [spmem:s2], $0x20, s7, s19, $0xb8;
	[tilespmem:$0x1D800] =	vst v63  }
0xb7: {  	_ =	swait.ge [sflag:s22], $0x2700  }
0xb8: {  	[sflag:s22] =	ssyncset.done $0x0  }
0xb9: {  	[sflag:s22] =	ssyncadd.s32 $0xFFFFD900  }
0xba: {  	_ =	swait.ge [sflag:s0], $0x2700  }
0xbb: {  	[sflag:s0] =	ssyncset.done $0x0  }
0xbc: {  	s6 =	simm.s32 $0x3620;
	[sflag:s0] =	ssyncadd.s32 $0xFFFFD900  }
0xbd: {  	[spmem:s3] =	stream.indirect.scatter.add.f32 [tilespmem:s20], [sflag:$0x5], $0x20, s6, s19, $0xb8;
	[tilespmem:$0x1D800] =	vst v63  }
0xbe: {  	s7 =	simm.s32 $0x1110  }
0xbf: {  	[tilespmem:s24], [sflag:$0x3] =	stream.indirect.gather [spmem:s2], $0x20, s7, s19, $0xb8;
	[tilespmem:$0x1D800] =	vst v63  }
0xc0: {  	_ =	swait.ge [sflag:s25], $0x2700  }
0xc1: {  	[sflag:s25] =	ssyncset.done $0x0  }
0xc2: {  	[sflag:s25] =	ssyncadd.s32 $0xFFFFD900  }
0xc3: {  	_ =	swait.ge [sflag:s28], $0x2700  }
0xc4: {  	[sflag:s28] =	ssyncset.done $0x0  }
0xc5: {  	s6 =	simm.s32 $0x3758;
	[sflag:s28] =	ssyncadd.s32 $0xFFFFD900  }
0xc6: {  	[spmem:s3] =	stream.indirect.scatter.add.f32 [tilespmem:s21], [sflag:$0x6], $0x20, s6, s19, $0xb8;
	[tilespmem:$0x1D800] =	vst v63  }
0xc7: {  	s7 =	simm.s32 $0x1248  }
0xc8: {  	[tilespmem:s29], [sflag:$0x4] =	stream.indirect.gather [spmem:s2], $0x20, s7, s19, $0xb8;
	[tilespmem:$0x1D800] =	vst v63  }
0xc9: {  	_ =	swait.ge [sflag:s30], $0x2700  }
0xca: {  	[sflag:s30] =	ssyncset.done $0x0  }
0xcb: {  	[sflag:s30] =	ssyncadd.s32 $0xFFFFD900  }
0xcc: {  	_ =	swait.ge [sflag:s31], $0x2700  }
0xcd: {  	[sflag:s31] =	ssyncset.done $0x0  }
0xce: {  	s6 =	simm.s32 $0x3890;
	[sflag:s31] =	ssyncadd.s32 $0xFFFFD900  }
0xcf: {  	[spmem:s3] =	stream.indirect.scatter.add.f32 [tilespmem:s24], [sflag:$0x7], $0x20, s6, s19, $0xb8;
	[tilespmem:$0x1D800] =	vst v63  }
0xd0: {  	s7 =	simm.s32 $0x1380  }
0xd1: {  	[tilespmem:s20], [sflag:$0x1] =	stream.indirect.gather [spmem:s2], $0x20, s7, s19, $0xb8;
	[tilespmem:$0x1D800] =	vst v63  }
0xd2: {  	_ =	swait.ge [sflag:s23], $0x2700  }
0xd3: {  	[sflag:s23] =	ssyncset.done $0x0  }
0xd4: {  	[sflag:s23] =	ssyncadd.s32 $0xFFFFD900  }
0xd5: {  	_ =	swait.ge [sflag:s26], $0x2700  }
0xd6: {  	[sflag:s26] =	ssyncset.done $0x0  }
0xd7: {  	s6 =	simm.s32 $0x39C8;
	[sflag:s26] =	ssyncadd.s32 $0xFFFFD900  }
0xd8: {  	[spmem:s3] =	stream.indirect.scatter.add.f32 [tilespmem:s29], [sflag:$0x8], $0x20, s6, s19, $0xb8;
	[tilespmem:$0x1D800] =	vst v63  }
0xd9: {  	s7 =	simm.s32 $0x14B8  }
0xda: {  	[tilespmem:s21], [sflag:$0x2] =	stream.indirect.gather [spmem:s2], $0x20, s7, s19, $0xb8;
	[tilespmem:$0x1D800] =	vst v63  }
0xdb: {  	_ =	swait.ge [sflag:s22], $0x2700  }
0xdc: {  	[sflag:s22] =	ssyncset.done $0x0  }
0xdd: {  	[sflag:s22] =	ssyncadd.s32 $0xFFFFD900  }
0xde: {  	_ =	swait.ge [sflag:s0], $0x2700  }
0xdf: {  	[sflag:s0] =	ssyncset.done $0x0  }
0xe0: {  	s6 =	simm.s32 $0x3B00;
	[sflag:s0] =	ssyncadd.s32 $0xFFFFD900  }
0xe1: {  	[spmem:s3] =	stream.indirect.scatter.add.f32 [tilespmem:s20], [sflag:$0x5], $0x20, s6, s19, $0xb8;
	[tilespmem:$0x1D800] =	vst v63  }
0xe2: {  	s7 =	simm.s32 $0x15F0  }
0xe3: {  	[tilespmem:s24], [sflag:$0x3] =	stream.indirect.gather [spmem:s2], $0x20, s7, s19, $0xb8;
	[tilespmem:$0x1D800] =	vst v63  }
0xe4: {  	_ =	swait.ge [sflag:s25], $0x2700  }
0xe5: {  	[sflag:s25] =	ssyncset.done $0x0  }
0xe6: {  	[sflag:s25] =	ssyncadd.s32 $0xFFFFD900  }
0xe7: {  	_ =	swait.ge [sflag:s28], $0x2700  }
0xe8: {  	[sflag:s28] =	ssyncset.done $0x0  }
0xe9: {  	s6 =	simm.s32 $0x3C38;
	[sflag:s28] =	ssyncadd.s32 $0xFFFFD900  }
0xea: {  	[spmem:s3] =	stream.indirect.scatter.add.f32 [tilespmem:s21], [sflag:$0x6], $0x20, s6, s19, $0xb8;
	[tilespmem:$0x1D800] =	vst v63  }
0xeb: {  	s7 =	simm.s32 $0x1728  }
0xec: {  	[tilespmem:s29], [sflag:$0x4] =	stream.indirect.gather [spmem:s2], $0x20, s7, s19, $0xb8;
	[tilespmem:$0x1D800] =	vst v63  }
0xed: {  	_ =	swait.ge [sflag:s30], $0x2700  }
0xee: {  	[sflag:s30] =	ssyncset.done $0x0  }
0xef: {  	[sflag:s30] =	ssyncadd.s32 $0xFFFFD900  }
0xf0: {  	_ =	swait.ge [sflag:s31], $0x2700  }
0xf1: {  	[sflag:s31] =	ssyncset.done $0x0  }
0xf2: {  	s6 =	simm.s32 $0x3D70;
	[sflag:s31] =	ssyncadd.s32 $0xFFFFD900  }
0xf3: {  	[spmem:s3] =	stream.indirect.scatter.add.f32 [tilespmem:s24], [sflag:$0x7], $0x20, s6, s19, $0xb8;
	[tilespmem:$0x1D800] =	vst v63  }
0xf4: {  	s7 =	simm.s32 $0x1860  }
0xf5: {  	[tilespmem:s20], [sflag:$0x1] =	stream.indirect.gather [spmem:s2], $0x20, s7, s19, $0xb8;
	[tilespmem:$0x1D800] =	vst v63  }
0xf6: {  	_ =	swait.ge [sflag:s23], $0x2700  }
0xf7: {  	[sflag:s23] =	ssyncset.done $0x0  }
0xf8: {  	[sflag:s23] =	ssyncadd.s32 $0xFFFFD900  }
0xf9: {  	_ =	swait.ge [sflag:s26], $0x2700  }
0xfa: {  	[sflag:s26] =	ssyncset.done $0x0  }
0xfb: {  	s6 =	simm.s32 $0x3EA8;
	[sflag:s26] =	ssyncadd.s32 $0xFFFFD900  }
0xfc: {  	[spmem:s3] =	stream.indirect.scatter.add.f32 [tilespmem:s29], [sflag:$0x8], $0x20, s6, s19, $0xb8;
	[tilespmem:$0x1D800] =	vst v63  }
0xfd: {  	s7 =	simm.s32 $0x1998  }
0xfe: {  	[tilespmem:s21], [sflag:$0x2] =	stream.indirect.gather [spmem:s2], $0x20, s7, s19, $0xb8;
	[tilespmem:$0x1D800] =	vst v63  }
0xff: {  	_ =	swait.ge [sflag:s22], $0x2700  }
0x100: {  	[sflag:s22] =	ssyncset.done $0x0  }
0x101: {  	[sflag:s22] =	ssyncadd.s32 $0xFFFFD900  }
0x102: {  	_ =	swait.ge [sflag:s0], $0x2700  }
0x103: {  	[sflag:s0] =	ssyncset.done $0x0  }
0x104: {  	s6 =	simm.s32 $0x3FE0;
	[sflag:s0] =	ssyncadd.s32 $0xFFFFD900  }
0x105: {  	[spmem:s3] =	stream.indirect.scatter.add.f32 [tilespmem:s20], [sflag:$0x5], $0x20, s6, s19, $0xb8;
	[tilespmem:$0x1D800] =	vst v63  }
0x106: {  	s7 =	simm.s32 $0x1AD0  }
0x107: {  	[tilespmem:s24], [sflag:$0x3] =	stream.indirect.gather [spmem:s2], $0x20, s7, s19, $0xb8;
	[tilespmem:$0x1D800] =	vst v63  }
0x108: {  	_ =	swait.ge [sflag:s25], $0x2700  }
0x109: {  	[sflag:s25] =	ssyncset.done $0x0  }
0x10a: {  	[sflag:s25] =	ssyncadd.s32 $0xFFFFD900  }
0x10b: {  	_ =	swait.ge [sflag:s28], $0x2700  }
0x10c: {  	[sflag:s28] =	ssyncset.done $0x0  }
0x10d: {  	s6 =	simm.s32 $0x4118;
	[sflag:s28] =	ssyncadd.s32 $0xFFFFD900  }
0x10e: {  	[spmem:s3] =	stream.indirect.scatter.add.f32 [tilespmem:s21], [sflag:$0x6], $0x20, s6, s19, $0xb8;
	[tilespmem:$0x1D800] =	vst v63  }
0x10f: {  	s7 =	simm.s32 $0x1C08  }
0x110: {  	[tilespmem:s29], [sflag:$0x4] =	stream.indirect.gather [spmem:s2], $0x20, s7, s19, $0xb8;
	[tilespmem:$0x1D800] =	vst v63  }
0x111: {  	_ =	swait.ge [sflag:s30], $0x2700  }
0x112: {  	[sflag:s30] =	ssyncset.done $0x0  }
0x113: {  	[sflag:s30] =	ssyncadd.s32 $0xFFFFD900  }
0x114: {  	_ =	swait.ge [sflag:s31], $0x2700  }
0x115: {  	[sflag:s31] =	ssyncset.done $0x0  }
0x116: {  	s6 =	simm.s32 $0x4250;
	[sflag:s31] =	ssyncadd.s32 $0xFFFFD900  }
0x117: {  	[spmem:s3] =	stream.indirect.scatter.add.f32 [tilespmem:s24], [sflag:$0x7], $0x20, s6, s19, $0xb8;
	[tilespmem:$0x1D800] =	vst v63  }
0x118: {  	s7 =	simm.s32 $0x1D40  }
0x119: {  	[tilespmem:s20], [sflag:$0x1] =	stream.indirect.gather [spmem:s2], $0x20, s7, s19, $0xb8;
	[tilespmem:$0x1D800] =	vst v63  }
0x11a: {  	_ =	swait.ge [sflag:s23], $0x2700  }
0x11b: {  	[sflag:s23] =	ssyncset.done $0x0  }
0x11c: {  	[sflag:s23] =	ssyncadd.s32 $0xFFFFD900  }
0x11d: {  	_ =	swait.ge [sflag:s26], $0x2700  }
0x11e: {  	[sflag:s26] =	ssyncset.done $0x0  }
0x11f: {  	s6 =	simm.s32 $0x4388;
	[sflag:s26] =	ssyncadd.s32 $0xFFFFD900  }
0x120: {  	[spmem:s3] =	stream.indirect.scatter.add.f32 [tilespmem:s29], [sflag:$0x8], $0x20, s6, s19, $0xb8;
	[tilespmem:$0x1D800] =	vst v63  }
0x121: {  	s7 =	simm.s32 $0x1E78  }
0x122: {  	[tilespmem:s21], [sflag:$0x2] =	stream.indirect.gather [spmem:s2], $0x20, s7, s19, $0xb8;
	[tilespmem:$0x1D800] =	vst v63  }
0x123: {  	_ =	swait.ge [sflag:s22], $0x2700  }
0x124: {  	[sflag:s22] =	ssyncset.done $0x0  }
0x125: {  	[sflag:s22] =	ssyncadd.s32 $0xFFFFD900  }
0x126: {  	_ =	swait.ge [sflag:s0], $0x2700  }
0x127: {  	[sflag:s0] =	ssyncset.done $0x0  }
0x128: {  	s6 =	simm.s32 $0x44C0;
	[sflag:s0] =	ssyncadd.s32 $0xFFFFD900  }
0x129: {  	[spmem:s3] =	stream.indirect.scatter.add.f32 [tilespmem:s20], [sflag:$0x5], $0x20, s6, s19, $0xb8;
	[tilespmem:$0x1D800] =	vst v63  }
0x12a: {  	s7 =	simm.s32 $0x1FB0  }
0x12b: {  	[tilespmem:s24], [sflag:$0x3] =	stream.indirect.gather [spmem:s2], $0x20, s7, s19, $0xb8;
	[tilespmem:$0x1D800] =	vst v63  }
0x12c: {  	_ =	swait.ge [sflag:s25], $0x2700  }
0x12d: {  	[sflag:s25] =	ssyncset.done $0x0  }
0x12e: {  	[sflag:s25] =	ssyncadd.s32 $0xFFFFD900  }
0x12f: {  	_ =	swait.ge [sflag:s28], $0x2700  }
0x130: {  	[sflag:s28] =	ssyncset.done $0x0  }
0x131: {  	s6 =	simm.s32 $0x45F8;
	[sflag:s28] =	ssyncadd.s32 $0xFFFFD900  }
0x132: {  	[spmem:s3] =	stream.indirect.scatter.add.f32 [tilespmem:s21], [sflag:$0x6], $0x20, s6, s19, $0xb8;
	[tilespmem:$0x1D800] =	vst v63  }
0x133: {  	s7 =	simm.s32 $0x20E8  }
0x134: {  	[tilespmem:s29], [sflag:$0x4] =	stream.indirect.gather [spmem:s2], $0x20, s7, s19, $0xb8;
	[tilespmem:$0x1D800] =	vst v63  }
0x135: {  	_ =	swait.ge [sflag:s30], $0x2700  }
0x136: {  	[sflag:s30] =	ssyncset.done $0x0  }
0x137: {  	[sflag:s30] =	ssyncadd.s32 $0xFFFFD900  }
0x138: {  	_ =	swait.ge [sflag:s31], $0x2700  }
0x139: {  	[sflag:s31] =	ssyncset.done $0x0  }
0x13a: {  	s6 =	simm.s32 $0x4730;
	[sflag:s31] =	ssyncadd.s32 $0xFFFFD900  }
0x13b: {  	[spmem:s3] =	stream.indirect.scatter.add.f32 [tilespmem:s24], [sflag:$0x7], $0x20, s6, s19, $0xb8;
	[tilespmem:$0x1D800] =	vst v63  }
0x13c: {  	s7 =	simm.s32 $0x2220  }
0x13d: {  	[tilespmem:s20], [sflag:$0x1] =	stream.indirect.gather [spmem:s2], $0x20, s7, s19, $0xb8;
	[tilespmem:$0x1D800] =	vst v63  }
0x13e: {  	_ =	swait.ge [sflag:s23], $0x2700  }
0x13f: {  	[sflag:s23] =	ssyncset.done $0x0  }
0x140: {  	[sflag:s23] =	ssyncadd.s32 $0xFFFFD900  }
0x141: {  	_ =	swait.ge [sflag:s26], $0x2700  }
0x142: {  	[sflag:s26] =	ssyncset.done $0x0  }
0x143: {  	s6 =	simm.s32 $0x4868;
	[sflag:s26] =	ssyncadd.s32 $0xFFFFD900  }
0x144: {  	[spmem:s3] =	stream.indirect.scatter.add.f32 [tilespmem:s29], [sflag:$0x8], $0x20, s6, s19, $0xb8;
	[tilespmem:$0x1D800] =	vst v63  }
0x145: {  	s7 =	simm.s32 $0x2358  }
0x146: {  	[tilespmem:s21], [sflag:$0x2] =	stream.indirect.gather [spmem:s2], $0x20, s7, s19, $0xb8;
	[tilespmem:$0x1D800] =	vst v63  }
0x147: {  	_ =	swait.ge [sflag:s22], $0x2700  }
0x148: {  	[sflag:s22] =	ssyncset.done $0x0  }
0x149: {  	[sflag:s22] =	ssyncadd.s32 $0xFFFFD900  }
0x14a: {  	_ =	swait.ge [sflag:s0], $0x2700  }
0x14b: {  	[sflag:s0] =	ssyncset.done $0x0  }
0x14c: {  	s6 =	simm.s32 $0x49A0;
	[sflag:s0] =	ssyncadd.s32 $0xFFFFD900  }
0x14d: {  	[spmem:s3] =	stream.indirect.scatter.add.f32 [tilespmem:s20], [sflag:$0x5], $0x20, s6, s19, $0xb8;
	[tilespmem:$0x1D800] =	vst v63  }
0x14e: {  	s7 =	simm.s32 $0x2490  }
0x14f: {  	[tilespmem:s24], [sflag:$0x3] =	stream.indirect.gather [spmem:s2], $0x20, s7, s19, $0xb8;
	[tilespmem:$0x1D800] =	vst v63  }
0x150: {  	_ =	swait.ge [sflag:s25], $0x2700  }
0x151: {  	[sflag:s25] =	ssyncset.done $0x0  }
0x152: {  	[sflag:s25] =	ssyncadd.s32 $0xFFFFD900  }
0x153: {  	_ =	swait.ge [sflag:s28], $0x2700  }
0x154: {  	[sflag:s28] =	ssyncset.done $0x0  }
0x155: {  	s6 =	simm.s32 $0x4AD8;
	[sflag:s28] =	ssyncadd.s32 $0xFFFFD900  }
0x156: {  	[spmem:s3] =	stream.indirect.scatter.add.f32 [tilespmem:s21], [sflag:$0x6], $0x20, s6, s19, $0xb8;
	[tilespmem:$0x1D800] =	vst v63  }
0x157: {  	s7 =	simm.s32 $0x25C8  }
0x158: {  	[tilespmem:s29], [sflag:$0x4] =	stream.indirect.gather [spmem:s2], $0x20, s7, s19, $0xb8;
	[tilespmem:$0x1D800] =	vst v63  }
0x159: {  	_ =	swait.ge [sflag:s30], $0x2700  }
0x15a: {  	[sflag:s30] =	ssyncset.done $0x0  }
0x15b: {  	[sflag:s30] =	ssyncadd.s32 $0xFFFFD900  }
0x15c: {  	_ =	swait.ge [sflag:s31], $0x2700  }
0x15d: {  	[sflag:s31] =	ssyncset.done $0x0  }
0x15e: {  	s6 =	simm.s32 $0x4C10;
	[sflag:s31] =	ssyncadd.s32 $0xFFFFD900  }
0x15f: {  	[spmem:s3] =	stream.indirect.scatter.add.f32 [tilespmem:s24], [sflag:$0x7], $0x20, s6, s19, $0xb8;
	[tilespmem:$0x1D800] =	vst v63  }
0x160: {  	_ =	swait.ge [sflag:s23], $0x2700  }
0x161: {  	[sflag:s23] =	ssyncset.done $0x0  }
0x162: {  	[sflag:s23] =	ssyncadd.s32 $0xFFFFD900  }
0x163: {  	_ =	swait.ge [sflag:s26], $0x2700  }
0x164: {  	[sflag:s26] =	ssyncset.done $0x0  }
0x165: {  	s7 =	simm.s32 $0x4D48;
	[sflag:s26] =	ssyncadd.s32 $0xFFFFD900  }
0x166: {  	[spmem:s3] =	stream.indirect.scatter.add.f32 [tilespmem:s29], [sflag:$0x8], $0x20, s7, s19, $0xb8;
	[tilespmem:$0x1D800] =	vst v63  }
0x167: {  	s5 =	simm.s32 @!p0 $0x80;
	s6 =	simm.s32 @!p0 $0x2700;
	s7 =	simm.s32 @!p0 $0x4F00  }
0x168: {  	[tilespmem:s7], [sflag:$0x1] =	stream.indirect.gather @!p0 [spmem:s2], $0x20, s6, s5, $0xb8;
	[tilespmem:$0x1D800] =	vst v63  }
0x169: {  	s6 =	simm.s32 @!p0 $0x1  }
0x16a: {  	_ =	swait.ge @!p0 [sflag:s6], $0x1000  }
0x16b: {  	[sflag:s6] =	ssyncset.done @!p0 $0x0  }
0x16c: {  	[sflag:s6] =	ssyncadd.s32 @!p0 $0xFFFFF000;
	s6 =	simm.s32 @!p0 $0x4E80  }
0x16d: {  	[spmem:s3] =	stream.indirect.scatter.add.f32 @!p0 [tilespmem:s7], [sflag:$0x5], $0x20, s6, s5, $0xb8;
	[tilespmem:$0x1D800] =	vst v63  }
0x16e: {  	s5 =	simm.s32 @!p0 $0x5  }
0x16f: {  	_ =	swait.ge @!p0 [sflag:s5], $0x1000  }
0x170: {  	[sflag:s5] =	ssyncset.done @!p0 $0x0  }
0x171: {  	[sflag:s5] =	ssyncadd.s32 @!p0 $0xFFFFF000  }
0x172: {  	_ =	swait.ge [sflag:s0], $0x2700  }
0x173: {  	[sflag:s0] =	ssyncset.done $0x0  }
0x174: {  	[sflag:s0] =	ssyncadd.s32 $0xFFFFD900  }
0x175: {  	_ =	swait.ge [sflag:s28], $0x2700  }
0x176: {  	[sflag:s28] =	ssyncset.done $0x0  }
0x177: {  	[sflag:s28] =	ssyncadd.s32 $0xFFFFD900  }
0x178: {  	[bflag:$0x0] =	sbarrier.arrive $0xFFFF  }
0x179: {  	[tilespmem:s15], [sflag:$0xB] =	stream.linear.gather [spmem:s11], $0x4F00, $0x38;
	[tilespmem:$0x1D800] =	vst v63  }
0x17a: {  	s1 =	sadd.s32 $0x1, s1;
	_ =	swait.ge [sflag:s16], $0x4F00  }
0x17b: {  	p3 =	sne.s32 s1, s13;
	[sflag:s16] =	ssyncset.done $0x0  }
.Ltmp1:
0x17c: {  	[sflag:s16] =	ssyncadd.s32 $0xFFFFB100;
	(pc) =	sbr.rel @p3 .LBB2_1-.Ltmp1, $4  }
0x17d: {  	[hbm4b:s12+s4] =	stream.linear.scatter [tilespmem:s15], [sflag:$0xB], $0x4F00, $0x38;
	[tilespmem:$0x1D800] =	vst v63  }
0x17e: {  	_ =	swait.ge [sflag:s16], $0x4F00  }
0x17f: {  	[sflag:s16] =	ssyncset.done $0x0  }
0x180: {  	[sflag:s16] =	ssyncadd.s32 $0xFFFFB100  }
0x181: {  	_ =	sfence.sel $0x180000  }
0x182: {  	[bflag:$0x0] =	sbarrier.arrive $0xFFFF  }
0x183: {  	_ =	strace $0x90000047  }
0x184: {  	s0 =	stileid.u32;
	[bflag:$0x2] =	sbarrier.arrive $0xFFFF  }
0x185: {  	p0 =	sne.s32 s0, $0x0;
	s0 =	rddreg [dreg:$0x3]  }
0x186: {  	s0 =	sadd.s32 @!p0 $0x100000, s0  }
0x187: {  	[sflag:s0] =	ssyncadd.tile.s32 @!p0 $0x1;
	_ =	shalt  }
.Lfunc_end2:
_tile_overlayer_lowered:
.L_overlay_start_2:
0x188: {  	(tag) =	ssettag $0x2  }
0x189: {  	s0 =	rddreg [dreg:$0x0];
	s2 =	stileid.u32  }
0x18a: {  	s1 =	rddreg [dreg:$0x1];
	p0 =	sne.s32 s2, $0x0  }
0x18b: {  	s3 =	rddreg [dreg:$0x2];
	[bflag:$0x3] =	sbarrier.arrive $0xFFFF;
	s2 =	simm.s32 @!p0 $0x1C0B  }
0x18c: {  	[timem:s3], [sflag:s2] =	dma.local @!p0 [hbm:s0], s1  }
0x18d: {  	s0 =	simm.s32 @!p0 $0xB  }
0x18e: {  	_ =	swait.ge @!p0 [sflag:s0], s1  }
0x18f: {  	s1 =	ssub.s32 @!p0 $0x0, s1;
	[sflag:s0] =	ssyncset.done @!p0 $0x0  }
0x190: {  	[sflag:s0] =	ssyncadd.s32 @!p0 s1  }
0x191: {  	[bflag:$0x3] =	sbarrier.arrive $0xFFFF  }
0x192: {  	_ =	shalt  }

</sc_bundles>
